<compile_context>
chip_gen: v7x
topology: tpu7x:2x2x1
jax: 0.10.2.dev20260603
libtpu: 0.0.44.dev20260713+nightly
codegen_flags: <defaults>
</compile_context>

<pallas_src>
import functools

import jax
import jax.numpy as jnp
from jax import lax
from jax.experimental import pallas as pl
from jax.experimental.pallas import tpu as pltpu
from jax.experimental.pallas import tpu_sc as plsc

TOP_K = 8
NUM_EXPERTS = 64
HIDDEN = 2048
TOKENS = 8192

NC = 2
NS = 16
LANES = 16
NW = NC * NS
ROWS_PER_W = TOKENS // NW


def _matmul_body(x_ref, w_ref, b_ref, o_ref):
    x = x_ref[...]
    w = w_ref[...]
    kc = 512
    acc = None
    for k0 in range(0, HIDDEN, kc):
        d = lax.dot_general(
            x[:, k0:k0 + kc], w[:, k0:k0 + kc],
            dimension_numbers=(((1,), (1,)), ((), ())),
            preferred_element_type=jnp.float32,
        )
        acc = d if acc is None else acc + d
    o_ref[...] = acc + b_ref[...]


def _router_logits(hidden_states, weight, bias):
    bt = 1024
    return pl.pallas_call(
        _matmul_body,
        grid=(TOKENS // bt,),
        in_specs=[
            pl.BlockSpec((bt, HIDDEN), lambda i: (i, 0)),
            pl.BlockSpec((NUM_EXPERTS, HIDDEN), lambda i: (0, 0)),
            pl.BlockSpec((1, NUM_EXPERTS), lambda i: (0, 0)),
        ],
        out_specs=pl.BlockSpec((bt, NUM_EXPERTS), lambda i: (i, 0)),
        out_shape=jax.ShapeDtypeStruct((TOKENS, NUM_EXPERTS), jnp.float32),
    )(hidden_states, weight, bias.reshape(1, NUM_EXPERTS))


def _merge_sorted(ka, va, kb, vb):
    krb = lax.rev(kb, (0,))
    vrb = lax.rev(vb, (0,))
    cond = ka >= krb
    mk = jnp.where(cond, ka, krb)
    mv = jnp.where(cond, va, vrb)
    return plsc.sort_key_val(mk, mv, descending=True)


N_CHUNK = 4
CHUNK = ROWS_PER_W // N_CHUNK


def _route_body(lg_hbm, sc_hbm, ix_hbm, lg_v, sc_v, ix_v,
                sem_in0, sem_in1, sem_in2, sem_in3, sem_out):
    wid = lax.axis_index("s") * NC + lax.axis_index("c")
    row0 = wid * ROWS_PER_W
    sems_in = (sem_in0, sem_in1, sem_in2, sem_in3)

    ins = []
    for c in range(N_CHUNK):
        ins.append(pltpu.async_copy(
            lg_hbm.at[pl.ds(row0 + c * CHUNK, CHUNK)],
            lg_v.at[pl.ds(c * CHUNK, CHUNK)],
            sems_in[c],
        ))

    lane = lax.iota(jnp.int32, LANES)
    m8 = lane < TOP_K
    outs = []
    for c in range(N_CHUNK):
        ins[c].wait()

        @plsc.parallel_loop(c * CHUNK, (c + 1) * CHUNK, unroll=4)
        def _row(row):
            ks, vs = [], []
            for q in range(4):
                k = lg_v[row, pl.ds(LANES * q, LANES)]
                sk, sv = plsc.sort_key_val(k, lane + LANES * q, descending=True)
                ks.append(sk)
                vs.append(sv)
            k01, v01 = _merge_sorted(ks[0], vs[0], ks[1], vs[1])
            k23, v23 = _merge_sorted(ks[2], vs[2], ks[3], vs[3])
            kf, vf = _merge_sorted(k01, v01, k23, v23)

            e = jnp.exp(kf - jnp.max(kf))
            ez = jnp.where(m8, e, 0.0)
            p = ez / jnp.sum(ez)

            for q in range(4):
                sc_v[row, pl.ds(LANES * q, LANES)] = jnp.zeros((LANES,), jnp.float32)
            rvec = jnp.broadcast_to(row, (LANES,))
            plsc.store_scatter(sc_v, [rvec, vf], p, mask=m8)
            plsc.store_scatter(ix_v, [rvec, lane], vf, mask=m8)

        outs.append(pltpu.async_copy(
            sc_v.at[pl.ds(c * CHUNK, CHUNK)],
            sc_hbm.at[pl.ds(row0 + c * CHUNK, CHUNK)],
            sem_out,
        ))
        outs.append(pltpu.async_copy(
            ix_v.at[pl.ds(c * CHUNK, CHUNK)],
            ix_hbm.at[pl.ds(row0 + c * CHUNK, CHUNK)],
            sem_out,
        ))
    for o in outs:
        o.wait()


@functools.partial(
    pl.kernel,
    out_type=(
        jax.ShapeDtypeStruct((TOKENS, NUM_EXPERTS), jnp.float32),
        jax.ShapeDtypeStruct((TOKENS, TOP_K), jnp.int32),
    ),
    mesh=plsc.VectorSubcoreMesh(core_axis_name="c", subcore_axis_name="s"),
    scratch_types=[
        pltpu.VMEM((ROWS_PER_W, NUM_EXPERTS), jnp.float32),
        pltpu.VMEM((ROWS_PER_W, NUM_EXPERTS), jnp.float32),
        pltpu.VMEM((ROWS_PER_W, TOP_K), jnp.int32),
        pltpu.SemaphoreType.DMA,
        pltpu.SemaphoreType.DMA,
        pltpu.SemaphoreType.DMA,
        pltpu.SemaphoreType.DMA,
        pltpu.SemaphoreType.DMA,
    ],
    compiler_params=pltpu.CompilerParams(needs_layout_passes=False),
)
def _route(lg_hbm, sc_hbm, ix_hbm, lg_v, sc_v, ix_v, s0, s1, s2, s3, so):
    _route_body(lg_hbm, sc_hbm, ix_hbm, lg_v, sc_v, ix_v, s0, s1, s2, s3, so)


def kernel(hidden_states, weight, bias):
    logits = _router_logits(hidden_states, weight, bias)
    scores, indices = _route(logits)
    return (scores, indices)

# --- scband reference (transcript-rebuilt; emitter-appended) ---
"""Pipeline reference for scband-gpt-oss-top-krouter-18923625906264 (READ-ONLY COPY).

The authoritative reference and input builder live on the scoring server;
editing this copy changes nothing except your own understanding.
"""

import jax, jax.numpy as jnp
import numpy as np

TOP_K = 8
NUM_EXPERTS = 64
HIDDEN = 2048
TOKENS = 8192


def setup_inputs(seed: int = 0) -> dict:
    key = jax.random.key(seed)
    k1, k2, k3 = jax.random.split(key, 3)
    hidden_states = jax.random.normal(k1, (TOKENS, HIDDEN), dtype=jnp.float32)
    weight = jax.random.normal(k2, (NUM_EXPERTS, HIDDEN), dtype=jnp.float32) * 0.02
    bias = jax.random.normal(k3, (NUM_EXPERTS,), dtype=jnp.float32) * 0.02
    return {"hidden_states": hidden_states, "weight": weight, "bias": bias}


def reference(hidden_states, weight, bias):
    hs = hidden_states.reshape(-1, weight.shape[1])
    # F.linear(x, W, b) = x @ W.T + b
    router_logits = hs @ weight.T + bias
    router_top_value, router_indices = jax.lax.top_k(router_logits, TOP_K)
    router_top_value = jax.nn.softmax(router_top_value, axis=1)
    rows = jnp.arange(router_logits.shape[0])[:, None]
    router_scores = jnp.zeros_like(router_logits).at[rows, router_indices].set(router_top_value)
    return (router_scores, router_indices)

if __name__ == "__main__":
    import jax
    _d = setup_inputs()
    print(jax.jit(kernel)(*tuple(_d.values())))

</pallas_src>

<mosaic_0001>
#map = affine_map<(d0, d1) -> (0, 0)>
module attributes {stable_mosaic.version = 14 : i64} {
  func.func @_route(%arg0: i32, %arg1: i32, %arg2: memref<8192x64xf32, #tpu.memory_space<hbm>>, %arg3: memref<8192x64xf32, #tpu.memory_space<hbm>>, %arg4: memref<8192x8xi32, #tpu.memory_space<hbm>>, %arg5: memref<256x64xf32, #tpu.memory_space<vmem>>, %arg6: memref<256x64xf32, #tpu.memory_space<vmem>>, %arg7: memref<256x8xi32, #tpu.memory_space<vmem>>, %arg8: memref<!tpu.dma_semaphore, #tpu.memory_space<semaphore_mem>>, %arg9: memref<!tpu.dma_semaphore, #tpu.memory_space<semaphore_mem>>, %arg10: memref<!tpu.dma_semaphore, #tpu.memory_space<semaphore_mem>>, %arg11: memref<!tpu.dma_semaphore, #tpu.memory_space<semaphore_mem>>, %arg12: memref<!tpu.dma_semaphore, #tpu.memory_space<semaphore_mem>>) attributes {dimension_semantics = [#tpu.dimension_semantics<core_parallel>, #tpu.dimension_semantics<subcore_parallel>], iteration_bounds = array<i64: 2, 16>, scalar_prefetch = 0 : i64, scratch_operands = 8 : i64, tpu.core_type = #tpu.core_type<sc_vector_subcore>, window_params = [{transform_indices = #map}, {transform_indices = #map}, {transform_indices = #map}]} {
    %mul3A = arith.constant 2 : i32
    %mul3A_0 = arith.muli %arg1, %mul3A : i32
    %add3A = arith.addi %mul3A_0, %arg0 : i32
    %mul3A_1 = arith.constant 256 : i32
    %mul3A_2 = arith.muli %add3A, %mul3A_1 : i32
    %add3A_3 = arith.constant 0 : i32
    %add3A_4 = arith.addi %mul3A_2, %add3A_3 : i32
    %dma_start3A = arith.constant 0 : i32
    %dma_start3A_5 = arith.constant 0 : i32
    %dma_start3A_6 = tpu.memref_slice %arg5[%dma_start3A, %dma_start3A_5] : memref<256x64xf32, #tpu.memory_space<vmem>> -> memref<64x64xf32, #tpu.memory_space<vmem>>
    %dma_start3A_7 = arith.constant 0 : i32
    %dma_start3A_8 = tpu.memref_slice %arg2[%add3A_4, %dma_start3A_7] : memref<8192x64xf32, #tpu.memory_space<hbm>> -> memref<64x64xf32, #tpu.memory_space<hbm>>
    %dma_start3A_9 = arith.constant 0 : i32
    %dma_start3A_10 = arith.constant 0 : i32
    %dma_start3A_11 = tpu.memref_slice %arg5[%dma_start3A_9, %dma_start3A_10] : memref<256x64xf32, #tpu.memory_space<vmem>> -> memref<64x64xf32, #tpu.memory_space<vmem>>
    %dma_start3A_12 = arith.constant 0 : i32
    %dma_start3A_13 = tpu.memref_slice %arg2[%add3A_4, %dma_start3A_12] : memref<8192x64xf32, #tpu.memory_space<hbm>> -> memref<64x64xf32, #tpu.memory_space<hbm>>
    tpu.enqueue_dma source(%dma_start3A_13 : memref<64x64xf32, #tpu.memory_space<hbm>>) target(%dma_start3A_11 : memref<64x64xf32, #tpu.memory_space<vmem>>) target_semaphore(%arg8 : memref<!tpu.dma_semaphore, #tpu.memory_space<semaphore_mem>>)
    %add3A_14 = arith.constant 64 : i32
    %add3A_15 = arith.addi %mul3A_2, %add3A_14 : i32
    %dma_start3A_16 = arith.constant 64 : i32
    %dma_start3A_17 = arith.constant 0 : i32
    %dma_start3A_18 = tpu.memref_slice %arg5[%dma_start3A_16, %dma_start3A_17] : memref<256x64xf32, #tpu.memory_space<vmem>> -> memref<64x64xf32, #tpu.memory_space<vmem>>
    %dma_start3A_19 = arith.constant 0 : i32
    %dma_start3A_20 = tpu.memref_slice %arg2[%add3A_15, %dma_start3A_19] : memref<8192x64xf32, #tpu.memory_space<hbm>> -> memref<64x64xf32, #tpu.memory_space<hbm>>
    %dma_start3A_21 = arith.constant 64 : i32
    %dma_start3A_22 = arith.constant 0 : i32
    %dma_start3A_23 = tpu.memref_slice %arg5[%dma_start3A_21, %dma_start3A_22] : memref<256x64xf32, #tpu.memory_space<vmem>> -> memref<64x64xf32, #tpu.memory_space<vmem>>
    %dma_start3A_24 = arith.constant 0 : i32
    %dma_start3A_25 = tpu.memref_slice %arg2[%add3A_15, %dma_start3A_24] : memref<8192x64xf32, #tpu.memory_space<hbm>> -> memref<64x64xf32, #tpu.memory_space<hbm>>
    tpu.enqueue_dma source(%dma_start3A_25 : memref<64x64xf32, #tpu.memory_space<hbm>>) target(%dma_start3A_23 : memref<64x64xf32, #tpu.memory_space<vmem>>) target_semaphore(%arg9 : memref<!tpu.dma_semaphore, #tpu.memory_space<semaphore_mem>>)
    %add3A_26 = arith.constant 128 : i32
    %add3A_27 = arith.addi %mul3A_2, %add3A_26 : i32
    %dma_start3A_28 = arith.constant 128 : i32
    %dma_start3A_29 = arith.constant 0 : i32
    %dma_start3A_30 = tpu.memref_slice %arg5[%dma_start3A_28, %dma_start3A_29] : memref<256x64xf32, #tpu.memory_space<vmem>> -> memref<64x64xf32, #tpu.memory_space<vmem>>
    %dma_start3A_31 = arith.constant 0 : i32
    %dma_start3A_32 = tpu.memref_slice %arg2[%add3A_27, %dma_start3A_31] : memref<8192x64xf32, #tpu.memory_space<hbm>> -> memref<64x64xf32, #tpu.memory_space<hbm>>
    %dma_start3A_33 = arith.constant 128 : i32
    %dma_start3A_34 = arith.constant 0 : i32
    %dma_start3A_35 = tpu.memref_slice %arg5[%dma_start3A_33, %dma_start3A_34] : memref<256x64xf32, #tpu.memory_space<vmem>> -> memref<64x64xf32, #tpu.memory_space<vmem>>
    %dma_start3A_36 = arith.constant 0 : i32
    %dma_start3A_37 = tpu.memref_slice %arg2[%add3A_27, %dma_start3A_36] : memref<8192x64xf32, #tpu.memory_space<hbm>> -> memref<64x64xf32, #tpu.memory_space<hbm>>
    tpu.enqueue_dma source(%dma_start3A_37 : memref<64x64xf32, #tpu.memory_space<hbm>>) target(%dma_start3A_35 : memref<64x64xf32, #tpu.memory_space<vmem>>) target_semaphore(%arg10 : memref<!tpu.dma_semaphore, #tpu.memory_space<semaphore_mem>>)
    %add3A_38 = arith.constant 192 : i32
    %add3A_39 = arith.addi %mul3A_2, %add3A_38 : i32
    %dma_start3A_40 = arith.constant 192 : i32
    %dma_start3A_41 = arith.constant 0 : i32
    %dma_start3A_42 = tpu.memref_slice %arg5[%dma_start3A_40, %dma_start3A_41] : memref<256x64xf32, #tpu.memory_space<vmem>> -> memref<64x64xf32, #tpu.memory_space<vmem>>
    %dma_start3A_43 = arith.constant 0 : i32
    %dma_start3A_44 = tpu.memref_slice %arg2[%add3A_39, %dma_start3A_43] : memref<8192x64xf32, #tpu.memory_space<hbm>> -> memref<64x64xf32, #tpu.memory_space<hbm>>
    %dma_start3A_45 = arith.constant 192 : i32
    %dma_start3A_46 = arith.constant 0 : i32
    %dma_start3A_47 = tpu.memref_slice %arg5[%dma_start3A_45, %dma_start3A_46] : memref<256x64xf32, #tpu.memory_space<vmem>> -> memref<64x64xf32, #tpu.memory_space<vmem>>
    %dma_start3A_48 = arith.constant 0 : i32
    %dma_start3A_49 = tpu.memref_slice %arg2[%add3A_39, %dma_start3A_48] : memref<8192x64xf32, #tpu.memory_space<hbm>> -> memref<64x64xf32, #tpu.memory_space<hbm>>
    tpu.enqueue_dma source(%dma_start3A_49 : memref<64x64xf32, #tpu.memory_space<hbm>>) target(%dma_start3A_47 : memref<64x64xf32, #tpu.memory_space<vmem>>) target_semaphore(%arg11 : memref<!tpu.dma_semaphore, #tpu.memory_space<semaphore_mem>>)
    %iota3A = tpu.iota {dimensions = array<i32: 0>} : vector<16xi32>
    %lt3A = arith.constant 8 : i32
    %lt3A_50 = vector.broadcast %lt3A : i32 to vector<16xi32>
    %lt3A_51 = arith.cmpi slt, %iota3A, %lt3A_50 : vector<16xi32>
    %dma_wait3A = arith.constant 0 : i32
    %dma_wait3A_52 = arith.constant 0 : i32
    %dma_wait3A_53 = tpu.memref_slice %arg5[%dma_wait3A, %dma_wait3A_52] : memref<256x64xf32, #tpu.memory_space<vmem>> -> memref<64x64xf32, #tpu.memory_space<vmem>>
    %dma_wait3A_54 = arith.constant 0 : i32
    %dma_wait3A_55 = tpu.memref_slice %arg2[%add3A_4, %dma_wait3A_54] : memref<8192x64xf32, #tpu.memory_space<hbm>> -> memref<64x64xf32, #tpu.memory_space<hbm>>
    %dma_wait3A_56 = arith.constant 0 : i32
    %dma_wait3A_57 = arith.constant 0 : i32
    %dma_wait3A_58 = tpu.memref_slice %arg5[%dma_wait3A_56, %dma_wait3A_57] : memref<256x64xf32, #tpu.memory_space<vmem>> -> memref<64x64xf32, #tpu.memory_space<vmem>>
    %dma_wait3A_59 = arith.constant 0 : i32
    %dma_wait3A_60 = tpu.memref_slice %arg2[%add3A_4, %dma_wait3A_59] : memref<8192x64xf32, #tpu.memory_space<hbm>> -> memref<64x64xf32, #tpu.memory_space<hbm>>
    tpu.wait_dma2 semaphore(%arg8 : memref<!tpu.dma_semaphore, #tpu.memory_space<semaphore_mem>>) src(%dma_wait3A_60 : memref<64x64xf32, #tpu.memory_space<hbm>>) dst(%dma_wait3A_58 : memref<64x64xf32, #tpu.memory_space<vmem>>)
    %parallel_loop3A = arith.constant 0 : i32
    %parallel_loop3A_61 = arith.constant 64 : i32
    %parallel_loop3A_62 = arith.constant 1 : i32
    scf.for %parallel_loop3A_278 = %parallel_loop3A to %parallel_loop3A_61 step %parallel_loop3A_62  : i32 {
      %parallel_loop3A_279 = arith.index_cast %parallel_loop3A_278 : i32 to index
      %parallel_loop3A_280 = arith.constant 0 : index
      %parallel_loop3A_281 = tpu.vector_load %arg5[%parallel_loop3A_279, %parallel_loop3A_280] {strides = array<i32>} : memref<256x64xf32, #tpu.memory_space<vmem>>, vector<16xf32>,
      %parallel_loop3A_282 = arith.constant 0 : i32
      %parallel_loop3A_283 = vector.broadcast %parallel_loop3A_282 : i32 to vector<16xi32>
      %parallel_loop3A_284 = arith.addi %iota3A, %parallel_loop3A_283 : vector<16xi32>
      %parallel_loop3A_285 = arith.constant dense<true> : vector<16xi1>
      %parallel_loop3A_286, %parallel_loop3A_287, %parallel_loop3A_288 = tpu.sort %parallel_loop3A_281, %parallel_loop3A_284 masked %parallel_loop3A_285 {descending = true} : (vector<16xf32>, vector<16xi32>, vector<16xi1>) -> (vector<16xi1>, vector<16xf32>, vector<16xi32>)
      %parallel_loop3A_289 = arith.index_cast %parallel_loop3A_278 : i32 to index
      %parallel_loop3A_290 = arith.constant 16 : index
      %parallel_loop3A_291 = tpu.vector_load %arg5[%parallel_loop3A_289, %parallel_loop3A_290] {strides = array<i32>} : memref<256x64xf32, #tpu.memory_space<vmem>>, vector<16xf32>,
      %parallel_loop3A_292 = arith.constant 16 : i32
      %parallel_loop3A_293 = vector.broadcast %parallel_loop3A_292 : i32 to vector<16xi32>
      %parallel_loop3A_294 = arith.addi %iota3A, %parallel_loop3A_293 : vector<16xi32>
      %parallel_loop3A_295 = arith.constant dense<true> : vector<16xi1>
      %parallel_loop3A_296, %parallel_loop3A_297, %parallel_loop3A_298 = tpu.sort %parallel_loop3A_291, %parallel_loop3A_294 masked %parallel_loop3A_295 {descending = true} : (vector<16xf32>, vector<16xi32>, vector<16xi1>) -> (vector<16xi1>, vector<16xf32>, vector<16xi32>)
      %parallel_loop3A_299 = arith.index_cast %parallel_loop3A_278 : i32 to index
      %parallel_loop3A_300 = arith.constant 32 : index
      %parallel_loop3A_301 = tpu.vector_load %arg5[%parallel_loop3A_299, %parallel_loop3A_300] {strides = array<i32>} : memref<256x64xf32, #tpu.memory_space<vmem>>, vector<16xf32>,
      %parallel_loop3A_302 = arith.constant 32 : i32
      %parallel_loop3A_303 = vector.broadcast %parallel_loop3A_302 : i32 to vector<16xi32>
      %parallel_loop3A_304 = arith.addi %iota3A, %parallel_loop3A_303 : vector<16xi32>
      %parallel_loop3A_305 = arith.constant dense<true> : vector<16xi1>
      %parallel_loop3A_306, %parallel_loop3A_307, %parallel_loop3A_308 = tpu.sort %parallel_loop3A_301, %parallel_loop3A_304 masked %parallel_loop3A_305 {descending = true} : (vector<16xf32>, vector<16xi32>, vector<16xi1>) -> (vector<16xi1>, vector<16xf32>, vector<16xi32>)
      %parallel_loop3A_309 = arith.index_cast %parallel_loop3A_278 : i32 to index
      %parallel_loop3A_310 = arith.constant 48 : index
      %parallel_loop3A_311 = tpu.vector_load %arg5[%parallel_loop3A_309, %parallel_loop3A_310] {strides = array<i32>} : memref<256x64xf32, #tpu.memory_space<vmem>>, vector<16xf32>,
      %parallel_loop3A_312 = arith.constant 48 : i32
      %parallel_loop3A_313 = vector.broadcast %parallel_loop3A_312 : i32 to vector<16xi32>
      %parallel_loop3A_314 = arith.addi %iota3A, %parallel_loop3A_313 : vector<16xi32>
      %parallel_loop3A_315 = arith.constant dense<true> : vector<16xi1>
      %parallel_loop3A_316, %parallel_loop3A_317, %parallel_loop3A_318 = tpu.sort %parallel_loop3A_311, %parallel_loop3A_314 masked %parallel_loop3A_315 {descending = true} : (vector<16xf32>, vector<16xi32>, vector<16xi1>) -> (vector<16xi1>, vector<16xf32>, vector<16xi32>)
      %parallel_loop3A_319 = arith.constant 15 : i32
      %parallel_loop3A_320 = vector.broadcast %parallel_loop3A_319 : i32 to vector<16xi32>
      %parallel_loop3A_321 = tpu.iota {dimensions = array<i32: 0>} : vector<16xi32>
      %parallel_loop3A_322 = arith.subi %parallel_loop3A_320, %parallel_loop3A_321 : vector<16xi32>
      %parallel_loop3A_323 = tpu.dynamic_gather %parallel_loop3A_297[%parallel_loop3A_322] in [0] : vector<16xf32>, vector<16xi32> -> vector<16xf32>
      %parallel_loop3A_324 = arith.constant 15 : i32
      %parallel_loop3A_325 = vector.broadcast %parallel_loop3A_324 : i32 to vector<16xi32>
      %parallel_loop3A_326 = tpu.iota {dimensions = array<i32: 0>} : vector<16xi32>
      %parallel_loop3A_327 = arith.subi %parallel_loop3A_325, %parallel_loop3A_326 : vector<16xi32>
      %parallel_loop3A_328 = tpu.dynamic_gather %parallel_loop3A_298[%parallel_loop3A_327] in [0] : vector<16xi32>, vector<16xi32> -> vector<16xi32>
      %parallel_loop3A_329 = arith.cmpf oge, %parallel_loop3A_287, %parallel_loop3A_323 : vector<16xf32>
      %parallel_loop3A_330 = arith.select %parallel_loop3A_329, %parallel_loop3A_287, %parallel_loop3A_323 : vector<16xi1>, vector<16xf32>
      %parallel_loop3A_331 = arith.select %parallel_loop3A_329, %parallel_loop3A_288, %parallel_loop3A_328 : vector<16xi1>, vector<16xi32>
      %parallel_loop3A_332 = arith.constant dense<true> : vector<16xi1>
      %parallel_loop3A_333, %parallel_loop3A_334, %parallel_loop3A_335 = tpu.sort %parallel_loop3A_330, %parallel_loop3A_331 masked %parallel_loop3A_332 {descending = true} : (vector<16xf32>, vector<16xi32>, vector<16xi1>) -> (vector<16xi1>, vector<16xf32>, vector<16xi32>)
      %parallel_loop3A_336 = arith.constant 15 : i32
      %parallel_loop3A_337 = vector.broadcast %parallel_loop3A_336 : i32 to vector<16xi32>
      %parallel_loop3A_338 = tpu.iota {dimensions = array<i32: 0>} : vector<16xi32>
      %parallel_loop3A_339 = arith.subi %parallel_loop3A_337, %parallel_loop3A_338 : vector<16xi32>
      %parallel_loop3A_340 = tpu.dynamic_gather %parallel_loop3A_317[%parallel_loop3A_339] in [0] : vector<16xf32>, vector<16xi32> -> vector<16xf32>
      %parallel_loop3A_341 = arith.constant 15 : i32
      %parallel_loop3A_342 = vector.broadcast %parallel_loop3A_341 : i32 to vector<16xi32>
      %parallel_loop3A_343 = tpu.iota {dimensions = array<i32: 0>} : vector<16xi32>
      %parallel_loop3A_344 = arith.subi %parallel_loop3A_342, %parallel_loop3A_343 : vector<16xi32>
      %parallel_loop3A_345 = tpu.dynamic_gather %parallel_loop3A_318[%parallel_loop3A_344] in [0] : vector<16xi32>, vector<16xi32> -> vector<16xi32>
      %parallel_loop3A_346 = arith.cmpf oge, %parallel_loop3A_307, %parallel_loop3A_340 : vector<16xf32>
      %parallel_loop3A_347 = arith.select %parallel_loop3A_346, %parallel_loop3A_307, %parallel_loop3A_340 : vector<16xi1>, vector<16xf32>
      %parallel_loop3A_348 = arith.select %parallel_loop3A_346, %parallel_loop3A_308, %parallel_loop3A_345 : vector<16xi1>, vector<16xi32>
      %parallel_loop3A_349 = arith.constant dense<true> : vector<16xi1>
      %parallel_loop3A_350, %parallel_loop3A_351, %parallel_loop3A_352 = tpu.sort %parallel_loop3A_347, %parallel_loop3A_348 masked %parallel_loop3A_349 {descending = true} : (vector<16xf32>, vector<16xi32>, vector<16xi1>) -> (vector<16xi1>, vector<16xf32>, vector<16xi32>)
      %parallel_loop3A_353 = arith.constant 15 : i32
      %parallel_loop3A_354 = vector.broadcast %parallel_loop3A_353 : i32 to vector<16xi32>
      %parallel_loop3A_355 = tpu.iota {dimensions = array<i32: 0>} : vector<16xi32>
      %parallel_loop3A_356 = arith.subi %parallel_loop3A_354, %parallel_loop3A_355 : vector<16xi32>
      %parallel_loop3A_357 = tpu.dynamic_gather %parallel_loop3A_351[%parallel_loop3A_356] in [0] : vector<16xf32>, vector<16xi32> -> vector<16xf32>
      %parallel_loop3A_358 = arith.constant 15 : i32
      %parallel_loop3A_359 = vector.broadcast %parallel_loop3A_358 : i32 to vector<16xi32>
      %parallel_loop3A_360 = tpu.iota {dimensions = array<i32: 0>} : vector<16xi32>
      %parallel_loop3A_361 = arith.subi %parallel_loop3A_359, %parallel_loop3A_360 : vector<16xi32>
      %parallel_loop3A_362 = tpu.dynamic_gather %parallel_loop3A_352[%parallel_loop3A_361] in [0] : vector<16xi32>, vector<16xi32> -> vector<16xi32>
      %parallel_loop3A_363 = arith.cmpf oge, %parallel_loop3A_334, %parallel_loop3A_357 : vector<16xf32>
      %parallel_loop3A_364 = arith.select %parallel_loop3A_363, %parallel_loop3A_334, %parallel_loop3A_357 : vector<16xi1>, vector<16xf32>
      %parallel_loop3A_365 = arith.select %parallel_loop3A_363, %parallel_loop3A_335, %parallel_loop3A_362 : vector<16xi1>, vector<16xi32>
      %parallel_loop3A_366 = arith.constant dense<true> : vector<16xi1>
      %parallel_loop3A_367, %parallel_loop3A_368, %parallel_loop3A_369 = tpu.sort %parallel_loop3A_364, %parallel_loop3A_365 masked %parallel_loop3A_366 {descending = true} : (vector<16xf32>, vector<16xi32>, vector<16xi1>) -> (vector<16xi1>, vector<16xf32>, vector<16xi32>)
      %parallel_loop3A_370 = arith.constant true
      %parallel_loop3A_371 = vector.broadcast %parallel_loop3A_370 : i1 to vector<16xi1>
      %parallel_loop3A_372 = tpu.scan <max>, %parallel_loop3A_368 masked %parallel_loop3A_371 : vector<16xf32>, vector<16xi1> -> vector<16xf32>
      %parallel_loop3A_373 = vector.extract %parallel_loop3A_372[15] : f32 from vector<16xf32>
      %parallel_loop3A_374 = vector.broadcast %parallel_loop3A_373 : f32 to vector<16xf32>
      %parallel_loop3A_375 = arith.subf %parallel_loop3A_368, %parallel_loop3A_374 : vector<16xf32>
      %parallel_loop3A_376 = math.exp %parallel_loop3A_375 : vector<16xf32>
      %parallel_loop3A_377 = arith.constant 0.000000e+00 : f32
      %parallel_loop3A_378 = vector.broadcast %parallel_loop3A_377 : f32 to vector<16xf32>
      %parallel_loop3A_379 = arith.select %lt3A_51, %parallel_loop3A_376, %parallel_loop3A_378 : vector<16xi1>, vector<16xf32>
      %parallel_loop3A_380 = arith.constant true
      %parallel_loop3A_381 = vector.broadcast %parallel_loop3A_380 : i1 to vector<16xi1>
      %parallel_loop3A_382 = tpu.scan <sum>, %parallel_loop3A_379 masked %parallel_loop3A_381 : vector<16xf32>, vector<16xi1> -> vector<16xf32>
      %parallel_loop3A_383 = vector.extract %parallel_loop3A_382[15] : f32 from vector<16xf32>
      %parallel_loop3A_384 = vector.broadcast %parallel_loop3A_383 : f32 to vector<16xf32>
      %parallel_loop3A_385 = arith.divf %parallel_loop3A_379, %parallel_loop3A_384 : vector<16xf32>
      %parallel_loop3A_386 = arith.constant 0.000000e+00 : f32
      %parallel_loop3A_387 = vector.broadcast %parallel_loop3A_386 : f32 to vector<16xf32>
      %parallel_loop3A_388 = arith.index_cast %parallel_loop3A_278 : i32 to index
      %parallel_loop3A_389 = arith.constant 0 : index
      %parallel_loop3A_390 = tpu.vector_load %arg6[%parallel_loop3A_388, %parallel_loop3A_389] {strides = array<i32>} : memref<256x64xf32, #tpu.memory_space<vmem>>, vector<16xf32>,
      tpu.vector_store %arg6[%parallel_loop3A_388, %parallel_loop3A_389], %parallel_loop3A_387 {strides = array<i32>} : memref<256x64xf32, #tpu.memory_space<vmem>>, vector<16xf32>,
      %parallel_loop3A_391 = arith.constant 0.000000e+00 : f32
      %parallel_loop3A_392 = vector.broadcast %parallel_loop3A_391 : f32 to vector<16xf32>
      %parallel_loop3A_393 = arith.index_cast %parallel_loop3A_278 : i32 to index
      %parallel_loop3A_394 = arith.constant 16 : index
      %parallel_loop3A_395 = tpu.vector_load %arg6[%parallel_loop3A_393, %parallel_loop3A_394] {strides = array<i32>} : memref<256x64xf32, #tpu.memory_space<vmem>>, vector<16xf32>,
      tpu.vector_store %arg6[%parallel_loop3A_393, %parallel_loop3A_394], %parallel_loop3A_392 {strides = array<i32>} : memref<256x64xf32, #tpu.memory_space<vmem>>, vector<16xf32>,
      %parallel_loop3A_396 = arith.constant 0.000000e+00 : f32
      %parallel_loop3A_397 = vector.broadcast %parallel_loop3A_396 : f32 to vector<16xf32>
      %parallel_loop3A_398 = arith.index_cast %parallel_loop3A_278 : i32 to index
      %parallel_loop3A_399 = arith.constant 32 : index
      %parallel_loop3A_400 = tpu.vector_load %arg6[%parallel_loop3A_398, %parallel_loop3A_399] {strides = array<i32>} : memref<256x64xf32, #tpu.memory_space<vmem>>, vector<16xf32>,
      tpu.vector_store %arg6[%parallel_loop3A_398, %parallel_loop3A_399], %parallel_loop3A_397 {strides = array<i32>} : memref<256x64xf32, #tpu.memory_space<vmem>>, vector<16xf32>,
      %parallel_loop3A_401 = arith.constant 0.000000e+00 : f32
      %parallel_loop3A_402 = vector.broadcast %parallel_loop3A_401 : f32 to vector<16xf32>
      %parallel_loop3A_403 = arith.index_cast %parallel_loop3A_278 : i32 to index
      %parallel_loop3A_404 = arith.constant 48 : index
      %parallel_loop3A_405 = tpu.vector_load %arg6[%parallel_loop3A_403, %parallel_loop3A_404] {strides = array<i32>} : memref<256x64xf32, #tpu.memory_space<vmem>>, vector<16xf32>,
      tpu.vector_store %arg6[%parallel_loop3A_403, %parallel_loop3A_404], %parallel_loop3A_402 {strides = array<i32>} : memref<256x64xf32, #tpu.memory_space<vmem>>, vector<16xf32>,
      %parallel_loop3A_406 = vector.broadcast %parallel_loop3A_278 : i32 to vector<16xi32>
      tpu.vector_store_idx %arg6[%parallel_loop3A_406, %parallel_loop3A_369], %parallel_loop3A_385 masked %lt3A_51 : memref<256x64xf32, #tpu.memory_space<vmem>>[vector<16xi32>, vector<16xi32>], vector<16xf32>, vector<16xi1>
      tpu.vector_store_idx %arg7[%parallel_loop3A_406, %iota3A], %parallel_loop3A_369 masked %lt3A_51 : memref<256x8xi32, #tpu.memory_space<vmem>>[vector<16xi32>, vector<16xi32>], vector<16xi32>, vector<16xi1>
    } {sc.loop_unroll_factor = 4 : i64, sc.parallel_access}
    %add3A_63 = arith.constant 0 : i32
    %add3A_64 = arith.addi %mul3A_2, %add3A_63 : i32
    %dma_start3A_65 = arith.constant 0 : i32
    %dma_start3A_66 = arith.constant 0 : i32
    %dma_start3A_67 = tpu.memref_slice %arg6[%dma_start3A_65, %dma_start3A_66] : memref<256x64xf32, #tpu.memory_space<vmem>> -> memref<64x64xf32, #tpu.memory_space<vmem>>
    %dma_start3A_68 = arith.constant 0 : i32
    %dma_start3A_69 = tpu.memref_slice %arg3[%add3A_64, %dma_start3A_68] : memref<8192x64xf32, #tpu.memory_space<hbm>> -> memref<64x64xf32, #tpu.memory_space<hbm>>
    %dma_start3A_70 = arith.constant 0 : i32
    %dma_start3A_71 = tpu.memref_slice %arg3[%add3A_64, %dma_start3A_70] : memref<8192x64xf32, #tpu.memory_space<hbm>> -> memref<64x64xf32, #tpu.memory_space<hbm>>
    %dma_start3A_72 = arith.constant 0 : i32
    %dma_start3A_73 = arith.constant 0 : i32
    %dma_start3A_74 = tpu.memref_slice %arg6[%dma_start3A_72, %dma_start3A_73] : memref<256x64xf32, #tpu.memory_space<vmem>> -> memref<64x64xf32, #tpu.memory_space<vmem>>
    tpu.enqueue_dma source(%dma_start3A_74 : memref<64x64xf32, #tpu.memory_space<vmem>>) target(%dma_start3A_71 : memref<64x64xf32, #tpu.memory_space<hbm>>) target_semaphore(%arg12 : memref<!tpu.dma_semaphore, #tpu.memory_space<semaphore_mem>>)
    %add3A_75 = arith.constant 0 : i32
    %add3A_76 = arith.addi %mul3A_2, %add3A_75 : i32
    %dma_start3A_77 = arith.constant 0 : i32
    %dma_start3A_78 = arith.constant 0 : i32
    %dma_start3A_79 = tpu.memref_slice %arg7[%dma_start3A_77, %dma_start3A_78] : memref<256x8xi32, #tpu.memory_space<vmem>> -> memref<64x8xi32, #tpu.memory_space<vmem>>
    %dma_start3A_80 = arith.constant 0 : i32
    %dma_start3A_81 = tpu.memref_slice %arg4[%add3A_76, %dma_start3A_80] : memref<8192x8xi32, #tpu.memory_space<hbm>> -> memref<64x8xi32, #tpu.memory_space<hbm>>
    %dma_start3A_82 = arith.constant 0 : i32
    %dma_start3A_83 = tpu.memref_slice %arg4[%add3A_76, %dma_start3A_82] : memref<8192x8xi32, #tpu.memory_space<hbm>> -> memref<64x8xi32, #tpu.memory_space<hbm>>
    %dma_start3A_84 = arith.constant 0 : i32
    %dma_start3A_85 = arith.constant 0 : i32
    %dma_start3A_86 = tpu.memref_slice %arg7[%dma_start3A_84, %dma_start3A_85] : memref<256x8xi32, #tpu.memory_space<vmem>> -> memref<64x8xi32, #tpu.memory_space<vmem>>
    tpu.enqueue_dma source(%dma_start3A_86 : memref<64x8xi32, #tpu.memory_space<vmem>>) target(%dma_start3A_83 : memref<64x8xi32, #tpu.memory_space<hbm>>) target_semaphore(%arg12 : memref<!tpu.dma_semaphore, #tpu.memory_space<semaphore_mem>>)
    %dma_wait3A_87 = arith.constant 64 : i32
    %dma_wait3A_88 = arith.constant 0 : i32
    %dma_wait3A_89 = tpu.memref_slice %arg5[%dma_wait3A_87, %dma_wait3A_88] : memref<256x64xf32, #tpu.memory_space<vmem>> -> memref<64x64xf32, #tpu.memory_space<vmem>>
    %dma_wait3A_90 = arith.constant 0 : i32
    %dma_wait3A_91 = tpu.memref_slice %arg2[%add3A_15, %dma_wait3A_90] : memref<8192x64xf32, #tpu.memory_space<hbm>> -> memref<64x64xf32, #tpu.memory_space<hbm>>
    %dma_wait3A_92 = arith.constant 64 : i32
    %dma_wait3A_93 = arith.constant 0 : i32
    %dma_wait3A_94 = tpu.memref_slice %arg5[%dma_wait3A_92, %dma_wait3A_93] : memref<256x64xf32, #tpu.memory_space<vmem>> -> memref<64x64xf32, #tpu.memory_space<vmem>>
    %dma_wait3A_95 = arith.constant 0 : i32
    %dma_wait3A_96 = tpu.memref_slice %arg2[%add3A_15, %dma_wait3A_95] : memref<8192x64xf32, #tpu.memory_space<hbm>> -> memref<64x64xf32, #tpu.memory_space<hbm>>
    tpu.wait_dma2 semaphore(%arg9 : memref<!tpu.dma_semaphore, #tpu.memory_space<semaphore_mem>>) src(%dma_wait3A_96 : memref<64x64xf32, #tpu.memory_space<hbm>>) dst(%dma_wait3A_94 : memref<64x64xf32, #tpu.memory_space<vmem>>)
    %parallel_loop3A_97 = arith.constant 64 : i32
    %parallel_loop3A_98 = arith.constant 128 : i32
    %parallel_loop3A_99 = arith.constant 1 : i32
    scf.for %parallel_loop3A_278 = %parallel_loop3A_97 to %parallel_loop3A_98 step %parallel_loop3A_99  : i32 {
      %parallel_loop3A_279 = arith.index_cast %parallel_loop3A_278 : i32 to index
      %parallel_loop3A_280 = arith.constant 0 : index
      %parallel_loop3A_281 = tpu.vector_load %arg5[%parallel_loop3A_279, %parallel_loop3A_280] {strides = array<i32>} : memref<256x64xf32, #tpu.memory_space<vmem>>, vector<16xf32>,
      %parallel_loop3A_282 = arith.constant 0 : i32
      %parallel_loop3A_283 = vector.broadcast %parallel_loop3A_282 : i32 to vector<16xi32>
      %parallel_loop3A_284 = arith.addi %iota3A, %parallel_loop3A_283 : vector<16xi32>
      %parallel_loop3A_285 = arith.constant dense<true> : vector<16xi1>
      %parallel_loop3A_286, %parallel_loop3A_287, %parallel_loop3A_288 = tpu.sort %parallel_loop3A_281, %parallel_loop3A_284 masked %parallel_loop3A_285 {descending = true} : (vector<16xf32>, vector<16xi32>, vector<16xi1>) -> (vector<16xi1>, vector<16xf32>, vector<16xi32>)
      %parallel_loop3A_289 = arith.index_cast %parallel_loop3A_278 : i32 to index
      %parallel_loop3A_290 = arith.constant 16 : index
      %parallel_loop3A_291 = tpu.vector_load %arg5[%parallel_loop3A_289, %parallel_loop3A_290] {strides = array<i32>} : memref<256x64xf32, #tpu.memory_space<vmem>>, vector<16xf32>,
      %parallel_loop3A_292 = arith.constant 16 : i32
      %parallel_loop3A_293 = vector.broadcast %parallel_loop3A_292 : i32 to vector<16xi32>
      %parallel_loop3A_294 = arith.addi %iota3A, %parallel_loop3A_293 : vector<16xi32>
      %parallel_loop3A_295 = arith.constant dense<true> : vector<16xi1>
      %parallel_loop3A_296, %parallel_loop3A_297, %parallel_loop3A_298 = tpu.sort %parallel_loop3A_291, %parallel_loop3A_294 masked %parallel_loop3A_295 {descending = true} : (vector<16xf32>, vector<16xi32>, vector<16xi1>) -> (vector<16xi1>, vector<16xf32>, vector<16xi32>)
      %parallel_loop3A_299 = arith.index_cast %parallel_loop3A_278 : i32 to index
      %parallel_loop3A_300 = arith.constant 32 : index
      %parallel_loop3A_301 = tpu.vector_load %arg5[%parallel_loop3A_299, %parallel_loop3A_300] {strides = array<i32>} : memref<256x64xf32, #tpu.memory_space<vmem>>, vector<16xf32>,
      %parallel_loop3A_302 = arith.constant 32 : i32
      %parallel_loop3A_303 = vector.broadcast %parallel_loop3A_302 : i32 to vector<16xi32>
      %parallel_loop3A_304 = arith.addi %iota3A, %parallel_loop3A_303 : vector<16xi32>
      %parallel_loop3A_305 = arith.constant dense<true> : vector<16xi1>
      %parallel_loop3A_306, %parallel_loop3A_307, %parallel_loop3A_308 = tpu.sort %parallel_loop3A_301, %parallel_loop3A_304 masked %parallel_loop3A_305 {descending = true} : (vector<16xf32>, vector<16xi32>, vector<16xi1>) -> (vector<16xi1>, vector<16xf32>, vector<16xi32>)
      %parallel_loop3A_309 = arith.index_cast %parallel_loop3A_278 : i32 to index
      %parallel_loop3A_310 = arith.constant 48 : index
      %parallel_loop3A_311 = tpu.vector_load %arg5[%parallel_loop3A_309, %parallel_loop3A_310] {strides = array<i32>} : memref<256x64xf32, #tpu.memory_space<vmem>>, vector<16xf32>,
      %parallel_loop3A_312 = arith.constant 48 : i32
      %parallel_loop3A_313 = vector.broadcast %parallel_loop3A_312 : i32 to vector<16xi32>
      %parallel_loop3A_314 = arith.addi %iota3A, %parallel_loop3A_313 : vector<16xi32>
      %parallel_loop3A_315 = arith.constant dense<true> : vector<16xi1>
      %parallel_loop3A_316, %parallel_loop3A_317, %parallel_loop3A_318 = tpu.sort %parallel_loop3A_311, %parallel_loop3A_314 masked %parallel_loop3A_315 {descending = true} : (vector<16xf32>, vector<16xi32>, vector<16xi1>) -> (vector<16xi1>, vector<16xf32>, vector<16xi32>)
      %parallel_loop3A_319 = arith.constant 15 : i32
      %parallel_loop3A_320 = vector.broadcast %parallel_loop3A_319 : i32 to vector<16xi32>
      %parallel_loop3A_321 = tpu.iota {dimensions = array<i32: 0>} : vector<16xi32>
      %parallel_loop3A_322 = arith.subi %parallel_loop3A_320, %parallel_loop3A_321 : vector<16xi32>
      %parallel_loop3A_323 = tpu.dynamic_gather %parallel_loop3A_297[%parallel_loop3A_322] in [0] : vector<16xf32>, vector<16xi32> -> vector<16xf32>
      %parallel_loop3A_324 = arith.constant 15 : i32
      %parallel_loop3A_325 = vector.broadcast %parallel_loop3A_324 : i32 to vector<16xi32>
      %parallel_loop3A_326 = tpu.iota {dimensions = array<i32: 0>} : vector<16xi32>
      %parallel_loop3A_327 = arith.subi %parallel_loop3A_325, %parallel_loop3A_326 : vector<16xi32>
      %parallel_loop3A_328 = tpu.dynamic_gather %parallel_loop3A_298[%parallel_loop3A_327] in [0] : vector<16xi32>, vector<16xi32> -> vector<16xi32>
      %parallel_loop3A_329 = arith.cmpf oge, %parallel_loop3A_287, %parallel_loop3A_323 : vector<16xf32>
      %parallel_loop3A_330 = arith.select %parallel_loop3A_329, %parallel_loop3A_287, %parallel_loop3A_323 : vector<16xi1>, vector<16xf32>
      %parallel_loop3A_331 = arith.select %parallel_loop3A_329, %parallel_loop3A_288, %parallel_loop3A_328 : vector<16xi1>, vector<16xi32>
      %parallel_loop3A_332 = arith.constant dense<true> : vector<16xi1>
      %parallel_loop3A_333, %parallel_loop3A_334, %parallel_loop3A_335 = tpu.sort %parallel_loop3A_330, %parallel_loop3A_331 masked %parallel_loop3A_332 {descending = true} : (vector<16xf32>, vector<16xi32>, vector<16xi1>) -> (vector<16xi1>, vector<16xf32>, vector<16xi32>)
      %parallel_loop3A_336 = arith.constant 15 : i32
      %parallel_loop3A_337 = vector.broadcast %parallel_loop3A_336 : i32 to vector<16xi32>
      %parallel_loop3A_338 = tpu.iota {dimensions = array<i32: 0>} : vector<16xi32>
      %parallel_loop3A_339 = arith.subi %parallel_loop3A_337, %parallel_loop3A_338 : vector<16xi32>
      %parallel_loop3A_340 = tpu.dynamic_gather %parallel_loop3A_317[%parallel_loop3A_339] in [0] : vector<16xf32>, vector<16xi32> -> vector<16xf32>
      %parallel_loop3A_341 = arith.constant 15 : i32
      %parallel_loop3A_342 = vector.broadcast %parallel_loop3A_341 : i32 to vector<16xi32>
      %parallel_loop3A_343 = tpu.iota {dimensions = array<i32: 0>} : vector<16xi32>
      %parallel_loop3A_344 = arith.subi %parallel_loop3A_342, %parallel_loop3A_343 : vector<16xi32>
      %parallel_loop3A_345 = tpu.dynamic_gather %parallel_loop3A_318[%parallel_loop3A_344] in [0] : vector<16xi32>, vector<16xi32> -> vector<16xi32>
      %parallel_loop3A_346 = arith.cmpf oge, %parallel_loop3A_307, %parallel_loop3A_340 : vector<16xf32>
      %parallel_loop3A_347 = arith.select %parallel_loop3A_346, %parallel_loop3A_307, %parallel_loop3A_340 : vector<16xi1>, vector<16xf32>
      %parallel_loop3A_348 = arith.select %parallel_loop3A_346, %parallel_loop3A_308, %parallel_loop3A_345 : vector<16xi1>, vector<16xi32>
      %parallel_loop3A_349 = arith.constant dense<true> : vector<16xi1>
      %parallel_loop3A_350, %parallel_loop3A_351, %parallel_loop3A_352 = tpu.sort %parallel_loop3A_347, %parallel_loop3A_348 masked %parallel_loop3A_349 {descending = true} : (vector<16xf32>, vector<16xi32>, vector<16xi1>) -> (vector<16xi1>, vector<16xf32>, vector<16xi32>)
      %parallel_loop3A_353 = arith.constant 15 : i32
      %parallel_loop3A_354 = vector.broadcast %parallel_loop3A_353 : i32 to vector<16xi32>
      %parallel_loop3A_355 = tpu.iota {dimensions = array<i32: 0>} : vector<16xi32>
      %parallel_loop3A_356 = arith.subi %parallel_loop3A_354, %parallel_loop3A_355 : vector<16xi32>
      %parallel_loop3A_357 = tpu.dynamic_gather %parallel_loop3A_351[%parallel_loop3A_356] in [0] : vector<16xf32>, vector<16xi32> -> vector<16xf32>
      %parallel_loop3A_358 = arith.constant 15 : i32
      %parallel_loop3A_359 = vector.broadcast %parallel_loop3A_358 : i32 to vector<16xi32>
      %parallel_loop3A_360 = tpu.iota {dimensions = array<i32: 0>} : vector<16xi32>
      %parallel_loop3A_361 = arith.subi %parallel_loop3A_359, %parallel_loop3A_360 : vector<16xi32>
      %parallel_loop3A_362 = tpu.dynamic_gather %parallel_loop3A_352[%parallel_loop3A_361] in [0] : vector<16xi32>, vector<16xi32> -> vector<16xi32>
      %parallel_loop3A_363 = arith.cmpf oge, %parallel_loop3A_334, %parallel_loop3A_357 : vector<16xf32>
      %parallel_loop3A_364 = arith.select %parallel_loop3A_363, %parallel_loop3A_334, %parallel_loop3A_357 : vector<16xi1>, vector<16xf32>
      %parallel_loop3A_365 = arith.select %parallel_loop3A_363, %parallel_loop3A_335, %parallel_loop3A_362 : vector<16xi1>, vector<16xi32>
      %parallel_loop3A_366 = arith.constant dense<true> : vector<16xi1>
      %parallel_loop3A_367, %parallel_loop3A_368, %parallel_loop3A_369 = tpu.sort %parallel_loop3A_364, %parallel_loop3A_365 masked %parallel_loop3A_366 {descending = true} : (vector<16xf32>, vector<16xi32>, vector<16xi1>) -> (vector<16xi1>, vector<16xf32>, vector<16xi32>)
      %parallel_loop3A_370 = arith.constant true
      %parallel_loop3A_371 = vector.broadcast %parallel_loop3A_370 : i1 to vector<16xi1>
      %parallel_loop3A_372 = tpu.scan <max>, %parallel_loop3A_368 masked %parallel_loop3A_371 : vector<16xf32>, vector<16xi1> -> vector<16xf32>
      %parallel_loop3A_373 = vector.extract %parallel_loop3A_372[15] : f32 from vector<16xf32>
      %parallel_loop3A_374 = vector.broadcast %parallel_loop3A_373 : f32 to vector<16xf32>
      %parallel_loop3A_375 = arith.subf %parallel_loop3A_368, %parallel_loop3A_374 : vector<16xf32>
      %parallel_loop3A_376 = math.exp %parallel_loop3A_375 : vector<16xf32>
      %parallel_loop3A_377 = arith.constant 0.000000e+00 : f32
      %parallel_loop3A_378 = vector.broadcast %parallel_loop3A_377 : f32 to vector<16xf32>
      %parallel_loop3A_379 = arith.select %lt3A_51, %parallel_loop3A_376, %parallel_loop3A_378 : vector<16xi1>, vector<16xf32>
      %parallel_loop3A_380 = arith.constant true
      %parallel_loop3A_381 = vector.broadcast %parallel_loop3A_380 : i1 to vector<16xi1>
      %parallel_loop3A_382 = tpu.scan <sum>, %parallel_loop3A_379 masked %parallel_loop3A_381 : vector<16xf32>, vector<16xi1> -> vector<16xf32>
      %parallel_loop3A_383 = vector.extract %parallel_loop3A_382[15] : f32 from vector<16xf32>
      %parallel_loop3A_384 = vector.broadcast %parallel_loop3A_383 : f32 to vector<16xf32>
      %parallel_loop3A_385 = arith.divf %parallel_loop3A_379, %parallel_loop3A_384 : vector<16xf32>
      %parallel_loop3A_386 = arith.constant 0.000000e+00 : f32
      %parallel_loop3A_387 = vector.broadcast %parallel_loop3A_386 : f32 to vector<16xf32>
      %parallel_loop3A_388 = arith.index_cast %parallel_loop3A_278 : i32 to index
      %parallel_loop3A_389 = arith.constant 0 : index
      %parallel_loop3A_390 = tpu.vector_load %arg6[%parallel_loop3A_388, %parallel_loop3A_389] {strides = array<i32>} : memref<256x64xf32, #tpu.memory_space<vmem>>, vector<16xf32>,
      tpu.vector_store %arg6[%parallel_loop3A_388, %parallel_loop3A_389], %parallel_loop3A_387 {strides = array<i32>} : memref<256x64xf32, #tpu.memory_space<vmem>>, vector<16xf32>,
      %parallel_loop3A_391 = arith.constant 0.000000e+00 : f32
      %parallel_loop3A_392 = vector.broadcast %parallel_loop3A_391 : f32 to vector<16xf32>
      %parallel_loop3A_393 = arith.index_cast %parallel_loop3A_278 : i32 to index
      %parallel_loop3A_394 = arith.constant 16 : index
      %parallel_loop3A_395 = tpu.vector_load %arg6[%parallel_loop3A_393, %parallel_loop3A_394] {strides = array<i32>} : memref<256x64xf32, #tpu.memory_space<vmem>>, vector<16xf32>,
      tpu.vector_store %arg6[%parallel_loop3A_393, %parallel_loop3A_394], %parallel_loop3A_392 {strides = array<i32>} : memref<256x64xf32, #tpu.memory_space<vmem>>, vector<16xf32>,
      %parallel_loop3A_396 = arith.constant 0.000000e+00 : f32
      %parallel_loop3A_397 = vector.broadcast %parallel_loop3A_396 : f32 to vector<16xf32>
      %parallel_loop3A_398 = arith.index_cast %parallel_loop3A_278 : i32 to index
      %parallel_loop3A_399 = arith.constant 32 : index
      %parallel_loop3A_400 = tpu.vector_load %arg6[%parallel_loop3A_398, %parallel_loop3A_399] {strides = array<i32>} : memref<256x64xf32, #tpu.memory_space<vmem>>, vector<16xf32>,
      tpu.vector_store %arg6[%parallel_loop3A_398, %parallel_loop3A_399], %parallel_loop3A_397 {strides = array<i32>} : memref<256x64xf32, #tpu.memory_space<vmem>>, vector<16xf32>,
      %parallel_loop3A_401 = arith.constant 0.000000e+00 : f32
      %parallel_loop3A_402 = vector.broadcast %parallel_loop3A_401 : f32 to vector<16xf32>
      %parallel_loop3A_403 = arith.index_cast %parallel_loop3A_278 : i32 to index
      %parallel_loop3A_404 = arith.constant 48 : index
      %parallel_loop3A_405 = tpu.vector_load %arg6[%parallel_loop3A_403, %parallel_loop3A_404] {strides = array<i32>} : memref<256x64xf32, #tpu.memory_space<vmem>>, vector<16xf32>,
      tpu.vector_store %arg6[%parallel_loop3A_403, %parallel_loop3A_404], %parallel_loop3A_402 {strides = array<i32>} : memref<256x64xf32, #tpu.memory_space<vmem>>, vector<16xf32>,
      %parallel_loop3A_406 = vector.broadcast %parallel_loop3A_278 : i32 to vector<16xi32>
      tpu.vector_store_idx %arg6[%parallel_loop3A_406, %parallel_loop3A_369], %parallel_loop3A_385 masked %lt3A_51 : memref<256x64xf32, #tpu.memory_space<vmem>>[vector<16xi32>, vector<16xi32>], vector<16xf32>, vector<16xi1>
      tpu.vector_store_idx %arg7[%parallel_loop3A_406, %iota3A], %parallel_loop3A_369 masked %lt3A_51 : memref<256x8xi32, #tpu.memory_space<vmem>>[vector<16xi32>, vector<16xi32>], vector<16xi32>, vector<16xi1>
    } {sc.loop_unroll_factor = 4 : i64, sc.parallel_access}
    %add3A_100 = arith.constant 64 : i32
    %add3A_101 = arith.addi %mul3A_2, %add3A_100 : i32
    %dma_start3A_102 = arith.constant 64 : i32
    %dma_start3A_103 = arith.constant 0 : i32
    %dma_start3A_104 = tpu.memref_slice %arg6[%dma_start3A_102, %dma_start3A_103] : memref<256x64xf32, #tpu.memory_space<vmem>> -> memref<64x64xf32, #tpu.memory_space<vmem>>
    %dma_start3A_105 = arith.constant 0 : i32
    %dma_start3A_106 = tpu.memref_slice %arg3[%add3A_101, %dma_start3A_105] : memref<8192x64xf32, #tpu.memory_space<hbm>> -> memref<64x64xf32, #tpu.memory_space<hbm>>
    %dma_start3A_107 = arith.constant 0 : i32
    %dma_start3A_108 = tpu.memref_slice %arg3[%add3A_101, %dma_start3A_107] : memref<8192x64xf32, #tpu.memory_space<hbm>> -> memref<64x64xf32, #tpu.memory_space<hbm>>
    %dma_start3A_109 = arith.constant 64 : i32
    %dma_start3A_110 = arith.constant 0 : i32
    %dma_start3A_111 = tpu.memref_slice %arg6[%dma_start3A_109, %dma_start3A_110] : memref<256x64xf32, #tpu.memory_space<vmem>> -> memref<64x64xf32, #tpu.memory_space<vmem>>
    tpu.enqueue_dma source(%dma_start3A_111 : memref<64x64xf32, #tpu.memory_space<vmem>>) target(%dma_start3A_108 : memref<64x64xf32, #tpu.memory_space<hbm>>) target_semaphore(%arg12 : memref<!tpu.dma_semaphore, #tpu.memory_space<semaphore_mem>>)
    %add3A_112 = arith.constant 64 : i32
    %add3A_113 = arith.addi %mul3A_2, %add3A_112 : i32
    %dma_start3A_114 = arith.constant 64 : i32
    %dma_start3A_115 = arith.constant 0 : i32
    %dma_start3A_116 = tpu.memref_slice %arg7[%dma_start3A_114, %dma_start3A_115] : memref<256x8xi32, #tpu.memory_space<vmem>> -> memref<64x8xi32, #tpu.memory_space<vmem>>
    %dma_start3A_117 = arith.constant 0 : i32
    %dma_start3A_118 = tpu.memref_slice %arg4[%add3A_113, %dma_start3A_117] : memref<8192x8xi32, #tpu.memory_space<hbm>> -> memref<64x8xi32, #tpu.memory_space<hbm>>
    %dma_start3A_119 = arith.constant 0 : i32
    %dma_start3A_120 = tpu.memref_slice %arg4[%add3A_113, %dma_start3A_119] : memref<8192x8xi32, #tpu.memory_space<hbm>> -> memref<64x8xi32, #tpu.memory_space<hbm>>
    %dma_start3A_121 = arith.constant 64 : i32
    %dma_start3A_122 = arith.constant 0 : i32
    %dma_start3A_123 = tpu.memref_slice %arg7[%dma_start3A_121, %dma_start3A_122] : memref<256x8xi32, #tpu.memory_space<vmem>> -> memref<64x8xi32, #tpu.memory_space<vmem>>
    tpu.enqueue_dma source(%dma_start3A_123 : memref<64x8xi32, #tpu.memory_space<vmem>>) target(%dma_start3A_120 : memref<64x8xi32, #tpu.memory_space<hbm>>) target_semaphore(%arg12 : memref<!tpu.dma_semaphore, #tpu.memory_space<semaphore_mem>>)
    %dma_wait3A_124 = arith.constant 128 : i32
    %dma_wait3A_125 = arith.constant 0 : i32
    %dma_wait3A_126 = tpu.memref_slice %arg5[%dma_wait3A_124, %dma_wait3A_125] : memref<256x64xf32, #tpu.memory_space<vmem>> -> memref<64x64xf32, #tpu.memory_space<vmem>>
    %dma_wait3A_127 = arith.constant 0 : i32
    %dma_wait3A_128 = tpu.memref_slice %arg2[%add3A_27, %dma_wait3A_127] : memref<8192x64xf32, #tpu.memory_space<hbm>> -> memref<64x64xf32, #tpu.memory_space<hbm>>
    %dma_wait3A_129 = arith.constant 128 : i32
    %dma_wait3A_130 = arith.constant 0 : i32
    %dma_wait3A_131 = tpu.memref_slice %arg5[%dma_wait3A_129, %dma_wait3A_130] : memref<256x64xf32, #tpu.memory_space<vmem>> -> memref<64x64xf32, #tpu.memory_space<vmem>>
    %dma_wait3A_132 = arith.constant 0 : i32
    %dma_wait3A_133 = tpu.memref_slice %arg2[%add3A_27, %dma_wait3A_132] : memref<8192x64xf32, #tpu.memory_space<hbm>> -> memref<64x64xf32, #tpu.memory_space<hbm>>
    tpu.wait_dma2 semaphore(%arg10 : memref<!tpu.dma_semaphore, #tpu.memory_space<semaphore_mem>>) src(%dma_wait3A_133 : memref<64x64xf32, #tpu.memory_space<hbm>>) dst(%dma_wait3A_131 : memref<64x64xf32, #tpu.memory_space<vmem>>)
    %parallel_loop3A_134 = arith.constant 128 : i32
    %parallel_loop3A_135 = arith.constant 192 : i32
    %parallel_loop3A_136 = arith.constant 1 : i32
    scf.for %parallel_loop3A_278 = %parallel_loop3A_134 to %parallel_loop3A_135 step %parallel_loop3A_136  : i32 {
      %parallel_loop3A_279 = arith.index_cast %parallel_loop3A_278 : i32 to index
      %parallel_loop3A_280 = arith.constant 0 : index
      %parallel_loop3A_281 = tpu.vector_load %arg5[%parallel_loop3A_279, %parallel_loop3A_280] {strides = array<i32>} : memref<256x64xf32, #tpu.memory_space<vmem>>, vector<16xf32>,
      %parallel_loop3A_282 = arith.constant 0 : i32
      %parallel_loop3A_283 = vector.broadcast %parallel_loop3A_282 : i32 to vector<16xi32>
      %parallel_loop3A_284 = arith.addi %iota3A, %parallel_loop3A_283 : vector<16xi32>
      %parallel_loop3A_285 = arith.constant dense<true> : vector<16xi1>
      %parallel_loop3A_286, %parallel_loop3A_287, %parallel_loop3A_288 = tpu.sort %parallel_loop3A_281, %parallel_loop3A_284 masked %parallel_loop3A_285 {descending = true} : (vector<16xf32>, vector<16xi32>, vector<16xi1>) -> (vector<16xi1>, vector<16xf32>, vector<16xi32>)
      %parallel_loop3A_289 = arith.index_cast %parallel_loop3A_278 : i32 to index
      %parallel_loop3A_290 = arith.constant 16 : index
      %parallel_loop3A_291 = tpu.vector_load %arg5[%parallel_loop3A_289, %parallel_loop3A_290] {strides = array<i32>} : memref<256x64xf32, #tpu.memory_space<vmem>>, vector<16xf32>,
      %parallel_loop3A_292 = arith.constant 16 : i32
      %parallel_loop3A_293 = vector.broadcast %parallel_loop3A_292 : i32 to vector<16xi32>
      %parallel_loop3A_294 = arith.addi %iota3A, %parallel_loop3A_293 : vector<16xi32>
      %parallel_loop3A_295 = arith.constant dense<true> : vector<16xi1>
      %parallel_loop3A_296, %parallel_loop3A_297, %parallel_loop3A_298 = tpu.sort %parallel_loop3A_291, %parallel_loop3A_294 masked %parallel_loop3A_295 {descending = true} : (vector<16xf32>, vector<16xi32>, vector<16xi1>) -> (vector<16xi1>, vector<16xf32>, vector<16xi32>)
      %parallel_loop3A_299 = arith.index_cast %parallel_loop3A_278 : i32 to index
      %parallel_loop3A_300 = arith.constant 32 : index
      %parallel_loop3A_301 = tpu.vector_load %arg5[%parallel_loop3A_299, %parallel_loop3A_300] {strides = array<i32>} : memref<256x64xf32, #tpu.memory_space<vmem>>, vector<16xf32>,
      %parallel_loop3A_302 = arith.constant 32 : i32
      %parallel_loop3A_303 = vector.broadcast %parallel_loop3A_302 : i32 to vector<16xi32>
      %parallel_loop3A_304 = arith.addi %iota3A, %parallel_loop3A_303 : vector<16xi32>
      %parallel_loop3A_305 = arith.constant dense<true> : vector<16xi1>
      %parallel_loop3A_306, %parallel_loop3A_307, %parallel_loop3A_308 = tpu.sort %parallel_loop3A_301, %parallel_loop3A_304 masked %parallel_loop3A_305 {descending = true} : (vector<16xf32>, vector<16xi32>, vector<16xi1>) -> (vector<16xi1>, vector<16xf32>, vector<16xi32>)
      %parallel_loop3A_309 = arith.index_cast %parallel_loop3A_278 : i32 to index
      %parallel_loop3A_310 = arith.constant 48 : index
      %parallel_loop3A_311 = tpu.vector_load %arg5[%parallel_loop3A_309, %parallel_loop3A_310] {strides = array<i32>} : memref<256x64xf32, #tpu.memory_space<vmem>>, vector<16xf32>,
      %parallel_loop3A_312 = arith.constant 48 : i32
      %parallel_loop3A_313 = vector.broadcast %parallel_loop3A_312 : i32 to vector<16xi32>
      %parallel_loop3A_314 = arith.addi %iota3A, %parallel_loop3A_313 : vector<16xi32>
      %parallel_loop3A_315 = arith.constant dense<true> : vector<16xi1>
      %parallel_loop3A_316, %parallel_loop3A_317, %parallel_loop3A_318 = tpu.sort %parallel_loop3A_311, %parallel_loop3A_314 masked %parallel_loop3A_315 {descending = true} : (vector<16xf32>, vector<16xi32>, vector<16xi1>) -> (vector<16xi1>, vector<16xf32>, vector<16xi32>)
      %parallel_loop3A_319 = arith.constant 15 : i32
      %parallel_loop3A_320 = vector.broadcast %parallel_loop3A_319 : i32 to vector<16xi32>
      %parallel_loop3A_321 = tpu.iota {dimensions = array<i32: 0>} : vector<16xi32>
      %parallel_loop3A_322 = arith.subi %parallel_loop3A_320, %parallel_loop3A_321 : vector<16xi32>
      %parallel_loop3A_323 = tpu.dynamic_gather %parallel_loop3A_297[%parallel_loop3A_322] in [0] : vector<16xf32>, vector<16xi32> -> vector<16xf32>
      %parallel_loop3A_324 = arith.constant 15 : i32
      %parallel_loop3A_325 = vector.broadcast %parallel_loop3A_324 : i32 to vector<16xi32>
      %parallel_loop3A_326 = tpu.iota {dimensions = array<i32: 0>} : vector<16xi32>
      %parallel_loop3A_327 = arith.subi %parallel_loop3A_325, %parallel_loop3A_326 : vector<16xi32>
      %parallel_loop3A_328 = tpu.dynamic_gather %parallel_loop3A_298[%parallel_loop3A_327] in [0] : vector<16xi32>, vector<16xi32> -> vector<16xi32>
      %parallel_loop3A_329 = arith.cmpf oge, %parallel_loop3A_287, %parallel_loop3A_323 : vector<16xf32>
      %parallel_loop3A_330 = arith.select %parallel_loop3A_329, %parallel_loop3A_287, %parallel_loop3A_323 : vector<16xi1>, vector<16xf32>
      %parallel_loop3A_331 = arith.select %parallel_loop3A_329, %parallel_loop3A_288, %parallel_loop3A_328 : vector<16xi1>, vector<16xi32>
      %parallel_loop3A_332 = arith.constant dense<true> : vector<16xi1>
      %parallel_loop3A_333, %parallel_loop3A_334, %parallel_loop3A_335 = tpu.sort %parallel_loop3A_330, %parallel_loop3A_331 masked %parallel_loop3A_332 {descending = true} : (vector<16xf32>, vector<16xi32>, vector<16xi1>) -> (vector<16xi1>, vector<16xf32>, vector<16xi32>)
      %parallel_loop3A_336 = arith.constant 15 : i32
      %parallel_loop3A_337 = vector.broadcast %parallel_loop3A_336 : i32 to vector<16xi32>
      %parallel_loop3A_338 = tpu.iota {dimensions = array<i32: 0>} : vector<16xi32>
      %parallel_loop3A_339 = arith.subi %parallel_loop3A_337, %parallel_loop3A_338 : vector<16xi32>
      %parallel_loop3A_340 = tpu.dynamic_gather %parallel_loop3A_317[%parallel_loop3A_339] in [0] : vector<16xf32>, vector<16xi32> -> vector<16xf32>
      %parallel_loop3A_341 = arith.constant 15 : i32
      %parallel_loop3A_342 = vector.broadcast %parallel_loop3A_341 : i32 to vector<16xi32>
      %parallel_loop3A_343 = tpu.iota {dimensions = array<i32: 0>} : vector<16xi32>
      %parallel_loop3A_344 = arith.subi %parallel_loop3A_342, %parallel_loop3A_343 : vector<16xi32>
      %parallel_loop3A_345 = tpu.dynamic_gather %parallel_loop3A_318[%parallel_loop3A_344] in [0] : vector<16xi32>, vector<16xi32> -> vector<16xi32>
      %parallel_loop3A_346 = arith.cmpf oge, %parallel_loop3A_307, %parallel_loop3A_340 : vector<16xf32>
      %parallel_loop3A_347 = arith.select %parallel_loop3A_346, %parallel_loop3A_307, %parallel_loop3A_340 : vector<16xi1>, vector<16xf32>
      %parallel_loop3A_348 = arith.select %parallel_loop3A_346, %parallel_loop3A_308, %parallel_loop3A_345 : vector<16xi1>, vector<16xi32>
      %parallel_loop3A_349 = arith.constant dense<true> : vector<16xi1>
      %parallel_loop3A_350, %parallel_loop3A_351, %parallel_loop3A_352 = tpu.sort %parallel_loop3A_347, %parallel_loop3A_348 masked %parallel_loop3A_349 {descending = true} : (vector<16xf32>, vector<16xi32>, vector<16xi1>) -> (vector<16xi1>, vector<16xf32>, vector<16xi32>)
      %parallel_loop3A_353 = arith.constant 15 : i32
      %parallel_loop3A_354 = vector.broadcast %parallel_loop3A_353 : i32 to vector<16xi32>
      %parallel_loop3A_355 = tpu.iota {dimensions = array<i32: 0>} : vector<16xi32>
      %parallel_loop3A_356 = arith.subi %parallel_loop3A_354, %parallel_loop3A_355 : vector<16xi32>
      %parallel_loop3A_357 = tpu.dynamic_gather %parallel_loop3A_351[%parallel_loop3A_356] in [0] : vector<16xf32>, vector<16xi32> -> vector<16xf32>
      %parallel_loop3A_358 = arith.constant 15 : i32
      %parallel_loop3A_359 = vector.broadcast %parallel_loop3A_358 : i32 to vector<16xi32>
      %parallel_loop3A_360 = tpu.iota {dimensions = array<i32: 0>} : vector<16xi32>
      %parallel_loop3A_361 = arith.subi %parallel_loop3A_359, %parallel_loop3A_360 : vector<16xi32>
      %parallel_loop3A_362 = tpu.dynamic_gather %parallel_loop3A_352[%parallel_loop3A_361] in [0] : vector<16xi32>, vector<16xi32> -> vector<16xi32>
      %parallel_loop3A_363 = arith.cmpf oge, %parallel_loop3A_334, %parallel_loop3A_357 : vector<16xf32>
      %parallel_loop3A_364 = arith.select %parallel_loop3A_363, %parallel_loop3A_334, %parallel_loop3A_357 : vector<16xi1>, vector<16xf32>
      %parallel_loop3A_365 = arith.select %parallel_loop3A_363, %parallel_loop3A_335, %parallel_loop3A_362 : vector<16xi1>, vector<16xi32>
      %parallel_loop3A_366 = arith.constant dense<true> : vector<16xi1>
      %parallel_loop3A_367, %parallel_loop3A_368, %parallel_loop3A_369 = tpu.sort %parallel_loop3A_364, %parallel_loop3A_365 masked %parallel_loop3A_366 {descending = true} : (vector<16xf32>, vector<16xi32>, vector<16xi1>) -> (vector<16xi1>, vector<16xf32>, vector<16xi32>)
      %parallel_loop3A_370 = arith.constant true
      %parallel_loop3A_371 = vector.broadcast %parallel_loop3A_370 : i1 to vector<16xi1>
      %parallel_loop3A_372 = tpu.scan <max>, %parallel_loop3A_368 masked %parallel_loop3A_371 : vector<16xf32>, vector<16xi1> -> vector<16xf32>
      %parallel_loop3A_373 = vector.extract %parallel_loop3A_372[15] : f32 from vector<16xf32>
      %parallel_loop3A_374 = vector.broadcast %parallel_loop3A_373 : f32 to vector<16xf32>
      %parallel_loop3A_375 = arith.subf %parallel_loop3A_368, %parallel_loop3A_374 : vector<16xf32>
      %parallel_loop3A_376 = math.exp %parallel_loop3A_375 : vector<16xf32>
      %parallel_loop3A_377 = arith.constant 0.000000e+00 : f32
      %parallel_loop3A_378 = vector.broadcast %parallel_loop3A_377 : f32 to vector<16xf32>
      %parallel_loop3A_379 = arith.select %lt3A_51, %parallel_loop3A_376, %parallel_loop3A_378 : vector<16xi1>, vector<16xf32>
      %parallel_loop3A_380 = arith.constant true
      %parallel_loop3A_381 = vector.broadcast %parallel_loop3A_380 : i1 to vector<16xi1>
      %parallel_loop3A_382 = tpu.scan <sum>, %parallel_loop3A_379 masked %parallel_loop3A_381 : vector<16xf32>, vector<16xi1> -> vector<16xf32>
      %parallel_loop3A_383 = vector.extract %parallel_loop3A_382[15] : f32 from vector<16xf32>
      %parallel_loop3A_384 = vector.broadcast %parallel_loop3A_383 : f32 to vector<16xf32>
      %parallel_loop3A_385 = arith.divf %parallel_loop3A_379, %parallel_loop3A_384 : vector<16xf32>
      %parallel_loop3A_386 = arith.constant 0.000000e+00 : f32
      %parallel_loop3A_387 = vector.broadcast %parallel_loop3A_386 : f32 to vector<16xf32>
      %parallel_loop3A_388 = arith.index_cast %parallel_loop3A_278 : i32 to index
      %parallel_loop3A_389 = arith.constant 0 : index
      %parallel_loop3A_390 = tpu.vector_load %arg6[%parallel_loop3A_388, %parallel_loop3A_389] {strides = array<i32>} : memref<256x64xf32, #tpu.memory_space<vmem>>, vector<16xf32>,
      tpu.vector_store %arg6[%parallel_loop3A_388, %parallel_loop3A_389], %parallel_loop3A_387 {strides = array<i32>} : memref<256x64xf32, #tpu.memory_space<vmem>>, vector<16xf32>,
      %parallel_loop3A_391 = arith.constant 0.000000e+00 : f32
      %parallel_loop3A_392 = vector.broadcast %parallel_loop3A_391 : f32 to vector<16xf32>
      %parallel_loop3A_393 = arith.index_cast %parallel_loop3A_278 : i32 to index
      %parallel_loop3A_394 = arith.constant 16 : index
      %parallel_loop3A_395 = tpu.vector_load %arg6[%parallel_loop3A_393, %parallel_loop3A_394] {strides = array<i32>} : memref<256x64xf32, #tpu.memory_space<vmem>>, vector<16xf32>,
      tpu.vector_store %arg6[%parallel_loop3A_393, %parallel_loop3A_394], %parallel_loop3A_392 {strides = array<i32>} : memref<256x64xf32, #tpu.memory_space<vmem>>, vector<16xf32>,
      %parallel_loop3A_396 = arith.constant 0.000000e+00 : f32
      %parallel_loop3A_397 = vector.broadcast %parallel_loop3A_396 : f32 to vector<16xf32>
      %parallel_loop3A_398 = arith.index_cast %parallel_loop3A_278 : i32 to index
      %parallel_loop3A_399 = arith.constant 32 : index
      %parallel_loop3A_400 = tpu.vector_load %arg6[%parallel_loop3A_398, %parallel_loop3A_399] {strides = array<i32>} : memref<256x64xf32, #tpu.memory_space<vmem>>, vector<16xf32>,
      tpu.vector_store %arg6[%parallel_loop3A_398, %parallel_loop3A_399], %parallel_loop3A_397 {strides = array<i32>} : memref<256x64xf32, #tpu.memory_space<vmem>>, vector<16xf32>,
      %parallel_loop3A_401 = arith.constant 0.000000e+00 : f32
      %parallel_loop3A_402 = vector.broadcast %parallel_loop3A_401 : f32 to vector<16xf32>
      %parallel_loop3A_403 = arith.index_cast %parallel_loop3A_278 : i32 to index
      %parallel_loop3A_404 = arith.constant 48 : index
      %parallel_loop3A_405 = tpu.vector_load %arg6[%parallel_loop3A_403, %parallel_loop3A_404] {strides = array<i32>} : memref<256x64xf32, #tpu.memory_space<vmem>>, vector<16xf32>,
      tpu.vector_store %arg6[%parallel_loop3A_403, %parallel_loop3A_404], %parallel_loop3A_402 {strides = array<i32>} : memref<256x64xf32, #tpu.memory_space<vmem>>, vector<16xf32>,
      %parallel_loop3A_406 = vector.broadcast %parallel_loop3A_278 : i32 to vector<16xi32>
      tpu.vector_store_idx %arg6[%parallel_loop3A_406, %parallel_loop3A_369], %parallel_loop3A_385 masked %lt3A_51 : memref<256x64xf32, #tpu.memory_space<vmem>>[vector<16xi32>, vector<16xi32>], vector<16xf32>, vector<16xi1>
      tpu.vector_store_idx %arg7[%parallel_loop3A_406, %iota3A], %parallel_loop3A_369 masked %lt3A_51 : memref<256x8xi32, #tpu.memory_space<vmem>>[vector<16xi32>, vector<16xi32>], vector<16xi32>, vector<16xi1>
    } {sc.loop_unroll_factor = 4 : i64, sc.parallel_access}
    %add3A_137 = arith.constant 128 : i32
    %add3A_138 = arith.addi %mul3A_2, %add3A_137 : i32
    %dma_start3A_139 = arith.constant 128 : i32
    %dma_start3A_140 = arith.constant 0 : i32
    %dma_start3A_141 = tpu.memref_slice %arg6[%dma_start3A_139, %dma_start3A_140] : memref<256x64xf32, #tpu.memory_space<vmem>> -> memref<64x64xf32, #tpu.memory_space<vmem>>
    %dma_start3A_142 = arith.constant 0 : i32
    %dma_start3A_143 = tpu.memref_slice %arg3[%add3A_138, %dma_start3A_142] : memref<8192x64xf32, #tpu.memory_space<hbm>> -> memref<64x64xf32, #tpu.memory_space<hbm>>
    %dma_start3A_144 = arith.constant 0 : i32
    %dma_start3A_145 = tpu.memref_slice %arg3[%add3A_138, %dma_start3A_144] : memref<8192x64xf32, #tpu.memory_space<hbm>> -> memref<64x64xf32, #tpu.memory_space<hbm>>
    %dma_start3A_146 = arith.constant 128 : i32
    %dma_start3A_147 = arith.constant 0 : i32
    %dma_start3A_148 = tpu.memref_slice %arg6[%dma_start3A_146, %dma_start3A_147] : memref<256x64xf32, #tpu.memory_space<vmem>> -> memref<64x64xf32, #tpu.memory_space<vmem>>
    tpu.enqueue_dma source(%dma_start3A_148 : memref<64x64xf32, #tpu.memory_space<vmem>>) target(%dma_start3A_145 : memref<64x64xf32, #tpu.memory_space<hbm>>) target_semaphore(%arg12 : memref<!tpu.dma_semaphore, #tpu.memory_space<semaphore_mem>>)
    %add3A_149 = arith.constant 128 : i32
    %add3A_150 = arith.addi %mul3A_2, %add3A_149 : i32
    %dma_start3A_151 = arith.constant 128 : i32
    %dma_start3A_152 = arith.constant 0 : i32
    %dma_start3A_153 = tpu.memref_slice %arg7[%dma_start3A_151, %dma_start3A_152] : memref<256x8xi32, #tpu.memory_space<vmem>> -> memref<64x8xi32, #tpu.memory_space<vmem>>
    %dma_start3A_154 = arith.constant 0 : i32
    %dma_start3A_155 = tpu.memref_slice %arg4[%add3A_150, %dma_start3A_154] : memref<8192x8xi32, #tpu.memory_space<hbm>> -> memref<64x8xi32, #tpu.memory_space<hbm>>
    %dma_start3A_156 = arith.constant 0 : i32
    %dma_start3A_157 = tpu.memref_slice %arg4[%add3A_150, %dma_start3A_156] : memref<8192x8xi32, #tpu.memory_space<hbm>> -> memref<64x8xi32, #tpu.memory_space<hbm>>
    %dma_start3A_158 = arith.constant 128 : i32
    %dma_start3A_159 = arith.constant 0 : i32
    %dma_start3A_160 = tpu.memref_slice %arg7[%dma_start3A_158, %dma_start3A_159] : memref<256x8xi32, #tpu.memory_space<vmem>> -> memref<64x8xi32, #tpu.memory_space<vmem>>
    tpu.enqueue_dma source(%dma_start3A_160 : memref<64x8xi32, #tpu.memory_space<vmem>>) target(%dma_start3A_157 : memref<64x8xi32, #tpu.memory_space<hbm>>) target_semaphore(%arg12 : memref<!tpu.dma_semaphore, #tpu.memory_space<semaphore_mem>>)
    %dma_wait3A_161 = arith.constant 192 : i32
    %dma_wait3A_162 = arith.constant 0 : i32
    %dma_wait3A_163 = tpu.memref_slice %arg5[%dma_wait3A_161, %dma_wait3A_162] : memref<256x64xf32, #tpu.memory_space<vmem>> -> memref<64x64xf32, #tpu.memory_space<vmem>>
    %dma_wait3A_164 = arith.constant 0 : i32
    %dma_wait3A_165 = tpu.memref_slice %arg2[%add3A_39, %dma_wait3A_164] : memref<8192x64xf32, #tpu.memory_space<hbm>> -> memref<64x64xf32, #tpu.memory_space<hbm>>
    %dma_wait3A_166 = arith.constant 192 : i32
    %dma_wait3A_167 = arith.constant 0 : i32
    %dma_wait3A_168 = tpu.memref_slice %arg5[%dma_wait3A_166, %dma_wait3A_167] : memref<256x64xf32, #tpu.memory_space<vmem>> -> memref<64x64xf32, #tpu.memory_space<vmem>>
    %dma_wait3A_169 = arith.constant 0 : i32
    %dma_wait3A_170 = tpu.memref_slice %arg2[%add3A_39, %dma_wait3A_169] : memref<8192x64xf32, #tpu.memory_space<hbm>> -> memref<64x64xf32, #tpu.memory_space<hbm>>
    tpu.wait_dma2 semaphore(%arg11 : memref<!tpu.dma_semaphore, #tpu.memory_space<semaphore_mem>>) src(%dma_wait3A_170 : memref<64x64xf32, #tpu.memory_space<hbm>>) dst(%dma_wait3A_168 : memref<64x64xf32, #tpu.memory_space<vmem>>)
    %parallel_loop3A_171 = arith.constant 192 : i32
    %parallel_loop3A_172 = arith.constant 256 : i32
    %parallel_loop3A_173 = arith.constant 1 : i32
    scf.for %parallel_loop3A_278 = %parallel_loop3A_171 to %parallel_loop3A_172 step %parallel_loop3A_173  : i32 {
      %parallel_loop3A_279 = arith.index_cast %parallel_loop3A_278 : i32 to index
      %parallel_loop3A_280 = arith.constant 0 : index
      %parallel_loop3A_281 = tpu.vector_load %arg5[%parallel_loop3A_279, %parallel_loop3A_280] {strides = array<i32>} : memref<256x64xf32, #tpu.memory_space<vmem>>, vector<16xf32>,
      %parallel_loop3A_282 = arith.constant 0 : i32
      %parallel_loop3A_283 = vector.broadcast %parallel_loop3A_282 : i32 to vector<16xi32>
      %parallel_loop3A_284 = arith.addi %iota3A, %parallel_loop3A_283 : vector<16xi32>
      %parallel_loop3A_285 = arith.constant dense<true> : vector<16xi1>
      %parallel_loop3A_286, %parallel_loop3A_287, %parallel_loop3A_288 = tpu.sort %parallel_loop3A_281, %parallel_loop3A_284 masked %parallel_loop3A_285 {descending = true} : (vector<16xf32>, vector<16xi32>, vector<16xi1>) -> (vector<16xi1>, vector<16xf32>, vector<16xi32>)
      %parallel_loop3A_289 = arith.index_cast %parallel_loop3A_278 : i32 to index
      %parallel_loop3A_290 = arith.constant 16 : index
      %parallel_loop3A_291 = tpu.vector_load %arg5[%parallel_loop3A_289, %parallel_loop3A_290] {strides = array<i32>} : memref<256x64xf32, #tpu.memory_space<vmem>>, vector<16xf32>,
      %parallel_loop3A_292 = arith.constant 16 : i32
      %parallel_loop3A_293 = vector.broadcast %parallel_loop3A_292 : i32 to vector<16xi32>
      %parallel_loop3A_294 = arith.addi %iota3A, %parallel_loop3A_293 : vector<16xi32>
      %parallel_loop3A_295 = arith.constant dense<true> : vector<16xi1>
      %parallel_loop3A_296, %parallel_loop3A_297, %parallel_loop3A_298 = tpu.sort %parallel_loop3A_291, %parallel_loop3A_294 masked %parallel_loop3A_295 {descending = true} : (vector<16xf32>, vector<16xi32>, vector<16xi1>) -> (vector<16xi1>, vector<16xf32>, vector<16xi32>)
      %parallel_loop3A_299 = arith.index_cast %parallel_loop3A_278 : i32 to index
      %parallel_loop3A_300 = arith.constant 32 : index
      %parallel_loop3A_301 = tpu.vector_load %arg5[%parallel_loop3A_299, %parallel_loop3A_300] {strides = array<i32>} : memref<256x64xf32, #tpu.memory_space<vmem>>, vector<16xf32>,
      %parallel_loop3A_302 = arith.constant 32 : i32
      %parallel_loop3A_303 = vector.broadcast %parallel_loop3A_302 : i32 to vector<16xi32>
      %parallel_loop3A_304 = arith.addi %iota3A, %parallel_loop3A_303 : vector<16xi32>
      %parallel_loop3A_305 = arith.constant dense<true> : vector<16xi1>
      %parallel_loop3A_306, %parallel_loop3A_307, %parallel_loop3A_308 = tpu.sort %parallel_loop3A_301, %parallel_loop3A_304 masked %parallel_loop3A_305 {descending = true} : (vector<16xf32>, vector<16xi32>, vector<16xi1>) -> (vector<16xi1>, vector<16xf32>, vector<16xi32>)
      %parallel_loop3A_309 = arith.index_cast %parallel_loop3A_278 : i32 to index
      %parallel_loop3A_310 = arith.constant 48 : index
      %parallel_loop3A_311 = tpu.vector_load %arg5[%parallel_loop3A_309, %parallel_loop3A_310] {strides = array<i32>} : memref<256x64xf32, #tpu.memory_space<vmem>>, vector<16xf32>,
      %parallel_loop3A_312 = arith.constant 48 : i32
      %parallel_loop3A_313 = vector.broadcast %parallel_loop3A_312 : i32 to vector<16xi32>
      %parallel_loop3A_314 = arith.addi %iota3A, %parallel_loop3A_313 : vector<16xi32>
      %parallel_loop3A_315 = arith.constant dense<true> : vector<16xi1>
      %parallel_loop3A_316, %parallel_loop3A_317, %parallel_loop3A_318 = tpu.sort %parallel_loop3A_311, %parallel_loop3A_314 masked %parallel_loop3A_315 {descending = true} : (vector<16xf32>, vector<16xi32>, vector<16xi1>) -> (vector<16xi1>, vector<16xf32>, vector<16xi32>)
      %parallel_loop3A_319 = arith.constant 15 : i32
      %parallel_loop3A_320 = vector.broadcast %parallel_loop3A_319 : i32 to vector<16xi32>
      %parallel_loop3A_321 = tpu.iota {dimensions = array<i32: 0>} : vector<16xi32>
      %parallel_loop3A_322 = arith.subi %parallel_loop3A_320, %parallel_loop3A_321 : vector<16xi32>
      %parallel_loop3A_323 = tpu.dynamic_gather %parallel_loop3A_297[%parallel_loop3A_322] in [0] : vector<16xf32>, vector<16xi32> -> vector<16xf32>
      %parallel_loop3A_324 = arith.constant 15 : i32
      %parallel_loop3A_325 = vector.broadcast %parallel_loop3A_324 : i32 to vector<16xi32>
      %parallel_loop3A_326 = tpu.iota {dimensions = array<i32: 0>} : vector<16xi32>
      %parallel_loop3A_327 = arith.subi %parallel_loop3A_325, %parallel_loop3A_326 : vector<16xi32>
      %parallel_loop3A_328 = tpu.dynamic_gather %parallel_loop3A_298[%parallel_loop3A_327] in [0] : vector<16xi32>, vector<16xi32> -> vector<16xi32>
      %parallel_loop3A_329 = arith.cmpf oge, %parallel_loop3A_287, %parallel_loop3A_323 : vector<16xf32>
      %parallel_loop3A_330 = arith.select %parallel_loop3A_329, %parallel_loop3A_287, %parallel_loop3A_323 : vector<16xi1>, vector<16xf32>
      %parallel_loop3A_331 = arith.select %parallel_loop3A_329, %parallel_loop3A_288, %parallel_loop3A_328 : vector<16xi1>, vector<16xi32>
      %parallel_loop3A_332 = arith.constant dense<true> : vector<16xi1>
      %parallel_loop3A_333, %parallel_loop3A_334, %parallel_loop3A_335 = tpu.sort %parallel_loop3A_330, %parallel_loop3A_331 masked %parallel_loop3A_332 {descending = true} : (vector<16xf32>, vector<16xi32>, vector<16xi1>) -> (vector<16xi1>, vector<16xf32>, vector<16xi32>)
      %parallel_loop3A_336 = arith.constant 15 : i32
      %parallel_loop3A_337 = vector.broadcast %parallel_loop3A_336 : i32 to vector<16xi32>
      %parallel_loop3A_338 = tpu.iota {dimensions = array<i32: 0>} : vector<16xi32>
      %parallel_loop3A_339 = arith.subi %parallel_loop3A_337, %parallel_loop3A_338 : vector<16xi32>
      %parallel_loop3A_340 = tpu.dynamic_gather %parallel_loop3A_317[%parallel_loop3A_339] in [0] : vector<16xf32>, vector<16xi32> -> vector<16xf32>
      %parallel_loop3A_341 = arith.constant 15 : i32
      %parallel_loop3A_342 = vector.broadcast %parallel_loop3A_341 : i32 to vector<16xi32>
      %parallel_loop3A_343 = tpu.iota {dimensions = array<i32: 0>} : vector<16xi32>
      %parallel_loop3A_344 = arith.subi %parallel_loop3A_342, %parallel_loop3A_343 : vector<16xi32>
      %parallel_loop3A_345 = tpu.dynamic_gather %parallel_loop3A_318[%parallel_loop3A_344] in [0] : vector<16xi32>, vector<16xi32> -> vector<16xi32>
      %parallel_loop3A_346 = arith.cmpf oge, %parallel_loop3A_307, %parallel_loop3A_340 : vector<16xf32>
      %parallel_loop3A_347 = arith.select %parallel_loop3A_346, %parallel_loop3A_307, %parallel_loop3A_340 : vector<16xi1>, vector<16xf32>
      %parallel_loop3A_348 = arith.select %parallel_loop3A_346, %parallel_loop3A_308, %parallel_loop3A_345 : vector<16xi1>, vector<16xi32>
      %parallel_loop3A_349 = arith.constant dense<true> : vector<16xi1>
      %parallel_loop3A_350, %parallel_loop3A_351, %parallel_loop3A_352 = tpu.sort %parallel_loop3A_347, %parallel_loop3A_348 masked %parallel_loop3A_349 {descending = true} : (vector<16xf32>, vector<16xi32>, vector<16xi1>) -> (vector<16xi1>, vector<16xf32>, vector<16xi32>)
      %parallel_loop3A_353 = arith.constant 15 : i32
      %parallel_loop3A_354 = vector.broadcast %parallel_loop3A_353 : i32 to vector<16xi32>
      %parallel_loop3A_355 = tpu.iota {dimensions = array<i32: 0>} : vector<16xi32>
      %parallel_loop3A_356 = arith.subi %parallel_loop3A_354, %parallel_loop3A_355 : vector<16xi32>
      %parallel_loop3A_357 = tpu.dynamic_gather %parallel_loop3A_351[%parallel_loop3A_356] in [0] : vector<16xf32>, vector<16xi32> -> vector<16xf32>
      %parallel_loop3A_358 = arith.constant 15 : i32
      %parallel_loop3A_359 = vector.broadcast %parallel_loop3A_358 : i32 to vector<16xi32>
      %parallel_loop3A_360 = tpu.iota {dimensions = array<i32: 0>} : vector<16xi32>
      %parallel_loop3A_361 = arith.subi %parallel_loop3A_359, %parallel_loop3A_360 : vector<16xi32>
      %parallel_loop3A_362 = tpu.dynamic_gather %parallel_loop3A_352[%parallel_loop3A_361] in [0] : vector<16xi32>, vector<16xi32> -> vector<16xi32>
      %parallel_loop3A_363 = arith.cmpf oge, %parallel_loop3A_334, %parallel_loop3A_357 : vector<16xf32>
      %parallel_loop3A_364 = arith.select %parallel_loop3A_363, %parallel_loop3A_334, %parallel_loop3A_357 : vector<16xi1>, vector<16xf32>
      %parallel_loop3A_365 = arith.select %parallel_loop3A_363, %parallel_loop3A_335, %parallel_loop3A_362 : vector<16xi1>, vector<16xi32>
      %parallel_loop3A_366 = arith.constant dense<true> : vector<16xi1>
      %parallel_loop3A_367, %parallel_loop3A_368, %parallel_loop3A_369 = tpu.sort %parallel_loop3A_364, %parallel_loop3A_365 masked %parallel_loop3A_366 {descending = true} : (vector<16xf32>, vector<16xi32>, vector<16xi1>) -> (vector<16xi1>, vector<16xf32>, vector<16xi32>)
      %parallel_loop3A_370 = arith.constant true
      %parallel_loop3A_371 = vector.broadcast %parallel_loop3A_370 : i1 to vector<16xi1>
      %parallel_loop3A_372 = tpu.scan <max>, %parallel_loop3A_368 masked %parallel_loop3A_371 : vector<16xf32>, vector<16xi1> -> vector<16xf32>
      %parallel_loop3A_373 = vector.extract %parallel_loop3A_372[15] : f32 from vector<16xf32>
      %parallel_loop3A_374 = vector.broadcast %parallel_loop3A_373 : f32 to vector<16xf32>
      %parallel_loop3A_375 = arith.subf %parallel_loop3A_368, %parallel_loop3A_374 : vector<16xf32>
      %parallel_loop3A_376 = math.exp %parallel_loop3A_375 : vector<16xf32>
      %parallel_loop3A_377 = arith.constant 0.000000e+00 : f32
      %parallel_loop3A_378 = vector.broadcast %parallel_loop3A_377 : f32 to vector<16xf32>
      %parallel_loop3A_379 = arith.select %lt3A_51, %parallel_loop3A_376, %parallel_loop3A_378 : vector<16xi1>, vector<16xf32>
      %parallel_loop3A_380 = arith.constant true
      %parallel_loop3A_381 = vector.broadcast %parallel_loop3A_380 : i1 to vector<16xi1>
      %parallel_loop3A_382 = tpu.scan <sum>, %parallel_loop3A_379 masked %parallel_loop3A_381 : vector<16xf32>, vector<16xi1> -> vector<16xf32>
      %parallel_loop3A_383 = vector.extract %parallel_loop3A_382[15] : f32 from vector<16xf32>
      %parallel_loop3A_384 = vector.broadcast %parallel_loop3A_383 : f32 to vector<16xf32>
      %parallel_loop3A_385 = arith.divf %parallel_loop3A_379, %parallel_loop3A_384 : vector<16xf32>
      %parallel_loop3A_386 = arith.constant 0.000000e+00 : f32
      %parallel_loop3A_387 = vector.broadcast %parallel_loop3A_386 : f32 to vector<16xf32>
      %parallel_loop3A_388 = arith.index_cast %parallel_loop3A_278 : i32 to index
      %parallel_loop3A_389 = arith.constant 0 : index
      %parallel_loop3A_390 = tpu.vector_load %arg6[%parallel_loop3A_388, %parallel_loop3A_389] {strides = array<i32>} : memref<256x64xf32, #tpu.memory_space<vmem>>, vector<16xf32>,
      tpu.vector_store %arg6[%parallel_loop3A_388, %parallel_loop3A_389], %parallel_loop3A_387 {strides = array<i32>} : memref<256x64xf32, #tpu.memory_space<vmem>>, vector<16xf32>,
      %parallel_loop3A_391 = arith.constant 0.000000e+00 : f32
      %parallel_loop3A_392 = vector.broadcast %parallel_loop3A_391 : f32 to vector<16xf32>
      %parallel_loop3A_393 = arith.index_cast %parallel_loop3A_278 : i32 to index
      %parallel_loop3A_394 = arith.constant 16 : index
      %parallel_loop3A_395 = tpu.vector_load %arg6[%parallel_loop3A_393, %parallel_loop3A_394] {strides = array<i32>} : memref<256x64xf32, #tpu.memory_space<vmem>>, vector<16xf32>,
      tpu.vector_store %arg6[%parallel_loop3A_393, %parallel_loop3A_394], %parallel_loop3A_392 {strides = array<i32>} : memref<256x64xf32, #tpu.memory_space<vmem>>, vector<16xf32>,
      %parallel_loop3A_396 = arith.constant 0.000000e+00 : f32
      %parallel_loop3A_397 = vector.broadcast %parallel_loop3A_396 : f32 to vector<16xf32>
      %parallel_loop3A_398 = arith.index_cast %parallel_loop3A_278 : i32 to index
      %parallel_loop3A_399 = arith.constant 32 : index
      %parallel_loop3A_400 = tpu.vector_load %arg6[%parallel_loop3A_398, %parallel_loop3A_399] {strides = array<i32>} : memref<256x64xf32, #tpu.memory_space<vmem>>, vector<16xf32>,
      tpu.vector_store %arg6[%parallel_loop3A_398, %parallel_loop3A_399], %parallel_loop3A_397 {strides = array<i32>} : memref<256x64xf32, #tpu.memory_space<vmem>>, vector<16xf32>,
      %parallel_loop3A_401 = arith.constant 0.000000e+00 : f32
      %parallel_loop3A_402 = vector.broadcast %parallel_loop3A_401 : f32 to vector<16xf32>
      %parallel_loop3A_403 = arith.index_cast %parallel_loop3A_278 : i32 to index
      %parallel_loop3A_404 = arith.constant 48 : index
      %parallel_loop3A_405 = tpu.vector_load %arg6[%parallel_loop3A_403, %parallel_loop3A_404] {strides = array<i32>} : memref<256x64xf32, #tpu.memory_space<vmem>>, vector<16xf32>,
      tpu.vector_store %arg6[%parallel_loop3A_403, %parallel_loop3A_404], %parallel_loop3A_402 {strides = array<i32>} : memref<256x64xf32, #tpu.memory_space<vmem>>, vector<16xf32>,
      %parallel_loop3A_406 = vector.broadcast %parallel_loop3A_278 : i32 to vector<16xi32>
      tpu.vector_store_idx %arg6[%parallel_loop3A_406, %parallel_loop3A_369], %parallel_loop3A_385 masked %lt3A_51 : memref<256x64xf32, #tpu.memory_space<vmem>>[vector<16xi32>, vector<16xi32>], vector<16xf32>, vector<16xi1>
      tpu.vector_store_idx %arg7[%parallel_loop3A_406, %iota3A], %parallel_loop3A_369 masked %lt3A_51 : memref<256x8xi32, #tpu.memory_space<vmem>>[vector<16xi32>, vector<16xi32>], vector<16xi32>, vector<16xi1>
    } {sc.loop_unroll_factor = 4 : i64, sc.parallel_access}
    %add3A_174 = arith.constant 192 : i32
    %add3A_175 = arith.addi %mul3A_2, %add3A_174 : i32
    %dma_start3A_176 = arith.constant 192 : i32
    %dma_start3A_177 = arith.constant 0 : i32
    %dma_start3A_178 = tpu.memref_slice %arg6[%dma_start3A_176, %dma_start3A_177] : memref<256x64xf32, #tpu.memory_space<vmem>> -> memref<64x64xf32, #tpu.memory_space<vmem>>
    %dma_start3A_179 = arith.constant 0 : i32
    %dma_start3A_180 = tpu.memref_slice %arg3[%add3A_175, %dma_start3A_179] : memref<8192x64xf32, #tpu.memory_space<hbm>> -> memref<64x64xf32, #tpu.memory_space<hbm>>
    %dma_start3A_181 = arith.constant 0 : i32
    %dma_start3A_182 = tpu.memref_slice %arg3[%add3A_175, %dma_start3A_181] : memref<8192x64xf32, #tpu.memory_space<hbm>> -> memref<64x64xf32, #tpu.memory_space<hbm>>
    %dma_start3A_183 = arith.constant 192 : i32
    %dma_start3A_184 = arith.constant 0 : i32
    %dma_start3A_185 = tpu.memref_slice %arg6[%dma_start3A_183, %dma_start3A_184] : memref<256x64xf32, #tpu.memory_space<vmem>> -> memref<64x64xf32, #tpu.memory_space<vmem>>
    tpu.enqueue_dma source(%dma_start3A_185 : memref<64x64xf32, #tpu.memory_space<vmem>>) target(%dma_start3A_182 : memref<64x64xf32, #tpu.memory_space<hbm>>) target_semaphore(%arg12 : memref<!tpu.dma_semaphore, #tpu.memory_space<semaphore_mem>>)
    %add3A_186 = arith.constant 192 : i32
    %add3A_187 = arith.addi %mul3A_2, %add3A_186 : i32
    %dma_start3A_188 = arith.constant 192 : i32
    %dma_start3A_189 = arith.constant 0 : i32
    %dma_start3A_190 = tpu.memref_slice %arg7[%dma_start3A_188, %dma_start3A_189] : memref<256x8xi32, #tpu.memory_space<vmem>> -> memref<64x8xi32, #tpu.memory_space<vmem>>
    %dma_start3A_191 = arith.constant 0 : i32
    %dma_start3A_192 = tpu.memref_slice %arg4[%add3A_187, %dma_start3A_191] : memref<8192x8xi32, #tpu.memory_space<hbm>> -> memref<64x8xi32, #tpu.memory_space<hbm>>
    %dma_start3A_193 = arith.constant 0 : i32
    %dma_start3A_194 = tpu.memref_slice %arg4[%add3A_187, %dma_start3A_193] : memref<8192x8xi32, #tpu.memory_space<hbm>> -> memref<64x8xi32, #tpu.memory_space<hbm>>
    %dma_start3A_195 = arith.constant 192 : i32
    %dma_start3A_196 = arith.constant 0 : i32
    %dma_start3A_197 = tpu.memref_slice %arg7[%dma_start3A_195, %dma_start3A_196] : memref<256x8xi32, #tpu.memory_space<vmem>> -> memref<64x8xi32, #tpu.memory_space<vmem>>
    tpu.enqueue_dma source(%dma_start3A_197 : memref<64x8xi32, #tpu.memory_space<vmem>>) target(%dma_start3A_194 : memref<64x8xi32, #tpu.memory_space<hbm>>) target_semaphore(%arg12 : memref<!tpu.dma_semaphore, #tpu.memory_space<semaphore_mem>>)
    %dma_wait3A_198 = arith.constant 0 : i32
    %dma_wait3A_199 = arith.constant 0 : i32
    %dma_wait3A_200 = tpu.memref_slice %arg6[%dma_wait3A_198, %dma_wait3A_199] : memref<256x64xf32, #tpu.memory_space<vmem>> -> memref<64x64xf32, #tpu.memory_space<vmem>>
    %dma_wait3A_201 = arith.constant 0 : i32
    %dma_wait3A_202 = tpu.memref_slice %arg3[%add3A_64, %dma_wait3A_201] : memref<8192x64xf32, #tpu.memory_space<hbm>> -> memref<64x64xf32, #tpu.memory_space<hbm>>
    %dma_wait3A_203 = arith.constant 0 : i32
    %dma_wait3A_204 = tpu.memref_slice %arg3[%add3A_64, %dma_wait3A_203] : memref<8192x64xf32, #tpu.memory_space<hbm>> -> memref<64x64xf32, #tpu.memory_space<hbm>>
    %dma_wait3A_205 = arith.constant 0 : i32
    %dma_wait3A_206 = arith.constant 0 : i32
    %dma_wait3A_207 = tpu.memref_slice %arg6[%dma_wait3A_205, %dma_wait3A_206] : memref<256x64xf32, #tpu.memory_space<vmem>> -> memref<64x64xf32, #tpu.memory_space<vmem>>
    tpu.wait_dma2 semaphore(%arg12 : memref<!tpu.dma_semaphore, #tpu.memory_space<semaphore_mem>>) src(%dma_wait3A_207 : memref<64x64xf32, #tpu.memory_space<vmem>>) dst(%dma_wait3A_204 : memref<64x64xf32, #tpu.memory_space<hbm>>)
    %dma_wait3A_208 = arith.constant 0 : i32
    %dma_wait3A_209 = arith.constant 0 : i32
    %dma_wait3A_210 = tpu.memref_slice %arg7[%dma_wait3A_208, %dma_wait3A_209] : memref<256x8xi32, #tpu.memory_space<vmem>> -> memref<64x8xi32, #tpu.memory_space<vmem>>
    %dma_wait3A_211 = arith.constant 0 : i32
    %dma_wait3A_212 = tpu.memref_slice %arg4[%add3A_76, %dma_wait3A_211] : memref<8192x8xi32, #tpu.memory_space<hbm>> -> memref<64x8xi32, #tpu.memory_space<hbm>>
    %dma_wait3A_213 = arith.constant 0 : i32
    %dma_wait3A_214 = tpu.memref_slice %arg4[%add3A_76, %dma_wait3A_213] : memref<8192x8xi32, #tpu.memory_space<hbm>> -> memref<64x8xi32, #tpu.memory_space<hbm>>
    %dma_wait3A_215 = arith.constant 0 : i32
    %dma_wait3A_216 = arith.constant 0 : i32
    %dma_wait3A_217 = tpu.memref_slice %arg7[%dma_wait3A_215, %dma_wait3A_216] : memref<256x8xi32, #tpu.memory_space<vmem>> -> memref<64x8xi32, #tpu.memory_space<vmem>>
    tpu.wait_dma2 semaphore(%arg12 : memref<!tpu.dma_semaphore, #tpu.memory_space<semaphore_mem>>) src(%dma_wait3A_217 : memref<64x8xi32, #tpu.memory_space<vmem>>) dst(%dma_wait3A_214 : memref<64x8xi32, #tpu.memory_space<hbm>>)
    %dma_wait3A_218 = arith.constant 64 : i32
    %dma_wait3A_219 = arith.constant 0 : i32
    %dma_wait3A_220 = tpu.memref_slice %arg6[%dma_wait3A_218, %dma_wait3A_219] : memref<256x64xf32, #tpu.memory_space<vmem>> -> memref<64x64xf32, #tpu.memory_space<vmem>>
    %dma_wait3A_221 = arith.constant 0 : i32
    %dma_wait3A_222 = tpu.memref_slice %arg3[%add3A_101, %dma_wait3A_221] : memref<8192x64xf32, #tpu.memory_space<hbm>> -> memref<64x64xf32, #tpu.memory_space<hbm>>
    %dma_wait3A_223 = arith.constant 0 : i32
    %dma_wait3A_224 = tpu.memref_slice %arg3[%add3A_101, %dma_wait3A_223] : memref<8192x64xf32, #tpu.memory_space<hbm>> -> memref<64x64xf32, #tpu.memory_space<hbm>>
    %dma_wait3A_225 = arith.constant 64 : i32
    %dma_wait3A_226 = arith.constant 0 : i32
    %dma_wait3A_227 = tpu.memref_slice %arg6[%dma_wait3A_225, %dma_wait3A_226] : memref<256x64xf32, #tpu.memory_space<vmem>> -> memref<64x64xf32, #tpu.memory_space<vmem>>
    tpu.wait_dma2 semaphore(%arg12 : memref<!tpu.dma_semaphore, #tpu.memory_space<semaphore_mem>>) src(%dma_wait3A_227 : memref<64x64xf32, #tpu.memory_space<vmem>>) dst(%dma_wait3A_224 : memref<64x64xf32, #tpu.memory_space<hbm>>)
    %dma_wait3A_228 = arith.constant 64 : i32
    %dma_wait3A_229 = arith.constant 0 : i32
    %dma_wait3A_230 = tpu.memref_slice %arg7[%dma_wait3A_228, %dma_wait3A_229] : memref<256x8xi32, #tpu.memory_space<vmem>> -> memref<64x8xi32, #tpu.memory_space<vmem>>
    %dma_wait3A_231 = arith.constant 0 : i32
    %dma_wait3A_232 = tpu.memref_slice %arg4[%add3A_113, %dma_wait3A_231] : memref<8192x8xi32, #tpu.memory_space<hbm>> -> memref<64x8xi32, #tpu.memory_space<hbm>>
    %dma_wait3A_233 = arith.constant 0 : i32
    %dma_wait3A_234 = tpu.memref_slice %arg4[%add3A_113, %dma_wait3A_233] : memref<8192x8xi32, #tpu.memory_space<hbm>> -> memref<64x8xi32, #tpu.memory_space<hbm>>
    %dma_wait3A_235 = arith.constant 64 : i32
    %dma_wait3A_236 = arith.constant 0 : i32
    %dma_wait3A_237 = tpu.memref_slice %arg7[%dma_wait3A_235, %dma_wait3A_236] : memref<256x8xi32, #tpu.memory_space<vmem>> -> memref<64x8xi32, #tpu.memory_space<vmem>>
    tpu.wait_dma2 semaphore(%arg12 : memref<!tpu.dma_semaphore, #tpu.memory_space<semaphore_mem>>) src(%dma_wait3A_237 : memref<64x8xi32, #tpu.memory_space<vmem>>) dst(%dma_wait3A_234 : memref<64x8xi32, #tpu.memory_space<hbm>>)
    %dma_wait3A_238 = arith.constant 128 : i32
    %dma_wait3A_239 = arith.constant 0 : i32
    %dma_wait3A_240 = tpu.memref_slice %arg6[%dma_wait3A_238, %dma_wait3A_239] : memref<256x64xf32, #tpu.memory_space<vmem>> -> memref<64x64xf32, #tpu.memory_space<vmem>>
    %dma_wait3A_241 = arith.constant 0 : i32
    %dma_wait3A_242 = tpu.memref_slice %arg3[%add3A_138, %dma_wait3A_241] : memref<8192x64xf32, #tpu.memory_space<hbm>> -> memref<64x64xf32, #tpu.memory_space<hbm>>
    %dma_wait3A_243 = arith.constant 0 : i32
    %dma_wait3A_244 = tpu.memref_slice %arg3[%add3A_138, %dma_wait3A_243] : memref<8192x64xf32, #tpu.memory_space<hbm>> -> memref<64x64xf32, #tpu.memory_space<hbm>>
    %dma_wait3A_245 = arith.constant 128 : i32
    %dma_wait3A_246 = arith.constant 0 : i32
    %dma_wait3A_247 = tpu.memref_slice %arg6[%dma_wait3A_245, %dma_wait3A_246] : memref<256x64xf32, #tpu.memory_space<vmem>> -> memref<64x64xf32, #tpu.memory_space<vmem>>
    tpu.wait_dma2 semaphore(%arg12 : memref<!tpu.dma_semaphore, #tpu.memory_space<semaphore_mem>>) src(%dma_wait3A_247 : memref<64x64xf32, #tpu.memory_space<vmem>>) dst(%dma_wait3A_244 : memref<64x64xf32, #tpu.memory_space<hbm>>)
    %dma_wait3A_248 = arith.constant 128 : i32
    %dma_wait3A_249 = arith.constant 0 : i32
    %dma_wait3A_250 = tpu.memref_slice %arg7[%dma_wait3A_248, %dma_wait3A_249] : memref<256x8xi32, #tpu.memory_space<vmem>> -> memref<64x8xi32, #tpu.memory_space<vmem>>
    %dma_wait3A_251 = arith.constant 0 : i32
    %dma_wait3A_252 = tpu.memref_slice %arg4[%add3A_150, %dma_wait3A_251] : memref<8192x8xi32, #tpu.memory_space<hbm>> -> memref<64x8xi32, #tpu.memory_space<hbm>>
    %dma_wait3A_253 = arith.constant 0 : i32
    %dma_wait3A_254 = tpu.memref_slice %arg4[%add3A_150, %dma_wait3A_253] : memref<8192x8xi32, #tpu.memory_space<hbm>> -> memref<64x8xi32, #tpu.memory_space<hbm>>
    %dma_wait3A_255 = arith.constant 128 : i32
    %dma_wait3A_256 = arith.constant 0 : i32
    %dma_wait3A_257 = tpu.memref_slice %arg7[%dma_wait3A_255, %dma_wait3A_256] : memref<256x8xi32, #tpu.memory_space<vmem>> -> memref<64x8xi32, #tpu.memory_space<vmem>>
    tpu.wait_dma2 semaphore(%arg12 : memref<!tpu.dma_semaphore, #tpu.memory_space<semaphore_mem>>) src(%dma_wait3A_257 : memref<64x8xi32, #tpu.memory_space<vmem>>) dst(%dma_wait3A_254 : memref<64x8xi32, #tpu.memory_space<hbm>>)
    %dma_wait3A_258 = arith.constant 192 : i32
    %dma_wait3A_259 = arith.constant 0 : i32
    %dma_wait3A_260 = tpu.memref_slice %arg6[%dma_wait3A_258, %dma_wait3A_259] : memref<256x64xf32, #tpu.memory_space<vmem>> -> memref<64x64xf32, #tpu.memory_space<vmem>>
    %dma_wait3A_261 = arith.constant 0 : i32
    %dma_wait3A_262 = tpu.memref_slice %arg3[%add3A_175, %dma_wait3A_261] : memref<8192x64xf32, #tpu.memory_space<hbm>> -> memref<64x64xf32, #tpu.memory_space<hbm>>
    %dma_wait3A_263 = arith.constant 0 : i32
    %dma_wait3A_264 = tpu.memref_slice %arg3[%add3A_175, %dma_wait3A_263] : memref<8192x64xf32, #tpu.memory_space<hbm>> -> memref<64x64xf32, #tpu.memory_space<hbm>>
    %dma_wait3A_265 = arith.constant 192 : i32
    %dma_wait3A_266 = arith.constant 0 : i32
    %dma_wait3A_267 = tpu.memref_slice %arg6[%dma_wait3A_265, %dma_wait3A_266] : memref<256x64xf32, #tpu.memory_space<vmem>> -> memref<64x64xf32, #tpu.memory_space<vmem>>
    tpu.wait_dma2 semaphore(%arg12 : memref<!tpu.dma_semaphore, #tpu.memory_space<semaphore_mem>>) src(%dma_wait3A_267 : memref<64x64xf32, #tpu.memory_space<vmem>>) dst(%dma_wait3A_264 : memref<64x64xf32, #tpu.memory_space<hbm>>)
    %dma_wait3A_268 = arith.constant 192 : i32
    %dma_wait3A_269 = arith.constant 0 : i32
    %dma_wait3A_270 = tpu.memref_slice %arg7[%dma_wait3A_268, %dma_wait3A_269] : memref<256x8xi32, #tpu.memory_space<vmem>> -> memref<64x8xi32, #tpu.memory_space<vmem>>
    %dma_wait3A_271 = arith.constant 0 : i32
    %dma_wait3A_272 = tpu.memref_slice %arg4[%add3A_187, %dma_wait3A_271] : memref<8192x8xi32, #tpu.memory_space<hbm>> -> memref<64x8xi32, #tpu.memory_space<hbm>>
    %dma_wait3A_273 = arith.constant 0 : i32
    %dma_wait3A_274 = tpu.memref_slice %arg4[%add3A_187, %dma_wait3A_273] : memref<8192x8xi32, #tpu.memory_space<hbm>> -> memref<64x8xi32, #tpu.memory_space<hbm>>
    %dma_wait3A_275 = arith.constant 192 : i32
    %dma_wait3A_276 = arith.constant 0 : i32
    %dma_wait3A_277 = tpu.memref_slice %arg7[%dma_wait3A_275, %dma_wait3A_276] : memref<256x8xi32, #tpu.memory_space<vmem>> -> memref<64x8xi32, #tpu.memory_space<vmem>>
    tpu.wait_dma2 semaphore(%arg12 : memref<!tpu.dma_semaphore, #tpu.memory_space<semaphore_mem>>) src(%dma_wait3A_277 : memref<64x8xi32, #tpu.memory_space<vmem>>) dst(%dma_wait3A_274 : memref<64x8xi32, #tpu.memory_space<hbm>>)
    return
  }
}

module attributes {stable_mosaic.version = 14 : i64} {
  func.func @_matmul_body(%arg0: i32, %arg1: memref<1024x2048xf32, #tpu.memory_space<vmem>>, %arg2: memref<64x2048xf32, #tpu.memory_space<vmem>>, %arg3: memref<1x64xf32, #tpu.memory_space<vmem>>, %arg4: memref<1024x64xf32, #tpu.memory_space<vmem>>) attributes {dimension_semantics = [#tpu.dimension_semantics<arbitrary>], iteration_bounds = array<i64: 8>, scalar_prefetch = 0 : i64, scratch_operands = 0 : i64, tpu.core_type = #tpu.core_type<tc>, window_params = [{transform_indices = @transform_0, window_bounds = array<i64: 1024, 2048>}, {pipeline_mode = #tpu.pipeline_mode<synchronous>, transform_indices = @transform_1, window_bounds = array<i64: 64, 2048>}, {pipeline_mode = #tpu.pipeline_mode<synchronous>, transform_indices = @transform_2, window_bounds = array<i64: 1, 64>}, {transform_indices = @transform_3, window_bounds = array<i64: 1024, 64>}]} {
    %get3A = arith.constant 0 : index
    %get3A_0 = arith.constant 0 : index
    %get3A_1 = vector.load %arg1[%get3A, %get3A_0] : memref<1024x2048xf32, #tpu.memory_space<vmem>>, vector<1024x2048xf32>
    %get3A_2 = arith.constant 0 : index
    %get3A_3 = arith.constant 0 : index
    %get3A_4 = vector.load %arg2[%get3A_2, %get3A_3] : memref<64x2048xf32, #tpu.memory_space<vmem>>, vector<64x2048xf32>
    %slice3A = vector.extract_strided_slice %get3A_1 {offsets = [0, 0], sizes = [1024, 512], strides = [1, 1]} : vector<1024x2048xf32> to vector<1024x512xf32>
    %slice3A_5 = vector.extract_strided_slice %get3A_4 {offsets = [0, 0], sizes = [64, 512], strides = [1, 1]} : vector<64x2048xf32> to vector<64x512xf32>
    %dot_general3A = arith.constant dense<0.000000e+00> : vector<1024x64xf32>
    %dot_general3A_6 = tpu.matmul %slice3A, %slice3A_5, %dot_general3A {dimension_numbers = #tpu.dot_dimension_numbers<[1], [1], [0], [0], [0, 0, 1, 0], [], []>, transpose_lhs_hint = false} : vector<1024x512xf32>, vector<64x512xf32>, vector<1024x64xf32> -> vector<1024x64xf32>
    %slice3A_7 = vector.extract_strided_slice %get3A_1 {offsets = [0, 512], sizes = [1024, 512], strides = [1, 1]} : vector<1024x2048xf32> to vector<1024x512xf32>
    %slice3A_8 = vector.extract_strided_slice %get3A_4 {offsets = [0, 512], sizes = [64, 512], strides = [1, 1]} : vector<64x2048xf32> to vector<64x512xf32>
    %dot_general3A_9 = arith.constant dense<0.000000e+00> : vector<1024x64xf32>
    %dot_general3A_10 = tpu.matmul %slice3A_7, %slice3A_8, %dot_general3A_9 {dimension_numbers = #tpu.dot_dimension_numbers<[1], [1], [0], [0], [0, 0, 1, 0], [], []>, transpose_lhs_hint = false} : vector<1024x512xf32>, vector<64x512xf32>, vector<1024x64xf32> -> vector<1024x64xf32>
    %add3A = arith.addf %dot_general3A_6, %dot_general3A_10 : vector<1024x64xf32>
    %slice3A_11 = vector.extract_strided_slice %get3A_1 {offsets = [0, 1024], sizes = [1024, 512], strides = [1, 1]} : vector<1024x2048xf32> to vector<1024x512xf32>
    %slice3A_12 = vector.extract_strided_slice %get3A_4 {offsets = [0, 1024], sizes = [64, 512], strides = [1, 1]} : vector<64x2048xf32> to vector<64x512xf32>
    %dot_general3A_13 = arith.constant dense<0.000000e+00> : vector<1024x64xf32>
    %dot_general3A_14 = tpu.matmul %slice3A_11, %slice3A_12, %dot_general3A_13 {dimension_numbers = #tpu.dot_dimension_numbers<[1], [1], [0], [0], [0, 0, 1, 0], [], []>, transpose_lhs_hint = false} : vector<1024x512xf32>, vector<64x512xf32>, vector<1024x64xf32> -> vector<1024x64xf32>
    %add3A_15 = arith.addf %add3A, %dot_general3A_14 : vector<1024x64xf32>
    %slice3A_16 = vector.extract_strided_slice %get3A_1 {offsets = [0, 1536], sizes = [1024, 512], strides = [1, 1]} : vector<1024x2048xf32> to vector<1024x512xf32>
    %slice3A_17 = vector.extract_strided_slice %get3A_4 {offsets = [0, 1536], sizes = [64, 512], strides = [1, 1]} : vector<64x2048xf32> to vector<64x512xf32>
    %dot_general3A_18 = arith.constant dense<0.000000e+00> : vector<1024x64xf32>
    %dot_general3A_19 = tpu.matmul %slice3A_16, %slice3A_17, %dot_general3A_18 {dimension_numbers = #tpu.dot_dimension_numbers<[1], [1], [0], [0], [0, 0, 1, 0], [], []>, transpose_lhs_hint = false} : vector<1024x512xf32>, vector<64x512xf32>, vector<1024x64xf32> -> vector<1024x64xf32>
    %add3A_20 = arith.addf %add3A_15, %dot_general3A_19 : vector<1024x64xf32>
    %get3A_21 = arith.constant 0 : index
    %get3A_22 = arith.constant 0 : index
    %get3A_23 = vector.load %arg3[%get3A_21, %get3A_22] : memref<1x64xf32, #tpu.memory_space<vmem>>, vector<1x64xf32>
    %add3A_24 = vector.broadcast %get3A_23 : vector<1x64xf32> to vector<1024x64xf32>
    %add3A_25 = arith.addf %add3A_20, %add3A_24 : vector<1024x64xf32>
    %swap3A = arith.constant 0 : index
    %swap3A_26 = arith.constant 0 : index
    %swap3A_27 = vector.load %arg4[%swap3A, %swap3A_26] : memref<1024x64xf32, #tpu.memory_space<vmem>>, vector<1024x64xf32>
    tpu.vector_store %arg4[%swap3A, %swap3A_26], %add3A_25 {strides = array<i32>} : memref<1024x64xf32, #tpu.memory_space<vmem>>, vector<1024x64xf32>,
    return
  }
  func.func @transform_0(%arg0: i32) -> (i32, i32) {
    %c0_i32 = arith.constant 0 : i32
    %c0_i32_0 = arith.constant 0 : i32
    return %arg0, %c0_i32 : i32, i32
  }
  func.func @transform_1(%arg0: i32) -> (i32, i32) {
    %c0_i32 = arith.constant 0 : i32
    %c0_i32_0 = arith.constant 0 : i32
    %c0_i32_1 = arith.constant 0 : i32
    return %c0_i32, %c0_i32_0 : i32, i32
  }
  func.func @transform_2(%arg0: i32) -> (i32, i32) {
    %c0_i32 = arith.constant 0 : i32
    %c0_i32_0 = arith.constant 0 : i32
    %c0_i32_1 = arith.constant 0 : i32
    return %c0_i32, %c0_i32_0 : i32, i32
  }
  func.func @transform_3(%arg0: i32) -> (i32, i32) {
    %c0_i32 = arith.constant 0 : i32
    %c0_i32_0 = arith.constant 0 : i32
    return %arg0, %c0_i32 : i32, i32
  }
}

</mosaic_0001>

<sc_bundles>
// kernel: kernel.4.cloned.1.call-start
scs
__scs_entry_jumppad:
0x0: {  	(pc) =	sbr.rel $0x88, $3  }
0x1: {  	(tag) =	ssettag $0x0;
	lr =	simm.s32 $0x1  }
0x2: {  	[smem:$0x3F9E] =	sst lr;
	_ =	strace $0xD0000000  }
0x3: {  	_ = 	snop  }
0x4: {  	_ = 	snop  }
0x5: {  	_ = 	snop  }
0x6: {  	_ = 	snop  }
0x7: {  	_ = 	snop  }
__scs_overlays_trampoline_lowered:
0x8: {  	[smem:$0x3FAD] =	sst s0  }
0x9: {  	[smem:$0x3FAE] =	sst s1  }
0xa: {  	[smem:$0x3FAF] =	sst s2  }
0xb: {  	[smem:$0x3FB0] =	sst s3  }
0xc: {  	[smem:$0x3FB1] =	sst s4  }
0xd: {  	[smem:$0x3FB2] =	sst s5  }
0xe: {  	[smem:$0x3FB3] =	sst s6  }
0xf: {  	[smem:$0x3FB4] =	sst s7  }
0x10: {  	[smem:$0x3FB5] =	sst s8  }
0x11: {  	[smem:$0x3FB6] =	sst s9;
	s0 =	simm.s32 @!p0 $0x0  }
0x12: {  	s1 =	sld [smem:$0x3F9C];
	s0 =	simm.s32 @p0 $0x1  }
0x13: {  	[smem:$0x3FB7] =	sst s0;
	s0 =	simm.s32 @!p1 $0x0  }
0x14: {  	s2 =	sld [smem:$0x3F9B];
	s0 =	simm.s32 @p1 $0x1  }
0x15: {  	[smem:$0x3FB8] =	sst s0;
	s0 =	simm.s32 @!p2 $0x0  }
0x16: {  	s3 =	sld [smem:$0x3FDB];
	s0 =	simm.s32 @p2 $0x1  }
0x17: {  	s4 =	simm.s32 $0x1BF5;
	[smem:$0x3FBA] =	sst s0  }
0x18: {  	s0 =	sld [smem:$0x3F9D];
	_ =	swait.ge [sflag:s4], $0x0  }
0x19: {  	s7 =	sld [smem:$0x3F9E]  }
0x1a: {  	s8 =	sadd.s32 $0xFFFFE003, lr  }
0x1b: {  	s9 =	sadd.s32 $0xFFFFFEF7, lr;
	s5 =	simm.s32 $0xFFFFFFFF;
	p2 =	slt.u32 s8, $0xFFFFF086  }
0x1c: {  	p1 =	slt.u32 s9, $0xF7A;
	s5 =	simm.s32 @!p2 $0x0  }
0x1d: {  	s5 =	simm.s32 @p1 $0x1;
	p0 =	seq.s32 s7, s2  }
0x1e: {  	s7 =	smul.u32 @!p0 $0xF7A, s2;
	p2 =	seq.s32 @!p0 s5, $0x0  }
0x1f: {  	s9 =	smul.u32 $0xF7A, s1;
	s8 =	simm.s32 @!p0 $0x1BF5;
	p2 =	por !p2, p0  }
0x20: {  	[sflag:s8] =	ssyncset.s32 @!p0 $0xFFFFF086;
	s6 =	sadd.s32 @!p0 s3, s7;
	s7 =	simm.s32 @!p0 $0x108  }
0x21: {  	s3 =	sadd.s32 s3, s9;
	s6 =	sadd.s32 @!p0 $0x88, s6;
	s7 =	simm.s32 @p2 $0x1082  }
0x22: {  	[simem:s7], [sflag:s8] =	dma.local @!p0 [hbm:s6], $0xF7A  }
0x23: {  	s9 =	sor.u32 $0xD0000000, s2;
	s6 =	simm.s32 $0x108;
	_ =	swait.ge @!p0 [sflag:s8], $0x0  }
0x24: {  	s3 =	sadd.s32 $0x88, s3;
	s6 =	simm.s32 @!p1 $0x1082;
	[sflag:s4] =	ssyncset.s32 $0xFFFFF086  }
0x25: {  	[simem:s6], [sflag:s4] =	dma.local [hbm:s3], $0xF7A  }
0x26: {  	[smem:$0x3F9E] =	sst s1;
	(tag) =	ssettag s2;
	_ =	strace s9  }
0x27: {  	s1 =	sld [smem:$0x3FAE]  }
0x28: {  	s2 =	sld [smem:$0x3FAF]  }
0x29: {  	s4 =	sld [smem:$0x3FB1]  }
0x2a: {  	p0 =	seq.s32 s5, $0x0;
	s5 =	sld [smem:$0x3FB2]  }
0x2b: {  	s6 =	sld [smem:$0x3FB3]  }
0x2c: {  	s7 =	sld [smem:$0x3FB4]  }
0x2d: {  	s3 =	simm.s32 $0x108;
	s8 =	sld [smem:$0x3FB5]  }
0x2e: {  	s3 =	simm.s32 @!p0 $0x1082;
	s9 =	sld [smem:$0x3FB6]  }
0x2f: {  	lr =	sadd.s32 s0, s3;
	s0 =	sld [smem:$0x3FAD]  }
0x30: {  	s3 =	sld [smem:$0x3FB0]  }
0x31: {  	[smem:$0x3FB9] =	sst s10  }
0x32: {  	s10 =	sld [smem:$0x3FB7];
	_ =	sdelay $0x3  }
0x33: {  	p0 =	seq.s32 s10, $0x1;
	s10 =	sld [smem:$0x3FB9];
	_ =	sdelay $0x3  }
0x34: {  	[smem:$0x3FB9] =	sst s10  }
0x35: {  	s10 =	sld [smem:$0x3FB8];
	_ =	sdelay $0x3  }
0x36: {  	p1 =	seq.s32 s10, $0x1;
	s10 =	sld [smem:$0x3FB9];
	_ =	sdelay $0x3  }
0x37: {  	[smem:$0x3FB9] =	sst s10  }
0x38: {  	s10 =	sld [smem:$0x3FBA]  }
0x39: {  	_ = 	snop;
	(pc) =	sbr.ind lr, $3  }
0x3a: {  	_ = 	snop  }
0x3b: {  	_ = 	snop  }
0x3c: {  	p2 =	seq.s32 s10, $0x1;
	s10 =	sld [smem:$0x3FB9]  }
0x3d: {  	_ =	shalt  }
0x3e: {  	_ =	shalt  }
0x3f: {  	_ =	shalt  }
0x40: {  	_ =	shalt  }
0x41: {  	_ =	shalt  }
0x42: {  	_ =	shalt  }
0x43: {  	_ =	shalt  }
0x44: {  	_ =	shalt  }
0x45: {  	_ =	shalt  }
0x46: {  	_ =	shalt  }
0x47: {  	_ =	shalt  }
0x48: {  	_ =	shalt  }
0x49: {  	_ =	shalt  }
0x4a: {  	_ =	shalt  }
0x4b: {  	_ =	shalt  }
0x4c: {  	_ =	shalt  }
0x4d: {  	_ =	shalt  }
0x4e: {  	_ =	shalt  }
0x4f: {  	_ =	shalt  }
0x50: {  	_ =	shalt  }
0x51: {  	_ =	shalt  }
0x52: {  	_ =	shalt  }
0x53: {  	_ =	shalt  }
0x54: {  	_ =	shalt  }
0x55: {  	_ =	shalt  }
0x56: {  	_ =	shalt  }
0x57: {  	_ =	shalt  }
0x58: {  	_ =	shalt  }
0x59: {  	_ =	shalt  }
0x5a: {  	_ =	shalt  }
0x5b: {  	_ =	shalt  }
0x5c: {  	_ =	shalt  }
0x5d: {  	_ =	shalt  }
0x5e: {  	_ =	shalt  }
0x5f: {  	_ =	shalt  }
0x60: {  	_ =	shalt  }
0x61: {  	_ =	shalt  }
0x62: {  	_ =	shalt  }
0x63: {  	_ =	shalt  }
0x64: {  	_ =	shalt  }
0x65: {  	_ =	shalt  }
0x66: {  	_ =	shalt  }
0x67: {  	_ =	shalt  }
0x68: {  	_ =	shalt  }
0x69: {  	_ =	shalt  }
0x6a: {  	_ =	shalt  }
0x6b: {  	_ =	shalt  }
0x6c: {  	_ =	shalt  }
0x6d: {  	_ =	shalt  }
0x6e: {  	_ =	shalt  }
0x6f: {  	_ =	shalt  }
0x70: {  	_ =	shalt  }
0x71: {  	_ =	shalt  }
0x72: {  	_ =	shalt  }
0x73: {  	_ =	shalt  }
0x74: {  	_ =	shalt  }
0x75: {  	_ =	shalt  }
0x76: {  	_ =	shalt  }
0x77: {  	_ =	shalt  }
0x78: {  	_ =	shalt  }
0x79: {  	_ =	shalt  }
0x7a: {  	_ =	shalt  }
0x7b: {  	_ =	shalt  }
0x7c: {  	_ =	shalt  }
0x7d: {  	_ =	shalt  }
0x7e: {  	_ =	shalt  }
0x7f: {  	_ =	shalt  }
0x80: {  	_ =	shalt  }
0x81: {  	_ =	shalt  }
0x82: {  	_ =	shalt  }
0x83: {  	_ =	shalt  }
0x84: {  	_ =	shalt  }
0x85: {  	_ =	shalt  }
0x86: {  	_ =	shalt  }
0x87: {  	_ =	shalt  }
.Lfunc_end0:
.L_simem_size_0:
called_computation_lowered:
.L_overlay_start_0:
0x88: {  	s2 =	sld [smem:$0x3FD9]  }
0x89: {  	s3 =	sld [smem:$0x3FFE];
	_ =	sdelay $0x1  }
0x8a: {  	s1 =	srdreg.scid  }
0x8b: {  	s0 =	sand.u32 $0x1, s1  }
0x8c: {  	s16 =	sshll.u32 s0, $0xA;
	s2 =	sadd.s32 s3, s2  }
0x8d: {  	s2 =	sadd.s32 s2, s16  }
0x8e: {  	[smem:$0x3FC5] =	sst s2  }
0x8f: {  	_ = 	snop  }
0x90: {  	(tm) =	ssettm $0x1  }
0x91: {  	s17 =	sld [smem:$0x3FFB];
	_ =	sdelay $0x3  }
0x92: {  	_ =	strace s17  }
0x93: {  	s2 =	sld [smem:$0x3FFC];
	_ =	sdelay $0x3  }
0x94: {  	_ =	strace s2  }
0x95: {  	s2 =	sld [smem:$0x3FFD];
	_ =	sdelay $0x3  }
0x96: {  	_ =	strace s2  }
0x97: {  	_ =	strace $0x8FFFFFFF  }
0x98: {  	s18 =	sld [smem:$0x3FDB];
	_ =	sdelay $0x1  }
0x99: {  	s19 =	simm.s32 $_scs_section_size  }
0x9a: {  	s4 =	simm.s32 $_size__tile_overlayer_lowered;
	s5 =	simm.s32 $_tile_overlayer_lowered  }
0x9b: {  	s22 =	simm.s32 $0x1BFF;
	s21 =	sshll.u32 s5, $0x1;
	s2 =	sadd.s32 s19, s18  }
0x9c: {  	s6 =	simm.s32 $0x0;
	s20 =	sshll.u32 s4, $0x1;
	s4 =	sadd.s32 s21, s2  }
0x9d: {  	[timem:s6], [sflag:s22] =	dma.local [hbm:s4], s20  }
0x9e: {  	_ =	swait.ge [sflag:s22], s20  }
0x9f: {  	s3 =	ssub.s32 $0x0, s20;
	[sflag:s22] =	ssyncset.done $0x0  }
0xa0: {  	[sflag:s22] =	ssyncadd.s32 s3;
	_ =	sdelay $0x1  }
0xa1: {  	s23 =	simm.s32 $0x1B8B  }
0xa2: {  	_ =	swait.ge [sflag:s23], $0x1  }
0xa3: {  	[sflag:s23] =	ssyncset.done $0x0  }
0xa4: {  	s25 =	simm.s32 $0x1B8E;
	s24 =	sld [smem:$0x3FFE];
	[sflag:s23] =	ssyncadd.s32 $0xFFFFFFFF  }
0xa5: {  	s26 =	simm.s32 $execute0_lowered;
	[smem:$0x3FD2] =	sst s25  }
0xa6: {  	s4 =	sshll.u32 s26, $0x1;
	_ =	strace $0x80000046;
	[dreg:$0x1] =	wrdreg $0xFFFFFFFF  }
0xa7: {  	s28 =	simm.s32 $_size_execute0_lowered;
	s2 =	sadd.s32 s2, s4;
	[dreg:$0x0] =	wrdreg $0x0  }
0xa8: {  	s4 =	sshll.u32 s28, $0x1;
	[dreg:$0x2] =	wrdreg s2  }
0xa9: {  	[dreg:$0x3] =	wrdreg s4  }
0xaa: {  	[dreg:$0x4] =	wrdreg $0xC0  }
0xab: {  	_ =	task [dreg:s6], $0x5FFFF  }
0xac: {  	[dreg:$0x1] =	wrdreg $0xFFFFFFFF  }
0xad: {  	[dreg:$0x0] =	wrdreg $0x60  }
0xae: {  	[dreg:$0x2] =	wrdreg s24  }
0xaf: {  	[dreg:$0x3] =	wrdreg $0x9  }
0xb0: {  	_ =	task.clear_ibuf [dreg:s6], $0x4FFFF;
	_ =	strace $0x90000046  }
0xb1: {  	s29 =	simm.s32 $0x9;
	_ =	strace $0x80000048  }
0xb2: {  	_ =	swait.ge [sflag:s29], $0x1  }
0xb3: {  	[sflag:s29] =	ssyncadd.s32 $0xFFFFFFFF  }
0xb4: {  	_ =	strace $0x90000048  }
0xb5: {  	_ =	sfence  }
0xb6: {  	s30 =	sld [smem:$0x0];
	_ =	sdelay $0x2  }
0xb7: {  	s31 =	sshll.u32 s1, $0xD;
	s1 =	sshrl.u32 s1, $0x2  }
0xb8: {  	s3 =	sand.u32 $0x4000, s31;
	s1 =	sadd.s32 s1, s30  }
0xb9: {  	s0 =	sor.u32 s3, s0;
	s1 =	sshll.u32 s1, $0x11  }
0xba: {  	s0 =	sor.u32 s1, s0  }
0xbb: {  	s0 =	sadd.s32 $0x8F2B, s0  }
0xbc: {  	[sflag:s0] =	ssyncadd.remote.s32 $0x1  }
0xbd: {  	_ =	sfence.sel $0xFFFF  }
0xbe: {  	[dreg:$0x0] =	wrdreg $0xFFFFFFFF;
	(pc) =	sbr.abs _section_cstart, $3  }
0xbf: {  	[dreg:$0x1] =	wrdreg $0xFFFFFFFF  }
0xc0: {  	_ =	task.clear_ibuf [dreg:s6], $0x2FFFF;
	_ =	strace $0x9FFFFFFF  }
0xc1: {  	(tm) =	ssettm $0x7FFFFFFF  }
tec
execute0_lowered:
.L_overlay_start_1:
0x0: {  	(tag) =	ssettag $0x1  }
0x1: {  	s0 =	rddreg [dreg:$0x0]  }
0x2: {  	s1 =	simm.s32 $0x0;
	s2 =	srdreg.scid;
	s7 =	stileid.u32  }
0x3: {  	s19 =	simm.s32 $0x1;
	s20 =	simm.s32 $0x8000;
	s21 =	simm.s32 $0x10000  }
0x4: {  	s29 =	simm.s32 $0x4;
	[smem:$0x7FF] =	sst s1;
	s3 =	sadd.s32 $0x1000, s0  }
0x5: {  	s2 =	sand.u32 $0x1, s2;
	s4 =	sadd.s32 $0x21000, s0;
	s7 =	sshll.u32 s7, $0xD  }
0x6: {  	s0 =	sadd.s32 $0x41000, s0;
	s5 =	ssub.s32 $0x2, s2;
	s2 =	sshll.u32 s2, $0xC  }
0x7: {  	_ =	strace $0x80000047;
	s6 =	sshrl.u32 s5, $0x1;
	s2 =	sor.u32 s2, s7  }
0x8: {  	s5 =	ssub.s32 s5, s6;
	s22 =	sadd.s32 s3, s2;
	s23 =	sor.u32 $0x400, s2  }
0x9: {  	s7 =	sor.u32 $0x800, s2;
	s26 =	sadd.s32 s4, s2;
	[dreg:$0x2] =	wrdreg s22  }
0xa: {  	s25 =	sor.u32 $0xC00, s2;
	s2 =	sadd.s32 s0, s2;
	[dreg:$0x6] =	wrdreg s26  }
0xb: {  	s8 =	sadd.s32 s3, s23;
	s24 =	sadd.s32 s3, s7;
	[dreg:$0x7] =	wrdreg s2  }
0xc: {  	s3 =	sadd.s32 s3, s25;
	s28 =	sadd.s32 s4, s23;
	[dreg:$0x3] =	wrdreg s8  }
0xd: {  	v2 =	vlaneseq.u32;
	s30 =	sadd.s32 s0, s23;
	s31 =	sadd.s32 s4, s7;
	[dreg:$0x4] =	wrdreg s24  }
0xe: {  	v1 =	vor.u32 $0x30, v2;
	s12 =	sadd.s32 s0, s7;
	s13 =	sadd.s32 s4, s25;
	[dreg:$0x5] =	wrdreg s3  }
0xf: {  	v4 =	vmul.u32 $0xFFFFFFFF, v2;
	v0 =	vor.u32 $0x20, v2;
	[tilespmem:$0x1FFD0] =	vst v1;
	s14 =	sadd.s32 s0, s25;
	s15 =	smax.u32 s5, $0x1;
	[dreg:$0x8] =	wrdreg s28  }
0x10: {  	v3 =	vor.u32 $0x10, v2;
	[tilespmem:$0x1FFE0] =	vst v0;
	s22 =	simm.s32 $0x2;
	s25 =	simm.s32 $0x3;
	[dreg:$0x9] =	wrdreg s30  }
0x11: {  	vm0 =	vmmov $0xff;
	v5 =	vimm.f32 $0.0e+00;
	[tilespmem:$0x1FFF0] =	vst v3;
	v4 =	vadd.s32 $0xF, v4;
	s0 =	simm.s32 $0x5;
	s2 =	simm.s32 $0x0;
	[dreg:$0xa] =	wrdreg s31  }
.LBB2_1:
0x12: {  	s3 =	rddreg [dreg:$0x2]  }
0x13: {  	[tilespmem:s1], [sflag:$0x1] =	stream.linear.gather [hbm4b:s3+s1], $0x2000, $0x38;
	[tilespmem:$0x18000] =	vst v63  }
0x14: {  	s7 =	rddreg [dreg:$0x3];
	s4 =	simm.s32 $0x2000  }
0x15: {  	[tilespmem:s4], [sflag:$0x2] =	stream.linear.gather [hbm4b:s7+s1], $0x2000, $0x38;
	[tilespmem:$0x18000] =	vst v63  }
0x16: {  	s8 =	rddreg [dreg:$0x4];
	s9 =	simm.s32 $0x4000  }
0x17: {  	[tilespmem:s9], [sflag:$0x3] =	stream.linear.gather [hbm4b:s8+s1], $0x2000, $0x38;
	[tilespmem:$0x18000] =	vst v63  }
0x18: {  	s10 =	rddreg [dreg:$0x5];
	s11 =	simm.s32 $0x6000  }
0x19: {  	[tilespmem:s11], [sflag:$0x4] =	stream.linear.gather [hbm4b:s10+s1], $0x2000, $0x38;
	[tilespmem:$0x18000] =	vst v63  }
0x1a: {  	_ =	swait.ge [sflag:s19], $0x2000  }
0x1b: {  	[sflag:s19] =	ssyncset.done $0x0  }
0x1c: {  	s16 =	simm.s32 $0x100;
	[sflag:s19] =	ssyncadd.s32 $0xFFFFE000  }
0x1d: {  	v6 =	vld [tilespmem:s16+$0xFFFFFF90]  }
0x1e: {  	v7 =	vld [tilespmem:s16+$0xFFFFFF30]  }
0x1f: {  	v8 =	vld [tilespmem:s16+$0x10]  }
0x20: {  	v9 =	vld [tilespmem:s16+$0xA0]  }
0x21: {  	v10 =	vld [tilespmem:s16+$0x0]  }
0x22: {  	(xrf1) =	vsort.dscd.msk.f32 $0xffff, v6, v3;
	v6 =	vld [tilespmem:s16+$0xFFFFFF10]  }
0x23: {  	v11 =	vld [tilespmem:s16+$0x20];
	(xrf1) =	vsort.dscd.msk.f32 $0xffff, v7, v1  }
0x24: {  	v7 =	vld [tilespmem:s16+$0x30];
	(xrf1) =	vsort.dscd.msk.f32 $0xffff, v8, v3  }
0x25: {  	v8 =	vld [tilespmem:s16+$0xB0];
	(xrf1) =	vsort.dscd.msk.f32 $0xffff, v9, v0  }
0x26: {  	(xrf1) =	vsort.dscd.msk.f32 $0xffff, v10, v2  }
0x27: {  	v9 =	vld [tilespmem:s16+$0xFFFFFF00];
	(xrf1) =	vsort.dscd.msk.f32 $0xffff, v6, v3  }
0x28: {  	v10 =	vld [tilespmem:s16+$0xFFFFFF80];
	(xrf1) =	vsort.dscd.msk.f32 $0xffff, v11, v0  }
0x29: {  	v6 =	vld [tilespmem:s16+$0xFFFFFF20];
	(xrf1) =	vsort.dscd.msk.f32 $0xffff, v7, v1  }
0x2a: {  	v11 =	vld [tilespmem:s16+$0xFFFFFFB0];
	(xrf1) =	vsort.dscd.msk.f32 $0xffff, v8, v1  }
0x2b: {  	v7 =	vld [tilespmem:s16+$0x90]  }
0x2c: {  	(xrf1) =	vsort.dscd.msk.f32 $0xffff, v9, v2  }
0x2d: {  	v8 =	vld [tilespmem:s16+$0x80];
	(xrf1) =	vsort.dscd.msk.f32 $0xffff, v10, v2  }
0x2e: {  	(xrf1) =	vsort.dscd.msk.f32 $0xffff, v6, v0;
	v6 =	vld [tilespmem:s16+$0xFFFFFFA0]  }
0x2f: {  	(xrf1) =	vsort.dscd.msk.f32 $0xffff, v11, v1  }
0x30: {  	(xrf1) =	vsort.dscd.msk.f32 $0xffff, v7, v3;
	v7, v9, _ =	vpop (xrf1)  }
0x31: {  	v12, v15, _ =	vpop (xrf1)  }
0x32: {  	(xrf1) =	vsort.dscd.msk.f32 $0xffff, v8, v2;
	v8, v10, _ =	vpop (xrf1)  }
0x33: {  	v11, v13, _ =	vpop (xrf1);
	(xrf1) =	vsort.dscd.msk.f32 $0xffff, v6, v0  }
0x34: {  	v6, v14, _ =	vpop (xrf1)  }
0x35: {  	v16, v17, _ =	vpop (xrf1)  }
0x36: {  	v18, v19, _ =	vpop (xrf1)  }
0x37: {  	v20, v21, _ =	vpop (xrf1)  }
0x38: {  	v22, v23, _ =	vpop (xrf1)  }
0x39: {  	v7 =	vperm.xlane v7, v4;
	v22 =	vperm.xlane v22, v4  }
0x3a: {  	v9 =	vperm.xlane v9, v4;
	v24, v25, _ =	vpop (xrf1);
	v23 =	vperm.xlane v23, v4  }
0x3b: {  	v8 =	vperm.xlane v8, v4;
	v10 =	vperm.xlane v10, v4;
	v26, v27, _ =	vpop (xrf1)  }
0x3c: {  	v20 =	vperm.xlane v20, v4;
	vm1 =	vge.f32 v11, v22;
	v28, v29, _ =	vpop (xrf1);
	vm2 =	vge.f32 v26, v7  }
0x3d: {  	v11 =	vsel vm1, v11, v22;
	v13 =	vsel vm1, v13, v23;
	vm1 =	vge.f32 v6, v8;
	v22, v30, _ =	vpop (xrf1)  }
0x3e: {  	v7 =	vsel vm2, v26, v7;
	v6 =	vsel vm1, v6, v8;
	v8 =	vsel vm1, v14, v10;
	v23, v26, _ =	vpop (xrf1)  }
0x3f: {  	v14 =	vperm.xlane v21, v4;
	v23 =	vperm.xlane v23, v4  }
0x40: {  	v10 =	vperm.xlane v22, v4;
	(xrf1) =	vsort.dscd.msk.f32 $0xffff, v6, v8;
	v26 =	vperm.xlane v26, v4;
	v31, v32, _ =	vpop (xrf1)  }
0x41: {  	v30 =	vperm.xlane v30, v4;
	(xrf1) =	vsort.dscd.msk.f32 $0xffff, v11, v13;
	vm1 =	vge.f32 v31, v23;
	v8, v21, _ =	vpop (xrf1)  }
0x42: {  	v6 =	vsel vm1, v31, v23;
	v22 =	vsel vm1, v32, v26;
	vm1 =	vge.f32 v8, v10  }
0x43: {  	s17 =	simm.s32 $0x300;
	v8 =	vsel vm1, v8, v10;
	v10 =	vsel vm1, v21, v30;
	(xrf1) =	vsort.dscd.msk.f32 $0xffff, v6, v22  }
0x44: {  	v11 =	vld [tilespmem:s17+$0xFFFFFF90];
	v6 =	vsel vm2, v27, v9;
	vm1 =	vge.f32 v18, v20;
	(xrf1) =	vsort.dscd.msk.f32 $0xffff, v8, v10  }
0x45: {  	v9 =	vld [tilespmem:s17+$0xFFFFFF30];
	v8 =	vsel vm1, v19, v14;
	v10 =	vsel vm1, v18, v20;
	(xrf1) =	vsort.dscd.msk.f32 $0xffff, v7, v6  }
0x46: {  	v13 =	vld [tilespmem:s17+$0x10];
	(xrf1) =	vsort.dscd.msk.f32 $0xffff, v10, v8  }
0x47: {  	v6 =	vld [tilespmem:s17+$0xA0]  }
0x48: {  	v7 =	vld [tilespmem:s17+$0x0]  }
0x49: {  	v8 =	vld [tilespmem:s17+$0xFFFFFF10];
	(xrf1) =	vsort.dscd.msk.f32 $0xffff, v11, v3  }
0x4a: {  	v10 =	vld [tilespmem:s17+$0x20];
	(xrf1) =	vsort.dscd.msk.f32 $0xffff, v9, v1  }
0x4b: {  	v9 =	vld [tilespmem:s17+$0x30];
	(xrf1) =	vsort.dscd.msk.f32 $0xffff, v13, v3  }
0x4c: {  	v11 =	vld [tilespmem:s17+$0xB0];
	(xrf1) =	vsort.dscd.msk.f32 $0xffff, v6, v0  }
0x4d: {  	(xrf1) =	vsort.dscd.msk.f32 $0xffff, v7, v2  }
0x4e: {  	v6 =	vld [tilespmem:s17+$0xFFFFFF00];
	(xrf1) =	vsort.dscd.msk.f32 $0xffff, v8, v3  }
0x4f: {  	v7 =	vld [tilespmem:s17+$0xFFFFFF80];
	v18, v19, _ =	vpop (xrf1);
	(xrf1) =	vsort.dscd.msk.f32 $0xffff, v10, v0  }
0x50: {  	v8, v20, _ =	vpop (xrf1);
	(xrf1) =	vsort.dscd.msk.f32 $0xffff, v9, v1  }
0x51: {  	v10 =	vld [tilespmem:s17+$0xFFFFFF20];
	(xrf1) =	vsort.dscd.msk.f32 $0xffff, v11, v1;
	v22, v23, _ =	vpop (xrf1)  }
0x52: {  	v14 =	vld [tilespmem:s17+$0xFFFFFFB0];
	v26 =	vperm.xlane v8, v4;
	v11, v13, _ =	vpop (xrf1)  }
0x53: {  	v21 =	vld [tilespmem:s17+$0x90];
	(xrf1) =	vsort.dscd.msk.f32 $0xffff, v6, v2;
	v9, v8, _ =	vpop (xrf1)  }
0x54: {  	(xrf1) =	vsort.dscd.msk.f32 $0xffff, v7, v2;
	v7 =	vperm.xlane v20, v4;
	v20, v27, _ =	vpop (xrf1)  }
0x55: {  	v6 =	vld [tilespmem:s17+$0x80];
	vm1 =	vge.f32 v22, v26;
	v20 =	vperm.xlane v20, v4  }
0x56: {  	(xrf1) =	vsort.dscd.msk.f32 $0xffff, v10, v0;
	v7 =	vsel vm1, v23, v7;
	v27 =	vperm.xlane v27, v4  }
0x57: {  	v22 =	vsel vm1, v22, v26;
	(xrf1) =	vsort.dscd.msk.f32 $0xffff, v14, v1;
	v23, v26, _ =	vpop (xrf1);
	vm1 =	vge.f32 v18, v20  }
0x58: {  	v30 =	vld [tilespmem:s17+$0xFFFFFFA0];
	(xrf1) =	vsort.dscd.msk.f32 $0xffff, v21, v3;
	v14, v10, _ =	vpop (xrf1);
	v18 =	vsel vm1, v18, v20  }
0x59: {  	(xrf1) =	vsort.dscd.msk.f32 $0xffff, v22, v7;
	v7, v21, _ =	vpop (xrf1);
	v19 =	vsel vm1, v19, v27  }
0x5a: {  	(xrf1) =	vsort.dscd.msk.f32 $0xffff, v6, v2;
	v6, v20, _ =	vpop (xrf1)  }
0x5b: {  	v22, v27, _ =	vpop (xrf1)  }
0x5c: {  	(xrf1) =	vsort.dscd.msk.f32 $0xffff, v18, v19;
	v19, v18, _ =	vpop (xrf1)  }
0x5d: {  	v16 =	vperm.xlane v16, v4;
	(xrf1) =	vsort.dscd.msk.f32 $0xffff, v30, v0;
	v30, v31, _ =	vpop (xrf1)  }
0x5e: {  	v15 =	vperm.xlane v15, v4;
	v53, v33, _ =	vpop (xrf1)  }
0x5f: {  	v17 =	vperm.xlane v17, v4;
	vm1 =	vge.f32 v24, v16;
	v34, v35, _ =	vpop (xrf1)  }
0x60: {  	v12 =	vperm.xlane v12, v4;
	v24 =	vsel vm1, v24, v16;
	v16 =	vperm.xlane v34, v4;
	_ =	sdelay $0x1  }
0x61: {  	vm2 =	vge.f32 v28, v12;
	v25 =	vsel vm1, v25, v17  }
0x62: {  	v29 =	vsel vm2, v29, v15;
	v28 =	vsel vm2, v28, v12;
	v17, v15, _ =	vpop (xrf1);
	vm2 =	vge.f32 v6, v16  }
0x63: {  	v35 =	vperm.xlane v35, v4;
	v54, v36, _ =	vpop (xrf1);
	v37 =	vsel vm2, v6, v16;
	v6 =	vperm.xlane v7, v4  }
0x64: {  	(xrf1) =	vsort.dscd.msk.f32 $0xffff, v24, v25;
	v12, v16, _ =	vpop (xrf1)  }
0x65: {  	(xrf1) =	vsort.dscd.msk.f32 $0xffff, v28, v29;
	v20 =	vsel vm2, v20, v35;
	vm2 =	vge.f32 v22, v6;
	v24, v25, _ =	vpop (xrf1)  }
0x66: {  	v23 =	vperm.xlane v23, v4;
	v21 =	vperm.xlane v21, v4;
	v6 =	vsel vm2, v22, v6;
	v28, v29, _ =	vpop (xrf1)  }
0x67: {  	v28 =	vperm.xlane v28, v4  }
0x68: {  	v26 =	vperm.xlane v26, v4;
	vm1 =	vge.f32 v54, v23;
	v21 =	vsel vm2, v27, v21;
	v55, v7, _ =	vpop (xrf1)  }
0x69: {  	v32 =	vperm.xlane v53, v4;
	v23 =	vsel vm1, v54, v23;
	(xrf1) =	vsort.dscd.msk.f32 $0xffff, v6, v21;
	v56, v38, _ =	vpop (xrf1)  }
0x6a: {  	v21 =	vperm.xlane v24, v4;
	v29 =	vperm.xlane v29, v4;
	vm2 =	vge.f32 v56, v28;
	v27, v6, _ =	vpop (xrf1)  }
0x6b: {  	s18 =	simm.s32 $0x8100;
	s23 =	simm.s32 $0x500;
	v22 =	vperm.xlane v25, v4;
	v24 =	vperm.xlane v33, v4;
	(xrf0) =	vmax.scan.msk.f32 $0xffff, v55;
	v25 =	vsel vm2, v56, v28;
	v28, v57, _ =	vpop (xrf1)  }
0x6c: {  	[tilespmem:s18+$0x0] =	vst v5;
	(xrf1) =	vsort.dscd.msk.f32 $0xffff, v37, v20;
	v20 =	vld [tilespmem:s23+$0xFFFFFF90];
	v29 =	vsel vm2, v38, v29;
	vm2 =	vge.f32 v28, v21  }
0x6d: {  	v58 =	vld [tilespmem:s23+$0xFFFFFF30];
	[tilespmem:s18+$0x10] =	vst v5;
	(xrf1) =	vsort.dscd.msk.f32 $0xffff, v25, v29;
	v21 =	vsel vm2, v28, v21;
	v22 =	vsel vm2, v57, v22  }
0x6e: {  	[tilespmem:s18+$0x20] =	vst v5;
	v25 =	vsel vm1, v36, v26;
	vm1 =	vge.f32 v30, v32;
	(xrf1) =	vsort.dscd.msk.f32 $0xffff, v21, v22;
	v21 =	vld [tilespmem:s23+$0x10]  }
0x6f: {  	[tilespmem:s18+$0x30] =	vst v5;
	v22 =	vsel vm1, v31, v24;
	v24 =	vsel vm1, v30, v32;
	(xrf1) =	vsort.dscd.msk.f32 $0xffff, v23, v25  }
0x70: {  	[tilespmem:s18+$0xFFFFFF00] =	vst v5;
	v26 =	vld [tilespmem:s23+$0xA0];
	(xrf1) =	vsort.dscd.msk.f32 $0xffff, v24, v22  }
0x71: {  	[tilespmem:s18+$0xFFFFFF10] =	vst v5;
	v23 =	vld [tilespmem:s23+$0x0];
	(xrf1) =	vsort.dscd.msk.f32 $0xffff, v20, v3;
	v20, _, _ =	vpop (xrf0)  }
0x72: {  	[tilespmem:s18+$0xFFFFFF20] =	vst v5;
	v22 =	vld [tilespmem:s23+$0xFFFFFF10];
	v24, v25, _ =	vpop (xrf1);
	(xrf1) =	vsort.dscd.msk.f32 $0xffff, v58, v1  }
0x73: {  	[tilespmem:s18+$0xFFFFFF30] =	vst v5;
	v28 =	vld [tilespmem:s23+$0x20];
	v20 =	vbroadcast v20, $0xF;
	(xrf1) =	vsort.dscd.msk.f32 $0xffff, v21, v3;
	v21, v29, _ =	vpop (xrf1)  }
0x74: {  	[tilespmem:s18+$0x80] =	vst v5;
	(xrf0) =	vmax.scan.msk.f32 $0xffff, v27;
	v21 =	vperm.xlane v21, v4;
	v29 =	vperm.xlane v29, v4  }
0x75: {  	[tilespmem:s18+$0x90] =	vst v5;
	(xrf1) =	vsort.dscd.msk.f32 $0xffff, v26, v0;
	v26 =	vld [tilespmem:s23+$0x30]  }
0x76: {  	[tilespmem:s18+$0xA0] =	vst v5;
	v20 =	vsub.f32 v55, v20;
	(xrf1) =	vsort.dscd.msk.f32 $0xffff, v23, v2;
	v23 =	vld [tilespmem:s23+$0xB0];
	vm1 =	vge.f32 v24, v21  }
0x77: {  	[tilespmem:s18+$0xB0] =	vst v5;
	v30 =	vld [tilespmem:s23+$0xFFFFFF00];
	(xrf1) =	vsort.dscd.msk.f32 $0xffff, v22, v3;
	v21 =	vsel vm1, v24, v21  }
0x78: {  	[tilespmem:s18+$0xFFFFFF80] =	vst v5;
	v22 =	vld [tilespmem:s23+$0xFFFFFF80];
	v20 =	vmul.f32 $1.442695020e+00, v20;
	v25 =	vsel vm1, v25, v29;
	(xrf1) =	vsort.dscd.msk.f32 $0xffff, v28, v0  }
0x79: {  	[tilespmem:s18+$0xFFFFFF90] =	vst v5;
	(xrf1) =	vsort.dscd.msk.f32 $0xffff, v21, v25;
	v28, v29, _ =	vpop (xrf1)  }
0x7a: {  	v59 =	vld [tilespmem:s23+$0xFFFFFF20];
	[tilespmem:s18+$0xFFFFFFA0] =	vst v5;
	(xrf1) =	vsort.dscd.msk.f32 $0xffff, v26, v1;
	v21, v60, _ =	vpop (xrf1)  }
0x7b: {  	s24 =	simm.s32 $0x8300;
	[tilespmem:s18+$0xFFFFFFB0] =	vst v5;
	v25 =	vld [tilespmem:s23+$0xFFFFFFB0];
	(xrf1) =	vsort.dscd.msk.f32 $0xffff, v23, v1;
	v62, v61, _ =	vpop (xrf1)  }
0x7c: {  	[tilespmem:s24+$0x0] =	vst v5;
	(erf) = vpow2.f32 v20;
	v26 =	vld [tilespmem:s23+$0x90];
	(xrf1) =	vsort.dscd.msk.f32 $0xffff, v30, v2;
	v20, v63, _ =	vpop (xrf1)  }
0x7d: {  	[tilespmem:s24+$0x10] =	vst v5;
	v23 =	vperm.xlane v21, v4;
	(xrf1) =	vsort.dscd.msk.f32 $0xffff, v22, v2;
	v22 =	vperm.xlane v60, v4;
	v24, v21, _ =	vpop (xrf1)  }
0x7e: {  	[tilespmem:s24+$0x20] =	vst v5;
	v46, v45, _ =	vpop (xrf1)  }
0x7f: {  	[tilespmem:s24+$0x30] =	vst v5;
	v30 =	vld [tilespmem:s23+$0x80];
	vm1 =	vge.f32 v62, v23;
	(xrf1) =	vsort.dscd.msk.f32 $0xffff, v59, v0;
	v33 =	vperm.xlane v46, v4  }
0x80: {  	[tilespmem:s24+$0xFFFFFF80] =	vst v5;
	v31, _, _ =	vpop (xrf0);
	v47 =	vsel vm1, v62, v23;
	(xrf1) =	vsort.dscd.msk.f32 $0xffff, v25, v1;
	v50 =	vperm.xlane v45, v4  }
0x81: {  	[tilespmem:s24+$0xFFFFFF90] =	vst v5;
	v25 =	vsel vm1, v61, v22;
	v49, v48, _ =	vpop (xrf1);
	(xrf1) =	vsort.dscd.msk.f32 $0xffff, v26, v3;
	vm1 =	vge.f32 v28, v33  }
0x82: {  	v26 =	vld [tilespmem:s23+$0xFFFFFFA0];
	(xrf1) =	vsort.dscd.msk.f32 $0xffff, v47, v25;
	v23, v22, _ =	vpop (xrf1);
	v25 =	vsel vm1, v28, v33;
	v28 =	vsel vm1, v29, v50;
	v29 =	vbroadcast v31, $0xF  }
0x83: {  	[tilespmem:s24+$0xFFFFFFA0] =	vst v5;
	v51, v39, _ =	vpop (xrf1)  }
0x84: {  	[tilespmem:s24+$0xFFFFFFB0] =	vst v5;
	v13 =	vperm.xlane v13, v4;
	v11 =	vperm.xlane v11, v4;
	(xrf1) =	vsort.dscd.msk.f32 $0xffff, v30, v2;
	v52, v40, _ =	vpop (xrf1)  }
0x85: {  	[tilespmem:s24+$0xFFFFFF00] =	vst v5;
	(xrf1) =	vsort.dscd.msk.f32 $0xffff, v25, v28;
	v25 =	vperm.xlane v18, v4;
	v30, v31, _ =	vpop (xrf1);
	v18 =	vsub.f32 v27, v29  }
0x86: {  	[tilespmem:s24+$0xFFFFFF10] =	vst v5;
	v14 =	vperm.xlane v14, v4;
	v19 =	vperm.xlane v19, v4;
	vm1 =	vge.f32 v9, v11;
	v28 =	vpop (erf)  }
0x87: {  	v9 =	vsel vm1, v9, v11;
	v11 =	vsel vm1, v8, v13;
	(xrf1) =	vsort.dscd.msk.f32 $0xffff, v26, v0;
	v13 =	vmul.f32 $1.442695020e+00, v18;
	v27, v29, _ =	vpop (xrf1)  }
0x88: {  	[tilespmem:s24+$0xFFFFFF20] =	vst v5;
	vm1 =	vge.f32 v17, v19;
	(xrf1) =	vsort.dscd.msk.f32 $0xffff, v9, v11;
	v9 =	vperm.xlane v10, v4;
	v53, v54, _ =	vpop (xrf1)  }
0x89: {  	[tilespmem:s24+$0xFFFFFF30] =	vst v5;
	v10 =	vsel vm1, v17, v19;
	v15 =	vsel vm1, v15, v25;
	vm1 =	vge.f32 v12, v14;
	v18, v8, _ =	vpop (xrf1)  }
0x8a: {  	s26 =	simm.s32 $0x180;
	[tilespmem:s24+$0x80] =	vst v5;
	v9 =	vsel vm1, v16, v9;
	v16 =	vand.u32 $0xFFFFFF80, v7;
	(erf) = vpow2.f32 v13;
	v11, v17, _ =	vpop (xrf1)  }
0x8b: {  	[tilespmem:s24+$0x90] =	vst v5;
	v16 =	vadd.s32 s26, v16;
	v13, v19, _ =	vpop (xrf1)  }
0x8c: {  	[tilespmem:s24+$0xA0] =	vst v5;
	v55 =	vperm.xlane v48, v4;
	v41, v42, _ =	vpop (xrf1)  }
0x8d: {  	[tilespmem:s24+$0xB0] =	vst v5;
	v37 =	vperm.xlane v51, v4;
	v39 =	vperm.xlane v39, v4;
	v44, v45, _ =	vpop (xrf1)  }
0x8e: {  	v43 =	vsel vm1, v12, v14;
	v14 =	vnsel vm0, $0x0, v28;
	[tilespmem:$0x1FFC0] =	vst v16;
	(xrf1) =	vsort.dscd.msk.f32 $0xffff, v10, v15;
	v16, v28, _ =	vpop (xrf1)  }
0x8f: {  	vm1 =	vge.f32 v30, v37;
	(xrf0) =	vmax.scan.msk.f32 $0xffff, v18;
	v13 =	vperm.xlane v13, v4;
	v19 =	vperm.xlane v19, v4;
	v15, v56, _ =	vpop (xrf1)  }
0x90: {  	(xrf1) =	vsort.dscd.msk.f32 $0xffff, v43, v9;
	v9 =	vsel vm1, v30, v37;
	v30 =	vsel vm1, v31, v39;
	v46, v47, _ =	vpop (xrf1)  }
0x91: {  	vm1 =	vge.f32 v52, v13;
	(xrf1) =	vsort.dscd.msk.f32 $0xffff, v9, v30;
	v57, v10, _ =	vpop (xrf1);
	v31 =	vperm.xlane v46, v4  }
0x92: {  	v34 =	vperm.xlane v49, v4;
	v26 =	vand.u32 $0xFFFFFF80, v6;
	v32 =	vsel vm1, v52, v13;
	v48, v49, _ =	vpop (xrf1);
	(xrf0) =	vmax.scan.msk.f32 $0xffff, v57  }
0x93: {  	v19 =	vsel vm1, v40, v19;
	v15 =	vperm.xlane v15, v4;
	v30 =	vpop (erf);
	vm1 =	vge.f32 v48, v31  }
0x94: {  	s16 =	simm.s32 $0x100;
	(xrf2) =	vadd.scan.msk.f32 $0xffff, v14;
	v58 =	vperm.xlane v47, v4;
	v13 =	vnsel vm0, $0x0, v30;
	v37, v9, _ =	vpop (xrf1);
	v30 =	vsel vm1, v48, v31  }
0x95: {  	v12 =	vadd.s32 s16, v26;
	v26 =	vperm.xlane v63, v4;
	(xrf1) =	vsort.dscd.msk.f32 $0xffff, v32, v19;
	v19 =	vperm.xlane v56, v4;
	v59, v60, _ =	vpop (xrf1)  }
0x96: {  	s31 =	simm.s32 $0x8500;
	v61 =	vperm.xlane v11, v4;
	v40, _, _ =	vpop (xrf0);
	(xrf0) =	vmax.scan.msk.f32 $0xffff, v37;
	v31 =	vsel vm1, v49, v58;
	vm1 =	vge.f32 v59, v15  }
0x97: {  	s5 =	simm.s32 $0x700;
	[tilespmem:s31+$0x80] =	vst v5;
	(xrf1) =	vsort.dscd.msk.f32 $0xffff, v30, v31;
	v15 =	vsel vm1, v59, v15;
	v19 =	vsel vm1, v60, v19;
	v30, v11, _ =	vpop (xrf1)  }
0x98: {  	v27 =	vperm.xlane v27, v4;
	[tilespmem:s31+$0x90] =	vst v5;
	v17 =	vperm.xlane v17, v4;
	v31 =	vld [tilespmem:s5+$0xFFFFFF90];
	(xrf1) =	vsort.dscd.msk.f32 $0xffff, v15, v19;
	v62, _, _ =	vpop (xrf0)  }
0x99: {  	v63 =	vld [tilespmem:s5+$0xFFFFFF30];
	vm2 =	vge.f32 v53, v61;
	vm1 =	vge.f32 v44, v34;
	(xrf0) =	vmax.scan.msk.f32 $0xffff, v30;
	v15 =	vbroadcast v62, $0xF  }
0x9a: {  	v17 =	vsel vm2, v54, v17;
	v47 =	vld [tilespmem:s5+$0x10];
	(xrf2) =	vadd.scan.msk.f32 $0xffff, v13;
	v19 =	vsel vm1, v44, v34;
	v46 =	vsel vm1, v45, v55  }
0x9b: {  	[tilespmem:s31+$0xA0] =	vst v5;
	v33 =	vsel vm2, v53, v61;
	v48 =	vld [tilespmem:s5+$0xA0];
	(xrf1) =	vsort.dscd.msk.f32 $0xffff, v19, v46;
	v15 =	vsub.f32 v57, v15  }
0x9c: {  	v51 =	vperm.xlane v29, v4;
	[tilespmem:s31+$0xB0] =	vst v5;
	(xrf1) =	vsort.dscd.msk.f32 $0xffff, v33, v17;
	v17 =	vperm.xlane v22, v4;
	v22 =	vld [tilespmem:s5+$0x0];
	v49, v50, _ =	vpop (xrf1)  }
0x9d: {  	[tilespmem:s31+$0xFFFFFF80] =	vst v5;
	v53 =	vld [tilespmem:s5+$0xFFFFFF10];
	vm1 =	vge.f32 v41, v27;
	(xrf1) =	vsort.dscd.msk.f32 $0xffff, v31, v3;
	v52, _, _ =	vpop (xrf0);
	v15 =	vmul.f32 $1.442695020e+00, v15  }
0x9e: {  	s17 =	simm.s32 $0x0;
	v19 =	vperm.xlane v23, v4;
	v23 =	vand.u32 $0xFFFFFF80, v8;
	v29 =	vsel vm1, v41, v27;
	v27 =	vld [tilespmem:s5+$0x20];
	(xrf1) =	vsort.dscd.msk.f32 $0xffff, v63, v1;
	v56, v55, _ =	vpop (xrf1)  }
0x9f: {  	v23 =	vadd.s32 s17, v23;
	v31 =	vand.u32 $0x7F, v8;
	(xrf1) =	vsort.dscd.msk.f32 $0xffff, v47, v3;
	v54, _, _ =	vpop (xrf0);
	(erf) = vpow2.f32 v15  }
0xa0: {  	(xrf1) =	vsort.dscd.msk.f32 $0xffff, v48, v0;
	v38 =	vbroadcast v54, $0xF;
	v15 =	vor.u32 v31, v23;
	v31 =	vperm.xlane v56, v4  }
0xa1: {  	[tilespmem:s31+$0xFFFFFF90] =	vst v5;
	v35 =	vsel vm1, v42, v51;
	v59 =	vperm.xlane v55, v4;
	(xrf1) =	vsort.dscd.msk.f32 $0xffff, v22, v2  }
0xa2: {  	[tilespmem:s31+$0xFFFFFFA0] =	vst v5;
	v57, _, _ =	vpop (xrf2);
	v23 =	vld [tilespmem:s5+$0x30];
	(xrf1) =	vsort.dscd.msk.f32 $0xffff, v53, v3;
	v30 =	vsub.f32 v30, v38;
	vm2 =	vge.f32 v49, v31  }
0xa3: {  	v58 =	vld [tilespmem:s5+$0xB0];
	v41, v43, _ =	vpop (xrf1);
	v22 =	vbroadcast v40, $0xF;
	(xrf1) =	vsort.dscd.msk.f32 $0xffff, v27, v0;
	v33 =	vsel vm2, v50, v59;
	v31 =	vsel vm2, v49, v31  }
0xa4: {  	v60 =	vld [tilespmem:s5+$0xFFFFFF00];
	vm1 =	vge.f32 v16, v19;
	v63, v62, _ =	vpop (xrf1);
	v61 =	vmul.f32 $1.442695020e+00, v30;
	(xrf1) =	vsort.dscd.msk.f32 $0xffff, v31, v33;
	v31 =	vbroadcast v52, $0xF  }
0xa5: {  	[tilespmem:s31+$0xFFFFFFB0] =	vst v5;
	v36 =	vsel vm1, v28, v17;
	v28 =	vld [tilespmem:s5+$0xFFFFFF80];
	v38, _, _ =	vpop (xrf2)  }
0xa6: {  	s23 =	simm.s32 $0x380;
	[tilespmem:s31+$0xFFFFFF00] =	vst v5;
	v17 =	vand.u32 $0xFFFFFF80, v10;
	v54, v45, _ =	vpop (xrf1);
	(erf) = vpow2.f32 v61  }
0xa7: {  	s24 =	simm.s32 $0x80;
	v27 =	vsub.f32 v18, v22;
	v18 =	vadd.s32 s23, v17;
	v17 =	vand.u32 $0xFFFFFF80, v11;
	(xrf1) =	vsort.dscd.msk.f32 $0xffff, v23, v1;
	v22, v56, _ =	vpop (xrf1)  }
0xa8: {  	[tilespmem:s31+$0xFFFFFF10] =	vst v5;
	v51 =	vsel vm1, v16, v19;
	v55 =	vld [tilespmem:s5+$0xFFFFFF20];
	v17 =	vadd.s32 s24, v17;
	(xrf1) =	vsort.dscd.msk.f32 $0xffff, v58, v1;
	v58 =	vpop (erf)  }
0xa9: {  	v30 =	vbroadcast v57, $0xF;
	v57 =	vld [tilespmem:s5+$0xFFFFFFB0];
	v23 =	vand.u32 $0x7F, v11;
	v19 =	vsub.f32 v37, v31;
	(xrf1) =	vsort.dscd.msk.f32 $0xffff, v60, v2;
	v32, v31, _ =	vpop (xrf1)  }
0xaa: {  	[tilespmem:s31+$0xFFFFFF20] =	vst v5;
	v59 =	vperm.xlane v63, v4;
	v17 =	vor.u32 v23, v17;
	v23 =	vld [tilespmem:s5+$0x90];
	(xrf1) =	vsort.dscd.msk.f32 $0xffff, v28, v2;
	v28, v61, _ =	vpop (xrf1)  }
0xab: {  	[tilespmem:s31+$0xFFFFFF30] =	vst v5;
	v62 =	vperm.xlane v62, v4;
	v50, v63, _ =	vpop (xrf1)  }
0xac: {  	[tilespmem:s31+$0x0] =	vst v5;
	vm1 =	vge.f32 v54, v59;
	v42, v46, _ =	vpop (xrf1)  }
0xad: {  	[tilespmem:s31+$0x10] =	vst v5;
	v33 =	vbroadcast v38, $0xF;
	v38 =	vsel vm1, v45, v62;
	(xrf1) =	vsort.dscd.msk.f32 $0xffff, v55, v0;
	v45, v52, _ =	vpop (xrf1)  }
0xae: {  	[tilespmem:s31+$0x20] =	vst v5;
	v39 =	vsel vm1, v54, v59;
	v19 =	vmul.f32 $1.442695020e+00, v19;
	(xrf1) =	vsort.dscd.msk.f32 $0xffff, v57, v1;
	v47, v54, _ =	vpop (xrf1)  }
0xaf: {  	s28 =	simm.s32 $0x8700;
	[tilespmem:s31+$0x30] =	vst v5;
	v27 =	vmul.f32 $1.442695020e+00, v27;
	(xrf1) =	vsort.dscd.msk.f32 $0xffff, v23, v3;
	v23 =	vpop (erf)  }
0xb0: {  	[tilespmem:s28+$0xFFFFFF00] =	vst v5;
	(erf) = vpow2.f32 v19;
	v23 =	vnsel vm0, $0x0, v23  }
0xb1: {  	[tilespmem:s28+$0xFFFFFF10] =	vst v5;
	v60 =	vld [tilespmem:s5+$0x80];
	v28 =	vperm.xlane v28, v4;
	(erf) = vpow2.f32 v27;
	(xrf2) =	vadd.scan.msk.f32 $0xffff, v23  }
0xb2: {  	[tilespmem:s28+$0xFFFFFF20] =	vst v5  }
0xb3: {  	v48 =	vld [tilespmem:s5+$0xFFFFFFA0];
	v40 =	vperm.xlane v20, v4;
	[tilespmem:s28+$0xFFFFFF80] =	vst v5;
	v19 =	vnsel vm0, $0x0, v58;
	vm1 =	vge.f32 v41, v28;
	v57, v58, _ =	vpop (xrf1)  }
0xb4: {  	[tilespmem:s28+$0xFFFFFF90] =	vst v5;
	v49 =	vperm.xlane v61, v4;
	v28 =	vsel vm1, v41, v28;
	(xrf1) =	vsort.dscd.msk.f32 $0xffff, v39, v38;
	v39, v41, _ =	vpop (xrf1)  }
0xb5: {  	[tilespmem:s28+$0xFFFFFFA0] =	vst v5;
	v44, v59, _ =	vpop (xrf1)  }
0xb6: {  	[tilespmem:s28+$0xFFFFFFB0] =	vst v5;
	v38 =	vsel vm1, v43, v49;
	vm1 =	vge.f32 v24, v40;
	(xrf1) =	vsort.dscd.msk.f32 $0xffff, v60, v2;
	v60, v20, _ =	vpop (xrf1)  }
0xb7: {  	[tilespmem:s28+$0x80] =	vst v5;
	v25 =	vsel vm1, v24, v40;
	v61, v62, _ =	vpop (xrf1)  }
0xb8: {  	[tilespmem:s28+$0x90] =	vst v5;
	v49 =	vperm.xlane v50, v4;
	v26 =	vsel vm1, v21, v26;
	(xrf1) =	vsort.dscd.msk.f32 $0xffff, v28, v38;
	v53, v50, _ =	vpop (xrf1)  }
0xb9: {  	[tilespmem:s28+$0xA0] =	vst v5;
	v38 =	vperm.xlane v39, v4;
	v21 =	vpop (erf);
	(xrf1) =	vsort.dscd.msk.f32 $0xffff, v48, v0;
	v39 =	vperm.xlane v53, v4  }
0xba: {  	v34 =	vperm.xlane v56, v4;
	[tilespmem:s28+$0xB0] =	vst v5;
	v56 =	vand.u32 $0x7F, v7;
	(xrf1) =	vsort.dscd.msk.f32 $0xffff, v25, v26;
	v25 =	vpop (erf)  }
0xbb: {  	v43 =	vperm.xlane v50, v4;
	(xrf1) =	vsort.dscd.msk.f32 $0xffff, v29, v35;
	vm2 =	vge.f32 v47, v39;
	v29 =	vnsel vm0, $0x0, v25;
	v25, _, _ =	vpop (xrf2)  }
0xbc: {  	v55 =	vperm.xlane v63, v4;
	v48 =	vsel vm2, v47, v39;
	v39 =	vbroadcast v25, $0xF;
	v25 =	vld [tilespmem:$0x1FFC0]  }
0xbd: {  	v37 =	vperm.xlane v42, v4;
	v42 =	vperm.xlane v46, v4;
	v27 =	vor.u32 s26, v2;
	(xrf2) =	vadd.scan.msk.f32 $0xffff, v19;
	v46, v50, _ =	vpop (xrf1)  }
0xbe: {  	s26 =	simm.s32 $0x200;
	v41 =	vperm.xlane v41, v4;
	v28 =	vand.u32 $0xFFFFFF80, v20;
	v40 =	vand.u32 $0x7F, v20;
	v53, v24, _ =	vpop (xrf1)  }
0xbf: {  	(xrf0) =	vmax.scan.msk.f32 $0xffff, v60;
	v63 =	vadd.s32 s26, v28;
	vm1 =	vge.f32 v46, v38;
	v54 =	vsel vm2, v54, v43;
	v43, v47, _ =	vpop (xrf1)  }
0xc0: {  	v46 =	vsel vm1, v46, v38;
	v28 =	vsel vm1, v50, v41;
	vm1 =	vge.f32 v53, v49;
	v38, v26, _ =	vpop (xrf1)  }
0xc1: {  	v35 =	vor.u32 v56, v25;
	v56 =	vperm.xlane v26, v4;
	v26 =	vperm.xlane v62, v4  }
0xc2: {  	v50 =	vsel vm1, v24, v55;
	v55 =	vperm.xlane v61, v4  }
0xc3: {  	v49 =	vsel vm1, v53, v49;
	v53 =	vperm.xlane v45, v4  }
0xc4: {  	v16 =	vand.u32 $0xFFFFFF80, v9;
	v24 =	vor.u32 v40, v63;
	(xrf2) =	vadd.scan.msk.f32 $0xffff, v29;
	vm2 =	vge.f32 v44, v55;
	v40, v25, _ =	vpop (xrf1)  }
0xc5: {  	v61 =	vperm.xlane v52, v4;
	vm3 =	vge.f32 v57, v53;
	v52 =	vsel vm2, v59, v26;
	v26, _, _ =	vpop (xrf0)  }
0xc6: {  	s18 =	simm.s32 $0x300;
	(xrf1) =	vsort.dscd.msk.f32 $0xffff, v51, v36;
	v59 =	vperm.xlane v40, v4;
	v40 =	vbroadcast v26, $0xF;
	v26 =	vsel vm3, v57, v53  }
0xc7: {  	v16 =	vadd.s32 s18, v16;
	(erf) = vrcp.f32 v30;
	[tilespmem:s28+$0xFFFFFF30] =	vst v5;
	v63, _, _ =	vpop (xrf2)  }
0xc8: {  	v21 =	vnsel vm0, $0x0, v21;
	v36 =	vand.u32 $0x7F, v6;
	[tilespmem:s28+$0x0] =	vst v5;
	v41 =	vperm.xlane v25, v4;
	v51, v25, _ =	vpop (xrf1)  }
0xc9: {  	vm1 =	vge.f32 v43, v37;
	[tilespmem:s28+$0x10] =	vst v5;
	v61 =	vsel vm3, v58, v61;
	v62, v45, _ =	vpop (xrf1);
	(xrf0) =	vmax.scan.msk.f32 $0xffff, v51  }
0xca: {  	s30 =	simm.s32 $0x900;
	v30 =	vbroadcast v63, $0xF;
	(erf) = vrcp.f32 v39;
	vm3 =	vge.f32 v62, v59;
	(xrf1) =	vsort.dscd.msk.f32 $0xffff, v26, v61;
	v53, v26, _ =	vpop (xrf1)  }
0xcb: {  	s3 =	simm.s32 $0xC;
	s4 =	simm.s32 $0x8;
	s5 =	simm.s32 $0x10;
	v57 =	vperm.xlane v38, v4;
	v58 =	vsel vm3, v62, v59;
	v40 =	vsub.f32 v60, v40;
	(xrf0) =	vmax.scan.msk.f32 $0xffff, v53  }
.LBB2_2:
0xcc: {  	v39 =	vsel vm1, v47, v42;
	v38 =	vsel vm3, v45, v41;
	v45, v60, _ =	vpop (xrf1);
	(xrf1) =	vsort.dscd.msk.f32 $0xffff, v48, v54  }
0xcd: {  	v59 =	vld [tilespmem:s30+$0xFFFFFF30];
	p0 =	slt.u32 s5, $0x3C;
	v54 =	vand.u32 $0xFFFFFF80, v25;
	v42 =	vmovc v34;
	v47 =	vmovc v32;
	v48 =	vmov v31;
	v41 =	vmov v46;
	s6 =	smov.u32 s5;
	s5 =	sadd.s32 $0x4, s5  }
0xce: {  	v32 =	vsel vm2, v44, v55;
	s8 =	sshll.u32 s4, $0x7;
	s4 =	smov.u32 s3;
	v31 =	vld [tilespmem:s30+$0x0];
	vm3 =	vge.f32 v45, v57;
	(xrf2) =	vadd.scan.msk.f32 $0xffff, v21;
	v34, _, _ =	vpop (xrf2);
	(erf) = vrcp.f32 v33;
	s3 =	smov.u32 s6  }
0xcf: {  	s6 =	sadd.s32 $0x180, s8;
	v33 =	vld [tilespmem:s30+$0xFFFFFF90];
	v44 =	vsel vm3, v45, v57;
	v45 =	vsel vm3, v60, v56;
	(xrf1) =	vsort.dscd.msk.f32 $0xffff, v58, v38;
	v46, v55, _ =	vpop (xrf1);
	v34 =	vbroadcast v34, $0xF  }
0xd0: {  	s7 =	sadd.s32 $0x80, s26;
	v38 =	vadd.s32 s6, v54;
	v56 =	vld [tilespmem:s30+$0xA0];
	v54, _, _ =	vpop (xrf0);
	v57 =	vand.u32 $0xFFFFFF80, v55;
	v58 =	vand.u32 $0x7F, v55;
	(xrf0) =	vmax.scan.msk.f32 $0xffff, v46  }
0xd1: {  	v60 =	vld [tilespmem:s30+$0x30];
	(xrf1) =	vsort.dscd.msk.f32 $0xffff, v44, v45;
	v44 =	vbroadcast v54, $0xF;
	v54, v61, _ =	vpop (xrf1);
	v57 =	vadd.s32 s7, v57;
	(erf) = vrcp.f32 v34  }
0xd2: {  	s9 =	sadd.s32 $0x100, s8;
	v45 =	vsel vm1, v43, v37;
	v37 =	vand.u32 $0xFFFFFF80, v26;
	v34 =	vld [tilespmem:s30+$0x10];
	[tilespmem:s28+$0x20] =	vst v5;
	v43, _, _ =	vpop (xrf0);
	v57 =	vor.u32 v58, v57  }
0xd3: {  	v37 =	vadd.s32 s9, v37;
	v58 =	vld [tilespmem:s30+$0xFFFFFF00];
	(xrf1) =	vsort.dscd.msk.f32 $0xffff, v49, v50;
	v43 =	vbroadcast v43, $0xF;
	v62 =	vsub.f32 v51, v44;
	v49 =	vpop (erf)  }
0xd4: {  	v36 =	vor.u32 v36, v12;
	v50 =	vld [tilespmem:s30+$0xB0];
	[tilespmem:s28+$0x30] =	vst v5;
	(xrf1) =	vsort.dscd.msk.f32 $0xffff, v32, v52;
	v32, v51, _ =	vpop (xrf1);
	v12 =	vmul.f32 v49, v14  }
0xd5: {  	v14 =	vld [tilespmem:s30+$0x20];
	(xrf1) =	vsort.dscd.msk.f32 $0xffff, v33, v3;
	v32 =	vperm.xlane v32, v4;
	v63 =	vsub.f32 v53, v43;
	v43 =	vmul.f32 $1.442695020e+00, v62;
	v44 =	vpop (erf)  }
0xd6: {  	v51 =	vperm.xlane v51, v4;
	v53 =	vor.u32 s17, v2;
	s17 =	smov.u32 s26;
	s26 =	smov.u32 s8;
	v49 =	vld [tilespmem:s30+$0xFFFFFF10];
	(xrf1) =	vsort.dscd.msk.f32 $0xffff, v59, v1;
	v52, _, _ =	vpop (xrf0);
	[tilespmem:v35+s20+$0x0] =	vst.idx.msk $0xff, v12  }
0xd7: {  	v59 =	vld [tilespmem:s30+$0xFFFFFFB0];
	(xrf1) =	vsort.dscd.msk.f32 $0xffff, v34, v3;
	vm1 =	vge.f32 v54, v32;
	(erf) = vpow2.f32 v43;
	v12 =	vbroadcast v52, $0xF;
	v34 =	vpop (erf)  }
0xd8: {  	(xrf1) =	vsort.dscd.msk.f32 $0xffff, v56, v0  }
0xd9: {  	v52 =	vmul.f32 $1.442695020e+00, v63;
	v43 =	vld [tilespmem:s30+$0xFFFFFF80];
	v51 =	vsel vm1, v61, v51;
	v33, _, _ =	vpop (xrf2);
	[tilespmem:v27+s21+$0x0] =	vst.idx.msk $0xff, v7;
	v7 =	vsub.f32 v46, v12  }
0xda: {  	v62 =	vmul.f32 v44, v23;
	v44 =	vor.u32 s16, v2;
	v35 =	vld [tilespmem:s30+$0xFFFFFFA0];
	v27, v56, _ =	vpop (xrf1);
	v33 =	vbroadcast v33, $0xF  }
0xdb: {  	s16 =	smov.u32 s18;
	s18 =	smov.u32 s9;
	v13 =	vmul.f32 v34, v13;
	v23 =	vld [tilespmem:s30+$0xFFFFFF20];
	(xrf1) =	vsort.dscd.msk.f32 $0xffff, v31, v2;
	v31 =	vor.u32 s24, v2;
	v34 =	vpop (erf);
	s24 =	smov.u32 s7;
	v7 =	vmul.f32 $1.442695020e+00, v7  }
0xdc: {  	v32 =	vsel vm1, v54, v32;
	v46 =	vld [tilespmem:s30+$0x90];
	(xrf1) =	vsort.dscd.msk.f32 $0xffff, v49, v3;
	v49, v61, _ =	vpop (xrf1);
	v29 =	vmul.f32 v34, v29  }
0xdd: {  	v12 =	vmovc v16;
	v16 =	vmov v37;
	(xrf1) =	vsort.dscd.msk.f32 $0xffff, v14, v0;
	[tilespmem:v17+s20+$0x0] =	vst.idx.msk $0xff, v62;
	v17 =	vmov v57  }
0xde: {  	v37 =	vperm.xlane v49, v4;
	v14 =	vmov v19;
	v49, v54, _ =	vpop (xrf1);
	(xrf1) =	vsort.dscd.msk.f32 $0xffff, v32, v51;
	[tilespmem:v15+s20+$0x0] =	vst.idx.msk $0xff, v29  }
0xdf: {  	v15 =	vperm.xlane v61, v4;
	(xrf1) =	vsort.dscd.msk.f32 $0xffff, v60, v1;
	(erf) = vpow2.f32 v7;
	[tilespmem:v36+s20+$0x0] =	vst.idx.msk $0xff, v13  }
0xe0: {  	vm1 =	vge.f32 v49, v37;
	v29 =	vld [tilespmem:s30+$0x80];
	(xrf1) =	vsort.dscd.msk.f32 $0xffff, v50, v1;
	[tilespmem:v31+s21+$0x0] =	vst.idx.msk $0xff, v11;
	v11 =	vmov v55;
	v36, v7, _ =	vpop (xrf1)  }
0xe1: {  	v13 =	vmov v21;
	v37 =	vsel vm1, v49, v37;
	v34 =	vperm.xlane v7, v4;
	v7 =	vpop (erf);
	[tilespmem:v44+s21+$0x0] =	vst.idx.msk $0xff, v6  }
0xe2: {  	s28 =	sadd.s32 $0x200, s28;
	v21 =	vsel vm1, v54, v15;
	(xrf1) =	vsort.dscd.msk.f32 $0xffff, v58, v2;
	v32, v31, _ =	vpop (xrf1);
	v19 =	vnsel vm0, $0x0, v7;
	[tilespmem:v53+s21+$0x0] =	vst.idx.msk $0xff, v8  }
0xe3: {  	v15 =	vmov v24;
	v8 =	vmov v20;
	[tilespmem:s28+$0x80] =	vst v5;
	(xrf1) =	vsort.dscd.msk.f32 $0xffff, v43, v2;
	v6, v43, _ =	vpop (xrf1)  }
0xe4: {  	v7 =	vmov v10;
	v10 =	vmov v25;
	[tilespmem:s28+$0x90] =	vst v5;
	v20, v24, _ =	vpop (xrf1);
	v44 =	vperm.xlane v6, v4  }
0xe5: {  	v54 =	vperm.xlane v43, v4;
	v6 =	vmov v9;
	[tilespmem:s28+$0xA0] =	vst v5;
	(xrf1) =	vsort.dscd.msk.f32 $0xffff, v23, v0;
	v25, v49, _ =	vpop (xrf1)  }
0xe6: {  	v9 =	vmov v26;
	[tilespmem:s28+$0xB0] =	vst v5;
	v51, v53, _ =	vpop (xrf1);
	vm1 =	vge.f32 v27, v44;
	(erf) = vpow2.f32 v52  }
0xe7: {  	(xrf1) =	vsort.dscd.msk.f32 $0xffff, v59, v1;
	v26, v43, _ =	vpop (xrf1);
	v50 =	vsel vm1, v27, v44;
	v52 =	vsel vm1, v56, v54;
	v27 =	vmul.f32 $1.442695020e+00, v40  }
0xe8: {  	[tilespmem:s28+$0xFFFFFF80] =	vst v5;
	(xrf1) =	vsort.dscd.msk.f32 $0xffff, v46, v3;
	v23 =	vpop (erf)  }
0xe9: {  	[tilespmem:s28+$0xFFFFFF90] =	vst v5;
	v40, v57, _ =	vpop (xrf1);
	(xrf1) =	vsort.dscd.msk.f32 $0xffff, v37, v21;
	v23 =	vnsel vm0, $0x0, v23;
	(erf) = vpow2.f32 v27  }
0xea: {  	v24 =	vperm.xlane v24, v4;
	v55 =	vperm.xlane v20, v4;
	[tilespmem:s28+$0xFFFFFFA0] =	vst v5;
	v21, v46, _ =	vpop (xrf1);
	(xrf2) =	vadd.scan.msk.f32 $0xffff, v23  }
0xeb: {  	v56 =	vand.u32 $0x7F, v7;
	[tilespmem:s28+$0xFFFFFFB0] =	vst v5;
	v44, v58, _ =	vpop (xrf1);
	(xrf1) =	vsort.dscd.msk.f32 $0xffff, v29, v2;
	v29 =	vperm.xlane v22, v4  }
0xec: {  	v53 =	vperm.xlane v53, v4;
	v27 =	vor.u32 s23, v2;
	s23 =	smov.u32 s6;
	v22 =	vmov v36;
	[tilespmem:s28+$0xFFFFFF00] =	vst v5;
	v59, v20, _ =	vpop (xrf1)  }
0xed: {  	v37 =	vperm.xlane v25, v4;
	v25, v36, _ =	vpop (xrf1);
	(xrf1) =	vsort.dscd.msk.f32 $0xffff, v50, v52;
	v50 =	vand.u32 $0xFFFFFF80, v20;
	vm1 =	vge.f32 v47, v29  }
0xee: {  	v52 =	vperm.xlane v21, v4;
	[tilespmem:s28+$0xFFFFFF10] =	vst v5;
	v21, v54, _ =	vpop (xrf1);
	v29 =	vsel vm1, v47, v29;
	v47 =	vsel vm1, v48, v42  }
0xef: {  	v42 =	vperm.xlane v49, v4;
	v48 =	vperm.xlane v21, v4;
	(xrf1) =	vsort.dscd.msk.f32 $0xffff, v35, v0;
	v35 =	vand.u32 $0x7F, v20;
	v21 =	vpop (erf)  }
0xf0: {  	v49 =	vperm.xlane v46, v4;
	v61 =	vadd.s32 s26, v50;
	v54 =	vperm.xlane v54, v4;
	v46, v60, _ =	vpop (xrf1);
	(xrf2) =	vadd.scan.msk.f32 $0xffff, v19  }
0xf1: {  	v21 =	vnsel vm0, $0x0, v21;
	vm1 =	vge.f32 v46, v52;
	vm2 =	vge.f32 v26, v48;
	v50, v62, _ =	vpop (xrf1);
	(xrf1) =	vsort.dscd.msk.f32 $0xffff, v29, v47  }
0xf2: {  	v46 =	vsel vm1, v46, v52;
	v48 =	vsel vm2, v26, v48;
	v54 =	vsel vm2, v43, v54;
	(xrf0) =	vmax.scan.msk.f32 $0xffff, v59;
	v26 =	vpop (erf)  }
0xf3: {  	vm2 =	vge.f32 v50, v55;
	v43, v47, _ =	vpop (xrf1);
	(xrf1) =	vsort.dscd.msk.f32 $0xffff, v41, v28;
	v28 =	vsel vm1, v60, v49;
	v29 =	vnsel vm0, $0x0, v26  }
0xf4: {  	v49 =	vsel vm2, v50, v55;
	v50 =	vsel vm2, v62, v24;
	v24 =	vor.u32 v35, v61;
	(xrf2) =	vadd.scan.msk.f32 $0xffff, v29;
	v26, _, _ =	vpop (xrf2)  }
0xf5: {  	v55 =	vperm.xlane v25, v4;
	v35 =	vor.u32 v56, v18;
	[tilespmem:s28+$0xFFFFFF20] =	vst v5;
	v60, v25, _ =	vpop (xrf1);
	v61 =	vbroadcast v26, $0xF  }
0xf6: {  	v63 =	vperm.xlane v36, v4;
	v36 =	vand.u32 $0x7F, v6;
	v56 =	vperm.xlane v25, v4;
	v26, v25, _ =	vpop (xrf1);
	(xrf1) =	vsort.dscd.msk.f32 $0xffff, v45, v39  }
0xf7: {  	vm2 =	vge.f32 v44, v55;
	v39 =	vperm.xlane v51, v4;
	[tilespmem:s28+$0xFFFFFF30] =	vst v5;
	v41 =	vperm.xlane v25, v4;
	v51, v25, _ =	vpop (xrf1)  }
.Ltmp0:
0xf8: {  	vm1 =	vge.f32 v43, v37;
	v52 =	vsel vm2, v58, v63;
	[tilespmem:s28+$0x0] =	vst v5;
	v18, _, _ =	vpop (xrf0);
	(pc) =	sbr.rel @p0 .LBB2_2-.Ltmp0, $4  }
0xf9: {  	v58 =	vperm.xlane v26, v4;
	vm3 =	vge.f32 v40, v39;
	[tilespmem:s28+$0x10] =	vst v5;
	v62, v45, _ =	vpop (xrf1);
	v63 =	vbroadcast v18, $0xF  }
0xfa: {  	v40 =	vsel vm3, v40, v39;
	v39 =	vsel vm3, v57, v53;
	(xrf0) =	vmax.scan.msk.f32 $0xffff, v51;
	v57, _, _ =	vpop (xrf2);
	(erf) = vrcp.f32 v30  }
0xfb: {  	vm3 =	vge.f32 v62, v58;
	(xrf1) =	vsort.dscd.msk.f32 $0xffff, v40, v39;
	v53, v26, _ =	vpop (xrf1);
	v40 =	vsub.f32 v59, v63;
	v30 =	vbroadcast v57, $0xF  }
0xfc: {  	s30 =	sadd.s32 $0x200, s30;
	v18 =	vmovc v38;
	v57 =	vperm.xlane v60, v4;
	v58 =	vsel vm3, v62, v58;
	(xrf0) =	vmax.scan.msk.f32 $0xffff, v53;
	(erf) = vrcp.f32 v61  }
0xfd: {  	_ = 	snop  }
0xfe: {  	v39, v59, _ =	vpop (xrf1);
	(xrf1) =	vsort.dscd.msk.f32 $0xffff, v48, v54;
	v41 =	vsel vm3, v45, v41  }
0xff: {  	vm3 =	vge.f32 v39, v57;
	(xrf1) =	vsort.dscd.msk.f32 $0xffff, v58, v41;
	v45, v38, _ =	vpop (xrf1)  }
0x100: {  	v39 =	vsel vm3, v39, v57;
	v62 =	vsel vm3, v59, v56;
	(xrf0) =	vmax.scan.msk.f32 $0xffff, v45  }
0x101: {  	v61, _, _ =	vpop (xrf2);
	(xrf1) =	vsort.dscd.msk.f32 $0xffff, v39, v62  }
0x102: {  	v44 =	vsel vm2, v44, v55;
	v41, _, _ =	vpop (xrf0);
	(xrf1) =	vsort.dscd.msk.f32 $0xffff, v49, v50  }
0x103: {  	v63, v57, _ =	vpop (xrf1);
	(xrf1) =	vsort.dscd.msk.f32 $0xffff, v44, v52  }
0x104: {  	v48 =	vbroadcast v61, $0xF;
	v41 =	vbroadcast v41, $0xF;
	v59, _, _ =	vpop (xrf0)  }
0x105: {  	(erf) = vrcp.f32 v33;
	v61, v60, _ =	vpop (xrf1)  }
0x106: {  	(erf) = vrcp.f32 v48;
	v41 =	vsub.f32 v51, v41;
	v44 =	vperm.xlane v61, v4;
	v62, _, _ =	vpop (xrf0)  }
0x107: {  	v48 =	vperm.xlane v60, v4;
	v49 =	vbroadcast v62, $0xF  }
0x108: {  	[tilespmem:s28+$0x20] =	vst v5;
	v41 =	vmul.f32 $1.442695020e+00, v41;
	vm2 =	vge.f32 v63, v44  }
0x109: {  	(xrf2) =	vadd.scan.msk.f32 $0xffff, v21;
	v48 =	vsel vm2, v57, v48;
	v44 =	vsel vm2, v63, v44;
	v45 =	vsub.f32 v45, v49  }
0x10a: {  	[tilespmem:s28+$0x30] =	vst v5;
	v39 =	vpop (erf);
	v33 =	vbroadcast v59, $0xF;
	(xrf1) =	vsort.dscd.msk.f32 $0xffff, v44, v48  }
0x10b: {  	(erf) = vpow2.f32 v41;
	v45 =	vmul.f32 $1.442695020e+00, v45  }
0x10c: {  	v33 =	vsub.f32 v53, v33;
	v41, v49, _ =	vpop (xrf1)  }
0x10d: {  	v44, v48, _ =	vpop (xrf1);
	(erf) = vpow2.f32 v45  }
0x10e: {  	v33 =	vmul.f32 $1.442695020e+00, v33;
	v59, v63, _ =	vpop (xrf1)  }
0x10f: {  	v40 =	vmul.f32 $1.442695020e+00, v40;
	v44 =	vperm.xlane v44, v4;
	v51, v52, _ =	vpop (xrf1)  }
0x110: {  	v48 =	vperm.xlane v48, v4;
	(erf) = vpow2.f32 v33;
	v53, v54, _ =	vpop (xrf1)  }
0x111: {  	(erf) = vpow2.f32 v40;
	vm2 =	vge.f32 v59, v44;
	v61, v60, _ =	vpop (xrf1)  }
0x112: {  	v45 =	vpop (erf);
	v55 =	vsel vm2, v59, v44;
	v62 =	vsel vm2, v63, v48;
	v63 =	vperm.xlane v61, v4  }
0x113: {  	v22 =	vperm.xlane v22, v4;
	v44 =	vpop (erf);
	v56 =	vperm.xlane v60, v4;
	(xrf1) =	vsort.dscd.msk.f32 $0xffff, v55, v62  }
0x114: {  	v48 =	vpop (erf);
	vm2 =	vge.f32 v41, v63  }
0x115: {  	v57 =	vpop (erf);
	v41 =	vsel vm2, v41, v63;
	v40 =	vsel vm2, v49, v56;
	vm2 =	vge.f32 v32, v22  }
0x116: {  	v58 =	vpop (erf);
	(xrf1) =	vsort.dscd.msk.f32 $0xffff, v41, v40;
	v22 =	vsel vm2, v32, v22;
	v31 =	vsel vm2, v31, v34  }
0x117: {  	v34 =	vnsel vm0, $0x0, v58;
	(xrf1) =	vsort.dscd.msk.f32 $0xffff, v22, v31  }
0x118: {  	(xrf2) =	vadd.scan.msk.f32 $0xffff, v34  }
0x119: {  	v33 =	vnsel vm0, $0x0, v57;
	v49 =	vpop (erf);
	(xrf1) =	vsort.dscd.msk.f32 $0xffff, v46, v28  }
0x11a: {  	v59 =	vsel vm1, v43, v37;
	v31 =	vsel vm1, v47, v42;
	v60 =	vpop (erf);
	(xrf2) =	vadd.scan.msk.f32 $0xffff, v33  }
0x11b: {  	(xrf1) =	vsort.dscd.msk.f32 $0xffff, v59, v31;
	v41, v22, _ =	vpop (xrf1)  }
0x11c: {  	v40 =	vnsel vm0, $0x0, v60;
	(xrf0) =	vmax.scan.msk.f32 $0xffff, v41  }
0x11d: {  	(xrf2) =	vadd.scan.msk.f32 $0xffff, v40;
	_ =	sdelay $0x2  }
0x11e: {  	v61, _, _ =	vpop (xrf2)  }
0x11f: {  	v42, v31, _ =	vpop (xrf1)  }
0x120: {  	v63, _, _ =	vpop (xrf0)  }
0x121: {  	(xrf0) =	vmax.scan.msk.f32 $0xffff, v42;
	v62, _, _ =	vpop (xrf2)  }
0x122: {  	v47, v28, _ =	vpop (xrf1)  }
0x123: {  	(xrf0) =	vmax.scan.msk.f32 $0xffff, v47;
	v50, v32, _ =	vpop (xrf1)  }
0x124: {  	v55, _, _ =	vpop (xrf2);
	(xrf0) =	vmax.scan.msk.f32 $0xffff, v50  }
0x125: {  	v37 =	vbroadcast v61, $0xF;
	v43 =	vbroadcast v62, $0xF;
	v56, _, _ =	vpop (xrf2)  }
0x126: {  	(erf) = vrcp.f32 v30;
	v30, v58, _ =	vpop (xrf1)  }
0x127: {  	v52 =	vperm.xlane v52, v4;
	(erf) = vrcp.f32 v43;
	v60, _, _ =	vpop (xrf0)  }
0x128: {  	v46 =	vbroadcast v63, $0xF;
	(erf) = vrcp.f32 v37;
	v62, v61, _ =	vpop (xrf1)  }
0x129: {  	v43 =	vperm.xlane v62, v4;
	v57 =	vbroadcast v60, $0xF;
	v37, _, _ =	vpop (xrf0)  }
0x12a: {  	v56 =	vbroadcast v56, $0xF;
	v59 =	vperm.xlane v61, v4;
	v60, _, _ =	vpop (xrf0)  }
0x12b: {  	vm1 =	vge.f32 v30, v43;
	v42 =	vsub.f32 v42, v57;
	v60 =	vbroadcast v60, $0xF  }
0x12c: {  	v63 =	vsel vm1, v58, v59;
	v30 =	vsel vm1, v30, v43;
	v37 =	vbroadcast v37, $0xF  }
0x12d: {  	(xrf1) =	vsort.dscd.msk.f32 $0xffff, v30, v63;
	v30 =	vperm.xlane v51, v4;
	v42 =	vmul.f32 $1.442695020e+00, v42;
	v59 =	vsub.f32 v50, v60  }
0x12e: {  	v41 =	vsub.f32 v41, v46;
	(erf) = vrcp.f32 v56;
	v37 =	vsub.f32 v47, v37  }
0x12f: {  	vm1 =	vge.f32 v53, v30;
	(erf) = vpow2.f32 v42;
	v43 =	vmul.f32 $1.442695020e+00, v59  }
0x130: {  	v30 =	vsel vm1, v53, v30;
	v60 =	vsel vm1, v54, v52;
	v37 =	vmul.f32 $1.442695020e+00, v37  }
0x131: {  	(xrf1) =	vsort.dscd.msk.f32 $0xffff, v30, v60;
	(erf) = vpow2.f32 v43  }
0x132: {  	v30 =	vmul.f32 $1.442695020e+00, v41;
	(erf) = vpow2.f32 v37;
	_ =	sdelay $0x1  }
0x133: {  	(erf) = vpow2.f32 v30  }
0x134: {  	v43 =	vpop (erf)  }
0x135: {  	v46 =	vpop (erf)  }
0x136: {  	v47 =	vpop (erf)  }
0x137: {  	v50 =	vpop (erf)  }
0x138: {  	v42 =	vnsel vm0, $0x0, v49;
	v61 =	vpop (erf)  }
0x139: {  	(xrf2) =	vadd.scan.msk.f32 $0xffff, v42;
	v30 =	vpop (erf)  }
0x13a: {  	v49 =	vnsel vm0, $0x0, v30;
	v52 =	vpop (erf)  }
0x13b: {  	v41 =	vnsel vm0, $0x0, v61;
	v51, v30, _ =	vpop (xrf1);
	(xrf2) =	vadd.scan.msk.f32 $0xffff, v49  }
0x13c: {  	v62 =	vpop (erf);
	(xrf2) =	vadd.scan.msk.f32 $0xffff, v41  }
0x13d: {  	(xrf0) =	vmax.scan.msk.f32 $0xffff, v51;
	v53 =	vnsel vm0, $0x0, v62  }
0x13e: {  	v54, v37, _ =	vpop (xrf1);
	(xrf2) =	vadd.scan.msk.f32 $0xffff, v53  }
0x13f: {  	(xrf0) =	vmax.scan.msk.f32 $0xffff, v54;
	_ =	sdelay $0x3  }
0x140: {  	v63, _, _ =	vpop (xrf2)  }
0x141: {  	v57, _, _ =	vpop (xrf0)  }
0x142: {  	v55 =	vbroadcast v55, $0xF;
	v60, _, _ =	vpop (xrf0)  }
0x143: {  	v58 =	vbroadcast v60, $0xF;
	v61, _, _ =	vpop (xrf2)  }
0x144: {  	(erf) = vrcp.f32 v55;
	v59 =	vbroadcast v61, $0xF;
	v60, _, _ =	vpop (xrf2)  }
0x145: {  	v56 =	vbroadcast v63, $0xF;
	v57 =	vbroadcast v57, $0xF;
	v54 =	vsub.f32 v54, v58;
	v62, _, _ =	vpop (xrf2)  }
0x146: {  	(erf) = vrcp.f32 v59;
	v55 =	vbroadcast v62, $0xF  }
0x147: {  	v54 =	vmul.f32 $1.442695020e+00, v54;
	(erf) = vrcp.f32 v56  }
0x148: {  	v51 =	vsub.f32 v51, v57;
	(erf) = vrcp.f32 v55  }
0x149: {  	v14 =	vmul.f32 v39, v14;
	(erf) = vpow2.f32 v54  }
0x14a: {  	v12 =	vor.u32 v36, v12;
	v51 =	vmul.f32 $1.442695020e+00, v51  }
0x14b: {  	[tilespmem:v35+s20+$0x0] =	vst.idx.msk $0xff, v14;
	v14 =	vmul.f32 v45, v23;
	v23 =	vor.u32 s24, v2  }
0x14c: {  	(erf) = vpow2.f32 v51  }
0x14d: {  	[tilespmem:v27+s21+$0x0] =	vst.idx.msk $0xff, v7;
	v7 =	vor.u32 s16, v2;
	v13 =	vmul.f32 v44, v13  }
0x14e: {  	[tilespmem:v17+s20+$0x0] =	vst.idx.msk $0xff, v14;
	v51 =	vpop (erf)  }
0x14f: {  	v27 =	vmul.f32 v48, v29;
	[tilespmem:v12+s20+$0x0] =	vst.idx.msk $0xff, v13;
	v54 =	vpop (erf)  }
0x150: {  	v14 =	vand.u32 $0x7F, v10;
	[tilespmem:v23+s21+$0x0] =	vst.idx.msk $0xff, v11;
	v56 =	vpop (erf)  }
0x151: {  	v14 =	vor.u32 v14, v18;
	[tilespmem:v15+s20+$0x0] =	vst.idx.msk $0xff, v27;
	v58 =	vpop (erf)  }
0x152: {  	v12 =	vor.u32 s23, v2;
	[tilespmem:v7+s21+$0x0] =	vst.idx.msk $0xff, v6;
	v13 =	vand.u32 $0xFFFFFF80, v22;
	v61 =	vnsel vm0, $0x0, v52;
	v62 =	vpop (erf)  }
0x153: {  	s4 =	sshll.u32 s4, $0x7;
	s6 =	sadd.s32 $0x80, s26;
	v11 =	vand.u32 $0x7F, v22;
	v57 =	vand.u32 $0xFFFFFF80, v38;
	(xrf2) =	vadd.scan.msk.f32 $0xffff, v61;
	v52 =	vnsel vm0, $0x0, v62  }
0x154: {  	v13 =	vadd.s32 s4, v13;
	v17 =	vadd.s32 s6, v57;
	v59 =	vand.u32 $0x7F, v38;
	(xrf2) =	vadd.scan.msk.f32 $0xffff, v52  }
0x155: {  	v6 =	vor.u32 v11, v13;
	v11 =	vmul.f32 v43, v19;
	v15 =	vor.u32 v59, v17;
	v45 =	vpop (erf)  }
0x156: {  	v7 =	vand.u32 $0x7F, v9;
	v29 =	vnsel vm0, $0x0, v45  }
0x157: {  	v7 =	vor.u32 v7, v16;
	v13 =	vand.u32 $0xFFFFFF80, v32;
	[tilespmem:v14+s20+$0x0] =	vst.idx.msk $0xff, v11;
	(xrf2) =	vadd.scan.msk.f32 $0xffff, v29  }
0x158: {  	s23 =	sadd.s32 $0x80, s4;
	v16 =	vand.u32 $0x7F, v32;
	v11 =	vmul.f32 v46, v34;
	[tilespmem:v12+s21+$0x0] =	vst.idx.msk $0xff, v10;
	v10 =	vor.u32 s18, v2  }
0x159: {  	s5 =	sadd.s32 $0x180, s4;
	v13 =	vadd.s32 s23, v13;
	v21 =	vmul.f32 v47, v21;
	v63 =	vand.u32 $0xFFFFFF80, v25  }
0x15a: {  	v55 =	vadd.s32 s5, v63;
	v63 =	vor.u32 s17, v2;
	[tilespmem:v15+s20+$0x0] =	vst.idx.msk $0xff, v11;
	v11 =	vand.u32 $0x7F, v25  }
0x15b: {  	v18 =	vor.u32 s26, v2;
	v13 =	vor.u32 v16, v13;
	v11 =	vor.u32 v11, v55  }
0x15c: {  	v14 =	vor.u32 s6, v2;
	v12 =	vmul.f32 v50, v40;
	[tilespmem:v7+s20+$0x0] =	vst.idx.msk $0xff, v21;
	v15 =	vbroadcast v60, $0xF  }
0x15d: {  	s7 =	sadd.s32 $0x100, s4;
	v7 =	vor.u32 s5, v2;
	[tilespmem:v10+s21+$0x0] =	vst.idx.msk $0xff, v9;
	v9 =	vand.u32 $0x7F, v26;
	v57 =	vand.u32 $0xFFFFFF80, v26;
	v19, _, _ =	vpop (xrf2)  }
0x15e: {  	[tilespmem:v24+s20+$0x0] =	vst.idx.msk $0xff, v12;
	v17 =	vadd.s32 s7, v57;
	v10 =	vmul.f32 v51, v33;
	(erf) = vrcp.f32 v15;
	v23, _, _ =	vpop (xrf2)  }
0x15f: {  	v9 =	vor.u32 v9, v17;
	[tilespmem:v63+s21+$0x0] =	vst.idx.msk $0xff, v8;
	v19 =	vbroadcast v19, $0xF;
	v12 =	vbroadcast v23, $0xF  }
0x160: {  	s3 =	sshll.u32 s3, $0x7;
	v17 =	vand.u32 $0xFFFFFF80, v37;
	v16 =	vmul.f32 v56, v42;
	[tilespmem:v11+s20+$0x0] =	vst.idx.msk $0xff, v10;
	v10 =	vmul.f32 v54, v49  }
0x161: {  	s24 =	sadd.s32 $0x180, s3;
	v8 =	vand.u32 $0xFFFFFF80, v31;
	[tilespmem:v14+s21+$0x0] =	vst.idx.msk $0xff, v38;
	v14 =	vmul.f32 v58, v53;
	v15, _, _ =	vpop (xrf2);
	(erf) = vrcp.f32 v12  }
0x162: {  	v8 =	vadd.s32 s24, v8;
	[tilespmem:v7+s21+$0x0] =	vst.idx.msk $0xff, v25;
	v12 =	vbroadcast v15, $0xF;
	(erf) = vrcp.f32 v19  }
0x163: {  	s26 =	sadd.s32 $0x80, s3;
	v11 =	vor.u32 s23, v2;
	v7 =	vor.u32 s7, v2;
	[tilespmem:v13+s20+$0x0] =	vst.idx.msk $0xff, v10;
	v10 =	vand.u32 $0x7F, v31  }
0x164: {  	[tilespmem:v6+s20+$0x0] =	vst.idx.msk $0xff, v14;
	v6 =	vor.u32 v10, v8;
	v10 =	vadd.s32 s26, v17;
	(erf) = vrcp.f32 v12  }
0x165: {  	v13 =	vand.u32 $0xFFFFFF80, v30  }
0x166: {  	[tilespmem:v9+s20+$0x0] =	vst.idx.msk $0xff, v16;
	v9 =	vor.u32 s24, v2;
	v8 =	vand.u32 $0x7F, v37;
	v13 =	vadd.s32 s3, v13  }
0x167: {  	s8 =	sadd.s32 $0x100, s3;
	[tilespmem:v18+s21+$0x0] =	vst.idx.msk $0xff, v20;
	v8 =	vor.u32 v8, v10;
	v10 =	vpop (erf);
	v15 =	vor.u32 s4, v2;
	v12 =	vand.u32 $0xFFFFFF80, v28  }
0x168: {  	[tilespmem:v7+s21+$0x0] =	vst.idx.msk $0xff, v26;
	v7 =	vand.u32 $0x7F, v28;
	v10 =	vmul.f32 v10, v41;
	v12 =	vadd.s32 s8, v12  }
0x169: {  	v14 =	vand.u32 $0x7F, v30;
	[tilespmem:v11+s21+$0x0] =	vst.idx.msk $0xff, v32;
	v7 =	vor.u32 v7, v12  }
0x16a: {  	v11 =	vor.u32 v14, v13;
	[tilespmem:v6+s20+$0x0] =	vst.idx.msk $0xff, v10;
	v10 =	vor.u32 s26, v2;
	v13 =	vpop (erf)  }
0x16b: {  	[tilespmem:v9+s21+$0x0] =	vst.idx.msk $0xff, v31;
	v12 =	vpop (erf);
	v6 =	vmul.f32 v13, v52  }
0x16c: {  	v9 =	vor.u32 s8, v2;
	[tilespmem:v15+s21+$0x0] =	vst.idx.msk $0xff, v22;
	v12 =	vmul.f32 v12, v61  }
0x16d: {  	v14 =	vor.u32 s3, v2;
	v13 =	vpop (erf);
	[tilespmem:v8+s20+$0x0] =	vst.idx.msk $0xff, v6  }
0x16e: {  	v13 =	vmul.f32 v13, v29;
	[tilespmem:v7+s20+$0x0] =	vst.idx.msk $0xff, v12  }
0x16f: {  	[tilespmem:v10+s21+$0x0] =	vst.idx.msk $0xff, v37  }
0x170: {  	[tilespmem:v11+s20+$0x0] =	vst.idx.msk $0xff, v13  }
0x171: {  	[tilespmem:v9+s21+$0x0] =	vst.idx.msk $0xff, v28  }
0x172: {  	[tilespmem:v14+s21+$0x0] =	vst.idx.msk $0xff, v30  }
0x173: {  	s31 =	rddreg [dreg:$0x6]  }
0x174: {  	[hbm4b:s31+s1] =	stream.linear.scatter [tilespmem:s20], [sflag:$0x5], $0x2000, $0x38;
	[tilespmem:$0x18000] =	vst v63  }
0x175: {  	s4 =	rddreg [dreg:$0x7]  }
0x176: {  	[hbm4b:s4+s1] =	stream.linear.scatter [tilespmem:s21], [sflag:$0x5], $0x2000, $0x38;
	[tilespmem:$0x18000] =	vst v63  }
0x177: {  	_ =	swait.ge [sflag:s22], $0x2000  }
0x178: {  	[sflag:s22] =	ssyncset.done $0x0  }
0x179: {  	s5 =	simm.s32 $0x21B0;
	[sflag:s22] =	ssyncadd.s32 $0xFFFFE000  }
0x17a: {  	v6 =	vld [tilespmem:s5+$0xFFFFFEE0]  }
0x17b: {  	v7 =	vld [tilespmem:s5+$0xFFFFFE80]  }
0x17c: {  	v8 =	vld [tilespmem:s5+$0xFFFFFF60]  }
0x17d: {  	v9 =	vld [tilespmem:s5+$0xFFFFFFF0]  }
0x17e: {  	v10 =	vld [tilespmem:s5+$0xFFFFFF50]  }
0x17f: {  	(xrf1) =	vsort.dscd.msk.f32 $0xffff, v6, v3;
	v6 =	vld [tilespmem:s5+$0xFFFFFE60]  }
0x180: {  	v11 =	vld [tilespmem:s5+$0xFFFFFF70];
	(xrf1) =	vsort.dscd.msk.f32 $0xffff, v7, v1  }
0x181: {  	v7 =	vld [tilespmem:s5+$0xFFFFFF80];
	(xrf1) =	vsort.dscd.msk.f32 $0xffff, v8, v3  }
0x182: {  	v8 =	vld [tilespmem:s5+$0x0];
	(xrf1) =	vsort.dscd.msk.f32 $0xffff, v9, v0  }
0x183: {  	(xrf1) =	vsort.dscd.msk.f32 $0xffff, v10, v2  }
0x184: {  	v9 =	vld [tilespmem:s5+$0xFFFFFE50];
	(xrf1) =	vsort.dscd.msk.f32 $0xffff, v6, v3  }
0x185: {  	v10 =	vld [tilespmem:s5+$0xFFFFFED0];
	(xrf1) =	vsort.dscd.msk.f32 $0xffff, v11, v0  }
0x186: {  	v6 =	vld [tilespmem:s5+$0xFFFFFE70];
	(xrf1) =	vsort.dscd.msk.f32 $0xffff, v7, v1  }
0x187: {  	v11 =	vld [tilespmem:s5+$0xFFFFFF00];
	(xrf1) =	vsort.dscd.msk.f32 $0xffff, v8, v1  }
0x188: {  	v7 =	vld [tilespmem:s5+$0xFFFFFFE0]  }
0x189: {  	(xrf1) =	vsort.dscd.msk.f32 $0xffff, v9, v2  }
0x18a: {  	v8 =	vld [tilespmem:s5+$0xFFFFFFD0];
	(xrf1) =	vsort.dscd.msk.f32 $0xffff, v10, v2  }
0x18b: {  	(xrf1) =	vsort.dscd.msk.f32 $0xffff, v6, v0;
	v6 =	vld [tilespmem:s5+$0xFFFFFEF0]  }
0x18c: {  	(xrf1) =	vsort.dscd.msk.f32 $0xffff, v11, v1  }
0x18d: {  	(xrf1) =	vsort.dscd.msk.f32 $0xffff, v7, v3;
	v7, v9, _ =	vpop (xrf1)  }
0x18e: {  	v12, v15, _ =	vpop (xrf1)  }
0x18f: {  	(xrf1) =	vsort.dscd.msk.f32 $0xffff, v8, v2;
	v8, v10, _ =	vpop (xrf1)  }
0x190: {  	(xrf1) =	vsort.dscd.msk.f32 $0xffff, v6, v0;
	v11, v13, _ =	vpop (xrf1)  }
0x191: {  	v6, v14, _ =	vpop (xrf1)  }
0x192: {  	v16, v17, _ =	vpop (xrf1)  }
0x193: {  	v18, v19, _ =	vpop (xrf1)  }
0x194: {  	v20, v21, _ =	vpop (xrf1)  }
0x195: {  	v22, v23, _ =	vpop (xrf1)  }
0x196: {  	v7 =	vperm.xlane v7, v4;
	v22 =	vperm.xlane v22, v4  }
0x197: {  	v9 =	vperm.xlane v9, v4;
	v24, v25, _ =	vpop (xrf1);
	v23 =	vperm.xlane v23, v4  }
0x198: {  	v8 =	vperm.xlane v8, v4;
	v10 =	vperm.xlane v10, v4;
	v26, v27, _ =	vpop (xrf1)  }
0x199: {  	v20 =	vperm.xlane v20, v4;
	vm1 =	vge.f32 v11, v22;
	v28, v29, _ =	vpop (xrf1);
	vm2 =	vge.f32 v26, v7  }
0x19a: {  	v11 =	vsel vm1, v11, v22;
	v13 =	vsel vm1, v13, v23;
	vm1 =	vge.f32 v6, v8;
	v22, v30, _ =	vpop (xrf1)  }
0x19b: {  	v7 =	vsel vm2, v26, v7;
	v6 =	vsel vm1, v6, v8;
	v8 =	vsel vm1, v14, v10;
	v23, v26, _ =	vpop (xrf1)  }
0x19c: {  	v14 =	vperm.xlane v21, v4;
	v23 =	vperm.xlane v23, v4  }
0x19d: {  	v10 =	vperm.xlane v22, v4;
	(xrf1) =	vsort.dscd.msk.f32 $0xffff, v6, v8;
	v26 =	vperm.xlane v26, v4;
	v31, v60, _ =	vpop (xrf1)  }
0x19e: {  	v30 =	vperm.xlane v30, v4;
	(xrf1) =	vsort.dscd.msk.f32 $0xffff, v11, v13;
	v8, v21, _ =	vpop (xrf1);
	vm1 =	vge.f32 v31, v23  }
0x19f: {  	v6 =	vsel vm1, v31, v23;
	v22 =	vsel vm1, v60, v26;
	vm1 =	vge.f32 v8, v10  }
0x1a0: {  	s6 =	simm.s32 $0x23B0;
	v8 =	vsel vm1, v8, v10;
	v10 =	vsel vm1, v21, v30;
	(xrf1) =	vsort.dscd.msk.f32 $0xffff, v6, v22  }
0x1a1: {  	v11 =	vld [tilespmem:s6+$0xFFFFFEE0];
	v6 =	vsel vm2, v27, v9;
	vm1 =	vge.f32 v18, v20;
	(xrf1) =	vsort.dscd.msk.f32 $0xffff, v8, v10  }
0x1a2: {  	v9 =	vld [tilespmem:s6+$0xFFFFFE80];
	v8 =	vsel vm1, v19, v14;
	v10 =	vsel vm1, v18, v20;
	(xrf1) =	vsort.dscd.msk.f32 $0xffff, v7, v6  }
0x1a3: {  	v13 =	vld [tilespmem:s6+$0xFFFFFF60];
	(xrf1) =	vsort.dscd.msk.f32 $0xffff, v10, v8  }
0x1a4: {  	v6 =	vld [tilespmem:s6+$0xFFFFFFF0]  }
0x1a5: {  	v7 =	vld [tilespmem:s6+$0xFFFFFF50]  }
0x1a6: {  	v8 =	vld [tilespmem:s6+$0xFFFFFE60];
	(xrf1) =	vsort.dscd.msk.f32 $0xffff, v11, v3  }
0x1a7: {  	v10 =	vld [tilespmem:s6+$0xFFFFFF70];
	(xrf1) =	vsort.dscd.msk.f32 $0xffff, v9, v1  }
0x1a8: {  	v9 =	vld [tilespmem:s6+$0xFFFFFF80];
	(xrf1) =	vsort.dscd.msk.f32 $0xffff, v13, v3  }
0x1a9: {  	v11 =	vld [tilespmem:s6+$0x0];
	(xrf1) =	vsort.dscd.msk.f32 $0xffff, v6, v0  }
0x1aa: {  	(xrf1) =	vsort.dscd.msk.f32 $0xffff, v7, v2  }
0x1ab: {  	v6 =	vld [tilespmem:s6+$0xFFFFFE50];
	(xrf1) =	vsort.dscd.msk.f32 $0xffff, v8, v3  }
0x1ac: {  	v7 =	vld [tilespmem:s6+$0xFFFFFED0];
	v18, v19, _ =	vpop (xrf1);
	(xrf1) =	vsort.dscd.msk.f32 $0xffff, v10, v0  }
0x1ad: {  	v8, v20, _ =	vpop (xrf1);
	(xrf1) =	vsort.dscd.msk.f32 $0xffff, v9, v1  }
0x1ae: {  	v10 =	vld [tilespmem:s6+$0xFFFFFE70];
	(xrf1) =	vsort.dscd.msk.f32 $0xffff, v11, v1;
	v22, v23, _ =	vpop (xrf1)  }
0x1af: {  	v14 =	vld [tilespmem:s6+$0xFFFFFF00];
	v26 =	vperm.xlane v8, v4;
	v11, v13, _ =	vpop (xrf1)  }
0x1b0: {  	v21 =	vld [tilespmem:s6+$0xFFFFFFE0];
	(xrf1) =	vsort.dscd.msk.f32 $0xffff, v6, v2;
	v9, v8, _ =	vpop (xrf1)  }
0x1b1: {  	(xrf1) =	vsort.dscd.msk.f32 $0xffff, v7, v2;
	v7 =	vperm.xlane v20, v4;
	v20, v27, _ =	vpop (xrf1)  }
0x1b2: {  	v6 =	vld [tilespmem:s6+$0xFFFFFFD0];
	vm1 =	vge.f32 v22, v26;
	v20 =	vperm.xlane v20, v4  }
0x1b3: {  	(xrf1) =	vsort.dscd.msk.f32 $0xffff, v10, v0;
	v7 =	vsel vm1, v23, v7;
	v27 =	vperm.xlane v27, v4  }
0x1b4: {  	v22 =	vsel vm1, v22, v26;
	(xrf1) =	vsort.dscd.msk.f32 $0xffff, v14, v1;
	v23, v26, _ =	vpop (xrf1);
	vm1 =	vge.f32 v18, v20  }
0x1b5: {  	v30 =	vld [tilespmem:s6+$0xFFFFFEF0];
	(xrf1) =	vsort.dscd.msk.f32 $0xffff, v21, v3;
	v14, v10, _ =	vpop (xrf1);
	v18 =	vsel vm1, v18, v20  }
0x1b6: {  	(xrf1) =	vsort.dscd.msk.f32 $0xffff, v22, v7;
	v7, v21, _ =	vpop (xrf1);
	v19 =	vsel vm1, v19, v27  }
0x1b7: {  	(xrf1) =	vsort.dscd.msk.f32 $0xffff, v6, v2;
	v6, v20, _ =	vpop (xrf1)  }
0x1b8: {  	v22, v27, _ =	vpop (xrf1)  }
0x1b9: {  	(xrf1) =	vsort.dscd.msk.f32 $0xffff, v18, v19;
	v19, v18, _ =	vpop (xrf1)  }
0x1ba: {  	v16 =	vperm.xlane v16, v4;
	(xrf1) =	vsort.dscd.msk.f32 $0xffff, v30, v0;
	v30, v31, _ =	vpop (xrf1)  }
0x1bb: {  	v15 =	vperm.xlane v15, v4;
	v62, v61, _ =	vpop (xrf1)  }
0x1bc: {  	v17 =	vperm.xlane v17, v4;
	vm1 =	vge.f32 v24, v16;
	v40, v63, _ =	vpop (xrf1)  }
0x1bd: {  	v12 =	vperm.xlane v12, v4;
	v24 =	vsel vm1, v24, v16;
	v16 =	vperm.xlane v40, v4;
	_ =	sdelay $0x1  }
0x1be: {  	vm2 =	vge.f32 v28, v12;
	v25 =	vsel vm1, v25, v17  }
0x1bf: {  	v29 =	vsel vm2, v29, v15;
	v28 =	vsel vm2, v28, v12;
	v17, v15, _ =	vpop (xrf1);
	vm2 =	vge.f32 v6, v16  }
0x1c0: {  	v35 =	vperm.xlane v63, v4;
	v42, v41, _ =	vpop (xrf1);
	v43 =	vsel vm2, v6, v16;
	v6 =	vperm.xlane v7, v4  }
0x1c1: {  	v12, v16, _ =	vpop (xrf1);
	(xrf1) =	vsort.dscd.msk.f32 $0xffff, v24, v25  }
0x1c2: {  	v20 =	vsel vm2, v20, v35;
	vm2 =	vge.f32 v22, v6;
	v24, v25, _ =	vpop (xrf1);
	(xrf1) =	vsort.dscd.msk.f32 $0xffff, v28, v29  }
0x1c3: {  	v23 =	vperm.xlane v23, v4;
	v21 =	vperm.xlane v21, v4;
	v6 =	vsel vm2, v22, v6;
	v28, v29, _ =	vpop (xrf1)  }
0x1c4: {  	v28 =	vperm.xlane v28, v4  }
0x1c5: {  	v26 =	vperm.xlane v26, v4;
	vm1 =	vge.f32 v42, v23;
	v21 =	vsel vm2, v27, v21;
	v44, v7, _ =	vpop (xrf1)  }
0x1c6: {  	s7 =	simm.s32 $0xA1B0;
	v32 =	vperm.xlane v62, v4;
	v23 =	vsel vm1, v42, v23;
	(xrf1) =	vsort.dscd.msk.f32 $0xffff, v6, v21;
	v46, v45, _ =	vpop (xrf1)  }
0x1c7: {  	[tilespmem:s7+$0xFFFFFF50] =	vst v5;
	v21 =	vperm.xlane v24, v4;
	v29 =	vperm.xlane v29, v4;
	vm2 =	vge.f32 v46, v28;
	v27, v6, _ =	vpop (xrf1)  }
0x1c8: {  	s8 =	simm.s32 $0x25B0;
	v22 =	vperm.xlane v25, v4;
	v24 =	vperm.xlane v61, v4;
	(xrf0) =	vmax.scan.msk.f32 $0xffff, v44;
	v25 =	vsel vm2, v46, v28;
	v28, v47, _ =	vpop (xrf1)  }
0x1c9: {  	[tilespmem:s7+$0xFFFFFF60] =	vst v5;
	(xrf1) =	vsort.dscd.msk.f32 $0xffff, v43, v20;
	v20 =	vld [tilespmem:s8+$0xFFFFFEE0];
	v29 =	vsel vm2, v45, v29;
	vm2 =	vge.f32 v28, v21  }
0x1ca: {  	v48 =	vld [tilespmem:s8+$0xFFFFFE80];
	[tilespmem:s7+$0xFFFFFF70] =	vst v5;
	(xrf1) =	vsort.dscd.msk.f32 $0xffff, v25, v29;
	v21 =	vsel vm2, v28, v21;
	v22 =	vsel vm2, v47, v22  }
0x1cb: {  	[tilespmem:s7+$0xFFFFFF80] =	vst v5;
	v25 =	vsel vm1, v41, v26;
	vm1 =	vge.f32 v30, v32;
	(xrf1) =	vsort.dscd.msk.f32 $0xffff, v21, v22;
	v21 =	vld [tilespmem:s8+$0xFFFFFF60]  }
0x1cc: {  	[tilespmem:s7+$0xFFFFFE50] =	vst v5;
	v22 =	vsel vm1, v31, v24;
	v24 =	vsel vm1, v30, v32;
	(xrf1) =	vsort.dscd.msk.f32 $0xffff, v23, v25  }
0x1cd: {  	[tilespmem:s7+$0xFFFFFE60] =	vst v5;
	v26 =	vld [tilespmem:s8+$0xFFFFFFF0];
	(xrf1) =	vsort.dscd.msk.f32 $0xffff, v24, v22  }
0x1ce: {  	[tilespmem:s7+$0xFFFFFE70] =	vst v5;
	v23 =	vld [tilespmem:s8+$0xFFFFFF50];
	(xrf1) =	vsort.dscd.msk.f32 $0xffff, v20, v3;
	v20, _, _ =	vpop (xrf0)  }
0x1cf: {  	[tilespmem:s7+$0xFFFFFE80] =	vst v5;
	v22 =	vld [tilespmem:s8+$0xFFFFFE60];
	(xrf1) =	vsort.dscd.msk.f32 $0xffff, v48, v1;
	v24, v25, _ =	vpop (xrf1)  }
0x1d0: {  	[tilespmem:s7+$0xFFFFFFD0] =	vst v5;
	v28 =	vld [tilespmem:s8+$0xFFFFFF70];
	v20 =	vbroadcast v20, $0xF;
	(xrf1) =	vsort.dscd.msk.f32 $0xffff, v21, v3;
	v21, v29, _ =	vpop (xrf1)  }
0x1d1: {  	[tilespmem:s7+$0xFFFFFFE0] =	vst v5;
	(xrf0) =	vmax.scan.msk.f32 $0xffff, v27;
	v21 =	vperm.xlane v21, v4;
	v29 =	vperm.xlane v29, v4  }
0x1d2: {  	[tilespmem:s7+$0xFFFFFFF0] =	vst v5;
	(xrf1) =	vsort.dscd.msk.f32 $0xffff, v26, v0;
	v26 =	vld [tilespmem:s8+$0xFFFFFF80]  }
0x1d3: {  	[tilespmem:s7+$0x0] =	vst v5;
	v20 =	vsub.f32 v44, v20;
	(xrf1) =	vsort.dscd.msk.f32 $0xffff, v23, v2;
	v23 =	vld [tilespmem:s8+$0x0];
	vm1 =	vge.f32 v24, v21  }
0x1d4: {  	[tilespmem:s7+$0xFFFFFED0] =	vst v5;
	v30 =	vld [tilespmem:s8+$0xFFFFFE50];
	(xrf1) =	vsort.dscd.msk.f32 $0xffff, v22, v3;
	v21 =	vsel vm1, v24, v21  }
0x1d5: {  	[tilespmem:s7+$0xFFFFFEE0] =	vst v5;
	v22 =	vld [tilespmem:s8+$0xFFFFFED0];
	v20 =	vmul.f32 $1.442695020e+00, v20;
	v25 =	vsel vm1, v25, v29;
	(xrf1) =	vsort.dscd.msk.f32 $0xffff, v28, v0  }
0x1d6: {  	[tilespmem:s7+$0xFFFFFEF0] =	vst v5;
	(xrf1) =	vsort.dscd.msk.f32 $0xffff, v21, v25;
	v28, v29, _ =	vpop (xrf1)  }
0x1d7: {  	s9 =	simm.s32 $0xA3B0;
	v49 =	vld [tilespmem:s8+$0xFFFFFE70];
	[tilespmem:s7+$0xFFFFFF00] =	vst v5;
	(xrf1) =	vsort.dscd.msk.f32 $0xffff, v26, v1;
	v21, v50, _ =	vpop (xrf1)  }
0x1d8: {  	[tilespmem:s9+$0xFFFFFF50] =	vst v5;
	v25 =	vld [tilespmem:s8+$0xFFFFFF00];
	(xrf1) =	vsort.dscd.msk.f32 $0xffff, v23, v1;
	v52, v51, _ =	vpop (xrf1)  }
0x1d9: {  	[tilespmem:s9+$0xFFFFFF60] =	vst v5;
	(erf) = vpow2.f32 v20;
	v26 =	vld [tilespmem:s8+$0xFFFFFFE0];
	(xrf1) =	vsort.dscd.msk.f32 $0xffff, v30, v2;
	v20, v53, _ =	vpop (xrf1)  }
0x1da: {  	[tilespmem:s9+$0xFFFFFF70] =	vst v5;
	v23 =	vperm.xlane v21, v4;
	(xrf1) =	vsort.dscd.msk.f32 $0xffff, v22, v2;
	v22 =	vperm.xlane v50, v4;
	v24, v21, _ =	vpop (xrf1)  }
0x1db: {  	[tilespmem:s9+$0xFFFFFF80] =	vst v5;
	v55, v54, _ =	vpop (xrf1)  }
0x1dc: {  	[tilespmem:s9+$0xFFFFFED0] =	vst v5;
	v30 =	vld [tilespmem:s8+$0xFFFFFFD0];
	vm1 =	vge.f32 v52, v23;
	(xrf1) =	vsort.dscd.msk.f32 $0xffff, v49, v0;
	v33 =	vperm.xlane v55, v4  }
0x1dd: {  	[tilespmem:s9+$0xFFFFFEE0] =	vst v5;
	v31, _, _ =	vpop (xrf0);
	v56 =	vsel vm1, v52, v23;
	(xrf1) =	vsort.dscd.msk.f32 $0xffff, v25, v1;
	v59 =	vperm.xlane v54, v4  }
0x1de: {  	[tilespmem:s9+$0xFFFFFEF0] =	vst v5;
	v25 =	vsel vm1, v51, v22;
	v58, v57, _ =	vpop (xrf1);
	(xrf1) =	vsort.dscd.msk.f32 $0xffff, v26, v3;
	vm1 =	vge.f32 v28, v33  }
0x1df: {  	v26 =	vld [tilespmem:s8+$0xFFFFFEF0];
	(xrf1) =	vsort.dscd.msk.f32 $0xffff, v56, v25;
	v23, v22, _ =	vpop (xrf1);
	v25 =	vsel vm1, v28, v33;
	v28 =	vsel vm1, v29, v59;
	v29 =	vbroadcast v31, $0xF  }
0x1e0: {  	[tilespmem:s9+$0xFFFFFF00] =	vst v5;
	v61, v60, _ =	vpop (xrf1)  }
0x1e1: {  	[tilespmem:s9+$0xFFFFFE50] =	vst v5;
	v13 =	vperm.xlane v13, v4;
	v11 =	vperm.xlane v11, v4;
	(xrf1) =	vsort.dscd.msk.f32 $0xffff, v30, v2;
	v63, v62, _ =	vpop (xrf1)  }
0x1e2: {  	[tilespmem:s9+$0xFFFFFE60] =	vst v5;
	(xrf1) =	vsort.dscd.msk.f32 $0xffff, v25, v28;
	v25 =	vperm.xlane v18, v4;
	v30, v31, _ =	vpop (xrf1);
	v18 =	vsub.f32 v27, v29  }
0x1e3: {  	[tilespmem:s9+$0xFFFFFE70] =	vst v5;
	v14 =	vperm.xlane v14, v4;
	v19 =	vperm.xlane v19, v4;
	vm1 =	vge.f32 v9, v11;
	v28 =	vpop (erf)  }
0x1e4: {  	v9 =	vsel vm1, v9, v11;
	v11 =	vsel vm1, v8, v13;
	(xrf1) =	vsort.dscd.msk.f32 $0xffff, v26, v0;
	v13 =	vmul.f32 $1.442695020e+00, v18;
	v27, v29, _ =	vpop (xrf1)  }
0x1e5: {  	[tilespmem:s9+$0xFFFFFE80] =	vst v5;
	vm1 =	vge.f32 v17, v19;
	(xrf1) =	vsort.dscd.msk.f32 $0xffff, v9, v11;
	v9 =	vperm.xlane v10, v4;
	v33, v35, _ =	vpop (xrf1)  }
0x1e6: {  	[tilespmem:s9+$0xFFFFFFD0] =	vst v5;
	v10 =	vsel vm1, v17, v19;
	v15 =	vsel vm1, v15, v25;
	vm1 =	vge.f32 v12, v14;
	v18, v8, _ =	vpop (xrf1)  }
0x1e7: {  	s11 =	simm.s32 $0x2180;
	[tilespmem:s9+$0xFFFFFFE0] =	vst v5;
	v9 =	vsel vm1, v16, v9;
	v16 =	vand.u32 $0xFFFFFF80, v7;
	(erf) = vpow2.f32 v13;
	v11, v17, _ =	vpop (xrf1)  }
0x1e8: {  	[tilespmem:s9+$0xFFFFFFF0] =	vst v5;
	v36 =	vperm.xlane v57, v4;
	v16 =	vadd.s32 s11, v16;
	v13, v19, _ =	vpop (xrf1)  }
0x1e9: {  	s10 =	simm.s32 $0xA5B0;
	[tilespmem:s9+$0x0] =	vst v5;
	v37 =	vperm.xlane v61, v4;
	v39 =	vperm.xlane v60, v4;
	v41, v42, _ =	vpop (xrf1)  }
0x1ea: {  	s16 =	simm.s32 $0x2100;
	[tilespmem:s10+$0xFFFFFED0] =	vst v5;
	v26 =	vand.u32 $0xFFFFFF80, v6;
	v51 =	vsel vm1, v12, v14;
	v14 =	vnsel vm0, $0x0, v28;
	v44, v45, _ =	vpop (xrf1)  }
0x1eb: {  	v12 =	vadd.s32 s16, v26;
	v26 =	vperm.xlane v53, v4;
	(xrf2) =	vadd.scan.msk.f32 $0xffff, v14;
	[tilespmem:$0x1FFB0] =	vst v16;
	v16, v28, _ =	vpop (xrf1)  }
0x1ec: {  	vm1 =	vge.f32 v30, v37;
	(xrf1) =	vsort.dscd.msk.f32 $0xffff, v10, v15;
	v13 =	vperm.xlane v13, v4;
	v15, v52, _ =	vpop (xrf1)  }
0x1ed: {  	(xrf1) =	vsort.dscd.msk.f32 $0xffff, v51, v9;
	v9 =	vsel vm1, v30, v37;
	v30 =	vsel vm1, v31, v39;
	v53, v54, _ =	vpop (xrf1)  }
0x1ee: {  	(xrf0) =	vmax.scan.msk.f32 $0xffff, v18;
	v19 =	vperm.xlane v19, v4;
	v55, v10, _ =	vpop (xrf1);
	v31 =	vperm.xlane v53, v4  }
0x1ef: {  	v34 =	vperm.xlane v58, v4;
	vm1 =	vge.f32 v63, v13;
	(xrf1) =	vsort.dscd.msk.f32 $0xffff, v9, v30;
	v56, v57, _ =	vpop (xrf1)  }
0x1f0: {  	[tilespmem:s10+$0xFFFFFFD0] =	vst v5;
	v32 =	vsel vm1, v63, v13;
	v19 =	vsel vm1, v62, v19;
	v30 =	vpop (erf);
	vm1 =	vge.f32 v56, v31  }
0x1f1: {  	(xrf1) =	vsort.dscd.msk.f32 $0xffff, v32, v19;
	v58 =	vperm.xlane v54, v4;
	v13 =	vnsel vm0, $0x0, v30;
	v30 =	vsel vm1, v56, v31  }
0x1f2: {  	[tilespmem:s10+$0xFFFFFFE0] =	vst v5;
	(xrf0) =	vmax.scan.msk.f32 $0xffff, v55;
	v37, v9, _ =	vpop (xrf1)  }
0x1f3: {  	[tilespmem:s10+$0xFFFFFFF0] =	vst v5;
	(xrf0) =	vmax.scan.msk.f32 $0xffff, v37;
	v31 =	vsel vm1, v57, v58;
	v59, v60, _ =	vpop (xrf1)  }
0x1f4: {  	[tilespmem:s10+$0x0] =	vst v5;
	v61 =	vperm.xlane v11, v4;
	v15 =	vperm.xlane v15, v4;
	(xrf1) =	vsort.dscd.msk.f32 $0xffff, v30, v31;
	v30, v11, _ =	vpop (xrf1)  }
0x1f5: {  	[tilespmem:s10+$0xFFFFFEE0] =	vst v5;
	v40, _, _ =	vpop (xrf0);
	v19 =	vperm.xlane v52, v4;
	(xrf0) =	vmax.scan.msk.f32 $0xffff, v30  }
0x1f6: {  	s31 =	simm.s32 $0x27B0;
	[tilespmem:s10+$0xFFFFFEF0] =	vst v5;
	v17 =	vperm.xlane v17, v4;
	vm2 =	vge.f32 v33, v61;
	vm1 =	vge.f32 v59, v15  }
0x1f7: {  	(xrf2) =	vadd.scan.msk.f32 $0xffff, v13;
	v31 =	vld [tilespmem:s31+$0xFFFFFEE0];
	v15 =	vsel vm1, v59, v15;
	v19 =	vsel vm1, v60, v19;
	vm1 =	vge.f32 v44, v34  }
0x1f8: {  	[tilespmem:s10+$0xFFFFFF00] =	vst v5;
	(xrf1) =	vsort.dscd.msk.f32 $0xffff, v15, v19;
	v19 =	vsel vm1, v44, v34;
	v46 =	vsel vm1, v45, v36;
	v62, _, _ =	vpop (xrf0)  }
0x1f9: {  	v17 =	vsel vm2, v35, v17;
	v33 =	vsel vm2, v33, v61;
	v63 =	vld [tilespmem:s31+$0xFFFFFE80];
	(xrf1) =	vsort.dscd.msk.f32 $0xffff, v19, v46;
	v15 =	vbroadcast v62, $0xF  }
0x1fa: {  	[tilespmem:s10+$0xFFFFFE50] =	vst v5;
	v47 =	vld [tilespmem:s31+$0xFFFFFF60];
	(xrf1) =	vsort.dscd.msk.f32 $0xffff, v33, v17;
	v52, _, _ =	vpop (xrf0)  }
0x1fb: {  	v27 =	vperm.xlane v27, v4;
	[tilespmem:s10+$0xFFFFFE60] =	vst v5;
	v48 =	vld [tilespmem:s31+$0xFFFFFFF0];
	v51 =	vperm.xlane v29, v4;
	v15 =	vsub.f32 v55, v15;
	v54, _, _ =	vpop (xrf0)  }
0x1fc: {  	[tilespmem:s10+$0xFFFFFE70] =	vst v5;
	v17 =	vperm.xlane v22, v4;
	v22 =	vld [tilespmem:s31+$0xFFFFFF50];
	(xrf1) =	vsort.dscd.msk.f32 $0xffff, v31, v3;
	v38 =	vbroadcast v54, $0xF  }
0x1fd: {  	[tilespmem:s10+$0xFFFFFE80] =	vst v5;
	v53 =	vld [tilespmem:s31+$0xFFFFFE60];
	vm1 =	vge.f32 v41, v27;
	v19 =	vperm.xlane v23, v4;
	v15 =	vmul.f32 $1.442695020e+00, v15  }
0x1fe: {  	s17 =	simm.s32 $0x2000;
	v23 =	vand.u32 $0xFFFFFF80, v8;
	v29 =	vsel vm1, v41, v27;
	v27 =	vld [tilespmem:s31+$0xFFFFFF70];
	v49, v50, _ =	vpop (xrf1);
	(xrf1) =	vsort.dscd.msk.f32 $0xffff, v63, v1;
	v30 =	vsub.f32 v30, v38  }
0x1ff: {  	v23 =	vadd.s32 s17, v23;
	v31 =	vand.u32 $0x7F, v8;
	v56, v55, _ =	vpop (xrf1);
	(xrf1) =	vsort.dscd.msk.f32 $0xffff, v47, v3;
	(erf) = vpow2.f32 v15  }
0x200: {  	(xrf1) =	vsort.dscd.msk.f32 $0xffff, v48, v0;
	v15 =	vor.u32 v31, v23;
	v23 =	vld [tilespmem:s31+$0xFFFFFF80];
	v31 =	vperm.xlane v56, v4;
	v54 =	vmul.f32 $1.442695020e+00, v30  }
0x201: {  	[tilespmem:s10+$0xFFFFFF50] =	vst v5;
	v57, _, _ =	vpop (xrf2);
	v58 =	vld [tilespmem:s31+$0x0];
	v35 =	vsel vm1, v42, v51;
	v61 =	vperm.xlane v55, v4;
	(xrf1) =	vsort.dscd.msk.f32 $0xffff, v22, v2  }
0x202: {  	vm1 =	vge.f32 v16, v19;
	v63 =	vld [tilespmem:s31+$0xFFFFFE50];
	v41, v43, _ =	vpop (xrf1);
	(xrf1) =	vsort.dscd.msk.f32 $0xffff, v53, v3;
	vm2 =	vge.f32 v49, v31;
	(erf) = vpow2.f32 v54  }
0x203: {  	v62, _, _ =	vpop (xrf2);
	v22 =	vbroadcast v40, $0xF;
	(xrf1) =	vsort.dscd.msk.f32 $0xffff, v27, v0;
	v27 =	vld [tilespmem:s31+$0xFFFFFED0];
	v33 =	vsel vm2, v50, v61;
	v31 =	vsel vm2, v49, v31  }
0x204: {  	[tilespmem:s10+$0xFFFFFF60] =	vst v5;
	v59 =	vand.u32 $0x7F, v11;
	v36 =	vsel vm1, v28, v17;
	v28, v55, _ =	vpop (xrf1);
	(xrf1) =	vsort.dscd.msk.f32 $0xffff, v31, v33  }
0x205: {  	s23 =	simm.s32 $0x2380;
	[tilespmem:s10+$0xFFFFFF70] =	vst v5;
	v17 =	vand.u32 $0xFFFFFF80, v10;
	v22 =	vsub.f32 v18, v22;
	v44, v45, _ =	vpop (xrf1);
	(xrf1) =	vsort.dscd.msk.f32 $0xffff, v23, v1  }
0x206: {  	s24 =	simm.s32 $0x2080;
	v60 =	vld [tilespmem:s31+$0xFFFFFE70];
	v18 =	vadd.s32 s23, v17;
	v17 =	vand.u32 $0xFFFFFF80, v11;
	v31 =	vbroadcast v52, $0xF;
	(xrf1) =	vsort.dscd.msk.f32 $0xffff, v58, v1;
	v23, v56, _ =	vpop (xrf1)  }
0x207: {  	s26 =	simm.s32 $0xA7B0;
	[tilespmem:s10+$0xFFFFFF80] =	vst v5;
	v39 =	vld [tilespmem:s31+$0xFFFFFF00];
	v51 =	vsel vm1, v16, v19;
	v17 =	vadd.s32 s24, v17;
	(xrf1) =	vsort.dscd.msk.f32 $0xffff, v63, v2;
	v33, v32, _ =	vpop (xrf1)  }
0x208: {  	[tilespmem:s26+$0xFFFFFE50] =	vst v5;
	v17 =	vor.u32 v59, v17;
	v19 =	vsub.f32 v37, v31;
	(xrf1) =	vsort.dscd.msk.f32 $0xffff, v27, v2;
	v27, v59, _ =	vpop (xrf1)  }
0x209: {  	[tilespmem:s26+$0xFFFFFE60] =	vst v5;
	v28 =	vperm.xlane v28, v4;
	v30 =	vbroadcast v57, $0xF;
	v58 =	vld [tilespmem:s31+$0xFFFFFFE0];
	v57 =	vpop (erf)  }
0x20a: {  	[tilespmem:s26+$0xFFFFFE70] =	vst v5;
	v31 =	vbroadcast v62, $0xF;
	v19 =	vmul.f32 $1.442695020e+00, v19;
	v62, v63, _ =	vpop (xrf1)  }
0x20b: {  	v40 =	vld [tilespmem:s31+$0xFFFFFFD0];
	v61 =	vperm.xlane v55, v4;
	vm1 =	vge.f32 v44, v28;
	(xrf1) =	vsort.dscd.msk.f32 $0xffff, v60, v0;
	v60 =	vmul.f32 $1.442695020e+00, v22;
	v22 =	vpop (erf)  }
0x20c: {  	v27 =	vperm.xlane v27, v4;
	v42, v46, _ =	vpop (xrf1);
	(erf) = vpow2.f32 v19;
	(xrf1) =	vsort.dscd.msk.f32 $0xffff, v39, v1;
	v22 =	vnsel vm0, $0x0, v22  }
0x20d: {  	v28 =	vsel vm1, v44, v28;
	v38 =	vsel vm1, v45, v61;
	v45, v53, _ =	vpop (xrf1);
	(erf) = vpow2.f32 v60;
	(xrf2) =	vadd.scan.msk.f32 $0xffff, v22  }
0x20e: {  	[tilespmem:s26+$0xFFFFFE80] =	vst v5;
	v61 =	vperm.xlane v59, v4;
	vm1 =	vge.f32 v41, v27;
	(xrf1) =	vsort.dscd.msk.f32 $0xffff, v58, v3;
	v39, v54, _ =	vpop (xrf1)  }
0x20f: {  	v47 =	vld [tilespmem:s31+$0xFFFFFEF0];
	[tilespmem:s26+$0xFFFFFED0] =	vst v5;
	v19 =	vnsel vm0, $0x0, v57;
	(xrf1) =	vsort.dscd.msk.f32 $0xffff, v28, v38;
	v28 =	vsel vm1, v41, v27;
	v57, v58, _ =	vpop (xrf1)  }
0x210: {  	[tilespmem:s26+$0xFFFFFEE0] =	vst v5;
	v38 =	vsel vm1, v43, v61;
	(xrf1) =	vsort.dscd.msk.f32 $0xffff, v40, v2;
	v40 =	vperm.xlane v20, v4;
	v41, v43, _ =	vpop (xrf1)  }
0x211: {  	[tilespmem:s26+$0xFFFFFEF0] =	vst v5;
	v44, v59, _ =	vpop (xrf1)  }
0x212: {  	[tilespmem:s26+$0xFFFFFF00] =	vst v5;
	vm1 =	vge.f32 v24, v40;
	v60, v20, _ =	vpop (xrf1)  }
0x213: {  	[tilespmem:s26+$0xFFFFFFD0] =	vst v5;
	v25 =	vsel vm1, v24, v40;
	v55, v61, _ =	vpop (xrf1)  }
0x214: {  	[tilespmem:s26+$0xFFFFFFE0] =	vst v5;
	v52 =	vperm.xlane v63, v4;
	v49 =	vperm.xlane v62, v4;
	(xrf1) =	vsort.dscd.msk.f32 $0xffff, v28, v38;
	v63, v62, _ =	vpop (xrf1)  }
0x215: {  	[tilespmem:s26+$0xFFFFFFF0] =	vst v5;
	v26 =	vsel vm1, v21, v26;
	v21 =	vpop (erf);
	(xrf1) =	vsort.dscd.msk.f32 $0xffff, v47, v0;
	v40 =	vperm.xlane v63, v4  }
0x216: {  	[tilespmem:s26+$0x0] =	vst v5;
	v47 =	vperm.xlane v62, v4;
	(xrf1) =	vsort.dscd.msk.f32 $0xffff, v25, v26;
	v25 =	vpop (erf)  }
0x217: {  	v43 =	vperm.xlane v43, v4;
	(xrf1) =	vsort.dscd.msk.f32 $0xffff, v29, v35;
	vm2 =	vge.f32 v39, v40;
	v29 =	vnsel vm0, $0x0, v25;
	v25, _, _ =	vpop (xrf2)  }
0x218: {  	v38 =	vperm.xlane v41, v4;
	v48 =	vsel vm2, v39, v40;
	v39 =	vbroadcast v25, $0xF;
	v25 =	vld [tilespmem:$0x1FFB0]  }
0x219: {  	v37 =	vperm.xlane v42, v4;
	v42 =	vperm.xlane v46, v4;
	(xrf2) =	vadd.scan.msk.f32 $0xffff, v19;
	v46, v50, _ =	vpop (xrf1)  }
0x21a: {  	s28 =	simm.s32 $0x2200;
	v28 =	vand.u32 $0xFFFFFF80, v20;
	vm1 =	vge.f32 v46, v38;
	v63, v24, _ =	vpop (xrf1)  }
0x21b: {  	(xrf0) =	vmax.scan.msk.f32 $0xffff, v60;
	v62 =	vadd.s32 s28, v28;
	v28 =	vsel vm1, v50, v43;
	v54 =	vsel vm2, v54, v47;
	v43, v47, _ =	vpop (xrf1)  }
0x21c: {  	v34 =	vperm.xlane v56, v4;
	v56 =	vand.u32 $0x7F, v7;
	v46 =	vsel vm1, v46, v38;
	v38, v26, _ =	vpop (xrf1)  }
0x21d: {  	v35 =	vor.u32 v56, v25;
	v56 =	vperm.xlane v26, v4;
	v26 =	vperm.xlane v61, v4  }
0x21e: {  	s18 =	simm.s32 $0x2300;
	v16 =	vand.u32 $0xFFFFFF80, v9;
	v55 =	vperm.xlane v55, v4;
	vm1 =	vge.f32 v63, v49  }
0x21f: {  	v16 =	vadd.s32 s18, v16;
	v50 =	vsel vm1, v24, v52;
	v52 =	vperm.xlane v45, v4  }
0x220: {  	v27 =	vor.u32 s11, v2;
	v41 =	vand.u32 $0x7F, v20;
	vm2 =	vge.f32 v44, v55;
	(xrf2) =	vadd.scan.msk.f32 $0xffff, v29;
	v40, v25, _ =	vpop (xrf1)  }
0x221: {  	vm3 =	vge.f32 v57, v52;
	v61 =	vperm.xlane v53, v4;
	v53 =	vsel vm2, v59, v26;
	v26, _, _ =	vpop (xrf0)  }
0x222: {  	(xrf1) =	vsort.dscd.msk.f32 $0xffff, v51, v36;
	v59 =	vperm.xlane v40, v4;
	v40 =	vbroadcast v26, $0xF;
	v26 =	vsel vm3, v57, v52  }
0x223: {  	(erf) = vrcp.f32 v30;
	v21 =	vnsel vm0, $0x0, v21;
	v49 =	vsel vm1, v63, v49;
	[tilespmem:s26+$0xFFFFFF50] =	vst v5;
	v63, _, _ =	vpop (xrf2)  }
0x224: {  	v24 =	vor.u32 v41, v62;
	v36 =	vand.u32 $0x7F, v6;
	[tilespmem:s26+$0xFFFFFF60] =	vst v5;
	v41 =	vperm.xlane v25, v4;
	v51, v25, _ =	vpop (xrf1)  }
0x225: {  	vm1 =	vge.f32 v43, v37;
	[tilespmem:s26+$0xFFFFFF70] =	vst v5;
	v62, v45, _ =	vpop (xrf1);
	v61 =	vsel vm3, v58, v61;
	(xrf0) =	vmax.scan.msk.f32 $0xffff, v51  }
0x226: {  	s30 =	simm.s32 $0x29B0;
	v30 =	vbroadcast v63, $0xF;
	(erf) = vrcp.f32 v39;
	vm3 =	vge.f32 v62, v59;
	(xrf1) =	vsort.dscd.msk.f32 $0xffff, v26, v61;
	v52, v26, _ =	vpop (xrf1)  }
0x227: {  	s3 =	simm.s32 $0x4C;
	s4 =	simm.s32 $0x48;
	s5 =	simm.s32 $0x50;
	v57 =	vperm.xlane v38, v4;
	v58 =	vsel vm3, v62, v59;
	v40 =	vsub.f32 v60, v40;
	(xrf0) =	vmax.scan.msk.f32 $0xffff, v52  }
.LBB2_4:
0x228: {  	v39 =	vsel vm1, v47, v42;
	v38 =	vsel vm3, v45, v41;
	v45, v60, _ =	vpop (xrf1);
	(xrf1) =	vsort.dscd.msk.f32 $0xffff, v48, v54  }
0x229: {  	v59 =	vld [tilespmem:s30+$0xFFFFFE80];
	p0 =	slt.u32 s5, $0x7C;
	v54 =	vand.u32 $0xFFFFFF80, v25;
	v42 =	vmovc v34;
	v47 =	vmovc v33;
	v48 =	vmov v32;
	v41 =	vmov v46;
	s6 =	smov.u32 s5;
	s5 =	sadd.s32 $0x4, s5  }
0x22a: {  	v33 =	vsel vm2, v44, v55;
	s8 =	sshll.u32 s4, $0x7;
	s4 =	smov.u32 s3;
	v32 =	vld [tilespmem:s30+$0xFFFFFF50];
	vm3 =	vge.f32 v45, v57;
	(xrf2) =	vadd.scan.msk.f32 $0xffff, v21;
	v34, _, _ =	vpop (xrf2);
	(erf) = vrcp.f32 v31;
	s3 =	smov.u32 s6  }
0x22b: {  	s6 =	sadd.s32 $0x180, s8;
	v31 =	vld [tilespmem:s30+$0xFFFFFEE0];
	v44 =	vsel vm3, v45, v57;
	v45 =	vsel vm3, v60, v56;
	(xrf1) =	vsort.dscd.msk.f32 $0xffff, v58, v38;
	v46, v55, _ =	vpop (xrf1);
	v34 =	vbroadcast v34, $0xF  }
0x22c: {  	s7 =	sadd.s32 $0x80, s28;
	v38 =	vadd.s32 s6, v54;
	v56 =	vld [tilespmem:s30+$0xFFFFFFF0];
	v54, _, _ =	vpop (xrf0);
	v57 =	vand.u32 $0xFFFFFF80, v55;
	v58 =	vand.u32 $0x7F, v55;
	(xrf0) =	vmax.scan.msk.f32 $0xffff, v46  }
0x22d: {  	v60 =	vld [tilespmem:s30+$0xFFFFFF80];
	(xrf1) =	vsort.dscd.msk.f32 $0xffff, v44, v45;
	v44 =	vbroadcast v54, $0xF;
	v54, v61, _ =	vpop (xrf1);
	v57 =	vadd.s32 s7, v57;
	(erf) = vrcp.f32 v34  }
0x22e: {  	s9 =	sadd.s32 $0x100, s8;
	v45 =	vsel vm1, v43, v37;
	v37 =	vand.u32 $0xFFFFFF80, v26;
	v34 =	vld [tilespmem:s30+$0xFFFFFF60];
	[tilespmem:s26+$0xFFFFFF80] =	vst v5;
	v43, _, _ =	vpop (xrf0);
	v57 =	vor.u32 v58, v57  }
0x22f: {  	v37 =	vadd.s32 s9, v37;
	v58 =	vld [tilespmem:s30+$0xFFFFFE50];
	(xrf1) =	vsort.dscd.msk.f32 $0xffff, v49, v50;
	v43 =	vbroadcast v43, $0xF;
	v62 =	vsub.f32 v51, v44;
	v49 =	vpop (erf)  }
0x230: {  	v36 =	vor.u32 v36, v12;
	v50 =	vld [tilespmem:s30+$0x0];
	(xrf1) =	vsort.dscd.msk.f32 $0xffff, v33, v53;
	v33, v51, _ =	vpop (xrf1);
	v53 =	vor.u32 s17, v2;
	v12 =	vmul.f32 v49, v14;
	s17 =	smov.u32 s28;
	s28 =	smov.u32 s8  }
0x231: {  	v14 =	vld [tilespmem:s30+$0xFFFFFF70];
	(xrf1) =	vsort.dscd.msk.f32 $0xffff, v31, v3;
	v33 =	vperm.xlane v33, v4;
	v63 =	vsub.f32 v52, v43;
	v43 =	vmul.f32 $1.442695020e+00, v62;
	v44 =	vpop (erf)  }
0x232: {  	v51 =	vperm.xlane v51, v4;
	v49 =	vld [tilespmem:s30+$0xFFFFFE60];
	(xrf1) =	vsort.dscd.msk.f32 $0xffff, v59, v1;
	v52, _, _ =	vpop (xrf0);
	v59 =	vor.u32 s16, v2;
	[tilespmem:v35+s20+$0x0] =	vst.idx.msk $0xff, v12;
	s16 =	smov.u32 s18;
	s18 =	smov.u32 s9  }
0x233: {  	v62 =	vld [tilespmem:s30+$0xFFFFFF00];
	(xrf1) =	vsort.dscd.msk.f32 $0xffff, v34, v3;
	vm1 =	vge.f32 v54, v33;
	(erf) = vpow2.f32 v43;
	v12 =	vbroadcast v52, $0xF;
	v34 =	vpop (erf)  }
0x234: {  	(xrf1) =	vsort.dscd.msk.f32 $0xffff, v56, v0;
	v51 =	vsel vm1, v61, v51  }
0x235: {  	v52 =	vmul.f32 $1.442695020e+00, v63;
	v43 =	vld [tilespmem:s30+$0xFFFFFED0];
	v31, _, _ =	vpop (xrf2);
	[tilespmem:v27+s21+$0x0] =	vst.idx.msk $0xff, v7;
	v61 =	vmul.f32 v44, v22;
	v7 =	vsub.f32 v46, v12  }
0x236: {  	s26 =	sadd.s32 $0x200, s26;
	v13 =	vmul.f32 v34, v13;
	v35 =	vld [tilespmem:s30+$0xFFFFFEF0];
	v27, v56, _ =	vpop (xrf1);
	v31 =	vbroadcast v31, $0xF  }
0x237: {  	v22 =	vld [tilespmem:s30+$0xFFFFFE70];
	[tilespmem:s26+$0xFFFFFED0] =	vst v5;
	(xrf1) =	vsort.dscd.msk.f32 $0xffff, v32, v2;
	v32 =	vor.u32 s24, v2;
	v34 =	vpop (erf);
	s24 =	smov.u32 s7;
	v7 =	vmul.f32 $1.442695020e+00, v7  }
0x238: {  	v33 =	vsel vm1, v54, v33;
	v44 =	vld [tilespmem:s30+$0xFFFFFFE0];
	(xrf1) =	vsort.dscd.msk.f32 $0xffff, v49, v3;
	v46, v49, _ =	vpop (xrf1);
	v29 =	vmul.f32 v34, v29  }
0x239: {  	v12 =	vmovc v16;
	v16 =	vmov v37;
	(xrf1) =	vsort.dscd.msk.f32 $0xffff, v14, v0;
	[tilespmem:v17+s20+$0x0] =	vst.idx.msk $0xff, v61;
	v17 =	vmov v57  }
0x23a: {  	v37 =	vperm.xlane v46, v4;
	v14 =	vmov v19;
	v46, v54, _ =	vpop (xrf1);
	(xrf1) =	vsort.dscd.msk.f32 $0xffff, v33, v51;
	[tilespmem:v15+s20+$0x0] =	vst.idx.msk $0xff, v29  }
0x23b: {  	v15 =	vperm.xlane v49, v4;
	(xrf1) =	vsort.dscd.msk.f32 $0xffff, v60, v1;
	(erf) = vpow2.f32 v7;
	[tilespmem:v36+s20+$0x0] =	vst.idx.msk $0xff, v13  }
0x23c: {  	vm1 =	vge.f32 v46, v37;
	v29 =	vld [tilespmem:s30+$0xFFFFFFD0];
	(xrf1) =	vsort.dscd.msk.f32 $0xffff, v50, v1;
	[tilespmem:v32+s21+$0x0] =	vst.idx.msk $0xff, v11;
	v11 =	vmov v55;
	v36, v7, _ =	vpop (xrf1)  }
0x23d: {  	v13 =	vmov v21;
	v37 =	vsel vm1, v46, v37;
	v34 =	vperm.xlane v7, v4;
	v7 =	vpop (erf);
	[tilespmem:v59+s21+$0x0] =	vst.idx.msk $0xff, v6  }
0x23e: {  	v21 =	vsel vm1, v54, v15;
	(xrf1) =	vsort.dscd.msk.f32 $0xffff, v58, v2;
	v33, v32, _ =	vpop (xrf1);
	v19 =	vnsel vm0, $0x0, v7;
	[tilespmem:v53+s21+$0x0] =	vst.idx.msk $0xff, v8  }
0x23f: {  	v15 =	vmov v24;
	v8 =	vmov v20;
	[tilespmem:s26+$0xFFFFFFD0] =	vst v5;
	(xrf1) =	vsort.dscd.msk.f32 $0xffff, v43, v2;
	v6, v43, _ =	vpop (xrf1)  }
0x240: {  	v7 =	vmov v10;
	v10 =	vmov v25;
	[tilespmem:s26+$0xFFFFFFE0] =	vst v5;
	v20, v24, _ =	vpop (xrf1);
	v46 =	vperm.xlane v6, v4  }
0x241: {  	v54 =	vperm.xlane v43, v4;
	v6 =	vmov v9;
	[tilespmem:s26+$0xFFFFFFF0] =	vst v5;
	(xrf1) =	vsort.dscd.msk.f32 $0xffff, v22, v0;
	v25, v49, _ =	vpop (xrf1)  }
0x242: {  	v9 =	vmov v26;
	[tilespmem:s26+$0x0] =	vst v5;
	v51, v53, _ =	vpop (xrf1);
	vm1 =	vge.f32 v27, v46;
	(erf) = vpow2.f32 v52  }
0x243: {  	(xrf1) =	vsort.dscd.msk.f32 $0xffff, v62, v1;
	v26, v43, _ =	vpop (xrf1);
	v46 =	vsel vm1, v27, v46;
	v50 =	vsel vm1, v56, v54;
	v27 =	vmul.f32 $1.442695020e+00, v40  }
0x244: {  	[tilespmem:s26+$0xFFFFFEE0] =	vst v5;
	(xrf1) =	vsort.dscd.msk.f32 $0xffff, v44, v3;
	v22 =	vpop (erf)  }
0x245: {  	[tilespmem:s26+$0xFFFFFEF0] =	vst v5;
	v40, v52, _ =	vpop (xrf1);
	(xrf1) =	vsort.dscd.msk.f32 $0xffff, v37, v21;
	v22 =	vnsel vm0, $0x0, v22;
	(erf) = vpow2.f32 v27  }
0x246: {  	v24 =	vperm.xlane v24, v4;
	[tilespmem:s26+$0xFFFFFF00] =	vst v5;
	v21, v54, _ =	vpop (xrf1);
	(xrf2) =	vadd.scan.msk.f32 $0xffff, v22  }
0x247: {  	v55 =	vperm.xlane v20, v4;
	[tilespmem:s26+$0xFFFFFE50] =	vst v5;
	v44, v57, _ =	vpop (xrf1);
	(xrf1) =	vsort.dscd.msk.f32 $0xffff, v29, v2;
	v29 =	vperm.xlane v23, v4  }
0x248: {  	v56 =	vand.u32 $0x7F, v7;
	v27 =	vor.u32 s23, v2;
	s23 =	smov.u32 s6;
	v23 =	vmov v36;
	[tilespmem:s26+$0xFFFFFE60] =	vst v5;
	v58, v20, _ =	vpop (xrf1)  }
0x249: {  	v37 =	vperm.xlane v25, v4;
	v25, v36, _ =	vpop (xrf1);
	(xrf1) =	vsort.dscd.msk.f32 $0xffff, v46, v50;
	v46 =	vand.u32 $0xFFFFFF80, v20;
	vm1 =	vge.f32 v47, v29  }
0x24a: {  	v50 =	vperm.xlane v21, v4;
	[tilespmem:s26+$0xFFFFFE70] =	vst v5;
	v21, v59, _ =	vpop (xrf1);
	v29 =	vsel vm1, v47, v29;
	v47 =	vsel vm1, v48, v42  }
0x24b: {  	v42 =	vperm.xlane v49, v4;
	v48 =	vperm.xlane v21, v4;
	(xrf1) =	vsort.dscd.msk.f32 $0xffff, v35, v0;
	v35 =	vand.u32 $0x7F, v20;
	v21 =	vpop (erf)  }
0x24c: {  	v49 =	vperm.xlane v54, v4;
	v61 =	vadd.s32 s28, v46;
	v54 =	vperm.xlane v59, v4;
	v59, v60, _ =	vpop (xrf1);
	(xrf2) =	vadd.scan.msk.f32 $0xffff, v19  }
0x24d: {  	v21 =	vnsel vm0, $0x0, v21;
	vm1 =	vge.f32 v59, v50;
	vm2 =	vge.f32 v26, v48;
	v62, v63, _ =	vpop (xrf1);
	(xrf1) =	vsort.dscd.msk.f32 $0xffff, v29, v47  }
0x24e: {  	v46 =	vsel vm1, v59, v50;
	v48 =	vsel vm2, v26, v48;
	v54 =	vsel vm2, v43, v54;
	(xrf0) =	vmax.scan.msk.f32 $0xffff, v58;
	v26 =	vpop (erf)  }
0x24f: {  	vm2 =	vge.f32 v62, v55;
	v43, v47, _ =	vpop (xrf1);
	(xrf1) =	vsort.dscd.msk.f32 $0xffff, v41, v28;
	v28 =	vsel vm1, v60, v49;
	v29 =	vnsel vm0, $0x0, v26  }
0x250: {  	v49 =	vsel vm2, v62, v55;
	v50 =	vsel vm2, v63, v24;
	v24 =	vor.u32 v35, v61;
	(xrf2) =	vadd.scan.msk.f32 $0xffff, v29;
	v26, _, _ =	vpop (xrf2)  }
0x251: {  	v55 =	vperm.xlane v25, v4;
	v35 =	vor.u32 v56, v18;
	[tilespmem:s26+$0xFFFFFE80] =	vst v5;
	v59, v25, _ =	vpop (xrf1);
	v60 =	vbroadcast v26, $0xF  }
0x252: {  	v62 =	vperm.xlane v36, v4;
	v36 =	vand.u32 $0x7F, v6;
	v56 =	vperm.xlane v25, v4;
	v26, v25, _ =	vpop (xrf1);
	(xrf1) =	vsort.dscd.msk.f32 $0xffff, v45, v39  }
0x253: {  	vm2 =	vge.f32 v44, v55;
	v39 =	vperm.xlane v51, v4;
	[tilespmem:s26+$0xFFFFFF50] =	vst v5;
	v41 =	vperm.xlane v25, v4;
	v51, v25, _ =	vpop (xrf1)  }
0x254: {  	v61 =	vperm.xlane v53, v4;
	v18, _, _ =	vpop (xrf0)  }
.Ltmp1:
0x255: {  	vm1 =	vge.f32 v43, v37;
	v53 =	vsel vm2, v57, v62;
	[tilespmem:s26+$0xFFFFFF60] =	vst v5;
	v18 =	vbroadcast v18, $0xF;
	(pc) =	sbr.rel @p0 .LBB2_4-.Ltmp1, $4  }
0x256: {  	v62 =	vperm.xlane v26, v4;
	vm3 =	vge.f32 v40, v39;
	[tilespmem:s26+$0xFFFFFF70] =	vst v5;
	v63, v45, _ =	vpop (xrf1)  }
0x257: {  	v40 =	vsel vm3, v40, v39;
	v39 =	vsel vm3, v52, v61;
	(xrf0) =	vmax.scan.msk.f32 $0xffff, v51;
	v57, _, _ =	vpop (xrf2);
	(erf) = vrcp.f32 v30  }
0x258: {  	vm3 =	vge.f32 v63, v62;
	(xrf1) =	vsort.dscd.msk.f32 $0xffff, v40, v39;
	v52, v26, _ =	vpop (xrf1);
	v40 =	vsub.f32 v58, v18;
	v30 =	vbroadcast v57, $0xF  }
0x259: {  	s30 =	sadd.s32 $0x200, s30;
	v57 =	vperm.xlane v59, v4;
	v58 =	vsel vm3, v63, v62;
	(xrf0) =	vmax.scan.msk.f32 $0xffff, v52;
	(erf) = vrcp.f32 v60;
	v18 =	vmovc v38  }
0x25a: {  	v38 =	vsel vm3, v45, v41;
	_ =	sdelay $0x2  }
0x25b: {  	v39, v63, _ =	vpop (xrf1);
	(xrf1) =	vsort.dscd.msk.f32 $0xffff, v48, v54  }
0x25c: {  	vm3 =	vge.f32 v39, v57;
	(xrf1) =	vsort.dscd.msk.f32 $0xffff, v58, v38;
	v45, v38, _ =	vpop (xrf1)  }
0x25d: {  	v39 =	vsel vm3, v39, v57;
	v41 =	vsel vm3, v63, v56;
	(xrf0) =	vmax.scan.msk.f32 $0xffff, v45  }
0x25e: {  	(xrf1) =	vsort.dscd.msk.f32 $0xffff, v39, v41  }
0x25f: {  	v59 =	vsel vm2, v44, v55;
	(xrf1) =	vsort.dscd.msk.f32 $0xffff, v49, v50  }
0x260: {  	v61, _, _ =	vpop (xrf2);
	(xrf1) =	vsort.dscd.msk.f32 $0xffff, v59, v53  }
0x261: {  	v60, _, _ =	vpop (xrf0)  }
0x262: {  	v49, _, _ =	vpop (xrf0)  }
0x263: {  	v57, _, _ =	vpop (xrf0)  }
0x264: {  	v41 =	vbroadcast v60, $0xF;
	v63, v62, _ =	vpop (xrf1);
	v50 =	vbroadcast v57, $0xF  }
0x265: {  	v39 =	vbroadcast v61, $0xF;
	v59, v58, _ =	vpop (xrf1)  }
0x266: {  	(erf) = vrcp.f32 v31;
	v41 =	vsub.f32 v51, v41;
	v60 =	vperm.xlane v59, v4  }
0x267: {  	(erf) = vrcp.f32 v39;
	v31 =	vperm.xlane v58, v4;
	v45 =	vsub.f32 v45, v50  }
0x268: {  	v54 =	vbroadcast v49, $0xF;
	v61 =	vmul.f32 $1.442695020e+00, v41;
	vm2 =	vge.f32 v63, v60;
	v50, v53, _ =	vpop (xrf1)  }
0x269: {  	v31 =	vsel vm2, v62, v31;
	v62 =	vsel vm2, v63, v60;
	v63 =	vmul.f32 $1.442695020e+00, v45;
	v56, v55, _ =	vpop (xrf1)  }
0x26a: {  	v59 =	vsub.f32 v52, v54;
	(erf) = vpow2.f32 v61;
	(xrf1) =	vsort.dscd.msk.f32 $0xffff, v62, v31;
	v31 =	vperm.xlane v56, v4  }
0x26b: {  	v58, v57, _ =	vpop (xrf1);
	(erf) = vpow2.f32 v63;
	v60 =	vperm.xlane v55, v4  }
0x26c: {  	v61 =	vmul.f32 $1.442695020e+00, v59;
	v49, v51, _ =	vpop (xrf1);
	vm2 =	vge.f32 v58, v31  }
0x26d: {  	v52, v54, _ =	vpop (xrf1);
	v31 =	vsel vm2, v58, v31;
	v62 =	vsel vm2, v57, v60  }
0x26e: {  	v40 =	vmul.f32 $1.442695020e+00, v40;
	(erf) = vpow2.f32 v61;
	v41, v45, _ =	vpop (xrf1);
	(xrf1) =	vsort.dscd.msk.f32 $0xffff, v31, v62  }
0x26f: {  	v23 =	vperm.xlane v23, v4;
	v48 =	vpop (erf);
	v63 =	vperm.xlane v41, v4  }
0x270: {  	v44 =	vpop (erf);
	(erf) = vpow2.f32 v40;
	v31 =	vperm.xlane v45, v4  }
0x271: {  	v41 =	vpop (erf);
	vm2 =	vge.f32 v50, v63  }
0x272: {  	(xrf2) =	vadd.scan.msk.f32 $0xffff, v21;
	v45 =	vpop (erf);
	v60 =	vsel vm2, v50, v63;
	v31 =	vsel vm2, v53, v31;
	vm2 =	vge.f32 v33, v23  }
0x273: {  	v59 =	vpop (erf);
	(xrf1) =	vsort.dscd.msk.f32 $0xffff, v60, v31;
	v23 =	vsel vm2, v33, v23;
	v31 =	vsel vm2, v32, v34  }
0x274: {  	v61 =	vpop (erf);
	(xrf1) =	vsort.dscd.msk.f32 $0xffff, v23, v31  }
0x275: {  	v34 =	vnsel vm0, $0x0, v61  }
0x276: {  	(xrf2) =	vadd.scan.msk.f32 $0xffff, v34  }
0x277: {  	v62 =	vsel vm1, v43, v37;
	v31 =	vsel vm1, v47, v42;
	v37 =	vpop (erf);
	(xrf1) =	vsort.dscd.msk.f32 $0xffff, v46, v28  }
0x278: {  	(xrf1) =	vsort.dscd.msk.f32 $0xffff, v62, v31;
	v40, v23, _ =	vpop (xrf1)  }
0x279: {  	v33 =	vnsel vm0, $0x0, v59;
	v28 =	vpop (erf);
	(xrf0) =	vmax.scan.msk.f32 $0xffff, v40  }
0x27a: {  	(xrf2) =	vadd.scan.msk.f32 $0xffff, v33;
	v39 =	vnsel vm0, $0x0, v28  }
0x27b: {  	(xrf2) =	vadd.scan.msk.f32 $0xffff, v39  }
0x27c: {  	v42, v31, _ =	vpop (xrf1)  }
0x27d: {  	(xrf0) =	vmax.scan.msk.f32 $0xffff, v42  }
0x27e: {  	v63, _, _ =	vpop (xrf2)  }
0x27f: {  	v61, _, _ =	vpop (xrf0)  }
0x280: {  	v60, _, _ =	vpop (xrf2)  }
0x281: {  	v50, v28, _ =	vpop (xrf1)  }
0x282: {  	(xrf0) =	vmax.scan.msk.f32 $0xffff, v50;
	v53, v32, _ =	vpop (xrf1)  }
0x283: {  	v62, _, _ =	vpop (xrf0);
	(xrf0) =	vmax.scan.msk.f32 $0xffff, v53  }
0x284: {  	v43 =	vbroadcast v63, $0xF;
	v56, _, _ =	vpop (xrf2);
	v46 =	vbroadcast v60, $0xF  }
0x285: {  	(erf) = vrcp.f32 v30;
	v57, _, _ =	vpop (xrf2)  }
0x286: {  	v51 =	vperm.xlane v51, v4;
	v30, v58, _ =	vpop (xrf1);
	(erf) = vrcp.f32 v46  }
0x287: {  	v47 =	vbroadcast v61, $0xF;
	v63, v59, _ =	vpop (xrf1);
	(erf) = vrcp.f32 v43  }
0x288: {  	v46 =	vperm.xlane v63, v4;
	v55 =	vbroadcast v62, $0xF;
	v43, _, _ =	vpop (xrf0)  }
0x289: {  	v57 =	vbroadcast v57, $0xF;
	v59 =	vperm.xlane v59, v4;
	v60, _, _ =	vpop (xrf0)  }
0x28a: {  	vm1 =	vge.f32 v30, v46;
	v42 =	vsub.f32 v42, v55;
	v60 =	vbroadcast v60, $0xF  }
0x28b: {  	v58 =	vsel vm1, v58, v59;
	v30 =	vsel vm1, v30, v46;
	v43 =	vbroadcast v43, $0xF  }
0x28c: {  	(xrf1) =	vsort.dscd.msk.f32 $0xffff, v30, v58;
	v30 =	vperm.xlane v49, v4;
	v42 =	vmul.f32 $1.442695020e+00, v42;
	v59 =	vsub.f32 v53, v60  }
0x28d: {  	v40 =	vsub.f32 v40, v47;
	(erf) = vrcp.f32 v57;
	v43 =	vsub.f32 v50, v43  }
0x28e: {  	vm1 =	vge.f32 v52, v30;
	(erf) = vpow2.f32 v42;
	v46 =	vmul.f32 $1.442695020e+00, v59  }
0x28f: {  	v30 =	vsel vm1, v52, v30;
	v60 =	vsel vm1, v54, v51;
	v43 =	vmul.f32 $1.442695020e+00, v43  }
0x290: {  	(xrf1) =	vsort.dscd.msk.f32 $0xffff, v30, v60;
	(erf) = vpow2.f32 v46  }
0x291: {  	v30 =	vmul.f32 $1.442695020e+00, v40;
	(erf) = vpow2.f32 v43;
	_ =	sdelay $0x1  }
0x292: {  	(erf) = vpow2.f32 v30  }
0x293: {  	v43 =	vpop (erf)  }
0x294: {  	v46 =	vpop (erf)  }
0x295: {  	v47 =	vpop (erf)  }
0x296: {  	v49 =	vpop (erf)  }
0x297: {  	v42 =	vnsel vm0, $0x0, v37;
	v61 =	vpop (erf)  }
0x298: {  	(xrf2) =	vadd.scan.msk.f32 $0xffff, v42;
	v30 =	vpop (erf)  }
0x299: {  	v50 =	vnsel vm0, $0x0, v30;
	v52 =	vpop (erf)  }
0x29a: {  	v40 =	vnsel vm0, $0x0, v61;
	v51, v30, _ =	vpop (xrf1);
	(xrf2) =	vadd.scan.msk.f32 $0xffff, v50  }
0x29b: {  	v62 =	vpop (erf);
	(xrf2) =	vadd.scan.msk.f32 $0xffff, v40  }
0x29c: {  	(xrf0) =	vmax.scan.msk.f32 $0xffff, v51;
	v53 =	vnsel vm0, $0x0, v62  }
0x29d: {  	v54, v37, _ =	vpop (xrf1);
	(xrf2) =	vadd.scan.msk.f32 $0xffff, v53  }
0x29e: {  	(xrf0) =	vmax.scan.msk.f32 $0xffff, v54;
	_ =	sdelay $0x3  }
0x29f: {  	v63, _, _ =	vpop (xrf2)  }
0x2a0: {  	v57, _, _ =	vpop (xrf0)  }
0x2a1: {  	v56 =	vbroadcast v56, $0xF;
	v60, _, _ =	vpop (xrf0)  }
0x2a2: {  	v58 =	vbroadcast v60, $0xF;
	v61, _, _ =	vpop (xrf2)  }
0x2a3: {  	(erf) = vrcp.f32 v56;
	v59 =	vbroadcast v61, $0xF;
	v60, _, _ =	vpop (xrf2)  }
0x2a4: {  	v55 =	vbroadcast v63, $0xF;
	v57 =	vbroadcast v57, $0xF;
	v54 =	vsub.f32 v54, v58;
	v62, _, _ =	vpop (xrf2)  }
0x2a5: {  	(erf) = vrcp.f32 v59;
	v56 =	vbroadcast v62, $0xF  }
0x2a6: {  	v51 =	vsub.f32 v51, v57;
	v54 =	vmul.f32 $1.442695020e+00, v54;
	(erf) = vrcp.f32 v55  }
0x2a7: {  	v14 =	vmul.f32 v48, v14;
	(erf) = vrcp.f32 v56  }
0x2a8: {  	v51 =	vmul.f32 $1.442695020e+00, v51;
	(erf) = vpow2.f32 v54;
	_ =	sdelay $0x1  }
0x2a9: {  	[tilespmem:v35+s20+$0x0] =	vst.idx.msk $0xff, v14;
	v14 =	vmul.f32 v44, v22;
	v22 =	vor.u32 s24, v2;
	(erf) = vpow2.f32 v51  }
0x2aa: {  	v12 =	vor.u32 v36, v12;
	_ =	sdelay $0x1  }
0x2ab: {  	s4 =	sshll.u32 s4, $0x7;
	[tilespmem:v27+s21+$0x0] =	vst.idx.msk $0xff, v7;
	v51 =	vpop (erf)  }
0x2ac: {  	s5 =	sadd.s32 $0x180, s4;
	[tilespmem:v17+s20+$0x0] =	vst.idx.msk $0xff, v14;
	v13 =	vmul.f32 v41, v13;
	v63 =	vand.u32 $0xFFFFFF80, v25;
	v54 =	vpop (erf)  }
0x2ad: {  	[tilespmem:v22+s21+$0x0] =	vst.idx.msk $0xff, v11;
	v7 =	vmul.f32 v45, v29;
	v55 =	vadd.s32 s5, v63;
	v63 =	vor.u32 s16, v2;
	v56 =	vpop (erf)  }
0x2ae: {  	v14 =	vand.u32 $0x7F, v10;
	[tilespmem:v12+s20+$0x0] =	vst.idx.msk $0xff, v13;
	v12 =	vor.u32 s23, v2;
	v58 =	vpop (erf)  }
0x2af: {  	[tilespmem:v15+s20+$0x0] =	vst.idx.msk $0xff, v7;
	v7 =	vor.u32 v14, v18;
	v13 =	vand.u32 $0xFFFFFF80, v23;
	v48 =	vnsel vm0, $0x0, v52;
	v52 =	vpop (erf)  }
0x2b0: {  	s6 =	sadd.s32 $0x80, s28;
	v11 =	vand.u32 $0x7F, v23;
	(xrf2) =	vadd.scan.msk.f32 $0xffff, v48;
	v57 =	vand.u32 $0xFFFFFF80, v38;
	v52 =	vnsel vm0, $0x0, v52  }
0x2b1: {  	v61 =	vor.u32 s17, v2;
	v17 =	vadd.s32 s6, v57;
	v59 =	vand.u32 $0x7F, v38;
	v62 =	vpop (erf);
	(xrf2) =	vadd.scan.msk.f32 $0xffff, v52  }
0x2b2: {  	v13 =	vadd.s32 s4, v13;
	v14 =	vor.u32 v59, v17;
	[tilespmem:v63+s21+$0x0] =	vst.idx.msk $0xff, v6;
	v27 =	vnsel vm0, $0x0, v62  }
0x2b3: {  	v6 =	vor.u32 v11, v13;
	v11 =	vand.u32 $0x7F, v9;
	v13 =	vmul.f32 v43, v19;
	(xrf2) =	vadd.scan.msk.f32 $0xffff, v27  }
0x2b4: {  	v11 =	vor.u32 v11, v16  }
0x2b5: {  	[tilespmem:v7+s20+$0x0] =	vst.idx.msk $0xff, v13;
	v7 =	vmul.f32 v46, v34;
	v13 =	vor.u32 s6, v2  }
0x2b6: {  	s7 =	sadd.s32 $0x100, s4;
	v29 =	vand.u32 $0xFFFFFF80, v26;
	[tilespmem:v61+s21+$0x0] =	vst.idx.msk $0xff, v8;
	v19 =	vor.u32 s18, v2  }
0x2b7: {  	v15 =	vadd.s32 s7, v29;
	v21 =	vmul.f32 v47, v21;
	[tilespmem:v14+s20+$0x0] =	vst.idx.msk $0xff, v7;
	v7 =	vand.u32 $0x7F, v25  }
0x2b8: {  	v18 =	vor.u32 s28, v2;
	v17 =	vand.u32 $0xFFFFFF80, v32;
	s18 =	sadd.s32 $0x80, s4;
	[tilespmem:v12+s21+$0x0] =	vst.idx.msk $0xff, v10;
	v7 =	vor.u32 v7, v55  }
0x2b9: {  	v16 =	vand.u32 $0x7F, v32;
	v17 =	vadd.s32 s18, v17;
	v14 =	vbroadcast v60, $0xF;
	[tilespmem:v11+s20+$0x0] =	vst.idx.msk $0xff, v21  }
0x2ba: {  	v16 =	vor.u32 v16, v17;
	v10 =	vmul.f32 v49, v39;
	v12, _, _ =	vpop (xrf2);
	v11 =	vor.u32 s5, v2;
	[tilespmem:v13+s21+$0x0] =	vst.idx.msk $0xff, v38  }
0x2bb: {  	(erf) = vrcp.f32 v14;
	[tilespmem:v19+s21+$0x0] =	vst.idx.msk $0xff, v9;
	v9 =	vand.u32 $0x7F, v26;
	v13 =	vmul.f32 v51, v33;
	v22, _, _ =	vpop (xrf2)  }
0x2bc: {  	s3 =	sshll.u32 s3, $0x7;
	v12 =	vbroadcast v12, $0xF;
	[tilespmem:v24+s20+$0x0] =	vst.idx.msk $0xff, v10;
	v9 =	vor.u32 v9, v15;
	v10 =	vbroadcast v22, $0xF  }
0x2bd: {  	s23 =	sadd.s32 $0x180, s3;
	v8 =	vand.u32 $0xFFFFFF80, v31;
	v15 =	vmul.f32 v56, v42;
	[tilespmem:v7+s20+$0x0] =	vst.idx.msk $0xff, v13;
	v7 =	vmul.f32 v54, v50;
	v14, _, _ =	vpop (xrf2)  }
0x2be: {  	v8 =	vadd.s32 s23, v8;
	(erf) = vrcp.f32 v10;
	v10 =	vbroadcast v14, $0xF  }
0x2bf: {  	v17 =	vand.u32 $0xFFFFFF80, v37;
	[tilespmem:v11+s21+$0x0] =	vst.idx.msk $0xff, v25;
	v11 =	vmul.f32 v58, v53;
	(erf) = vrcp.f32 v12  }
0x2c0: {  	s24 =	sadd.s32 $0x80, s3;
	[tilespmem:v16+s20+$0x0] =	vst.idx.msk $0xff, v7;
	v7 =	vand.u32 $0x7F, v31;
	v12 =	vor.u32 s18, v2;
	(erf) = vrcp.f32 v10  }
0x2c1: {  	v13 =	vor.u32 s7, v2;
	[tilespmem:v6+s20+$0x0] =	vst.idx.msk $0xff, v11;
	v6 =	vor.u32 v7, v8;
	v8 =	vadd.s32 s24, v17  }
0x2c2: {  	[tilespmem:s26+$0xFFFFFF80] =	vst v5  }
0x2c3: {  	v7 =	vand.u32 $0x7F, v37;
	[tilespmem:v9+s20+$0x0] =	vst.idx.msk $0xff, v15;
	v9 =	vor.u32 s23, v2  }
0x2c4: {  	s8 =	sadd.s32 $0x100, s3;
	[tilespmem:v18+s21+$0x0] =	vst.idx.msk $0xff, v20;
	v7 =	vor.u32 v7, v8;
	v8 =	vpop (erf);
	v14 =	vor.u32 s4, v2;
	v10 =	vand.u32 $0xFFFFFF80, v28  }
0x2c5: {  	v8 =	vmul.f32 v8, v40;
	v10 =	vadd.s32 s8, v10;
	[tilespmem:v12+s21+$0x0] =	vst.idx.msk $0xff, v32;
	v12 =	vand.u32 $0x7F, v28  }
0x2c6: {  	v16 =	vand.u32 $0xFFFFFF80, v30;
	[tilespmem:v13+s21+$0x0] =	vst.idx.msk $0xff, v26;
	v10 =	vor.u32 v12, v10  }
0x2c7: {  	v11 =	vand.u32 $0x7F, v30;
	v15 =	vadd.s32 s3, v16;
	[tilespmem:v6+s20+$0x0] =	vst.idx.msk $0xff, v8;
	v8 =	vor.u32 s24, v2;
	v13 =	vpop (erf)  }
0x2c8: {  	v11 =	vor.u32 v11, v15;
	[tilespmem:v9+s21+$0x0] =	vst.idx.msk $0xff, v31;
	v12 =	vpop (erf);
	v6 =	vmul.f32 v13, v52  }
0x2c9: {  	[tilespmem:v14+s21+$0x0] =	vst.idx.msk $0xff, v23;
	v14 =	vor.u32 s8, v2;
	v13 =	vpop (erf);
	v12 =	vmul.f32 v12, v48  }
0x2ca: {  	v9 =	vmul.f32 v13, v27;
	v13 =	vor.u32 s3, v2;
	[tilespmem:v7+s20+$0x0] =	vst.idx.msk $0xff, v6  }
0x2cb: {  	[tilespmem:v10+s20+$0x0] =	vst.idx.msk $0xff, v12  }
0x2cc: {  	[tilespmem:v8+s21+$0x0] =	vst.idx.msk $0xff, v37  }
0x2cd: {  	[tilespmem:v11+s20+$0x0] =	vst.idx.msk $0xff, v9  }
0x2ce: {  	[tilespmem:v14+s21+$0x0] =	vst.idx.msk $0xff, v28  }
0x2cf: {  	[tilespmem:v13+s21+$0x0] =	vst.idx.msk $0xff, v30  }
0x2d0: {  	s26 =	simm.s32 $0x0;
	s7 =	simm.s32 $0xA000;
	s6 =	rddreg [dreg:$0x8]  }
0x2d1: {  	[hbm4b:s6+s26] =	stream.linear.scatter [tilespmem:s7], [sflag:$0x5], $0x2000, $0x38;
	[tilespmem:$0x18000] =	vst v63  }
0x2d2: {  	s9 =	simm.s32 $0x12000;
	s8 =	rddreg [dreg:$0x9]  }
0x2d3: {  	[hbm4b:s8+s26] =	stream.linear.scatter [tilespmem:s9], [sflag:$0x5], $0x2000, $0x38;
	[tilespmem:$0x18000] =	vst v63  }
0x2d4: {  	_ =	swait.ge [sflag:s25], $0x2000  }
0x2d5: {  	[sflag:s25] =	ssyncset.done $0x0  }
0x2d6: {  	s17 =	simm.s32 $0x0;
	[sflag:s25] =	ssyncadd.s32 $0xFFFFE000  }
0x2d7: {  	v6 =	vld [tilespmem:s17+$0x4100]  }
0x2d8: {  	v7 =	vld [tilespmem:s17+$0x41A0]  }
0x2d9: {  	v8 =	vld [tilespmem:s17+$0x4180]  }
0x2da: {  	v9 =	vld [tilespmem:s17+$0x4090]  }
0x2db: {  	v10 =	vld [tilespmem:s17+$0x4120]  }
0x2dc: {  	(xrf1) =	vsort.dscd.msk.f32 $0xffff, v6, v2;
	v6 =	vld [tilespmem:s17+$0x4110]  }
0x2dd: {  	v11 =	vld [tilespmem:s17+$0x4010];
	(xrf1) =	vsort.dscd.msk.f32 $0xffff, v7, v0  }
0x2de: {  	v7 =	vld [tilespmem:s17+$0x4190];
	(xrf1) =	vsort.dscd.msk.f32 $0xffff, v8, v2  }
0x2df: {  	v8 =	vld [tilespmem:s17+$0x41B0];
	(xrf1) =	vsort.dscd.msk.f32 $0xffff, v9, v3  }
0x2e0: {  	v9 =	vld [tilespmem:s17+$0x4130];
	(xrf1) =	vsort.dscd.msk.f32 $0xffff, v10, v0  }
0x2e1: {  	v10 =	vld [tilespmem:s17+$0x4000];
	(xrf1) =	vsort.dscd.msk.f32 $0xffff, v6, v3  }
0x2e2: {  	v6 =	vld [tilespmem:s17+$0x40B0];
	(xrf1) =	vsort.dscd.msk.f32 $0xffff, v11, v3  }
0x2e3: {  	v11 =	vld [tilespmem:s17+$0x40A0];
	(xrf1) =	vsort.dscd.msk.f32 $0xffff, v7, v3  }
0x2e4: {  	v7 =	vld [tilespmem:s17+$0x4080];
	(xrf1) =	vsort.dscd.msk.f32 $0xffff, v8, v1  }
0x2e5: {  	v8 =	vld [tilespmem:s17+$0x4020];
	(xrf1) =	vsort.dscd.msk.f32 $0xffff, v9, v1  }
0x2e6: {  	v9 =	vld [tilespmem:s17+$0x4030];
	(xrf1) =	vsort.dscd.msk.f32 $0xffff, v10, v2  }
0x2e7: {  	(xrf1) =	vsort.dscd.msk.f32 $0xffff, v6, v1  }
0x2e8: {  	(xrf1) =	vsort.dscd.msk.f32 $0xffff, v11, v0  }
0x2e9: {  	(xrf1) =	vsort.dscd.msk.f32 $0xffff, v7, v2  }
0x2ea: {  	v6, v7, _ =	vpop (xrf1);
	(xrf1) =	vsort.dscd.msk.f32 $0xffff, v8, v0  }
0x2eb: {  	v8, v10, _ =	vpop (xrf1);
	(xrf1) =	vsort.dscd.msk.f32 $0xffff, v9, v1  }
0x2ec: {  	v9, v11, _ =	vpop (xrf1)  }
0x2ed: {  	v12, v13, _ =	vpop (xrf1)  }
0x2ee: {  	v14, v15, _ =	vpop (xrf1)  }
0x2ef: {  	v16, v17, _ =	vpop (xrf1)  }
0x2f0: {  	v18, v19, _ =	vpop (xrf1)  }
0x2f1: {  	v16 =	vperm.xlane v16, v4;
	v20, v21, _ =	vpop (xrf1)  }
0x2f2: {  	v12 =	vperm.xlane v12, v4;
	v22, v23, _ =	vpop (xrf1)  }
0x2f3: {  	v13 =	vperm.xlane v13, v4;
	v17 =	vperm.xlane v17, v4;
	vm1 =	vge.f32 v6, v16;
	v24, v25, _ =	vpop (xrf1)  }
0x2f4: {  	v6 =	vsel vm1, v6, v16;
	v16 =	vperm.xlane v22, v4;
	v25 =	vperm.xlane v25, v4;
	v26, v27, _ =	vpop (xrf1)  }
0x2f5: {  	v22 =	vperm.xlane v23, v4;
	v24 =	vperm.xlane v24, v4;
	v23, v28, _ =	vpop (xrf1)  }
0x2f6: {  	v19 =	vperm.xlane v19, v4;
	v7 =	vsel vm1, v7, v17;
	v17 =	vperm.xlane v18, v4;
	v18, v29, _ =	vpop (xrf1)  }
0x2f7: {  	v20 =	vperm.xlane v20, v4;
	vm1 =	vge.f32 v8, v16;
	vm2 =	vge.f32 v14, v24;
	v30, v31, _ =	vpop (xrf1)  }
0x2f8: {  	v8 =	vsel vm1, v8, v16;
	v14 =	vsel vm2, v14, v24;
	v15 =	vsel vm2, v15, v25;
	v16, v45, _ =	vpop (xrf1)  }
0x2f9: {  	v21 =	vperm.xlane v21, v4;
	vm3 =	vge.f32 v30, v12;
	(xrf1) =	vsort.dscd.msk.f32 $0xffff, v14, v15;
	v24, v25, _ =	vpop (xrf1)  }
0x2fa: {  	s16 =	simm.s32 $0x200;
	v12 =	vsel vm3, v30, v12;
	v13 =	vsel vm3, v31, v13;
	v14 =	vperm.xlane v24, v4  }
0x2fb: {  	v10 =	vsel vm1, v10, v22;
	(xrf1) =	vsort.dscd.msk.f32 $0xffff, v12, v13;
	v12 =	vperm.xlane v25, v4;
	v13 =	vld [tilespmem:s16+$0x4100]  }
0x2fc: {  	vm1 =	vge.f32 v26, v17;
	(xrf1) =	vsort.dscd.msk.f32 $0xffff, v8, v10;
	vm2 =	vge.f32 v16, v14  }
0x2fd: {  	(xrf1) =	vsort.dscd.msk.f32 $0xffff, v6, v7;
	v6 =	vld [tilespmem:s16+$0x41A0];
	v8 =	vsel vm2, v16, v14;
	v7 =	vsel vm2, v45, v12  }
0x2fe: {  	v10 =	vsel vm1, v26, v17;
	v12 =	vsel vm1, v27, v19;
	v14 =	vld [tilespmem:s16+$0x4180];
	(xrf1) =	vsort.dscd.msk.f32 $0xffff, v8, v7  }
0x2ff: {  	vm1 =	vge.f32 v9, v20;
	v7 =	vld [tilespmem:s16+$0x4090];
	(xrf1) =	vsort.dscd.msk.f32 $0xffff, v10, v12  }
0x300: {  	v8 =	vsel vm1, v9, v20;
	v9 =	vsel vm1, v11, v21;
	v10 =	vld [tilespmem:s16+$0x4120];
	(xrf1) =	vsort.dscd.msk.f32 $0xffff, v13, v2  }
0x301: {  	v11 =	vld [tilespmem:s16+$0x4110];
	(xrf1) =	vsort.dscd.msk.f32 $0xffff, v8, v9  }
0x302: {  	(xrf1) =	vsort.dscd.msk.f32 $0xffff, v6, v0  }
0x303: {  	v8 =	vld [tilespmem:s16+$0x4010];
	(xrf1) =	vsort.dscd.msk.f32 $0xffff, v14, v2  }
0x304: {  	v6 =	vld [tilespmem:s16+$0x4190];
	(xrf1) =	vsort.dscd.msk.f32 $0xffff, v7, v3  }
0x305: {  	v9 =	vld [tilespmem:s16+$0x41B0];
	(xrf1) =	vsort.dscd.msk.f32 $0xffff, v10, v0  }
0x306: {  	v12 =	vld [tilespmem:s16+$0x4130];
	(xrf1) =	vsort.dscd.msk.f32 $0xffff, v11, v3;
	v11 =	vperm.xlane v23, v4;
	_ =	sdelay $0x1  }
0x307: {  	v13 =	vld [tilespmem:s16+$0x4000];
	v14, v15, _ =	vpop (xrf1);
	(xrf1) =	vsort.dscd.msk.f32 $0xffff, v8, v3  }
0x308: {  	v16 =	vld [tilespmem:s16+$0x40B0];
	v8 =	vperm.xlane v28, v4;
	(xrf1) =	vsort.dscd.msk.f32 $0xffff, v6, v3;
	vm1 =	vge.f32 v18, v11;
	v10, v7, _ =	vpop (xrf1)  }
0x309: {  	v14 =	vperm.xlane v14, v4;
	v6 =	vld [tilespmem:s16+$0x40A0];
	(xrf1) =	vsort.dscd.msk.f32 $0xffff, v9, v1;
	v9 =	vsel vm1, v18, v11;
	v11, v17, _ =	vpop (xrf1)  }
0x30a: {  	v8 =	vsel vm1, v29, v8;
	(xrf1) =	vsort.dscd.msk.f32 $0xffff, v12, v1;
	v18, v19, _ =	vpop (xrf1)  }
0x30b: {  	v12 =	vld [tilespmem:s16+$0x4080];
	(xrf1) =	vsort.dscd.msk.f32 $0xffff, v9, v8;
	v9 =	vperm.xlane v15, v4;
	vm1 =	vge.f32 v18, v14  }
0x30c: {  	v8 =	vld [tilespmem:s16+$0x4020];
	v15, v20, _ =	vpop (xrf1);
	(xrf1) =	vsort.dscd.msk.f32 $0xffff, v13, v2;
	v14 =	vsel vm1, v18, v14  }
0x30d: {  	v13 =	vld [tilespmem:s16+$0x4030];
	v21, v22, _ =	vpop (xrf1);
	(xrf1) =	vsort.dscd.msk.f32 $0xffff, v16, v1;
	v9 =	vsel vm1, v19, v9  }
0x30e: {  	v16, v18, _ =	vpop (xrf1);
	(xrf1) =	vsort.dscd.msk.f32 $0xffff, v6, v0  }
0x30f: {  	v6, v19, _ =	vpop (xrf1);
	(xrf1) =	vsort.dscd.msk.f32 $0xffff, v14, v9  }
0x310: {  	v9, v14, _ =	vpop (xrf1);
	(xrf1) =	vsort.dscd.msk.f32 $0xffff, v12, v2  }
0x311: {  	v12, v23, _ =	vpop (xrf1);
	(xrf1) =	vsort.dscd.msk.f32 $0xffff, v8, v0  }
0x312: {  	v8, v24, _ =	vpop (xrf1);
	(xrf1) =	vsort.dscd.msk.f32 $0xffff, v13, v1  }
0x313: {  	v13, v25, _ =	vpop (xrf1)  }
0x314: {  	v11 =	vperm.xlane v11, v4;
	v15 =	vperm.xlane v15, v4;
	v26, v27, _ =	vpop (xrf1)  }
0x315: {  	v17 =	vperm.xlane v17, v4;
	v20 =	vperm.xlane v20, v4;
	v28, v29, _ =	vpop (xrf1)  }
0x316: {  	vm1 =	vge.f32 v21, v15;
	vm2 =	vge.f32 v6, v11;
	v30, v31, _ =	vpop (xrf1)  }
0x317: {  	v15 =	vsel vm1, v21, v15;
	v20 =	vsel vm1, v22, v20;
	v17 =	vsel vm2, v19, v17;
	v21, v46, _ =	vpop (xrf1)  }
0x318: {  	v11 =	vsel vm2, v6, v11;
	v19 =	vperm.xlane v26, v4;
	v6 =	vperm.xlane v27, v4;
	v22, v26, _ =	vpop (xrf1)  }
0x319: {  	v27 =	vperm.xlane v30, v4;
	v30, v47, _ =	vpop (xrf1)  }
0x31a: {  	v8 =	vperm.xlane v8, v4;
	v24 =	vperm.xlane v24, v4;
	vm1 =	vge.f32 v16, v19;
	v49, v48, _ =	vpop (xrf1)  }
0x31b: {  	v16 =	vsel vm1, v16, v19;
	v21 =	vperm.xlane v21, v4;
	v19 =	vperm.xlane v22, v4;
	v22, v50, _ =	vpop (xrf1)  }
0x31c: {  	v28 =	vperm.xlane v28, v4;
	(xrf1) =	vsort.dscd.msk.f32 $0xffff, v15, v20;
	v15 =	vperm.xlane v29, v4;
	v52, v51, _ =	vpop (xrf1)  }
0x31d: {  	v18 =	vsel vm1, v18, v6;
	v26 =	vperm.xlane v26, v4;
	vm1 =	vge.f32 v9, v21;
	v20, v6, _ =	vpop (xrf1)  }
0x31e: {  	(xrf1) =	vsort.dscd.msk.f32 $0xffff, v11, v17;
	vm2 =	vge.f32 v13, v19;
	v9 =	vsel vm1, v9, v21;
	v11, v17, _ =	vpop (xrf1)  }
0x31f: {  	v13 =	vsel vm2, v13, v19;
	v19 =	vsel vm2, v25, v26;
	vm3 =	vge.f32 v11, v8;
	v21, v29, _ =	vpop (xrf1)  }
0x320: {  	v32 =	vperm.xlane v46, v4;
	(xrf1) =	vsort.dscd.msk.f32 $0xffff, v13, v19;
	v8 =	vsel vm3, v11, v8;
	v11, v25, _ =	vpop (xrf1)  }
0x321: {  	s18 =	simm.s32 $0x400;
	v31 =	vperm.xlane v31, v4;
	(xrf0) =	vmax.scan.msk.f32 $0xffff, v20;
	v13 =	vsel vm3, v17, v24;
	v11 =	vperm.xlane v11, v4  }
0x322: {  	v14 =	vsel vm1, v14, v32;
	(xrf1) =	vsort.dscd.msk.f32 $0xffff, v8, v13;
	v8 =	vperm.xlane v25, v4;
	v13 =	vld [tilespmem:s18+$0x4100]  }
0x323: {  	vm1 =	vge.f32 v49, v28;
	(xrf1) =	vsort.dscd.msk.f32 $0xffff, v9, v14;
	vm2 =	vge.f32 v21, v11  }
0x324: {  	(xrf1) =	vsort.dscd.msk.f32 $0xffff, v16, v18;
	v9 =	vsel vm2, v21, v11;
	v11 =	vld [tilespmem:s18+$0x41A0];
	v8 =	vsel vm2, v29, v8  }
0x325: {  	v15 =	vsel vm1, v48, v15;
	v14 =	vsel vm1, v49, v28;
	v16 =	vld [tilespmem:s18+$0x4180];
	(xrf1) =	vsort.dscd.msk.f32 $0xffff, v9, v8  }
0x326: {  	vm1 =	vge.f32 v12, v27;
	v8 =	vld [tilespmem:s18+$0x4090];
	(xrf1) =	vsort.dscd.msk.f32 $0xffff, v14, v15  }
0x327: {  	v9 =	vsel vm1, v12, v27;
	v12 =	vsel vm1, v23, v31;
	v14 =	vld [tilespmem:s18+$0x4120];
	(xrf1) =	vsort.dscd.msk.f32 $0xffff, v13, v2  }
0x328: {  	v15 =	vld [tilespmem:s18+$0x4110];
	(xrf1) =	vsort.dscd.msk.f32 $0xffff, v9, v12  }
0x329: {  	(xrf1) =	vsort.dscd.msk.f32 $0xffff, v11, v0  }
0x32a: {  	v11 =	vld [tilespmem:s18+$0x4010];
	(xrf1) =	vsort.dscd.msk.f32 $0xffff, v16, v2  }
0x32b: {  	v12 =	vld [tilespmem:s18+$0x4190];
	(xrf1) =	vsort.dscd.msk.f32 $0xffff, v8, v3  }
0x32c: {  	v18 =	vld [tilespmem:s18+$0x41B0];
	v17, v9, _ =	vpop (xrf1);
	(xrf1) =	vsort.dscd.msk.f32 $0xffff, v14, v0  }
0x32d: {  	v13, v8, _ =	vpop (xrf1);
	(xrf1) =	vsort.dscd.msk.f32 $0xffff, v15, v3  }
0x32e: {  	v19, _, _ =	vpop (xrf0);
	v21 =	vperm.xlane v22, v4;
	v14 =	vld [tilespmem:s18+$0x4130]  }
0x32f: {  	v23, v24, _ =	vpop (xrf1);
	(xrf1) =	vsort.dscd.msk.f32 $0xffff, v11, v3  }
0x330: {  	v22 =	vld [tilespmem:s18+$0x4000];
	vm1 =	vge.f32 v52, v21;
	v16, v15, _ =	vpop (xrf1);
	(xrf1) =	vsort.dscd.msk.f32 $0xffff, v12, v3  }
0x331: {  	v25 =	vld [tilespmem:s18+$0x40B0];
	v11 =	vperm.xlane v50, v4;
	v12, v26, _ =	vpop (xrf1);
	(xrf1) =	vsort.dscd.msk.f32 $0xffff, v18, v1;
	v18 =	vsel vm1, v52, v21  }
0x332: {  	v27 =	vld [tilespmem:s18+$0x40A0];
	(xrf0) =	vmax.scan.msk.f32 $0xffff, v17;
	v23 =	vperm.xlane v23, v4;
	v21, v28, _ =	vpop (xrf1)  }
0x333: {  	v11 =	vsel vm1, v51, v11;
	(xrf1) =	vsort.dscd.msk.f32 $0xffff, v14, v1;
	v29, v31, _ =	vpop (xrf1)  }
0x334: {  	v14 =	vld [tilespmem:s18+$0x4080];
	vm1 =	vge.f32 v21, v23;
	(xrf1) =	vsort.dscd.msk.f32 $0xffff, v18, v11;
	v11 =	vperm.xlane v24, v4;
	v18, v24, _ =	vpop (xrf1)  }
0x335: {  	v21 =	vsel vm1, v21, v23;
	(xrf1) =	vsort.dscd.msk.f32 $0xffff, v22, v2;
	v53, v54, _ =	vpop (xrf1)  }
0x336: {  	v22 =	vld [tilespmem:s18+$0x4020];
	(xrf1) =	vsort.dscd.msk.f32 $0xffff, v25, v1;
	v11 =	vsel vm1, v28, v11;
	v23, v28, _ =	vpop (xrf1)  }
0x337: {  	v25 =	vld [tilespmem:s18+$0x4030];
	(xrf1) =	vsort.dscd.msk.f32 $0xffff, v27, v0;
	v27, v55, _ =	vpop (xrf1)  }
0x338: {  	(xrf1) =	vsort.dscd.msk.f32 $0xffff, v21, v11;
	v11 =	vbroadcast v19, $0xF;
	v21, v56, _ =	vpop (xrf1)  }
0x339: {  	(xrf1) =	vsort.dscd.msk.f32 $0xffff, v14, v2;
	v14, v19, _ =	vpop (xrf1)  }
0x33a: {  	v30 =	vperm.xlane v30, v4;
	v11 =	vsub.f32 v20, v11;
	v20, v57, _ =	vpop (xrf1)  }
0x33b: {  	(xrf1) =	vsort.dscd.msk.f32 $0xffff, v22, v0;
	v22 =	vperm.xlane v47, v4;
	v59, v58, _ =	vpop (xrf1)  }
0x33c: {  	(xrf1) =	vsort.dscd.msk.f32 $0xffff, v25, v1;
	v25, _, _ =	vpop (xrf0)  }
0x33d: {  	v29 =	vperm.xlane v29, v4;
	vm1 =	vge.f32 v10, v30;
	v25 =	vbroadcast v25, $0xF  }
0x33e: {  	v10 =	vsel vm1, v10, v30;
	v11 =	vmul.f32 $1.442695020e+00, v11;
	v7 =	vsel vm1, v7, v22  }
0x33f: {  	v22, v30, _ =	vpop (xrf1);
	(xrf1) =	vsort.dscd.msk.f32 $0xffff, v10, v7;
	v7 =	vsub.f32 v17, v25;
	v25 =	vperm.xlane v26, v4  }
0x340: {  	(erf) = vpow2.f32 v11;
	v11 =	vperm.xlane v31, v4;
	v31, v60, _ =	vpop (xrf1)  }
0x341: {  	vm1 =	vge.f32 v18, v29;
	v10 =	vperm.xlane v12, v4;
	v12, v17, _ =	vpop (xrf1)  }
0x342: {  	v11 =	vsel vm1, v24, v11;
	v24, v26, _ =	vpop (xrf1)  }
0x343: {  	v18 =	vsel vm1, v18, v29;
	v33 =	vperm.xlane v59, v4;
	vm1 =	vge.f32 v23, v10;
	v61, v29, _ =	vpop (xrf1)  }
0x344: {  	(xrf1) =	vsort.dscd.msk.f32 $0xffff, v18, v11;
	v11 =	vsel vm1, v28, v25;
	v10 =	vsel vm1, v23, v10;
	v23, v25, _ =	vpop (xrf1)  }
0x345: {  	v14 =	vperm.xlane v14, v4;
	v24 =	vperm.xlane v24, v4;
	v63, v62, _ =	vpop (xrf1)  }
0x346: {  	v18 =	vmul.f32 $1.442695020e+00, v7;
	v28 =	vperm.xlane v58, v4;
	vm1 =	vge.f32 v53, v33;
	v49, v48, _ =	vpop (xrf1)  }
0x347: {  	v12 =	vperm.xlane v12, v4;
	v26 =	vperm.xlane v26, v4;
	vm2 =	vge.f32 v20, v24;
	v50, v7, _ =	vpop (xrf1)  }
0x348: {  	(xrf1) =	vsort.dscd.msk.f32 $0xffff, v10, v11;
	v10 =	vperm.xlane v17, v4;
	v20 =	vsel vm2, v20, v24;
	v17, v51, _ =	vpop (xrf1)  }
0x349: {  	(xrf0) =	vmax.scan.msk.f32 $0xffff, v13;
	v11 =	vperm.xlane v19, v4;
	v24 =	vsel vm2, v57, v26;
	vm3 =	vge.f32 v17, v14  }
0x34a: {  	v32 =	vsel vm1, v53, v33;
	(xrf1) =	vsort.dscd.msk.f32 $0xffff, v20, v24;
	v19 =	vpop (erf);
	v14 =	vsel vm3, v17, v14  }
0x34b: {  	(xrf0) =	vmax.scan.msk.f32 $0xffff, v50;
	v26, v37, _ =	vpop (xrf1);
	v11 =	vsel vm3, v51, v11;
	v17 =	vsel vm1, v54, v28;
	vm1 =	vge.f32 v27, v12  }
0x34c: {  	v31 =	vperm.xlane v31, v4;
	(erf) = vpow2.f32 v18;
	v18, v20, _ =	vpop (xrf1);
	(xrf1) =	vsort.dscd.msk.f32 $0xffff, v14, v11;
	v11 =	vsel vm1, v27, v12  }
0x34d: {  	s23 =	simm.s32 $0x600;
	v14 =	vperm.xlane v18, v4;
	v10 =	vsel vm1, v55, v10;
	v18 =	vperm.xlane v22, v4  }
0x34e: {  	v20 =	vperm.xlane v20, v4;
	(xrf1) =	vsort.dscd.msk.f32 $0xffff, v11, v10;
	v10 =	vperm.xlane v30, v4;
	v11 =	vld [tilespmem:s23+$0x4100]  }
0x34f: {  	vm1 =	vge.f32 v26, v14;
	(xrf1) =	vsort.dscd.msk.f32 $0xffff, v32, v17;
	v17, v12, _ =	vpop (xrf1);
	vm2 =	vge.f32 v23, v18  }
0x350: {  	v24, _, _ =	vpop (xrf0);
	v14 =	vsel vm1, v26, v14;
	v20 =	vsel vm1, v37, v20;
	(xrf0) =	vmax.scan.msk.f32 $0xffff, v17;
	v18 =	vsel vm2, v23, v18  }
0x351: {  	v10 =	vsel vm2, v25, v10;
	v22, _, _ =	vpop (xrf0);
	v23 =	vld [tilespmem:s23+$0x41A0];
	(xrf1) =	vsort.dscd.msk.f32 $0xffff, v14, v20;
	v20 =	vperm.xlane v60, v4  }
0x352: {  	vm1 =	vge.f32 v21, v31;
	v25 =	vld [tilespmem:s23+$0x4180];
	v22 =	vbroadcast v22, $0xF;
	(xrf1) =	vsort.dscd.msk.f32 $0xffff, v18, v10  }
0x353: {  	v10 =	vsel vm1, v21, v31;
	v18 =	vsel vm1, v56, v20;
	(xrf1) =	vsort.dscd.msk.f32 $0xffff, v11, v2  }
0x354: {  	v20 =	vld [tilespmem:s23+$0x4090];
	v21 =	vsub.f32 v50, v22;
	v28, v14, _ =	vpop (xrf1);
	(xrf1) =	vsort.dscd.msk.f32 $0xffff, v10, v18  }
0x355: {  	(xrf0) =	vmax.scan.msk.f32 $0xffff, v28  }
0x356: {  	[tilespmem:s17+$0xC1B0] =	vst v5;
	v11 =	vld [tilespmem:s23+$0x4120];
	v22 =	vmul.f32 $1.442695020e+00, v21;
	(xrf1) =	vsort.dscd.msk.f32 $0xffff, v23, v0;
	v10, _, _ =	vpop (xrf0)  }
0x357: {  	[tilespmem:s17+$0xC1A0] =	vst v5;
	v18 =	vld [tilespmem:s23+$0x4110];
	(xrf1) =	vsort.dscd.msk.f32 $0xffff, v25, v2;
	v25 =	vbroadcast v10, $0xF  }
0x358: {  	[tilespmem:s17+$0xC190] =	vst v5;
	v31 =	vpop (erf);
	(erf) = vpow2.f32 v22  }
0x359: {  	[tilespmem:s17+$0xC180] =	vst v5;
	v27 =	vld [tilespmem:s23+$0x4010];
	v26 =	vand.u32 $0xFFFFFF80, v9;
	v23, v10, _ =	vpop (xrf1);
	(xrf1) =	vsort.dscd.msk.f32 $0xffff, v20, v3;
	v17 =	vsub.f32 v17, v25  }
0x35a: {  	[tilespmem:s17+$0xC130] =	vst v5;
	v58 =	vperm.xlane v61, v4;
	v29 =	vperm.xlane v29, v4;
	v30 =	vld [tilespmem:s23+$0x4190];
	v56, v55, _ =	vpop (xrf1)  }
0x35b: {  	s10 =	simm.s32 $0x4000;
	[tilespmem:s17+$0xC120] =	vst v5;
	v53 =	vperm.xlane v63, v4;
	v54 =	vld [tilespmem:s23+$0x41B0];
	(xrf1) =	vsort.dscd.msk.f32 $0xffff, v11, v0;
	v60, _, _ =	vpop (xrf0);
	v11 =	vmul.f32 $1.442695020e+00, v17  }
0x35c: {  	v59 =	vld [tilespmem:s23+$0x4130];
	v19 =	vnsel vm0, $0x0, v19;
	v20 =	vadd.s32 s10, v26;
	(xrf1) =	vsort.dscd.msk.f32 $0xffff, v18, v3;
	v18 =	vbroadcast v24, $0xF;
	v26, v24, _ =	vpop (xrf1)  }
0x35d: {  	(xrf2) =	vadd.scan.msk.f32 $0xffff, v19;
	vm2 =	vge.f32 v49, v53;
	vm1 =	vge.f32 v16, v58;
	v61, v41, _ =	vpop (xrf1);
	(erf) = vpow2.f32 v11  }
0x35e: {  	v17 =	vperm.xlane v62, v4;
	(xrf1) =	vsort.dscd.msk.f32 $0xffff, v27, v3;
	v62 =	vld [tilespmem:s23+$0x4000];
	v13 =	vsub.f32 v13, v18;
	v40 =	vbroadcast v60, $0xF;
	v43, v44, _ =	vpop (xrf1)  }
0x35f: {  	v52 =	vand.u32 $0xFFFFFF80, v8;
	v63 =	vld [tilespmem:s23+$0x40B0];
	v33 =	vsel vm2, v49, v53;
	v38 =	vsel vm1, v16, v58;
	(xrf1) =	vsort.dscd.msk.f32 $0xffff, v30, v3;
	v16, v32, _ =	vpop (xrf1)  }
0x360: {  	s31 =	simm.s32 $0x4100;
	v15 =	vsel vm1, v15, v29;
	v21 =	vand.u32 $0xFFFFFF80, v6;
	(xrf1) =	vsort.dscd.msk.f32 $0xffff, v54, v1;
	v13 =	vmul.f32 $1.442695020e+00, v13;
	v39, v46, _ =	vpop (xrf1)  }
0x361: {  	s3 =	simm.s32 $0x4180;
	v57 =	vld [tilespmem:s23+$0x40A0];
	v21 =	vadd.s32 s31, v21;
	v22 =	vand.u32 $0x7F, v9;
	v30 =	vsel vm2, v48, v17;
	(xrf1) =	vsort.dscd.msk.f32 $0xffff, v59, v1;
	v58 =	vpop (erf)  }
0x362: {  	v25 =	vadd.s32 s3, v52;
	v36 =	vperm.xlane v56, v4;
	(xrf1) =	vsort.dscd.msk.f32 $0xffff, v33, v30;
	(erf) = vpow2.f32 v13;
	v50, v51, _ =	vpop (xrf1)  }
0x363: {  	s24 =	simm.s32 $0x4300;
	v27 =	vand.u32 $0xFFFFFF80, v7;
	v18 =	vand.u32 $0xFFFFFF80, v14;
	v33 =	vsub.f32 v28, v40;
	(xrf1) =	vsort.dscd.msk.f32 $0xffff, v62, v2;
	v37, v40, _ =	vpop (xrf1)  }
0x364: {  	v60 =	vld [tilespmem:s23+$0x4080];
	v11 =	vadd.s32 s24, v27;
	vm2 =	vge.f32 v43, v36;
	v30 =	vperm.xlane v55, v4;
	(xrf1) =	vsort.dscd.msk.f32 $0xffff, v63, v1;
	v53, v54, _ =	vpop (xrf1)  }
0x365: {  	[tilespmem:s17+$0xC0B0] =	vst v5;
	v34 =	vperm.xlane v61, v4;
	v61 =	vperm.xlane v16, v4;
	v62 =	vld [tilespmem:s23+$0x4020];
	v16 =	vsel vm2, v43, v36;
	v43, v55, _ =	vpop (xrf1)  }
0x366: {  	s11 =	simm.s32 $0x4080;
	s30 =	simm.s32 $0x4200;
	v17 =	vand.u32 $0xFFFFFF80, v12;
	v27 =	vand.u32 $0x7F, v12;
	v30 =	vsel vm2, v44, v30;
	(xrf1) =	vsort.dscd.msk.f32 $0xffff, v57, v0;
	v56 =	vpop (erf)  }
0x367: {  	v18 =	vadd.s32 s30, v18;
	v17 =	vadd.s32 s11, v17;
	v63 =	vld [tilespmem:s23+$0x4030];
	v44, v47, _ =	vpop (xrf1);
	(xrf1) =	vsort.dscd.msk.f32 $0xffff, v16, v30;
	v30 =	vnsel vm0, $0x0, v56  }
0x368: {  	s26 =	simm.s32 $0x4380;
	v35, _, _ =	vpop (xrf2);
	v41 =	vperm.xlane v41, v4;
	v59 =	vand.u32 $0xFFFFFF80, v10;
	v27 =	vor.u32 v27, v17;
	(xrf2) =	vadd.scan.msk.f32 $0xffff, v30  }
0x369: {  	v13 =	vadd.s32 s26, v59;
	v32 =	vperm.xlane v32, v4;
	v59 =	vmul.f32 $1.442695020e+00, v33;
	v52, v56, _ =	vpop (xrf1);
	(xrf1) =	vsort.dscd.msk.f32 $0xffff, v60, v2  }
0x36a: {  	v33 =	vnsel vm0, $0x0, v31;
	vm3 =	vge.f32 v39, v61;
	v16 =	vnsel vm0, $0x0, v58;
	v57, v58, _ =	vpop (xrf1);
	(xrf1) =	vsort.dscd.msk.f32 $0xffff, v62, v0  }
0x36b: {  	v17 =	vand.u32 $0x7F, v14;
	v32 =	vsel vm3, v46, v32;
	vm2 =	vge.f32 v37, v34;
	(xrf2) =	vadd.scan.msk.f32 $0xffff, v33;
	v60 =	vpop (erf)  }
0x36c: {  	v28 =	vbroadcast v35, $0xF;
	v37 =	vsel vm2, v37, v34;
	v42, v46, _ =	vpop (xrf1);
	(xrf1) =	vsort.dscd.msk.f32 $0xffff, v63, v1;
	v34 =	vperm.xlane v57, v4  }
0x36d: {  	[tilespmem:s17+$0xC0A0] =	vst v5;
	v45 =	vsel vm3, v39, v61;
	v40 =	vsel vm2, v40, v41;
	v39 =	vperm.xlane v58, v4;
	v31, v35, _ =	vpop (xrf1)  }
0x36e: {  	(erf) = vpow2.f32 v59;
	(xrf1) =	vsort.dscd.msk.f32 $0xffff, v38, v15;
	v48 =	vperm.xlane v42, v4;
	v62, v61, _ =	vpop (xrf1);
	vm1 =	vge.f32 v50, v34  }
0x36f: {  	v29 =	vnsel vm0, $0x0, v60;
	v49 =	vperm.xlane v31, v4;
	v58 =	vperm.xlane v35, v4;
	(xrf1) =	vsort.dscd.msk.f32 $0xffff, v45, v32;
	v63, v31, _ =	vpop (xrf1)  }
0x370: {  	[tilespmem:s17+$0xC090] =	vst v5;
	v36 =	vsel vm1, v50, v34;
	v59 =	vperm.xlane v62, v4;
	v50 =	vperm.xlane v31, v4;
	v34, v31, _ =	vpop (xrf1)  }
0x371: {  	(xrf2) =	vadd.scan.msk.f32 $0xffff, v29;
	v35 =	vsel vm1, v51, v39;
	v60 =	vperm.xlane v61, v4;
	v61 =	vperm.xlane v46, v4;
	v38, v51, _ =	vpop (xrf1)  }
0x372: {  	[tilespmem:s17+$0xC080] =	vst v5;
	v62 =	vperm.xlane v44, v4;
	v57 =	vperm.xlane v63, v4;
	vm1 =	vge.f32 v43, v49;
	v32, v45, _ =	vpop (xrf1)  }
0x373: {  	[tilespmem:s17+$0xC030] =	vst v5;
	v63 =	vperm.xlane v47, v4;
	v39 =	vperm.xlane v34, v4;
	v34 =	vor.u32 s11, v2;
	v15, _, _ =	vpop (xrf2)  }
0x374: {  	[tilespmem:s17+$0xC020] =	vst v5;
	v41 =	vsel vm1, v43, v49;
	v42 =	vsel vm1, v55, v58;
	vm1 =	vge.f32 v38, v48;
	v55, v44, _ =	vpop (xrf1)  }
0x375: {  	[tilespmem:s17+$0xC010] =	vst v5;
	vm3 =	vge.f32 v53, v59;
	vm2 =	vge.f32 v52, v57;
	v46 =	vsel vm1, v38, v48;
	v49, _, _ =	vpop (xrf2)  }
0x376: {  	v48 =	vsel vm3, v53, v59;
	v58 =	vbroadcast v15, $0xF;
	v43, v15, _ =	vpop (xrf1);
	(xrf1) =	vsort.dscd.msk.f32 $0xffff, v37, v40;
	v40 =	vperm.xlane v32, v4  }
0x377: {  	[tilespmem:s17+$0xC000] =	vst v5;
	v52 =	vsel vm2, v52, v57;
	v47 =	vsel vm1, v51, v61;
	v38 =	vbroadcast v49, $0xF;
	v32 =	vpop (erf)  }
0x378: {  	(xrf0) =	vmax.scan.msk.f32 $0xffff, v23;
	v50 =	vsel vm2, v56, v50;
	v37 =	vor.u32 s10, v2;
	v53, v57, _ =	vpop (xrf1);
	vm2 =	vge.f32 v55, v40  }
0x379: {  	(erf) = vrcp.f32 v38;
	vm1 =	vge.f32 v53, v62;
	v51, v49, _ =	vpop (xrf1);
	(xrf1) =	vsort.dscd.msk.f32 $0xffff, v52, v50;
	v38 =	vsel vm2, v55, v40  }
0x37a: {  	s28 =	simm.s32 $0x8C;
	(xrf0) =	vmax.scan.msk.f32 $0xffff, v43;
	v40 =	vsel vm3, v54, v60;
	v61 =	vsel vm1, v53, v62;
	v62, v53, _ =	vpop (xrf1);
	v57 =	vsel vm1, v57, v63  }
0x37b: {  	s5 =	simm.s32 $0x2000;
	s4 =	simm.s32 $0x4400;
	s8 =	simm.s32 $0x90;
	(erf) = vrcp.f32 v58;
	v50, _, _ =	vpop (xrf2);
	vm1 =	vge.f32 v26, v39;
	v52 =	vperm.xlane v62, v4;
	(xrf1) =	vsort.dscd.msk.f32 $0xffff, v61, v57  }
.LBB2_6:
0x37c: {  	_ = 	snop  }
0x37d: {  	v53 =	vperm.xlane v53, v4  }
0x37e: {  	s9 =	sshra.s32 s5, $0x2;
	v45 =	vperm.xlane v45, v4;
	v54 =	vand.u32 $0xFFFFFF80, v15;
	s10 =	sadd.s32 $0x100, s4;
	(xrf2) =	vadd.scan.msk.f32 $0xffff, v16;
	v1 =	vld [tilespmem:$0x1FFE0];
	vm3 =	vge.f32 v51, v52  }
0x37f: {  	(xrf1) =	vsort.dscd.msk.f32 $0xffff, v48, v40;
	v40 =	vadd.s32 s10, v54;
	v54 =	vor.u32 v22, v20;
	v57 =	vld [tilespmem:s9+$0x4100];
	v22 =	vsel vm3, v51, v52  }
0x380: {  	(erf) = vrcp.f32 v28;
	(xrf1) =	vsort.dscd.msk.f32 $0xffff, v36, v35;
	v35 =	vsel vm1, v26, v39;
	v26 =	vld [tilespmem:s9+$0x4120];
	v55, _, _ =	vpop (xrf0)  }
0x381: {  	v20 =	vmov v18;
	v44 =	vsel vm2, v44, v45;
	v61 =	vsel vm3, v49, v53;
	v45 =	vld [tilespmem:s9+$0x4110];
	v48, _, _ =	vpop (xrf0)  }
0x382: {  	s6 =	smov.u32 s8;
	v60 =	vbroadcast v55, $0xF;
	v55 =	vld [tilespmem:s9+$0x41A0];
	v51, v52, _ =	vpop (xrf1);
	(xrf1) =	vsort.dscd.msk.f32 $0xffff, v22, v61;
	v18 =	vbroadcast v48, $0xF;
	v22 =	vmov v17  }
0x383: {  	s7 =	sadd.s32 $0x4, s8;
	p0 =	slt.u32 s8, $0xBC;
	s8 =	sadd.s32 $0x80, s30;
	v61 =	vbroadcast v50, $0xF;
	v50 =	vld [tilespmem:s9+$0x4130];
	[tilespmem:s17+$0xC110] =	vst v5;
	v62 =	vand.u32 $0xFFFFFF80, v52;
	(xrf0) =	vmax.scan.msk.f32 $0xffff, v51;
	v17 =	vpop (erf)  }
0x384: {  	v56 =	vld [tilespmem:s9+$0x4180];
	v63 =	vand.u32 $0x7F, v52;
	v0 =	vsub.f32 v23, v60;
	v48, v36, _ =	vpop (xrf1);
	(xrf1) =	vsort.dscd.msk.f32 $0xffff, v46, v47;
	v60 =	vadd.s32 s8, v62  }
0x385: {  	v46 =	vld [tilespmem:s9+$0x4090];
	v28 =	vsub.f32 v43, v18;
	v33 =	vmul.f32 v17, v33;
	v59 =	vand.u32 $0xFFFFFF80, v36;
	(xrf0) =	vmax.scan.msk.f32 $0xffff, v48  }
0x386: {  	v47 =	vmul.f32 $1.442695020e+00, v0;
	(xrf1) =	vsort.dscd.msk.f32 $0xffff, v57, v2;
	v39 =	vor.u32 v63, v60;
	v0 =	vand.u32 $0x7F, v8;
	v23, v43, _ =	vpop (xrf1)  }
0x387: {  	v58 =	vld [tilespmem:s9+$0x4190];
	v18 =	vadd.s32 s4, v59;
	(xrf1) =	vsort.dscd.msk.f32 $0xffff, v41, v42;
	v28 =	vmul.f32 $1.442695020e+00, v28;
	v62 =	vpop (erf);
	(erf) = vrcp.f32 v61  }
0x388: {  	v42 =	vld [tilespmem:s9+$0x4010];
	[tilespmem:v54+s20+$0x0] =	vst.idx.msk $0xff, v33;
	v25 =	vor.u32 v0, v25;
	(xrf1) =	vsort.dscd.msk.f32 $0xffff, v55, v1;
	v63 =	vand.u32 $0xFFFFFF80, v43;
	v60, _, _ =	vpop (xrf2)  }
0x389: {  	v33 =	vld [tilespmem:s9+$0x41B0];
	v30 =	vmul.f32 v62, v30;
	[tilespmem:v37+s21+$0x0] =	vst.idx.msk $0xff, v9;
	(xrf1) =	vsort.dscd.msk.f32 $0xffff, v56, v2;
	(erf) = vpow2.f32 v28;
	v57, _, _ =	vpop (xrf0)  }
0x38a: {  	s11 =	sadd.s32 $0x180, s4;
	v0 =	vld [tilespmem:$0x1FFD0];
	v9 =	vmov v14;
	v62 =	vand.u32 $0x7F, v6;
	v61, v55, _ =	vpop (xrf1);
	(xrf1) =	vsort.dscd.msk.f32 $0xffff, v46, v3;
	v59 =	vbroadcast v57, $0xF  }
0x38b: {  	v41 =	vadd.s32 s11, v63;
	v37 =	vld [tilespmem:s9+$0x4000];
	v28 =	vbroadcast v60, $0xF;
	[tilespmem:v27+s20+$0x0] =	vst.idx.msk $0xff, v30;
	(xrf1) =	vsort.dscd.msk.f32 $0xffff, v26, v1;
	v26, v46, _ =	vpop (xrf1)  }
0x38c: {  	[tilespmem:s17+$0xC100] =	vst v5;
	v21 =	vor.u32 v62, v21;
	v60 =	vperm.xlane v61, v4;
	v27 =	vld [tilespmem:s9+$0x4080];
	v63 =	vpop (erf);
	v30 =	vsub.f32 v51, v59  }
0x38d: {  	s17 =	smov.u32 s16;
	[tilespmem:v34+s21+$0x0] =	vst.idx.msk $0xff, v12;
	v12 =	vmov v52;
	v34 =	vld [tilespmem:s9+$0x4030];
	v14, _, _ =	vpop (xrf0);
	(xrf1) =	vsort.dscd.msk.f32 $0xffff, v45, v3;
	v19 =	vmul.f32 v63, v19  }
0x38e: {  	v52 =	vld [tilespmem:s9+$0x4020];
	[tilespmem:s17+$0xC030] =	vst v5;
	v61, v53, _ =	vpop (xrf1);
	v45 =	vperm.xlane v55, v4;
	(xrf1) =	vsort.dscd.msk.f32 $0xffff, v42, v3;
	v30 =	vmul.f32 $1.442695020e+00, v30  }
0x38f: {  	[tilespmem:s17+$0xC020] =	vst v5;
	v14 =	vbroadcast v14, $0xF;
	v62, v57, _ =	vpop (xrf1);
	v51 =	vperm.xlane v61, v4  }
0x390: {  	(xrf1) =	vsort.dscd.msk.f32 $0xffff, v58, v3;
	vm2 =	vge.f32 v62, v60;
	v63 =	vpop (erf);
	(erf) = vpow2.f32 v30;
	v30 =	vor.u32 s3, v2  }
0x391: {  	[tilespmem:s17+$0xC010] =	vst v5;
	v14 =	vsub.f32 v48, v14;
	v48 =	vor.u32 s31, v2;
	v42, v56, _ =	vpop (xrf1);
	v29 =	vmul.f32 v63, v29  }
0x392: {  	v49 =	vld [tilespmem:s9+$0x40B0];
	[tilespmem:v21+s20+$0x0] =	vst.idx.msk $0xff, v19;
	(xrf1) =	vsort.dscd.msk.f32 $0xffff, v33, v0;
	v33 =	vsel vm2, v62, v60;
	v62 =	vpop (erf)  }
0x393: {  	[tilespmem:s17+$0xC000] =	vst v5;
	v54 =	vld [tilespmem:s9+$0x40A0];
	(xrf1) =	vsort.dscd.msk.f32 $0xffff, v50, v0;
	v42 =	vperm.xlane v42, v4;
	v19 =	vperm.xlane v56, v4;
	v61, v60, _ =	vpop (xrf1)  }
0x394: {  	(xrf1) =	vsort.dscd.msk.f32 $0xffff, v38, v44;
	[tilespmem:v25+s20+$0x0] =	vst.idx.msk $0xff, v29;
	v25 =	vperm.xlane v53, v4;
	v63, v56, _ =	vpop (xrf1)  }
0x395: {  	v21 =	vmov v11;
	vm3 =	vge.f32 v61, v42;
	(xrf1) =	vsort.dscd.msk.f32 $0xffff, v37, v2;
	[tilespmem:v30+s21+$0x0] =	vst.idx.msk $0xff, v8;
	v29, v30, _ =	vpop (xrf1)  }
0x396: {  	v11 =	vmov v40;
	(erf) = vpow2.f32 v47;
	[tilespmem:v48+s21+$0x0] =	vst.idx.msk $0xff, v6;
	v37 =	vsel vm3, v61, v42;
	v47, v40, _ =	vpop (xrf1)  }
0x397: {  	v6 =	vmul.f32 $1.442695020e+00, v14;
	v8 =	vsel vm2, v57, v45;
	vm2 =	vge.f32 v29, v51;
	(xrf1) =	vsort.dscd.msk.f32 $0xffff, v49, v0;
	v45, v48, _ =	vpop (xrf1)  }
0x398: {  	[tilespmem:s17+$0xC0B0] =	vst v5;
	v42 =	vsel vm3, v60, v19;
	(xrf1) =	vsort.dscd.msk.f32 $0xffff, v54, v1;
	v50 =	vsel vm2, v29, v51;
	v51, v53, _ =	vpop (xrf1)  }
0x399: {  	[tilespmem:s17+$0xC0A0] =	vst v5;
	v19 =	vperm.xlane v31, v4;
	v49 =	vsel vm2, v30, v25;
	(xrf1) =	vsort.dscd.msk.f32 $0xffff, v33, v8;
	v25 =	vpop (erf)  }
0x39a: {  	v17 =	vand.u32 $0x7F, v36;
	[tilespmem:s17+$0xC090] =	vst v5;
	v55, v57, _ =	vpop (xrf1);
	(xrf1) =	vsort.dscd.msk.f32 $0xffff, v27, v2;
	v30 =	vnsel vm0, $0x0, v25  }
0x39b: {  	v38 =	vnsel vm0, $0x0, v62;
	v14 =	vmov v36;
	(erf) = vpow2.f32 v6;
	v6, v29, _ =	vpop (xrf1);
	(xrf2) =	vadd.scan.msk.f32 $0xffff, v30  }
0x39c: {  	v54 =	vsel vm1, v24, v19;
	v8 =	vmov v10;
	v10 =	vmov v43;
	v43, v58, _ =	vpop (xrf1);
	(xrf1) =	vsort.dscd.msk.f32 $0xffff, v52, v1  }
0x39d: {  	v24 =	vmovc v46;
	v33 =	vnsel vm0, $0x0, v32;
	v19 =	vmov v16;
	v16 =	vmov v38;
	(xrf1) =	vsort.dscd.msk.f32 $0xffff, v34, v0  }
0x39e: {  	v27 =	vmov v39;
	v25 =	vmov v13;
	v39 =	vperm.xlane v29, v4;
	v31, v60, _ =	vpop (xrf1);
	(xrf2) =	vadd.scan.msk.f32 $0xffff, v33  }
0x39f: {  	[tilespmem:s17+$0xC080] =	vst v5;
	v13 =	vmov v41;
	v1 =	vperm.xlane v53, v4;
	v0 =	vperm.xlane v6, v4;
	v6 =	vpop (erf)  }
0x3a0: {  	(xrf0) =	vmax.scan.msk.f32 $0xffff, v23;
	v62 =	vperm.xlane v43, v4;
	v58 =	vperm.xlane v58, v4;
	v41, v46, _ =	vpop (xrf1);
	v29 =	vnsel vm0, $0x0, v6  }
0x3a1: {  	[tilespmem:s17+$0xC130] =	vst v5;
	v6 =	vmov v7;
	v38 =	vperm.xlane v31, v4;
	vm1 =	vge.f32 v63, v0;
	v61, v7, _ =	vpop (xrf1)  }
0x3a2: {  	v52 =	vperm.xlane v60, v4;
	(xrf2) =	vadd.scan.msk.f32 $0xffff, v29;
	v36 =	vsel vm1, v63, v0;
	v59 =	vperm.xlane v7, v4;
	v34, v31, _ =	vpop (xrf1)  }
0x3a3: {  	v7 =	vmov v15;
	(xrf1) =	vsort.dscd.msk.f32 $0xffff, v35, v54;
	v35 =	vsel vm1, v56, v39;
	v54 =	vperm.xlane v46, v4;
	v46, v56, _ =	vpop (xrf1)  }
0x3a4: {  	[tilespmem:s17+$0xC120] =	vst v5;
	v60 =	vperm.xlane v61, v4;
	v61 =	vperm.xlane v41, v4;
	vm1 =	vge.f32 v45, v38;
	v32 =	vpop (erf)  }
0x3a5: {  	[tilespmem:s17+$0xC1B0] =	vst v5;
	v63 =	vperm.xlane v51, v4;
	v39 =	vperm.xlane v34, v4;
	v41 =	vsel vm1, v45, v38;
	v38, v45, _ =	vpop (xrf1)  }
0x3a6: {  	(xrf1) =	vsort.dscd.msk.f32 $0xffff, v37, v42;
	v34 =	vor.u32 s8, v2;
	vm3 =	vge.f32 v47, v61;
	v42 =	vsel vm1, v48, v52;
	v15, _, _ =	vpop (xrf2)  }
0x3a7: {  	[tilespmem:s17+$0xC1A0] =	vst v5;
	v37 =	vor.u32 s30, v2;
	vm2 =	vge.f32 v55, v60;
	vm1 =	vge.f32 v46, v62;
	v52, v44, _ =	vpop (xrf1)  }
0x3a8: {  	[tilespmem:s17+$0xC190] =	vst v5;
	v48 =	vsel vm3, v47, v61;
	v46 =	vsel vm1, v46, v62;
	v38 =	vperm.xlane v38, v4;
	v62, _, _ =	vpop (xrf2)  }
.Ltmp2:
0x3a9: {  	[tilespmem:s17+$0xC180] =	vst v5;
	v61 =	vsel vm2, v57, v59;
	v40 =	vsel vm3, v40, v54;
	v0 =	vbroadcast v15, $0xF;
	v43, v15, _ =	vpop (xrf1);
	(pc) =	sbr.rel @p0 .LBB2_6-.Ltmp2, $4  }
0x3aa: {  	s5 =	sadd.s32 $0x800, s5;
	s16 =	smov.u32 s18;
	s18 =	smov.u32 s23;
	(xrf1) =	vsort.dscd.msk.f32 $0xffff, v50, v49;
	v50 =	vsel vm2, v55, v60;
	v60 =	vbroadcast v62, $0xF;
	vm2 =	vge.f32 v52, v38;
	v53, v55, _ =	vpop (xrf1)  }
0x3ab: {  	s23 =	smov.u32 s9;
	s31 =	smov.u32 s24;
	s24 =	smov.u32 s10;
	v47 =	vsel vm1, v56, v58;
	(xrf0) =	vmax.scan.msk.f32 $0xffff, v43;
	v38 =	vsel vm2, v52, v38;
	vm1 =	vge.f32 v53, v63;
	v51, v49, _ =	vpop (xrf1)  }
0x3ac: {  	s3 =	smov.u32 s26;
	s26 =	smov.u32 s11;
	s30 =	smov.u32 s4;
	(erf) = vrcp.f32 v60;
	v62 =	vsel vm1, v53, v63;
	v63, v53, _ =	vpop (xrf1);
	(xrf1) =	vsort.dscd.msk.f32 $0xffff, v50, v61;
	v1 =	vsel vm1, v55, v1  }
0x3ad: {  	s4 =	sshll.u32 s28, $0x7;
	s28 =	smov.u32 s6;
	s8 =	smov.u32 s7;
	vm1 =	vge.f32 v26, v39;
	(erf) = vrcp.f32 v0;
	v50, _, _ =	vpop (xrf2);
	v52 =	vperm.xlane v63, v4;
	(xrf1) =	vsort.dscd.msk.f32 $0xffff, v62, v1  }
0x3ae: {  	_ =	sdelay $0x1  }
0x3af: {  	v1, _, _ =	vpop (xrf0);
	(xrf1) =	vsort.dscd.msk.f32 $0xffff, v48, v40  }
0x3b0: {  	(xrf1) =	vsort.dscd.msk.f32 $0xffff, v36, v35;
	v48, v40, _ =	vpop (xrf1)  }
0x3b1: {  	v0 =	vperm.xlane v53, v4;
	v58, _, _ =	vpop (xrf0);
	(xrf0) =	vmax.scan.msk.f32 $0xffff, v48  }
0x3b2: {  	vm3 =	vge.f32 v51, v52  }
0x3b3: {  	v0 =	vsel vm3, v49, v0;
	_ =	sdelay $0x1  }
0x3b4: {  	v59 =	vsel vm3, v51, v52  }
0x3b5: {  	(xrf1) =	vsort.dscd.msk.f32 $0xffff, v59, v0;
	v0, v36, _ =	vpop (xrf1)  }
0x3b6: {  	(erf) = vrcp.f32 v28;
	(xrf1) =	vsort.dscd.msk.f32 $0xffff, v46, v47;
	v28 =	vbroadcast v58, $0xF;
	v61, _, _ =	vpop (xrf0)  }
0x3b7: {  	(xrf1) =	vsort.dscd.msk.f32 $0xffff, v41, v42;
	v46 =	vpop (erf);
	v42 =	vbroadcast v61, $0xF  }
0x3b8: {  	v60 =	vbroadcast v50, $0xF;
	v28 =	vsub.f32 v43, v28;
	v41 =	vpop (erf)  }
0x3b9: {  	(xrf2) =	vadd.scan.msk.f32 $0xffff, v16;
	v62 =	vperm.xlane v45, v4;
	v49, v35, _ =	vpop (xrf1);
	v42 =	vsub.f32 v48, v42  }
0x3ba: {  	(erf) = vrcp.f32 v60;
	(xrf0) =	vmax.scan.msk.f32 $0xffff, v0;
	v28 =	vmul.f32 $1.442695020e+00, v28;
	v56, v63, _ =	vpop (xrf1)  }
0x3bb: {  	v1 =	vbroadcast v1, $0xF;
	v48, v50, _ =	vpop (xrf1);
	v42 =	vmul.f32 $1.442695020e+00, v42  }
0x3bc: {  	(erf) = vpow2.f32 v28;
	v28 =	vperm.xlane v56, v4;
	v45, v51, _ =	vpop (xrf1)  }
0x3bd: {  	v1 =	vsub.f32 v23, v1;
	v59 =	vperm.xlane v63, v4;
	v58, v57, _ =	vpop (xrf1);
	(erf) = vpow2.f32 v42  }
0x3be: {  	v23 =	vperm.xlane v31, v4;
	v43 =	vsel vm2, v44, v62;
	vm2 =	vge.f32 v58, v28  }
0x3bf: {  	v1 =	vmul.f32 $1.442695020e+00, v1;
	(xrf1) =	vsort.dscd.msk.f32 $0xffff, v38, v43;
	v28 =	vsel vm2, v58, v28;
	v31 =	vsel vm2, v57, v59  }
0x3c0: {  	v26 =	vsel vm1, v26, v39;
	v23 =	vsel vm1, v24, v23;
	(xrf1) =	vsort.dscd.msk.f32 $0xffff, v28, v31  }
0x3c1: {  	(xrf1) =	vsort.dscd.msk.f32 $0xffff, v26, v23;
	_ =	sdelay $0x1  }
0x3c2: {  	(erf) = vpow2.f32 v1;
	v1 =	vpop (erf)  }
0x3c3: {  	v31 =	vpop (erf)  }
0x3c4: {  	v38 =	vpop (erf)  }
0x3c5: {  	v23 =	vpop (erf)  }
0x3c6: {  	v28 =	vnsel vm0, $0x0, v23  }
0x3c7: {  	v32 =	vnsel vm0, $0x0, v32;
	v24, _, _ =	vpop (xrf0);
	(xrf2) =	vadd.scan.msk.f32 $0xffff, v28  }
0x3c8: {  	v62, v61, _ =	vpop (xrf1);
	(xrf2) =	vadd.scan.msk.f32 $0xffff, v32  }
0x3c9: {  	v44, v47, _ =	vpop (xrf1)  }
0x3ca: {  	v52, v53, _ =	vpop (xrf1)  }
0x3cb: {  	v23 =	vpop (erf)  }
0x3cc: {  	(xrf0) =	vmax.scan.msk.f32 $0xffff, v49;
	v26 =	vnsel vm0, $0x0, v23;
	v54, v55, _ =	vpop (xrf1)  }
0x3cd: {  	(xrf2) =	vadd.scan.msk.f32 $0xffff, v26;
	v56, v23, _ =	vpop (xrf1)  }
0x3ce: {  	v63 =	vbroadcast v24, $0xF;
	(xrf0) =	vmax.scan.msk.f32 $0xffff, v56;
	v57, v24, _ =	vpop (xrf1)  }
0x3cf: {  	v20 =	vor.u32 v22, v20;
	v33 =	vmul.f32 v46, v33;
	v60, _, _ =	vpop (xrf2);
	(xrf0) =	vmax.scan.msk.f32 $0xffff, v57  }
0x3d0: {  	v22 =	vmul.f32 v41, v30;
	v30 =	vbroadcast v60, $0xF;
	v0 =	vsub.f32 v0, v63  }
0x3d1: {  	v42 =	vperm.xlane v62, v4;
	v43 =	vperm.xlane v61, v4;
	v39, _, _ =	vpop (xrf2)  }
0x3d2: {  	v58 =	vand.u32 $0x7F, v6;
	v0 =	vmul.f32 $1.442695020e+00, v0;
	v29 =	vmul.f32 v31, v29;
	v31, _, _ =	vpop (xrf2)  }
0x3d3: {  	v21 =	vor.u32 v58, v21;
	v1 =	vmul.f32 v1, v19;
	v61, _, _ =	vpop (xrf0);
	v31 =	vbroadcast v31, $0xF  }
0x3d4: {  	[tilespmem:v20+s20+$0x0] =	vst.idx.msk $0xff, v33;
	v19 =	vperm.xlane v45, v4;
	vm1 =	vge.f32 v44, v42;
	(erf) = vpow2.f32 v0;
	v63, _, _ =	vpop (xrf0)  }
0x3d5: {  	[tilespmem:v27+s20+$0x0] =	vst.idx.msk $0xff, v22;
	v20 =	vsel vm1, v44, v42;
	v42 =	vbroadcast v39, $0xF;
	v0 =	vbroadcast v63, $0xF;
	v58, _, _ =	vpop (xrf0)  }
0x3d6: {  	[tilespmem:v34+s21+$0x0] =	vst.idx.msk $0xff, v12;
	v12 =	vsel vm1, v47, v43;
	v44 =	vbroadcast v58, $0xF;
	(erf) = vrcp.f32 v31  }
0x3d7: {  	(xrf1) =	vsort.dscd.msk.f32 $0xffff, v20, v12;
	v20 =	vbroadcast v61, $0xF;
	v0 =	vsub.f32 v56, v0;
	(erf) = vrcp.f32 v42;
	v31, _, _ =	vpop (xrf2)  }
0x3d8: {  	[tilespmem:v37+s21+$0x0] =	vst.idx.msk $0xff, v9;
	v9 =	vperm.xlane v54, v4;
	v27 =	vsub.f32 v57, v44;
	v22 =	vbroadcast v31, $0xF  }
0x3d9: {  	(erf) = vrcp.f32 v30;
	v0 =	vmul.f32 $1.442695020e+00, v0  }
0x3da: {  	v12 =	vmul.f32 $1.442695020e+00, v27;
	(erf) = vrcp.f32 v22  }
0x3db: {  	v51 =	vperm.xlane v51, v4;
	vm1 =	vge.f32 v52, v19;
	(erf) = vpow2.f32 v0  }
0x3dc: {  	(erf) = vpow2.f32 v12;
	v12 =	vsel vm1, v52, v19;
	v19 =	vsub.f32 v49, v20  }
0x3dd: {  	[tilespmem:s17+$0xC110] =	vst v5;
	v45 =	vsel vm1, v53, v51;
	v47 =	vperm.xlane v55, v4;
	vm1 =	vge.f32 v48, v9  }
0x3de: {  	[tilespmem:s17+$0xC100] =	vst v5;
	(xrf1) =	vsort.dscd.msk.f32 $0xffff, v12, v45;
	v48 =	vsel vm1, v48, v9;
	v9 =	vpop (erf);
	v12 =	vmul.f32 $1.442695020e+00, v19  }
0x3df: {  	[tilespmem:v21+s20+$0x0] =	vst.idx.msk $0xff, v1;
	v1 =	vsel vm1, v50, v47;
	v49 =	vpop (erf)  }
0x3e0: {  	[tilespmem:s16+$0xC1B0] =	vst v5;
	(xrf1) =	vsort.dscd.msk.f32 $0xffff, v48, v1;
	v50 =	vpop (erf);
	(erf) = vpow2.f32 v12  }
0x3e1: {  	[tilespmem:s16+$0xC1A0] =	vst v5;
	v60 =	vor.u32 s31, v2;
	v59 =	vand.u32 $0x7F, v8  }
0x3e2: {  	[tilespmem:s16+$0xC190] =	vst v5;
	v25 =	vor.u32 v59, v25  }
0x3e3: {  	[tilespmem:s16+$0xC180] =	vst v5;
	v62 =	vor.u32 s3, v2;
	v19 =	vpop (erf)  }
0x3e4: {  	[tilespmem:s16+$0xC130] =	vst v5;
	v20 =	vpop (erf)  }
0x3e5: {  	[tilespmem:s16+$0xC120] =	vst v5;
	v21 =	vpop (erf)  }
0x3e6: {  	[tilespmem:v60+s21+$0x0] =	vst.idx.msk $0xff, v6;
	v12 =	vnsel vm0, $0x0, v38;
	v6 =	vpop (erf)  }
0x3e7: {  	[tilespmem:v25+s20+$0x0] =	vst.idx.msk $0xff, v29;
	(xrf2) =	vadd.scan.msk.f32 $0xffff, v12;
	v22 =	vnsel vm0, $0x0, v6  }
0x3e8: {  	[tilespmem:v62+s21+$0x0] =	vst.idx.msk $0xff, v8;
	v27, v8, _ =	vpop (xrf1);
	v25 =	vnsel vm0, $0x0, v9;
	(xrf2) =	vadd.scan.msk.f32 $0xffff, v22  }
0x3e9: {  	s10 =	sadd.s32 $0x80, s30;
	v17 =	vor.u32 v17, v18;
	[tilespmem:s16+$0xC0B0] =	vst v5;
	v6 =	vand.u32 $0xFFFFFF80, v40;
	(xrf2) =	vadd.scan.msk.f32 $0xffff, v25;
	v9 =	vpop (erf)  }
0x3ea: {  	[tilespmem:s16+$0xC0A0] =	vst v5;
	(xrf0) =	vmax.scan.msk.f32 $0xffff, v27;
	v18 =	vnsel vm0, $0x0, v9;
	v9 =	vadd.s32 s10, v6  }
0x3eb: {  	[tilespmem:s16+$0xC030] =	vst v5;
	v30 =	vor.u32 s30, v2  }
0x3ec: {  	[tilespmem:s16+$0xC020] =	vst v5  }
0x3ed: {  	[tilespmem:s16+$0xC010] =	vst v5;
	v29 =	vand.u32 $0x7F, v40;
	v0 =	vmul.f32 v49, v32;
	v31, v6, _ =	vpop (xrf1);
	(xrf2) =	vadd.scan.msk.f32 $0xffff, v18  }
0x3ee: {  	[tilespmem:s16+$0xC000] =	vst v5;
	v29 =	vor.u32 v29, v9;
	(xrf0) =	vmax.scan.msk.f32 $0xffff, v31;
	v51, v9, _ =	vpop (xrf1)  }
0x3ef: {  	v54 =	vmul.f32 v50, v28;
	v28 =	vand.u32 $0x7F, v7;
	[tilespmem:v17+s20+$0x0] =	vst.idx.msk $0xff, v0;
	(xrf0) =	vmax.scan.msk.f32 $0xffff, v51  }
0x3f0: {  	v53, _, _ =	vpop (xrf0);
	[tilespmem:v30+s21+$0x0] =	vst.idx.msk $0xff, v14;
	v14 =	vand.u32 $0x7F, v10  }
0x3f1: {  	[tilespmem:s16+$0xC090] =	vst v5;
	v17 =	vbroadcast v53, $0xF;
	v55, _, _ =	vpop (xrf2)  }
0x3f2: {  	[tilespmem:s16+$0xC080] =	vst v5;
	v11 =	vor.u32 v28, v11;
	v28, _, _ =	vpop (xrf2)  }
0x3f3: {  	[tilespmem:s16+$0xC110] =	vst v5;
	v56 =	vor.u32 v14, v13;
	v13 =	vsub.f32 v27, v17;
	v14, _, _ =	vpop (xrf2)  }
0x3f4: {  	[tilespmem:s16+$0xC100] =	vst v5;
	v16 =	vmul.f32 v19, v16;
	v19, _, _ =	vpop (xrf0)  }
0x3f5: {  	[tilespmem:s18+$0xC1B0] =	vst v5;
	v20 =	vmul.f32 v20, v26;
	v13 =	vmul.f32 $1.442695020e+00, v13;
	v26, _, _ =	vpop (xrf0)  }
0x3f6: {  	[tilespmem:s18+$0xC1A0] =	vst v5;
	v14 =	vbroadcast v14, $0xF;
	v26 =	vbroadcast v26, $0xF  }
0x3f7: {  	[tilespmem:v11+s20+$0x0] =	vst.idx.msk $0xff, v16;
	(erf) = vpow2.f32 v13;
	v11 =	vbroadcast v28, $0xF  }
0x3f8: {  	[tilespmem:s18+$0xC190] =	vst v5;
	v1 =	vbroadcast v55, $0xF;
	(erf) = vrcp.f32 v14;
	v57, _, _ =	vpop (xrf2);
	v13 =	vsub.f32 v51, v26  }
0x3f9: {  	[tilespmem:s18+$0xC180] =	vst v5;
	(erf) = vrcp.f32 v11;
	v0 =	vbroadcast v57, $0xF  }
0x3fa: {  	[tilespmem:s18+$0xC130] =	vst v5;
	(erf) = vrcp.f32 v1;
	v58 =	vmul.f32 $1.442695020e+00, v13  }
0x3fb: {  	[tilespmem:s18+$0xC120] =	vst v5;
	(erf) = vrcp.f32 v0  }
0x3fc: {  	[tilespmem:s18+$0xC0B0] =	vst v5;
	v27 =	vor.u32 s24, v2;
	(erf) = vpow2.f32 v58  }
0x3fd: {  	[tilespmem:s18+$0xC0A0] =	vst v5;
	v17 =	vor.u32 s26, v2  }
0x3fe: {  	[tilespmem:s18+$0xC090] =	vst v5;
	v59 =	vbroadcast v19, $0xF  }
0x3ff: {  	[tilespmem:s18+$0xC080] =	vst v5  }
0x400: {  	[tilespmem:v56+s20+$0x0] =	vst.idx.msk $0xff, v20;
	v60 =	vpop (erf);
	v0 =	vsub.f32 v31, v59  }
0x401: {  	[tilespmem:v27+s21+$0x0] =	vst.idx.msk $0xff, v7;
	v14 =	vand.u32 $0x7F, v36;
	v7 =	vpop (erf)  }
0x402: {  	s11 =	sadd.s32 $0x80, s4;
	v16 =	vand.u32 $0xFFFFFF80, v24;
	[tilespmem:v17+s21+$0x0] =	vst.idx.msk $0xff, v10;
	v10 =	vand.u32 $0xFFFFFF80, v36;
	v0 =	vmul.f32 $1.442695020e+00, v0;
	v13 =	vpop (erf)  }
0x403: {  	[tilespmem:s18+$0xC030] =	vst v5;
	v16 =	vadd.s32 s11, v16;
	v10 =	vadd.s32 s4, v10;
	v19 =	vpop (erf)  }
0x404: {  	[tilespmem:s18+$0xC020] =	vst v5;
	v17 =	vand.u32 $0x7F, v24;
	v10 =	vor.u32 v14, v10;
	(erf) = vpow2.f32 v0;
	v14 =	vpop (erf)  }
0x405: {  	[tilespmem:s18+$0xC010] =	vst v5;
	v61 =	vor.u32 v17, v16;
	v16 =	vnsel vm0, $0x0, v21;
	v20 =	vpop (erf)  }
0x406: {  	[tilespmem:s18+$0xC000] =	vst v5;
	v17 =	vor.u32 s4, v2;
	(xrf2) =	vadd.scan.msk.f32 $0xffff, v16;
	v20 =	vnsel vm0, $0x0, v20  }
0x407: {  	[tilespmem:s18+$0xC110] =	vst v5;
	v1 =	vnsel vm0, $0x0, v60;
	(xrf2) =	vadd.scan.msk.f32 $0xffff, v20  }
0x408: {  	s16 =	sadd.s32 $0x100, s4;
	[tilespmem:s18+$0xC100] =	vst v5;
	v11 =	vand.u32 $0xFFFFFF80, v15;
	v7 =	vmul.f32 v7, v25;
	(xrf2) =	vadd.scan.msk.f32 $0xffff, v1  }
0x409: {  	s17 =	sadd.s32 $0x180, s4;
	[tilespmem:s23+$0xC1B0] =	vst v5;
	v11 =	vadd.s32 s16, v11;
	v25 =	vand.u32 $0xFFFFFF80, v35  }
0x40a: {  	[tilespmem:v10+s20+$0x0] =	vst.idx.msk $0xff, v7;
	v7 =	vmul.f32 v13, v22;
	v10 =	vand.u32 $0x7F, v15;
	v13 =	vadd.s32 s17, v25  }
0x40b: {  	[tilespmem:v17+s21+$0x0] =	vst.idx.msk $0xff, v36;
	v17 =	vand.u32 $0x7F, v35;
	v10 =	vor.u32 v10, v11  }
0x40c: {  	[tilespmem:s23+$0xC1A0] =	vst v5;
	v62 =	vor.u32 v17, v13  }
0x40d: {  	[tilespmem:v61+s20+$0x0] =	vst.idx.msk $0xff, v7;
	v7 =	vor.u32 s17, v2;
	v13 =	vpop (erf)  }
0x40e: {  	[tilespmem:s23+$0xC190] =	vst v5;
	v12 =	vmul.f32 v19, v12;
	v13 =	vnsel vm0, $0x0, v13  }
0x40f: {  	[tilespmem:s23+$0xC180] =	vst v5;
	v14 =	vmul.f32 v14, v18;
	(xrf2) =	vadd.scan.msk.f32 $0xffff, v13  }
0x410: {  	[tilespmem:v10+s20+$0x0] =	vst.idx.msk $0xff, v12;
	v10, _, _ =	vpop (xrf2)  }
0x411: {  	[tilespmem:v62+s20+$0x0] =	vst.idx.msk $0xff, v14;
	v63, _, _ =	vpop (xrf2)  }
0x412: {  	[tilespmem:v7+s21+$0x0] =	vst.idx.msk $0xff, v35;
	v7, _, _ =	vpop (xrf2)  }
0x413: {  	[tilespmem:s23+$0xC130] =	vst v5;
	v7 =	vbroadcast v7, $0xF  }
0x414: {  	[tilespmem:s23+$0xC120] =	vst v5  }
0x415: {  	[tilespmem:s23+$0xC0B0] =	vst v5;
	v0 =	vbroadcast v63, $0xF;
	(erf) = vrcp.f32 v7  }
0x416: {  	[tilespmem:s23+$0xC0A0] =	vst v5;
	v11 =	vor.u32 s16, v2  }
0x417: {  	[tilespmem:s23+$0xC090] =	vst v5;
	(erf) = vrcp.f32 v0  }
0x418: {  	[tilespmem:s23+$0xC080] =	vst v5  }
0x419: {  	[tilespmem:s23+$0xC030] =	vst v5;
	v32 =	vbroadcast v10, $0xF;
	v7, _, _ =	vpop (xrf2)  }
0x41a: {  	[tilespmem:s23+$0xC020] =	vst v5;
	s24 =	sshll.u32 s28, $0x7;
	v10 =	vand.u32 $0xFFFFFF80, v8;
	v7 =	vbroadcast v7, $0xF  }
0x41b: {  	[tilespmem:v11+s21+$0x0] =	vst.idx.msk $0xff, v15;
	v11 =	vand.u32 $0x7F, v8;
	v10 =	vadd.s32 s24, v10;
	(erf) = vrcp.f32 v32  }
0x41c: {  	[tilespmem:s23+$0xC010] =	vst v5;
	s26 =	sadd.s32 $0x80, s24;
	v33 =	vand.u32 $0xFFFFFF80, v9;
	v10 =	vor.u32 v11, v10;
	(erf) = vrcp.f32 v7  }
0x41d: {  	[tilespmem:s23+$0xC000] =	vst v5;
	v11 =	vor.u32 s24, v2;
	v0 =	vadd.s32 s26, v33;
	v7 =	vand.u32 $0x7F, v9  }
0x41e: {  	[tilespmem:s23+$0xC110] =	vst v5;
	v0 =	vor.u32 v7, v0;
	v12 =	vpop (erf)  }
0x41f: {  	[tilespmem:s23+$0xC100] =	vst v5;
	v52 =	vor.u32 s10, v2;
	v14 =	vor.u32 s26, v2;
	v1 =	vmul.f32 v12, v1  }
0x420: {  	s5 =	sadd.s32 $0x100, s24;
	v21 =	vor.u32 s11, v2;
	[tilespmem:v29+s20+$0x0] =	vst.idx.msk $0xff, v54;
	v15 =	vand.u32 $0xFFFFFF80, v6;
	v7 =	vand.u32 $0xFFFFFF80, v23;
	v12 =	vpop (erf)  }
0x421: {  	s3 =	sadd.s32 $0x180, s24;
	v7 =	vadd.s32 s5, v7;
	v34 =	vmul.f32 v12, v20;
	[tilespmem:v10+s20+$0x0] =	vst.idx.msk $0xff, v1;
	v10 =	vand.u32 $0x7F, v23  }
0x422: {  	v12 =	vadd.s32 s3, v15;
	[tilespmem:v11+s21+$0x0] =	vst.idx.msk $0xff, v8;
	v8 =	vand.u32 $0x7F, v6;
	v7 =	vor.u32 v10, v7  }
0x423: {  	[tilespmem:v0+s20+$0x0] =	vst.idx.msk $0xff, v34;
	v35 =	vor.u32 v8, v12  }
0x424: {  	v36 =	vpop (erf);
	[tilespmem:v14+s21+$0x0] =	vst.idx.msk $0xff, v9;
	v9 =	vor.u32 s5, v2  }
0x425: {  	[tilespmem:v52+s21+$0x0] =	vst.idx.msk $0xff, v40;
	v1 =	vmul.f32 v36, v16;
	v8 =	vor.u32 s3, v2;
	v10 =	vpop (erf)  }
0x426: {  	[tilespmem:v21+s21+$0x0] =	vst.idx.msk $0xff, v24;
	v10 =	vmul.f32 v10, v13  }
0x427: {  	[tilespmem:v7+s20+$0x0] =	vst.idx.msk $0xff, v1  }
0x428: {  	[tilespmem:v35+s20+$0x0] =	vst.idx.msk $0xff, v10  }
0x429: {  	[tilespmem:v9+s21+$0x0] =	vst.idx.msk $0xff, v23  }
0x42a: {  	[tilespmem:v8+s21+$0x0] =	vst.idx.msk $0xff, v6  }
0x42b: {  	s6 =	simm.s32 $0x0;
	s8 =	simm.s32 $0xC000;
	s7 =	rddreg [dreg:$0xa]  }
0x42c: {  	[hbm4b:s7+s6] =	stream.linear.scatter [tilespmem:s8], [sflag:$0x5], $0x2000, $0x38;
	[tilespmem:$0x18000] =	vst v63  }
0x42d: {  	s9 =	simm.s32 $0x14000  }
0x42e: {  	[hbm4b:s12+s6] =	stream.linear.scatter [tilespmem:s9], [sflag:$0x5], $0x2000, $0x38;
	[tilespmem:$0x18000] =	vst v63  }
0x42f: {  	_ =	swait.ge [sflag:s29], $0x2000  }
0x430: {  	[sflag:s29] =	ssyncset.done $0x0;
	v55 =	vld [tilespmem:$0x1FFE0]  }
0x431: {  	s17 =	simm.s32 $0x0;
	v53 =	vld [tilespmem:$0x1FFD0];
	[sflag:s29] =	ssyncadd.s32 $0xFFFFE000  }
0x432: {  	v37 =	vld [tilespmem:s17+$0x6100]  }
0x433: {  	v38 =	vld [tilespmem:s17+$0x61A0]  }
0x434: {  	v6 =	vld [tilespmem:s17+$0x6180]  }
0x435: {  	v7 =	vld [tilespmem:s17+$0x6090]  }
0x436: {  	v8 =	vld [tilespmem:s17+$0x6120]  }
0x437: {  	v39 =	vld [tilespmem:s17+$0x6110];
	(xrf1) =	vsort.dscd.msk.f32 $0xffff, v37, v2  }
0x438: {  	v9 =	vld [tilespmem:s17+$0x6010];
	(xrf1) =	vsort.dscd.msk.f32 $0xffff, v38, v55  }
0x439: {  	v40 =	vld [tilespmem:s17+$0x6190];
	(xrf1) =	vsort.dscd.msk.f32 $0xffff, v6, v2  }
0x43a: {  	v6 =	vld [tilespmem:s17+$0x61B0];
	(xrf1) =	vsort.dscd.msk.f32 $0xffff, v7, v3  }
0x43b: {  	v7 =	vld [tilespmem:s17+$0x6130];
	(xrf1) =	vsort.dscd.msk.f32 $0xffff, v8, v55  }
0x43c: {  	v8 =	vld [tilespmem:s17+$0x6000];
	(xrf1) =	vsort.dscd.msk.f32 $0xffff, v39, v3  }
0x43d: {  	v41 =	vld [tilespmem:s17+$0x60B0];
	(xrf1) =	vsort.dscd.msk.f32 $0xffff, v9, v3  }
0x43e: {  	v9 =	vld [tilespmem:s17+$0x60A0];
	(xrf1) =	vsort.dscd.msk.f32 $0xffff, v40, v3  }
0x43f: {  	v42 =	vld [tilespmem:s17+$0x6080];
	(xrf1) =	vsort.dscd.msk.f32 $0xffff, v6, v53  }
0x440: {  	v6 =	vld [tilespmem:s17+$0x6020];
	(xrf1) =	vsort.dscd.msk.f32 $0xffff, v7, v53  }
0x441: {  	v7 =	vld [tilespmem:s17+$0x6030];
	(xrf1) =	vsort.dscd.msk.f32 $0xffff, v8, v2  }
0x442: {  	(xrf1) =	vsort.dscd.msk.f32 $0xffff, v41, v53  }
0x443: {  	(xrf1) =	vsort.dscd.msk.f32 $0xffff, v9, v55  }
0x444: {  	(xrf1) =	vsort.dscd.msk.f32 $0xffff, v42, v2  }
0x445: {  	v43, v44, _ =	vpop (xrf1);
	(xrf1) =	vsort.dscd.msk.f32 $0xffff, v6, v55  }
0x446: {  	v6, v8, _ =	vpop (xrf1);
	(xrf1) =	vsort.dscd.msk.f32 $0xffff, v7, v53  }
0x447: {  	v7, v9, _ =	vpop (xrf1)  }
0x448: {  	v10, v11, _ =	vpop (xrf1)  }
0x449: {  	v12, v13, _ =	vpop (xrf1)  }
0x44a: {  	v14, v15, _ =	vpop (xrf1)  }
0x44b: {  	v16, v17, _ =	vpop (xrf1)  }
0x44c: {  	v14 =	vperm.xlane v14, v4;
	v18, v19, _ =	vpop (xrf1)  }
0x44d: {  	v10 =	vperm.xlane v10, v4;
	v20, v21, _ =	vpop (xrf1)  }
0x44e: {  	v11 =	vperm.xlane v11, v4;
	v15 =	vperm.xlane v15, v4;
	vm1 =	vge.f32 v43, v14;
	v22, v23, _ =	vpop (xrf1)  }
0x44f: {  	v0 =	vsel vm1, v43, v14;
	v14 =	vperm.xlane v20, v4;
	v23 =	vperm.xlane v23, v4;
	v24, v25, _ =	vpop (xrf1)  }
0x450: {  	v20 =	vperm.xlane v21, v4;
	v22 =	vperm.xlane v22, v4;
	v21, v26, _ =	vpop (xrf1)  }
0x451: {  	v1 =	vsel vm1, v44, v15;
	v15 =	vperm.xlane v16, v4;
	vm1 =	vge.f32 v6, v14;
	v16, v27, _ =	vpop (xrf1)  }
0x452: {  	v17 =	vperm.xlane v17, v4;
	vm2 =	vge.f32 v12, v22;
	v6 =	vsel vm1, v6, v14;
	v28, v29, _ =	vpop (xrf1)  }
0x453: {  	v12 =	vsel vm2, v12, v22;
	v13 =	vsel vm2, v13, v23;
	vm3 =	vge.f32 v28, v10;
	v14, v30, _ =	vpop (xrf1)  }
0x454: {  	(xrf1) =	vsort.dscd.msk.f32 $0xffff, v12, v13;
	v10 =	vsel vm3, v28, v10;
	v22, v23, _ =	vpop (xrf1);
	v11 =	vsel vm3, v29, v11  }
0x455: {  	s16 =	simm.s32 $0x200;
	v8 =	vsel vm1, v8, v20;
	v12 =	vperm.xlane v22, v4;
	(xrf1) =	vsort.dscd.msk.f32 $0xffff, v10, v11  }
0x456: {  	v18 =	vperm.xlane v18, v4;
	v10 =	vperm.xlane v23, v4;
	v11 =	vld [tilespmem:s16+$0x6100];
	(xrf1) =	vsort.dscd.msk.f32 $0xffff, v6, v8  }
0x457: {  	v19 =	vperm.xlane v19, v4;
	vm2 =	vge.f32 v14, v12;
	(xrf1) =	vsort.dscd.msk.f32 $0xffff, v0, v1  }
0x458: {  	v45 =	vld [tilespmem:s16+$0x61A0];
	vm1 =	vge.f32 v24, v15;
	v6 =	vsel vm2, v14, v12;
	v46 =	vsel vm2, v30, v10  }
0x459: {  	v8 =	vsel vm1, v24, v15;
	v10 =	vsel vm1, v25, v17;
	v12 =	vld [tilespmem:s16+$0x6180];
	(xrf1) =	vsort.dscd.msk.f32 $0xffff, v6, v46  }
0x45a: {  	v47 =	vld [tilespmem:s16+$0x6090];
	vm1 =	vge.f32 v7, v18;
	(xrf1) =	vsort.dscd.msk.f32 $0xffff, v8, v10  }
0x45b: {  	v6 =	vsel vm1, v7, v18;
	v7 =	vsel vm1, v9, v19;
	v8 =	vld [tilespmem:s16+$0x6120];
	(xrf1) =	vsort.dscd.msk.f32 $0xffff, v11, v2  }
0x45c: {  	v9 =	vld [tilespmem:s16+$0x6110];
	(xrf1) =	vsort.dscd.msk.f32 $0xffff, v6, v7  }
0x45d: {  	v6 =	vld [tilespmem:s16+$0x6010];
	(xrf1) =	vsort.dscd.msk.f32 $0xffff, v45, v55  }
0x45e: {  	v48 =	vld [tilespmem:s16+$0x6190];
	(xrf1) =	vsort.dscd.msk.f32 $0xffff, v12, v2  }
0x45f: {  	v11 =	vld [tilespmem:s16+$0x61B0];
	(xrf1) =	vsort.dscd.msk.f32 $0xffff, v47, v3  }
0x460: {  	v49 =	vld [tilespmem:s16+$0x6130];
	(xrf1) =	vsort.dscd.msk.f32 $0xffff, v8, v55  }
0x461: {  	(xrf1) =	vsort.dscd.msk.f32 $0xffff, v9, v3  }
0x462: {  	v8 =	vperm.xlane v21, v4;
	v9 =	vld [tilespmem:s16+$0x6000];
	v12, v13, _ =	vpop (xrf1);
	(xrf1) =	vsort.dscd.msk.f32 $0xffff, v6, v3  }
0x463: {  	v14 =	vld [tilespmem:s16+$0x60B0];
	v6 =	vperm.xlane v26, v4;
	(xrf1) =	vsort.dscd.msk.f32 $0xffff, v48, v3;
	v10, v7, _ =	vpop (xrf1)  }
0x464: {  	v50 =	vld [tilespmem:s16+$0x60A0];
	vm1 =	vge.f32 v16, v8;
	v12 =	vperm.xlane v12, v4;
	(xrf1) =	vsort.dscd.msk.f32 $0xffff, v11, v53;
	v11, v15, _ =	vpop (xrf1)  }
0x465: {  	v8 =	vsel vm1, v16, v8;
	v6 =	vsel vm1, v27, v6;
	(xrf1) =	vsort.dscd.msk.f32 $0xffff, v49, v53;
	v16, v17, _ =	vpop (xrf1)  }
0x466: {  	v51 =	vld [tilespmem:s16+$0x6080];
	(xrf1) =	vsort.dscd.msk.f32 $0xffff, v8, v6;
	v8 =	vperm.xlane v13, v4;
	vm1 =	vge.f32 v16, v12  }
0x467: {  	v6 =	vld [tilespmem:s16+$0x6020];
	v13, v18, _ =	vpop (xrf1);
	(xrf1) =	vsort.dscd.msk.f32 $0xffff, v9, v2;
	v12 =	vsel vm1, v16, v12  }
0x468: {  	v9 =	vld [tilespmem:s16+$0x6030];
	v19, v20, _ =	vpop (xrf1);
	(xrf1) =	vsort.dscd.msk.f32 $0xffff, v14, v53;
	v8 =	vsel vm1, v17, v8  }
0x469: {  	v14, v16, _ =	vpop (xrf1);
	(xrf1) =	vsort.dscd.msk.f32 $0xffff, v50, v55  }
0x46a: {  	v52, v17, _ =	vpop (xrf1);
	(xrf1) =	vsort.dscd.msk.f32 $0xffff, v12, v8  }
0x46b: {  	v8, v12, _ =	vpop (xrf1);
	(xrf1) =	vsort.dscd.msk.f32 $0xffff, v51, v2  }
0x46c: {  	v54, v21, _ =	vpop (xrf1);
	(xrf1) =	vsort.dscd.msk.f32 $0xffff, v6, v55  }
0x46d: {  	v6, v22, _ =	vpop (xrf1);
	(xrf1) =	vsort.dscd.msk.f32 $0xffff, v9, v53  }
0x46e: {  	v9, v23, _ =	vpop (xrf1)  }
0x46f: {  	v13 =	vperm.xlane v13, v4;
	v24, v25, _ =	vpop (xrf1)  }
0x470: {  	v11 =	vperm.xlane v11, v4;
	v26, v27, _ =	vpop (xrf1)  }
0x471: {  	v15 =	vperm.xlane v15, v4;
	v18 =	vperm.xlane v18, v4;
	vm1 =	vge.f32 v19, v13;
	v28, v29, _ =	vpop (xrf1)  }
0x472: {  	v13 =	vsel vm1, v19, v13;
	vm2 =	vge.f32 v52, v11;
	v19, v30, _ =	vpop (xrf1)  }
0x473: {  	v18 =	vsel vm1, v20, v18;
	v15 =	vsel vm2, v17, v15;
	v17 =	vperm.xlane v24, v4;
	v20, v24, _ =	vpop (xrf1)  }
0x474: {  	v0 =	vsel vm2, v52, v11;
	v11 =	vperm.xlane v25, v4;
	v25 =	vperm.xlane v28, v4;
	v28, v31, _ =	vpop (xrf1)  }
0x475: {  	v22 =	vperm.xlane v22, v4;
	vm1 =	vge.f32 v14, v17;
	(xrf1) =	vsort.dscd.msk.f32 $0xffff, v13, v18;
	v56, v57, _ =	vpop (xrf1)  }
0x476: {  	v14 =	vsel vm1, v14, v17;
	v19 =	vperm.xlane v19, v4;
	v17 =	vperm.xlane v20, v4;
	v20, v58, _ =	vpop (xrf1)  }
0x477: {  	v18 =	vperm.xlane v6, v4;
	v11 =	vsel vm1, v16, v11;
	v16 =	vperm.xlane v30, v4;
	v30, v59, _ =	vpop (xrf1)  }
0x478: {  	v13 =	vperm.xlane v27, v4;
	v24 =	vperm.xlane v24, v4;
	vm1 =	vge.f32 v8, v19;
	v27, v6, _ =	vpop (xrf1)  }
0x479: {  	(xrf1) =	vsort.dscd.msk.f32 $0xffff, v0, v15;
	vm2 =	vge.f32 v9, v17;
	v8 =	vsel vm1, v8, v19;
	v0, v15, _ =	vpop (xrf1)  }
0x47a: {  	v9 =	vsel vm2, v9, v17;
	v17 =	vsel vm2, v23, v24;
	vm3 =	vge.f32 v0, v18;
	v19, v63, _ =	vpop (xrf1)  }
0x47b: {  	v26 =	vperm.xlane v26, v4;
	(xrf1) =	vsort.dscd.msk.f32 $0xffff, v9, v17;
	v0 =	vsel vm3, v0, v18;
	v18, v23, _ =	vpop (xrf1)  }
0x47c: {  	s18 =	simm.s32 $0x400;
	v29 =	vperm.xlane v29, v4;
	(xrf0) =	vmax.scan.msk.f32 $0xffff, v27;
	v9 =	vsel vm3, v15, v22;
	v15 =	vperm.xlane v18, v4  }
0x47d: {  	v12 =	vsel vm1, v12, v16;
	(xrf1) =	vsort.dscd.msk.f32 $0xffff, v0, v9;
	v38 =	vperm.xlane v23, v4;
	v9 =	vld [tilespmem:s18+$0x6100]  }
0x47e: {  	vm1 =	vge.f32 v56, v26;
	(xrf1) =	vsort.dscd.msk.f32 $0xffff, v8, v12;
	vm2 =	vge.f32 v19, v15  }
0x47f: {  	(xrf1) =	vsort.dscd.msk.f32 $0xffff, v14, v11;
	v11 =	vld [tilespmem:s18+$0x61A0];
	v8 =	vsel vm2, v19, v15;
	v0 =	vsel vm2, v63, v38  }
0x480: {  	v13 =	vsel vm1, v57, v13;
	v12 =	vsel vm1, v56, v26;
	v14 =	vld [tilespmem:s18+$0x6180];
	(xrf1) =	vsort.dscd.msk.f32 $0xffff, v8, v0  }
0x481: {  	v39 =	vld [tilespmem:s18+$0x6090];
	vm1 =	vge.f32 v54, v25;
	(xrf1) =	vsort.dscd.msk.f32 $0xffff, v12, v13  }
0x482: {  	v1 =	vsel vm1, v54, v25;
	v8 =	vsel vm1, v21, v29;
	v12 =	vld [tilespmem:s18+$0x6120];
	(xrf1) =	vsort.dscd.msk.f32 $0xffff, v9, v2  }
0x483: {  	v15 =	vld [tilespmem:s18+$0x6110];
	(xrf1) =	vsort.dscd.msk.f32 $0xffff, v1, v8  }
0x484: {  	(xrf1) =	vsort.dscd.msk.f32 $0xffff, v11, v55  }
0x485: {  	v40 =	vld [tilespmem:s18+$0x6010];
	(xrf1) =	vsort.dscd.msk.f32 $0xffff, v14, v2  }
0x486: {  	v11 =	vld [tilespmem:s18+$0x6190];
	(xrf1) =	vsort.dscd.msk.f32 $0xffff, v39, v3  }
0x487: {  	v41, v61, _ =	vpop (xrf1);
	v14 =	vld [tilespmem:s18+$0x61B0];
	(xrf1) =	vsort.dscd.msk.f32 $0xffff, v12, v55  }
0x488: {  	v13, v8, _ =	vpop (xrf1);
	(xrf1) =	vsort.dscd.msk.f32 $0xffff, v15, v3  }
0x489: {  	v18 =	vperm.xlane v20, v4;
	v17, _, _ =	vpop (xrf0);
	v12 =	vld [tilespmem:s18+$0x6130]  }
0x48a: {  	v20, v21, _ =	vpop (xrf1);
	(xrf1) =	vsort.dscd.msk.f32 $0xffff, v40, v3  }
0x48b: {  	v42 =	vperm.xlane v58, v4;
	v19 =	vld [tilespmem:s18+$0x6000];
	vm1 =	vge.f32 v30, v18;
	v16, v15, _ =	vpop (xrf1);
	(xrf1) =	vsort.dscd.msk.f32 $0xffff, v11, v3  }
0x48c: {  	v22 =	vld [tilespmem:s18+$0x60B0];
	v20 =	vperm.xlane v20, v4;
	v11, v23, _ =	vpop (xrf1);
	(xrf1) =	vsort.dscd.msk.f32 $0xffff, v14, v53;
	v14 =	vsel vm1, v30, v18  }
0x48d: {  	v24 =	vld [tilespmem:s18+$0x60A0];
	(xrf0) =	vmax.scan.msk.f32 $0xffff, v41;
	v18, v25, _ =	vpop (xrf1)  }
0x48e: {  	v1 =	vsel vm1, v59, v42;
	(xrf1) =	vsort.dscd.msk.f32 $0xffff, v12, v53;
	vm1 =	vge.f32 v18, v20;
	v26, v29, _ =	vpop (xrf1)  }
0x48f: {  	v43 =	vperm.xlane v21, v4;
	v12 =	vld [tilespmem:s18+$0x6080];
	(xrf1) =	vsort.dscd.msk.f32 $0xffff, v14, v1;
	v18 =	vsel vm1, v18, v20;
	v14, v21, _ =	vpop (xrf1)  }
0x490: {  	(xrf1) =	vsort.dscd.msk.f32 $0xffff, v19, v2;
	v30, v32, _ =	vpop (xrf1)  }
0x491: {  	v1 =	vsel vm1, v25, v43;
	v19 =	vld [tilespmem:s18+$0x6020];
	(xrf1) =	vsort.dscd.msk.f32 $0xffff, v22, v53;
	v20, v25, _ =	vpop (xrf1)  }
0x492: {  	v22 =	vld [tilespmem:s18+$0x6030];
	(xrf1) =	vsort.dscd.msk.f32 $0xffff, v24, v55;
	v24, v33, _ =	vpop (xrf1)  }
0x493: {  	v44 =	vbroadcast v17, $0xF;
	(xrf1) =	vsort.dscd.msk.f32 $0xffff, v18, v1;
	v17, v18, _ =	vpop (xrf1)  }
0x494: {  	(xrf1) =	vsort.dscd.msk.f32 $0xffff, v12, v2;
	v12, v45, _ =	vpop (xrf1)  }
0x495: {  	v1 =	vsub.f32 v27, v44;
	v27, v46, _ =	vpop (xrf1)  }
0x496: {  	v28 =	vperm.xlane v28, v4;
	(xrf1) =	vsort.dscd.msk.f32 $0xffff, v19, v55;
	v19 =	vperm.xlane v31, v4;
	v31, v47, _ =	vpop (xrf1)  }
0x497: {  	(xrf1) =	vsort.dscd.msk.f32 $0xffff, v22, v53;
	v22, _, _ =	vpop (xrf0)  }
0x498: {  	vm1 =	vge.f32 v10, v28;
	v22 =	vbroadcast v22, $0xF  }
0x499: {  	v10 =	vsel vm1, v10, v28;
	v26 =	vperm.xlane v26, v4  }
0x49a: {  	v7 =	vsel vm1, v7, v19;
	v28, v48, _ =	vpop (xrf1);
	v0 =	vsub.f32 v41, v22;
	v22 =	vperm.xlane v23, v4  }
0x49b: {  	v49 =	vperm.xlane v29, v4;
	v1 =	vmul.f32 $1.442695020e+00, v1;
	(xrf1) =	vsort.dscd.msk.f32 $0xffff, v10, v7;
	v19, v50, _ =	vpop (xrf1)  }
0x49c: {  	vm1 =	vge.f32 v14, v26;
	v7 =	vperm.xlane v11, v4;
	v10, v11, _ =	vpop (xrf1)  }
0x49d: {  	(erf) = vpow2.f32 v1;
	v14 =	vsel vm1, v14, v26;
	v1 =	vsel vm1, v21, v49;
	v21, v23, _ =	vpop (xrf1)  }
0x49e: {  	v26 =	vperm.xlane v31, v4;
	vm1 =	vge.f32 v20, v7;
	(xrf1) =	vsort.dscd.msk.f32 $0xffff, v14, v1;
	v31, v29, _ =	vpop (xrf1)  }
0x49f: {  	v14 =	vsel vm1, v20, v7;
	v51 =	vsel vm1, v25, v22;
	v21 =	vperm.xlane v21, v4;
	v20, v22, _ =	vpop (xrf1)  }
0x4a0: {  	v12 =	vperm.xlane v12, v4;
	v52 =	vperm.xlane v19, v4;
	vm1 =	vge.f32 v30, v26;
	v54, v56, _ =	vpop (xrf1)  }
0x4a1: {  	v10 =	vperm.xlane v10, v4;
	v26 =	vsel vm1, v30, v26;
	vm2 =	vge.f32 v27, v21;
	v30, v57, _ =	vpop (xrf1)  }
0x4a2: {  	v25 =	vperm.xlane v47, v4;
	v19 =	vperm.xlane v23, v4;
	v21 =	vsel vm2, v27, v21;
	v23, v7, _ =	vpop (xrf1)  }
0x4a3: {  	v58 =	vperm.xlane v11, v4;
	v11 =	vperm.xlane v45, v4;
	(xrf1) =	vsort.dscd.msk.f32 $0xffff, v14, v51;
	v14, v59, _ =	vpop (xrf1)  }
0x4a4: {  	(xrf0) =	vmax.scan.msk.f32 $0xffff, v13;
	v34 =	vsel vm1, v32, v25;
	vm1 =	vge.f32 v24, v10;
	vm3 =	vge.f32 v14, v12  }
0x4a5: {  	v27 =	vsel vm2, v46, v19;
	v10 =	vsel vm1, v24, v10;
	(xrf0) =	vmax.scan.msk.f32 $0xffff, v23;
	v62, v63, _ =	vpop (xrf1);
	v12 =	vsel vm3, v14, v12  }
0x4a6: {  	v0 =	vmul.f32 $1.442695020e+00, v0;
	v1 =	vsel vm1, v33, v58;
	(xrf1) =	vsort.dscd.msk.f32 $0xffff, v21, v27;
	v11 =	vsel vm3, v59, v11;
	v14, v21, _ =	vpop (xrf1)  }
0x4a7: {  	s23 =	simm.s32 $0x600;
	(xrf1) =	vsort.dscd.msk.f32 $0xffff, v12, v11;
	v11 =	vperm.xlane v14, v4;
	v14 =	vperm.xlane v28, v4  }
0x4a8: {  	v60 =	vpop (erf);
	(erf) = vpow2.f32 v0;
	v21 =	vperm.xlane v21, v4;
	(xrf1) =	vsort.dscd.msk.f32 $0xffff, v10, v1;
	v10 =	vld [tilespmem:s23+$0x6100]  }
0x4a9: {  	v37 =	vperm.xlane v48, v4;
	vm1 =	vge.f32 v62, v11;
	(xrf1) =	vsort.dscd.msk.f32 $0xffff, v26, v34;
	v43, v12, _ =	vpop (xrf1)  }
0x4aa: {  	v24, _, _ =	vpop (xrf0);
	vm2 =	vge.f32 v20, v14;
	v11 =	vsel vm1, v62, v11;
	v21 =	vsel vm1, v63, v21;
	(xrf0) =	vmax.scan.msk.f32 $0xffff, v43  }
0x4ab: {  	v20 =	vsel vm2, v20, v14;
	v1 =	vsel vm2, v22, v37;
	v22 =	vld [tilespmem:s23+$0x61A0];
	v14, _, _ =	vpop (xrf0);
	(xrf1) =	vsort.dscd.msk.f32 $0xffff, v11, v21  }
0x4ac: {  	vm1 =	vge.f32 v17, v52;
	v11 =	vperm.xlane v50, v4;
	v21 =	vld [tilespmem:s23+$0x6180];
	v25 =	vbroadcast v14, $0xF;
	(xrf1) =	vsort.dscd.msk.f32 $0xffff, v20, v1  }
0x4ad: {  	v44 =	vsel vm1, v17, v52;
	v17 =	vld [tilespmem:s23+$0x6090];
	v28, v14, _ =	vpop (xrf1);
	(xrf1) =	vsort.dscd.msk.f32 $0xffff, v10, v2  }
0x4ae: {  	v26 =	vld [tilespmem:s23+$0x6120];
	v11 =	vsel vm1, v18, v11;
	(xrf0) =	vmax.scan.msk.f32 $0xffff, v28;
	v18 =	vsub.f32 v23, v25  }
0x4af: {  	(xrf1) =	vsort.dscd.msk.f32 $0xffff, v44, v11  }
0x4b0: {  	(xrf1) =	vsort.dscd.msk.f32 $0xffff, v22, v55;
	v11 =	vmul.f32 $1.442695020e+00, v18  }
0x4b1: {  	[tilespmem:s17+$0xE1B0] =	vst v5;
	v45 =	vld [tilespmem:s23+$0x6110];
	v32 =	vpop (erf);
	(xrf1) =	vsort.dscd.msk.f32 $0xffff, v21, v2  }
0x4b2: {  	[tilespmem:s17+$0xE1A0] =	vst v5;
	v27 =	vld [tilespmem:s23+$0x6010];
	v47 =	vperm.xlane v54, v4;
	v10, _, _ =	vpop (xrf0);
	(xrf1) =	vsort.dscd.msk.f32 $0xffff, v17, v3;
	(erf) = vpow2.f32 v11  }
0x4b3: {  	s3 =	simm.s32 $0x6100;
	v46 =	vld [tilespmem:s23+$0x6190];
	v19 =	vnsel vm0, $0x0, v60;
	v23, v9, _ =	vpop (xrf1);
	v18 =	vand.u32 $0xFFFFFF80, v6;
	v20 =	vbroadcast v10, $0xF;
	(xrf1) =	vsort.dscd.msk.f32 $0xffff, v26, v55  }
0x4b4: {  	s10 =	simm.s32 $0x6000;
	[tilespmem:s17+$0xE190] =	vst v5;
	vm2 =	vge.f32 v30, v47;
	v49, v48, _ =	vpop (xrf1);
	v21 =	vadd.s32 s3, v18;
	v18 =	vand.u32 $0xFFFFFF80, v61;
	v17 =	vld [tilespmem:s23+$0x61B0]  }
0x4b5: {  	(xrf2) =	vadd.scan.msk.f32 $0xffff, v19;
	v0 =	vsub.f32 v43, v20;
	v20 =	vadd.s32 s10, v18;
	v18 =	vperm.xlane v31, v4;
	v31 =	vld [tilespmem:s23+$0x6130];
	v50, _, _ =	vpop (xrf0)  }
0x4b6: {  	v51 =	vsel vm2, v30, v47;
	v30 =	vperm.xlane v56, v4;
	v52 =	vbroadcast v24, $0xF;
	(xrf1) =	vsort.dscd.msk.f32 $0xffff, v45, v3;
	v26, v24, _ =	vpop (xrf1)  }
0x4b7: {  	[tilespmem:s17+$0xE180] =	vst v5;
	(xrf1) =	vsort.dscd.msk.f32 $0xffff, v27, v3;
	v0 =	vmul.f32 $1.442695020e+00, v0;
	v54, v40, _ =	vpop (xrf1)  }
0x4b8: {  	[tilespmem:s17+$0xE130] =	vst v5;
	v56 =	vsel vm2, v57, v30;
	v30 =	vld [tilespmem:s23+$0x6000];
	(xrf1) =	vsort.dscd.msk.f32 $0xffff, v46, v3;
	vm1 =	vge.f32 v16, v18;
	v33, v34, _ =	vpop (xrf1)  }
0x4b9: {  	v59 =	vld [tilespmem:s23+$0x60B0];
	v13 =	vsub.f32 v13, v52;
	(xrf1) =	vsort.dscd.msk.f32 $0xffff, v17, v53;
	v42 =	vsel vm1, v16, v18;
	(erf) = vpow2.f32 v0;
	v16, v58, _ =	vpop (xrf1)  }
0x4ba: {  	v29 =	vperm.xlane v29, v4;
	v60 =	vld [tilespmem:s23+$0x60A0];
	v57 =	vand.u32 $0x7F, v12;
	v22 =	vand.u32 $0x7F, v61;
	(xrf1) =	vsort.dscd.msk.f32 $0xffff, v31, v53;
	v31, v45, _ =	vpop (xrf1)  }
0x4bb: {  	s31 =	simm.s32 $0x6180;
	[tilespmem:s17+$0xE120] =	vst v5;
	v13 =	vmul.f32 $1.442695020e+00, v13;
	v62 =	vand.u32 $0xFFFFFF80, v9;
	v11 =	vand.u32 $0xFFFFFF80, v8;
	v46 =	vpop (erf)  }
0x4bc: {  	s24 =	simm.s32 $0x6300;
	v37 =	vperm.xlane v48, v4;
	v25 =	vadd.s32 s31, v11;
	v11 =	vand.u32 $0xFFFFFF80, v7;
	(xrf1) =	vsort.dscd.msk.f32 $0xffff, v51, v56;
	v0, v1, _ =	vpop (xrf1)  }
0x4bd: {  	s11 =	simm.s32 $0x6080;
	v63 =	vld [tilespmem:s23+$0x6080];
	v36 =	vperm.xlane v49, v4;
	v11 =	vadd.s32 s24, v11;
	v27 =	vand.u32 $0xFFFFFF80, v12;
	(xrf1) =	vsort.dscd.msk.f32 $0xffff, v30, v2;
	v48, v49, _ =	vpop (xrf1)  }
0x4be: {  	v47 =	vld [tilespmem:s23+$0x6020];
	v27 =	vadd.s32 s11, v27;
	v39 =	vperm.xlane v54, v4;
	(erf) = vpow2.f32 v13;
	(xrf1) =	vsort.dscd.msk.f32 $0xffff, v59, v53;
	v52, v54, _ =	vpop (xrf1)  }
0x4bf: {  	v38 =	vbroadcast v50, $0xF;
	v27 =	vor.u32 v57, v27;
	vm2 =	vge.f32 v33, v36;
	v43, v44, _ =	vpop (xrf1);
	(xrf1) =	vsort.dscd.msk.f32 $0xffff, v60, v55  }
0x4c0: {  	[tilespmem:s17+$0xE0B0] =	vst v5;
	v57 =	vperm.xlane v16, v4;
	v16 =	vsel vm2, v33, v36;
	v30 =	vsel vm2, v34, v37;
	v37, v41, _ =	vpop (xrf1)  }
0x4c1: {  	s30 =	simm.s32 $0x6200;
	v17 =	vand.u32 $0xFFFFFF80, v14;
	v38 =	vsub.f32 v28, v38;
	v59 =	vld [tilespmem:s23+$0x6030];
	(xrf1) =	vsort.dscd.msk.f32 $0xffff, v16, v30;
	v16 =	vnsel vm0, $0x0, v46;
	v46, v51, _ =	vpop (xrf1)  }
0x4c2: {  	v18 =	vadd.s32 s30, v17;
	v17 =	vand.u32 $0x7F, v14;
	v58 =	vperm.xlane v58, v4;
	(xrf1) =	vsort.dscd.msk.f32 $0xffff, v63, v2;
	v60 =	vpop (erf)  }
0x4c3: {  	s26 =	simm.s32 $0x6380;
	v35, _, _ =	vpop (xrf2);
	v15 =	vsel vm1, v15, v29;
	v33 =	vnsel vm0, $0x0, v32;
	(xrf1) =	vsort.dscd.msk.f32 $0xffff, v47, v55;
	v30 =	vnsel vm0, $0x0, v60  }
0x4c4: {  	v13 =	vadd.s32 s26, v62;
	v62 =	vperm.xlane v40, v4;
	vm3 =	vge.f32 v31, v57;
	v63, v56, _ =	vpop (xrf1);
	(xrf2) =	vadd.scan.msk.f32 $0xffff, v30  }
0x4c5: {  	v31 =	vsel vm3, v31, v57;
	v34 =	vsel vm3, v45, v58;
	v57 =	vmul.f32 $1.442695020e+00, v38;
	v38, v50, _ =	vpop (xrf1);
	(xrf2) =	vadd.scan.msk.f32 $0xffff, v33  }
0x4c6: {  	v28 =	vbroadcast v35, $0xF;
	vm2 =	vge.f32 v48, v39;
	v41 =	vperm.xlane v41, v4;
	(xrf1) =	vsort.dscd.msk.f32 $0xffff, v59, v53;
	v58, v59, _ =	vpop (xrf1)  }
0x4c7: {  	[tilespmem:s17+$0xE0A0] =	vst v5;
	v48 =	vsel vm2, v48, v39;
	(erf) = vpow2.f32 v57;
	v39 =	vperm.xlane v63, v4;
	v60 =	vpop (erf)  }
0x4c8: {  	[tilespmem:s17+$0xE090] =	vst v5;
	v49 =	vsel vm2, v49, v62;
	v45 =	vperm.xlane v56, v4;
	v38 =	vperm.xlane v38, v4;
	v47, v53, _ =	vpop (xrf1)  }
0x4c9: {  	[tilespmem:s17+$0xE080] =	vst v5;
	vm1 =	vge.f32 v0, v39;
	v55 =	vperm.xlane v58, v4;
	v63 =	vperm.xlane v59, v4;
	v40, v62, _ =	vpop (xrf1)  }
0x4ca: {  	(xrf1) =	vsort.dscd.msk.f32 $0xffff, v42, v15;
	v29 =	vnsel vm0, $0x0, v60;
	v36 =	vsel vm1, v0, v39;
	v58 =	vperm.xlane v47, v4;
	v60, v32, _ =	vpop (xrf1)  }
0x4cb: {  	v35 =	vsel vm1, v1, v45;
	v1 =	vperm.xlane v53, v4;
	(xrf2) =	vadd.scan.msk.f32 $0xffff, v29;
	vm1 =	vge.f32 v43, v55;
	v53, v59, _ =	vpop (xrf1)  }
0x4cc: {  	v50 =	vperm.xlane v50, v4;
	(xrf1) =	vsort.dscd.msk.f32 $0xffff, v31, v34;
	v34 =	vor.u32 s11, v2;
	v39 =	vsel vm1, v43, v55;
	v31, v47, _ =	vpop (xrf1)  }
0x4cd: {  	[tilespmem:s17+$0xE030] =	vst v5;
	vm3 =	vge.f32 v52, v58;
	v55 =	vperm.xlane v37, v4;
	v57 =	vperm.xlane v40, v4;
	v56, v45, _ =	vpop (xrf1)  }
0x4ce: {  	[tilespmem:s17+$0xE020] =	vst v5;
	v42 =	vsel vm1, v44, v63;
	v0 =	vperm.xlane v62, v4;
	vm1 =	vge.f32 v53, v38;
	v15, _, _ =	vpop (xrf2)  }
0x4cf: {  	[tilespmem:s17+$0xE010] =	vst v5;
	v40 =	vperm.xlane v60, v4;
	vm2 =	vge.f32 v46, v57;
	v44 =	vsel vm1, v53, v38;
	v62, _, _ =	vpop (xrf2)  }
0x4d0: {  	[tilespmem:s17+$0xE000] =	vst v5;
	v53 =	vsel vm2, v46, v57;
	v0 =	vsel vm2, v51, v0;
	v60 =	vbroadcast v15, $0xF;
	v43, v15, _ =	vpop (xrf1)  }
0x4d1: {  	(xrf1) =	vsort.dscd.msk.f32 $0xffff, v48, v49;
	v49 =	vsel vm3, v52, v58;
	v52 =	vperm.xlane v31, v4;
	v38 =	vbroadcast v62, $0xF;
	v63, v58, _ =	vpop (xrf1)  }
0x4d2: {  	(xrf0) =	vmax.scan.msk.f32 $0xffff, v23;
	v37 =	vor.u32 s10, v2;
	v46 =	vsel vm1, v59, v50;
	v31 =	vpop (erf);
	vm1 =	vge.f32 v63, v55  }
0x4d3: {  	v50, v48, _ =	vpop (xrf1);
	vm2 =	vge.f32 v56, v52;
	(xrf1) =	vsort.dscd.msk.f32 $0xffff, v53, v0;
	(erf) = vrcp.f32 v38;
	v62 =	vsel vm1, v63, v55  }
0x4d4: {  	s28 =	simm.s32 $0xCC;
	(xrf0) =	vmax.scan.msk.f32 $0xffff, v43;
	v0, v53, _ =	vpop (xrf1);
	v63 =	vsel vm1, v58, v41;
	v38 =	vsel vm2, v56, v52;
	vm1 =	vge.f32 v26, v40  }
0x4d5: {  	s4 =	simm.s32 $0x6400;
	s5 =	simm.s32 $0x2000;
	s8 =	simm.s32 $0xD0;
	v51, _, _ =	vpop (xrf2);
	v41 =	vsel vm3, v54, v1;
	(erf) = vrcp.f32 v60;
	v52 =	vperm.xlane v0, v4;
	(xrf1) =	vsort.dscd.msk.f32 $0xffff, v62, v63  }
.LBB2_8:
0x4d6: {  	_ = 	snop  }
0x4d7: {  	s9 =	sshra.s32 s5, $0x2;
	v58 =	vld [tilespmem:$0x1FFE0]  }
0x4d8: {  	v0 =	vperm.xlane v53, v4;
	v54 =	vld [tilespmem:s9+$0x6180]  }
0x4d9: {  	v1 =	vperm.xlane v47, v4;
	v2 =	vand.u32 $0xFFFFFF80, v15;
	(xrf2) =	vadd.scan.msk.f32 $0xffff, v16;
	vm3 =	vge.f32 v50, v52;
	v55 =	vld [tilespmem:s9+$0x6100]  }
0x4da: {  	s10 =	sadd.s32 $0x100, s4;
	(xrf1) =	vsort.dscd.msk.f32 $0xffff, v49, v41;
	v49 =	vor.u32 v22, v20;
	v3 =	vlaneseq.u32;
	v60 =	vld [tilespmem:s9+$0x61A0];
	v22 =	vsel vm3, v50, v52;
	v62, _, _ =	vpop (xrf0)  }
0x4db: {  	v41 =	vadd.s32 s10, v2;
	(xrf1) =	vsort.dscd.msk.f32 $0xffff, v36, v35;
	v57 =	vld [tilespmem:s9+$0x6190];
	v35 =	vsel vm1, v26, v40;
	v0 =	vsel vm3, v48, v0;
	v63, _, _ =	vpop (xrf0)  }
0x4dc: {  	v26 =	vld [tilespmem:s9+$0x6120];
	(erf) = vrcp.f32 v28;
	v45 =	vsel vm2, v45, v1;
	v1 =	vbroadcast v62, $0xF;
	v50, v52, _ =	vpop (xrf1);
	(xrf1) =	vsort.dscd.msk.f32 $0xffff, v22, v0  }
0x4dd: {  	s6 =	smov.u32 s8;
	v28 =	vbroadcast v51, $0xF;
	v2 =	vld [tilespmem:$0x1FFD0];
	v63 =	vbroadcast v63, $0xF;
	v22 =	vmov v17;
	(xrf0) =	vmax.scan.msk.f32 $0xffff, v50;
	v17 =	vpop (erf)  }
0x4de: {  	s7 =	sadd.s32 $0x4, s8;
	p0 =	slt.u32 s8, $0xFC;
	s8 =	sadd.s32 $0x80, s30;
	v62 =	vand.u32 $0xFFFFFF80, v52;
	v56 =	vand.u32 $0x7F, v52;
	v1 =	vsub.f32 v23, v1;
	v47, v36, _ =	vpop (xrf1);
	(xrf1) =	vsort.dscd.msk.f32 $0xffff, v44, v46;
	v44 =	vld [tilespmem:s9+$0x6090]  }
0x4df: {  	v48 =	vadd.s32 s8, v62;
	v0 =	vsub.f32 v43, v63;
	v46 =	vld [tilespmem:s9+$0x6130];
	v33 =	vmul.f32 v17, v33;
	(xrf0) =	vmax.scan.msk.f32 $0xffff, v47;
	v23, v43, _ =	vpop (xrf1)  }
0x4e0: {  	v20 =	vmovc v18;
	s11 =	sadd.s32 $0x180, s4;
	(xrf1) =	vsort.dscd.msk.f32 $0xffff, v55, v3;
	v40 =	vor.u32 v56, v48;
	v48 =	vld [tilespmem:s9+$0x6110];
	[tilespmem:s17+$0xE110] =	vst v5;
	v59 =	vand.u32 $0xFFFFFF80, v43  }
0x4e1: {  	v55 =	vpop (erf);
	(erf) = vrcp.f32 v28;
	[tilespmem:s17+$0xE100] =	vst v5;
	(xrf1) =	vsort.dscd.msk.f32 $0xffff, v39, v42;
	v39 =	vadd.s32 s11, v59;
	v59 =	vld [tilespmem:$0x1FFF0]  }
0x4e2: {  	v10 =	vmovc v14;
	v18 =	vand.u32 $0xFFFFFF80, v36;
	v0 =	vmul.f32 $1.442695020e+00, v0;
	v42 =	vld [tilespmem:s9+$0x6010];
	[tilespmem:v49+s20+$0x0] =	vst.idx.msk $0xff, v33;
	v30 =	vmul.f32 v55, v30  }
0x4e3: {  	v1 =	vmul.f32 $1.442695020e+00, v1;
	v17 =	vand.u32 $0x7F, v36;
	v33 =	vld [tilespmem:s9+$0x61B0];
	(xrf1) =	vsort.dscd.msk.f32 $0xffff, v60, v58;
	[tilespmem:v37+s21+$0x0] =	vst.idx.msk $0xff, v61;
	v60, _, _ =	vpop (xrf0)  }
0x4e4: {  	v28, _, _ =	vpop (xrf2);
	(xrf1) =	vsort.dscd.msk.f32 $0xffff, v54, v3;
	v37 =	vld [tilespmem:s9+$0x6000];
	(erf) = vpow2.f32 v0;
	[tilespmem:v27+s20+$0x0] =	vst.idx.msk $0xff, v30;
	v62 =	vbroadcast v60, $0xF  }
0x4e5: {  	v18 =	vadd.s32 s4, v18;
	v0 =	vld [tilespmem:s9+$0x6080];
	[tilespmem:v34+s21+$0x0] =	vst.idx.msk $0xff, v12;
	v60 =	vand.u32 $0x7F, v6;
	v14, _, _ =	vpop (xrf0);
	(xrf0) =	vmax.scan.msk.f32 $0xffff, v23  }
0x4e6: {  	s17 =	smov.u32 s16;
	v61 =	vand.u32 $0x7F, v8;
	v63, v53, _ =	vpop (xrf1);
	v34 =	vld [tilespmem:s9+$0x6030];
	v21 =	vor.u32 v60, v21;
	(xrf1) =	vsort.dscd.msk.f32 $0xffff, v44, v59;
	v27 =	vsub.f32 v50, v62  }
0x4e7: {  	v25 =	vor.u32 v61, v25;
	v12 =	vmov v52;
	v30 =	vpop (erf);
	v50 =	vld [tilespmem:s9+$0x6020];
	[tilespmem:s17+$0xE030] =	vst v5;
	(xrf1) =	vsort.dscd.msk.f32 $0xffff, v26, v58  }
0x4e8: {  	v19 =	vmul.f32 v30, v19;
	[tilespmem:s17+$0xE020] =	vst v5;
	v26, v44, _ =	vpop (xrf1);
	(xrf1) =	vsort.dscd.msk.f32 $0xffff, v48, v59;
	v27 =	vmul.f32 $1.442695020e+00, v27  }
0x4e9: {  	v14 =	vbroadcast v14, $0xF;
	v62 =	vperm.xlane v63, v4;
	[tilespmem:s17+$0xE010] =	vst v5;
	v63, v51, _ =	vpop (xrf1);
	(xrf1) =	vsort.dscd.msk.f32 $0xffff, v42, v59  }
0x4ea: {  	v30 =	vperm.xlane v53, v4;
	[tilespmem:s17+$0xE000] =	vst v5;
	(xrf1) =	vsort.dscd.msk.f32 $0xffff, v57, v59;
	v57, v55, _ =	vpop (xrf1);
	(erf) = vpow2.f32 v27  }
0x4eb: {  	v52 =	vld [tilespmem:s9+$0x60A0];
	v14 =	vsub.f32 v47, v14;
	v49 =	vperm.xlane v63, v4;
	v27 =	vor.u32 s31, v3;
	v59 =	vpop (erf);
	[tilespmem:v21+s20+$0x0] =	vst.idx.msk $0xff, v19  }
0x4ec: {  	v48 =	vld [tilespmem:s9+$0x60B0];
	[tilespmem:s17+$0xE0B0] =	vst v5;
	vm2 =	vge.f32 v57, v62;
	(xrf1) =	vsort.dscd.msk.f32 $0xffff, v33, v2;
	v42, v54, _ =	vpop (xrf1);
	v60 =	vmul.f32 v59, v29  }
0x4ed: {  	[tilespmem:s17+$0xE0A0] =	vst v5;
	v63 =	vpop (erf);
	v33 =	vsel vm2, v57, v62;
	(xrf1) =	vsort.dscd.msk.f32 $0xffff, v46, v2;
	v42 =	vperm.xlane v42, v4  }
0x4ee: {  	v47 =	vor.u32 s3, v3;
	v62, v61, _ =	vpop (xrf1);
	v19 =	vperm.xlane v54, v4;
	(xrf1) =	vsort.dscd.msk.f32 $0xffff, v38, v45;
	[tilespmem:v25+s20+$0x0] =	vst.idx.msk $0xff, v60  }
0x4ef: {  	(erf) = vpow2.f32 v1;
	v45, v54, _ =	vpop (xrf1);
	v25 =	vperm.xlane v51, v4;
	vm3 =	vge.f32 v62, v42;
	(xrf1) =	vsort.dscd.msk.f32 $0xffff, v37, v3  }
0x4f0: {  	v21 =	vmov v11;
	[tilespmem:v27+s21+$0x0] =	vst.idx.msk $0xff, v8;
	v8 =	vsel vm2, v55, v30;
	v27, v29, _ =	vpop (xrf1);
	v37 =	vsel vm3, v62, v42  }
0x4f1: {  	v11 =	vmov v41;
	v42 =	vsel vm3, v61, v19;
	v1, v41, _ =	vpop (xrf1);
	vm2 =	vge.f32 v27, v49;
	(xrf1) =	vsort.dscd.msk.f32 $0xffff, v48, v2  }
0x4f2: {  	[tilespmem:s17+$0xE090] =	vst v5;
	v19 =	vperm.xlane v32, v4;
	v46, v48, _ =	vpop (xrf1);
	v51 =	vsel vm2, v29, v25;
	v29 =	vmul.f32 $1.442695020e+00, v14  }
0x4f3: {  	v28 =	vbroadcast v28, $0xF;
	v38 =	vnsel vm0, $0x0, v63;
	[tilespmem:v47+s21+$0x0] =	vst.idx.msk $0xff, v6;
	(xrf1) =	vsort.dscd.msk.f32 $0xffff, v52, v58;
	v25 =	vpop (erf)  }
0x4f4: {  	v49 =	vsel vm2, v27, v49;
	(erf) = vpow2.f32 v29;
	v52, v53, _ =	vpop (xrf1);
	(xrf1) =	vsort.dscd.msk.f32 $0xffff, v33, v8;
	v30 =	vnsel vm0, $0x0, v25  }
0x4f5: {  	v14 =	vmov v36;
	v47 =	vsel vm1, v24, v19;
	v27 =	vmov v40;
	v55, v56, _ =	vpop (xrf1);
	(xrf2) =	vadd.scan.msk.f32 $0xffff, v30  }
0x4f6: {  	v24 =	vmov v44;
	v19 =	vmov v16;
	v16 =	vmov v38;
	(xrf1) =	vsort.dscd.msk.f32 $0xffff, v0, v3;
	v36, v6, _ =	vpop (xrf1)  }
0x4f7: {  	v8 =	vmov v9;
	v9 =	vmov v43;
	v25 =	vmov v13;
	v43, v57, _ =	vpop (xrf1);
	(xrf1) =	vsort.dscd.msk.f32 $0xffff, v50, v58  }
0x4f8: {  	v33 =	vnsel vm0, $0x0, v31;
	v13 =	vmov v39;
	v61 =	vperm.xlane v6, v4;
	v6 =	vpop (erf);
	(xrf1) =	vsort.dscd.msk.f32 $0xffff, v34, v2  }
0x4f9: {  	v52 =	vperm.xlane v52, v4;
	(xrf2) =	vadd.scan.msk.f32 $0xffff, v33;
	v0 =	vperm.xlane v36, v4;
	v31, v60, _ =	vpop (xrf1);
	v29 =	vnsel vm0, $0x0, v6  }
0x4fa: {  	[tilespmem:s17+$0xE080] =	vst v5;
	v6 =	vmov v7;
	v57 =	vperm.xlane v57, v4;
	v63, v62, _ =	vpop (xrf1);
	v38 =	vperm.xlane v31, v4  }
0x4fb: {  	[tilespmem:s17+$0xE130] =	vst v5;
	vm1 =	vge.f32 v45, v0;
	v44 =	vperm.xlane v60, v4;
	v31, v7, _ =	vpop (xrf1);
	v58 =	vperm.xlane v63, v4  }
0x4fc: {  	(xrf2) =	vadd.scan.msk.f32 $0xffff, v29;
	v36 =	vsel vm1, v45, v0;
	v0 =	vperm.xlane v7, v4;
	v2, v32, _ =	vpop (xrf1);
	v50 =	vperm.xlane v31, v4  }
0x4fd: {  	v34 =	vor.u32 s8, v3;
	(xrf1) =	vsort.dscd.msk.f32 $0xffff, v35, v47;
	v35 =	vsel vm1, v54, v61;
	v54 =	vperm.xlane v62, v4;
	v31 =	vpop (erf)  }
0x4fe: {  	[tilespmem:s17+$0xE120] =	vst v5;
	v61 =	vperm.xlane v43, v4;
	vm1 =	vge.f32 v46, v38;
	v59, v60, _ =	vpop (xrf1);
	v40 =	vperm.xlane v2, v4  }
0x4ff: {  	v7 =	vmov v15;
	(xrf1) =	vsort.dscd.msk.f32 $0xffff, v37, v42;
	v39 =	vsel vm1, v46, v38;
	vm3 =	vge.f32 v1, v58;
	v38, v47, _ =	vpop (xrf1)  }
0x500: {  	[tilespmem:s17+$0xE1B0] =	vst v5;
	v42 =	vsel vm1, v48, v44;
	v2 =	vperm.xlane v53, v4;
	vm1 =	vge.f32 v59, v61;
	v15, _, _ =	vpop (xrf2)  }
0x501: {  	[tilespmem:s17+$0xE1A0] =	vst v5;
	vm2 =	vge.f32 v55, v50;
	v41 =	vsel vm3, v41, v54;
	v44 =	vsel vm1, v59, v61;
	v62, v45, _ =	vpop (xrf1)  }
0x502: {  	[tilespmem:s17+$0xE190] =	vst v5;
	v46 =	vsel vm1, v60, v57;
	v38 =	vperm.xlane v38, v4;
	v63 =	vbroadcast v15, $0xF;
	v43, v15, _ =	vpop (xrf1)  }
.Ltmp3:
0x503: {  	v37 =	vor.u32 s30, v3;
	v0 =	vsel vm2, v56, v0;
	(xrf1) =	vsort.dscd.msk.f32 $0xffff, v49, v51;
	v49 =	vsel vm3, v1, v58;
	v58, _, _ =	vpop (xrf2);
	(pc) =	sbr.rel @p0 .LBB2_8-.Ltmp3, $4  }
0x504: {  	s5 =	sadd.s32 $0x800, s5;
	s16 =	smov.u32 s18;
	s18 =	smov.u32 s23;
	[tilespmem:s17+$0xE180] =	vst v5;
	v51 =	vsel vm2, v55, v50;
	vm2 =	vge.f32 v62, v38;
	v59, v55, _ =	vpop (xrf1);
	v1 =	vbroadcast v58, $0xF  }
0x505: {  	s23 =	smov.u32 s9;
	s3 =	smov.u32 s24;
	s24 =	smov.u32 s10;
	v61 =	vmov v10;
	(xrf0) =	vmax.scan.msk.f32 $0xffff, v43;
	v38 =	vsel vm2, v62, v38;
	vm1 =	vge.f32 v59, v52;
	v50, v48, _ =	vpop (xrf1)  }
0x506: {  	s31 =	smov.u32 s26;
	s26 =	smov.u32 s11;
	s8 =	smov.u32 s7;
	v56 =	vsel vm1, v59, v52;
	(erf) = vrcp.f32 v1;
	v60 =	vsel vm1, v55, v2;
	v52, v53, _ =	vpop (xrf1);
	(xrf1) =	vsort.dscd.msk.f32 $0xffff, v51, v0  }
0x507: {  	s30 =	smov.u32 s4;
	s4 =	sshll.u32 s28, $0x7;
	s28 =	smov.u32 s6;
	vm1 =	vge.f32 v26, v40;
	(erf) = vrcp.f32 v63;
	v51, _, _ =	vpop (xrf2);
	v52 =	vperm.xlane v52, v4;
	(xrf1) =	vsort.dscd.msk.f32 $0xffff, v56, v60  }
0x508: {  	_ =	sdelay $0x1  }
0x509: {  	(xrf1) =	vsort.dscd.msk.f32 $0xffff, v49, v41  }
0x50a: {  	(xrf1) =	vsort.dscd.msk.f32 $0xffff, v36, v35;
	v0, v41, _ =	vpop (xrf1)  }
0x50b: {  	(xrf0) =	vmax.scan.msk.f32 $0xffff, v0;
	_ =	sdelay $0x3  }
0x50c: {  	v1, _, _ =	vpop (xrf0)  }
0x50d: {  	v62 =	vperm.xlane v53, v4;
	v2, _, _ =	vpop (xrf0)  }
0x50e: {  	vm3 =	vge.f32 v50, v52;
	v2 =	vbroadcast v2, $0xF;
	v60, _, _ =	vpop (xrf0)  }
0x50f: {  	v47 =	vperm.xlane v47, v4;
	v48 =	vsel vm3, v48, v62;
	v63 =	vbroadcast v60, $0xF  }
0x510: {  	v10 =	vbroadcast v51, $0xF;
	v50 =	vsel vm3, v50, v52;
	v52, v36, _ =	vpop (xrf1);
	v2 =	vsub.f32 v43, v2  }
0x511: {  	(erf) = vrcp.f32 v28;
	v32 =	vperm.xlane v32, v4;
	v51, v35, _ =	vpop (xrf1);
	v0 =	vsub.f32 v0, v63  }
0x512: {  	v1 =	vbroadcast v1, $0xF;
	v2 =	vmul.f32 $1.442695020e+00, v2;
	v55, v54, _ =	vpop (xrf1)  }
0x513: {  	(erf) = vrcp.f32 v10;
	(xrf1) =	vsort.dscd.msk.f32 $0xffff, v50, v48;
	v43, v48, _ =	vpop (xrf1);
	v0 =	vmul.f32 $1.442695020e+00, v0  }
0x514: {  	(xrf1) =	vsort.dscd.msk.f32 $0xffff, v44, v46;
	(erf) = vpow2.f32 v2;
	v2 =	vperm.xlane v55, v4;
	v44, v46, _ =	vpop (xrf1)  }
0x515: {  	(xrf1) =	vsort.dscd.msk.f32 $0xffff, v39, v42;
	v57, v56, _ =	vpop (xrf1);
	(erf) = vpow2.f32 v0;
	v0 =	vperm.xlane v54, v4  }
0x516: {  	v45 =	vsel vm2, v45, v47;
	v1 =	vsub.f32 v23, v1;
	vm2 =	vge.f32 v57, v2  }
0x517: {  	(xrf1) =	vsort.dscd.msk.f32 $0xffff, v38, v45;
	v2 =	vsel vm2, v57, v2;
	v0 =	vsel vm2, v56, v0  }
0x518: {  	v58 =	vsel vm1, v26, v40;
	v1 =	vmul.f32 $1.442695020e+00, v1;
	(xrf1) =	vsort.dscd.msk.f32 $0xffff, v2, v0;
	v0 =	vsel vm1, v24, v32  }
0x519: {  	(xrf1) =	vsort.dscd.msk.f32 $0xffff, v58, v0  }
0x51a: {  	(xrf0) =	vmax.scan.msk.f32 $0xffff, v52;
	v2 =	vpop (erf)  }
0x51b: {  	v0 =	vpop (erf);
	(erf) = vpow2.f32 v1  }
0x51c: {  	v1 =	vpop (erf)  }
0x51d: {  	v32 =	vpop (erf)  }
0x51e: {  	(xrf2) =	vadd.scan.msk.f32 $0xffff, v16;
	v38 =	vpop (erf)  }
0x51f: {  	v59 =	vpop (erf)  }
0x520: {  	v62, _, _ =	vpop (xrf0);
	v28 =	vnsel vm0, $0x0, v59  }
0x521: {  	v31 =	vnsel vm0, $0x0, v31;
	v40, v42, _ =	vpop (xrf1);
	(xrf2) =	vadd.scan.msk.f32 $0xffff, v28  }
0x522: {  	v45, v47, _ =	vpop (xrf1);
	(xrf2) =	vadd.scan.msk.f32 $0xffff, v31  }
0x523: {  	v49, v50, _ =	vpop (xrf1)  }
0x524: {  	(xrf0) =	vmax.scan.msk.f32 $0xffff, v51;
	v63 =	vpop (erf)  }
0x525: {  	v53, v54, _ =	vpop (xrf1);
	v26 =	vnsel vm0, $0x0, v63  }
0x526: {  	(xrf2) =	vadd.scan.msk.f32 $0xffff, v26;
	v55, v23, _ =	vpop (xrf1)  }
0x527: {  	v10 =	vbroadcast v62, $0xF;
	(xrf0) =	vmax.scan.msk.f32 $0xffff, v55;
	v56, v24, _ =	vpop (xrf1)  }
0x528: {  	v20 =	vor.u32 v22, v20;
	v60, _, _ =	vpop (xrf2);
	(xrf0) =	vmax.scan.msk.f32 $0xffff, v56  }
0x529: {  	v22 =	vbroadcast v60, $0xF;
	v2 =	vmul.f32 v2, v33;
	v33 =	vsub.f32 v52, v10  }
0x52a: {  	v46 =	vperm.xlane v46, v4;
	v57 =	vperm.xlane v42, v4;
	v58, _, _ =	vpop (xrf0);
	v59 =	vand.u32 $0x7F, v6  }
0x52b: {  	v60 =	vand.u32 $0x7F, v8;
	v33 =	vmul.f32 $1.442695020e+00, v33;
	v0 =	vmul.f32 v0, v30;
	v62, _, _ =	vpop (xrf2)  }
0x52c: {  	v25 =	vor.u32 v60, v25;
	v1 =	vmul.f32 v1, v19;
	v63 =	vperm.xlane v40, v4;
	v10, _, _ =	vpop (xrf2)  }
0x52d: {  	v19 =	vperm.xlane v44, v4;
	(erf) = vpow2.f32 v33;
	v21 =	vor.u32 v59, v21;
	v59, _, _ =	vpop (xrf0)  }
0x52e: {  	vm1 =	vge.f32 v45, v63;
	v40 =	vbroadcast v10, $0xF;
	v33 =	vbroadcast v59, $0xF;
	v60, _, _ =	vpop (xrf0)  }
0x52f: {  	[tilespmem:s17+$0xE110] =	vst v5;
	v39 =	vsel vm1, v45, v63;
	v62 =	vbroadcast v62, $0xF;
	v63 =	vbroadcast v60, $0xF  }
0x530: {  	[tilespmem:s17+$0xE100] =	vst v5;
	v3 =	vperm.xlane v53, v4;
	(erf) = vrcp.f32 v40;
	v10, _, _ =	vpop (xrf2);
	v33 =	vsub.f32 v55, v33  }
0x531: {  	[tilespmem:v27+s20+$0x0] =	vst.idx.msk $0xff, v0;
	(erf) = vrcp.f32 v62;
	v0 =	vbroadcast v10, $0xF;
	v30 =	vsub.f32 v56, v63  }
0x532: {  	[tilespmem:v20+s20+$0x0] =	vst.idx.msk $0xff, v2;
	(erf) = vrcp.f32 v22;
	v40 =	vmul.f32 $1.442695020e+00, v33  }
0x533: {  	[tilespmem:v37+s21+$0x0] =	vst.idx.msk $0xff, v61;
	(erf) = vrcp.f32 v0;
	v0 =	vmul.f32 $1.442695020e+00, v30  }
0x534: {  	[tilespmem:v21+s20+$0x0] =	vst.idx.msk $0xff, v1;
	v37 =	vsel vm1, v47, v57;
	v45 =	vbroadcast v58, $0xF;
	(erf) = vpow2.f32 v40  }
0x535: {  	vm1 =	vge.f32 v49, v19;
	(xrf1) =	vsort.dscd.msk.f32 $0xffff, v39, v37;
	(erf) = vpow2.f32 v0;
	v0 =	vperm.xlane v54, v4  }
0x536: {  	v1 =	vsel vm1, v50, v46;
	v19 =	vsel vm1, v49, v19;
	vm1 =	vge.f32 v43, v3  }
0x537: {  	[tilespmem:v34+s21+$0x0] =	vst.idx.msk $0xff, v12;
	v12 =	vsub.f32 v51, v45;
	v0 =	vsel vm1, v48, v0  }
0x538: {  	v52 =	vlaneseq.u32;
	(xrf1) =	vsort.dscd.msk.f32 $0xffff, v19, v1;
	v1 =	vsel vm1, v43, v3  }
0x539: {  	v2 =	vor.u32 s31, v52;
	v3 =	vpop (erf);
	v12 =	vmul.f32 $1.442695020e+00, v12  }
0x53a: {  	[tilespmem:s16+$0xE1B0] =	vst v5;
	(xrf1) =	vsort.dscd.msk.f32 $0xffff, v1, v0;
	v0 =	vpop (erf)  }
0x53b: {  	[tilespmem:s16+$0xE1A0] =	vst v5;
	v29 =	vmul.f32 v32, v29;
	v1 =	vpop (erf);
	(erf) = vpow2.f32 v12  }
0x53c: {  	[tilespmem:s16+$0xE190] =	vst v5;
	v44 =	vor.u32 s3, v52  }
0x53d: {  	[tilespmem:v25+s20+$0x0] =	vst.idx.msk $0xff, v29  }
0x53e: {  	[tilespmem:v2+s21+$0x0] =	vst.idx.msk $0xff, v8;
	v2 =	vpop (erf)  }
0x53f: {  	[tilespmem:s16+$0xE180] =	vst v5;
	v47 =	vpop (erf)  }
0x540: {  	[tilespmem:s16+$0xE130] =	vst v5;
	v48 =	vpop (erf)  }
0x541: {  	[tilespmem:v44+s21+$0x0] =	vst.idx.msk $0xff, v6;
	v12 =	vnsel vm0, $0x0, v38;
	v6 =	vpop (erf)  }
0x542: {  	[tilespmem:s16+$0xE120] =	vst v5;
	(xrf2) =	vadd.scan.msk.f32 $0xffff, v12;
	v49 =	vnsel vm0, $0x0, v6  }
0x543: {  	[tilespmem:s16+$0xE0B0] =	vst v5;
	v50 =	vnsel vm0, $0x0, v3;
	v51, v8, _ =	vpop (xrf1);
	(xrf2) =	vadd.scan.msk.f32 $0xffff, v49  }
0x544: {  	[tilespmem:s16+$0xE0A0] =	vst v5;
	s11 =	sadd.s32 $0x80, s30;
	v6 =	vand.u32 $0xFFFFFF80, v41;
	(xrf2) =	vadd.scan.msk.f32 $0xffff, v50;
	v3 =	vpop (erf)  }
0x545: {  	v17 =	vor.u32 v17, v18;
	(xrf0) =	vmax.scan.msk.f32 $0xffff, v51;
	v18 =	vnsel vm0, $0x0, v3;
	v3 =	vadd.s32 s11, v6  }
0x546: {  	[tilespmem:s16+$0xE090] =	vst v5  }
0x547: {  	[tilespmem:s16+$0xE080] =	vst v5  }
0x548: {  	[tilespmem:s16+$0xE030] =	vst v5;
	v53 =	vand.u32 $0x7F, v41;
	v55, v6, _ =	vpop (xrf1);
	(xrf2) =	vadd.scan.msk.f32 $0xffff, v18  }
0x549: {  	[tilespmem:s16+$0xE020] =	vst v5;
	v27 =	vor.u32 v53, v3;
	(xrf0) =	vmax.scan.msk.f32 $0xffff, v55;
	v56, v3, _ =	vpop (xrf1)  }
0x54a: {  	[tilespmem:s16+$0xE010] =	vst v5;
	v0 =	vmul.f32 v0, v31;
	(xrf0) =	vmax.scan.msk.f32 $0xffff, v56  }
0x54b: {  	[tilespmem:s16+$0xE000] =	vst v5;
	v60 =	vand.u32 $0x7F, v7;
	v58, _, _ =	vpop (xrf0)  }
0x54c: {  	v54 =	vor.u32 s30, v52;
	[tilespmem:v17+s20+$0x0] =	vst.idx.msk $0xff, v0;
	v0 =	vmul.f32 v1, v28;
	v59 =	vbroadcast v58, $0xF;
	v1, _, _ =	vpop (xrf2)  }
0x54d: {  	[tilespmem:s16+$0xE110] =	vst v5;
	v61 =	vand.u32 $0x7F, v9;
	v11 =	vor.u32 v60, v11;
	v62, _, _ =	vpop (xrf2)  }
0x54e: {  	v63 =	vsub.f32 v51, v59;
	[tilespmem:v27+s20+$0x0] =	vst.idx.msk $0xff, v0;
	v0 =	vor.u32 v61, v13;
	v10, _, _ =	vpop (xrf2)  }
0x54f: {  	[tilespmem:s16+$0xE100] =	vst v5;
	v2 =	vmul.f32 v2, v16;
	v31, _, _ =	vpop (xrf0)  }
0x550: {  	[tilespmem:s18+$0xE1B0] =	vst v5;
	v19 =	vmul.f32 v47, v26;
	v13 =	vmul.f32 $1.442695020e+00, v63;
	v34, _, _ =	vpop (xrf0)  }
0x551: {  	[tilespmem:v54+s21+$0x0] =	vst.idx.msk $0xff, v14;
	v14 =	vbroadcast v10, $0xF;
	v26 =	vbroadcast v34, $0xF  }
0x552: {  	[tilespmem:v11+s20+$0x0] =	vst.idx.msk $0xff, v2;
	v2 =	vbroadcast v62, $0xF;
	(erf) = vpow2.f32 v13  }
0x553: {  	v1 =	vbroadcast v1, $0xF;
	(erf) = vrcp.f32 v14;
	[tilespmem:v0+s20+$0x0] =	vst.idx.msk $0xff, v19;
	v0, _, _ =	vpop (xrf2);
	v37 =	vsub.f32 v56, v26  }
0x554: {  	[tilespmem:s18+$0xE1A0] =	vst v5;
	(erf) = vrcp.f32 v2;
	v0 =	vbroadcast v0, $0xF  }
0x555: {  	[tilespmem:s18+$0xE190] =	vst v5;
	(erf) = vrcp.f32 v1;
	v1 =	vmul.f32 $1.442695020e+00, v37  }
0x556: {  	[tilespmem:s18+$0xE180] =	vst v5;
	(erf) = vrcp.f32 v0  }
0x557: {  	[tilespmem:s18+$0xE130] =	vst v5;
	(erf) = vpow2.f32 v1  }
0x558: {  	[tilespmem:s18+$0xE120] =	vst v5  }
0x559: {  	[tilespmem:s18+$0xE0B0] =	vst v5;
	v33 =	vor.u32 s24, v52  }
0x55a: {  	[tilespmem:s18+$0xE0A0] =	vst v5;
	v0 =	vbroadcast v31, $0xF  }
0x55b: {  	[tilespmem:s18+$0xE090] =	vst v5;
	v1 =	vpop (erf)  }
0x55c: {  	[tilespmem:s18+$0xE080] =	vst v5;
	v57 =	vor.u32 s11, v52;
	v0 =	vsub.f32 v55, v0;
	v2 =	vpop (erf)  }
0x55d: {  	[tilespmem:s18+$0xE030] =	vst v5;
	v38 =	vpop (erf)  }
0x55e: {  	[tilespmem:v33+s21+$0x0] =	vst.idx.msk $0xff, v7;
	v7 =	vand.u32 $0xFFFFFF80, v36;
	v0 =	vmul.f32 $1.442695020e+00, v0;
	v42 =	vpop (erf)  }
0x55f: {  	[tilespmem:s18+$0xE020] =	vst v5;
	v39 =	vand.u32 $0x7F, v36;
	v44 =	vnsel vm0, $0x0, v48;
	v7 =	vadd.s32 s4, v7;
	v43 =	vpop (erf)  }
0x560: {  	s16 =	sadd.s32 $0x80, s4;
	v40 =	vand.u32 $0xFFFFFF80, v24;
	v7 =	vor.u32 v39, v7;
	(xrf2) =	vadd.scan.msk.f32 $0xffff, v44;
	(erf) = vpow2.f32 v0;
	v46 =	vpop (erf)  }
0x561: {  	[tilespmem:v57+s21+$0x0] =	vst.idx.msk $0xff, v41;
	v41 =	vand.u32 $0x7F, v24;
	v14 =	vadd.s32 s16, v40;
	v19 =	vnsel vm0, $0x0, v46  }
0x562: {  	[tilespmem:s18+$0xE010] =	vst v5;
	v1 =	vnsel vm0, $0x0, v1;
	v0 =	vor.u32 v41, v14;
	(xrf2) =	vadd.scan.msk.f32 $0xffff, v19  }
0x563: {  	[tilespmem:s18+$0xE000] =	vst v5;
	v2 =	vmul.f32 v2, v50;
	(xrf2) =	vadd.scan.msk.f32 $0xffff, v1  }
0x564: {  	s17 =	sadd.s32 $0x100, s4;
	[tilespmem:s18+$0xE110] =	vst v5;
	v48 =	vand.u32 $0xFFFFFF80, v35;
	v10 =	vand.u32 $0xFFFFFF80, v15  }
0x565: {  	s24 =	sadd.s32 $0x180, s4;
	v10 =	vadd.s32 s17, v10;
	[tilespmem:v7+s20+$0x0] =	vst.idx.msk $0xff, v2;
	v2 =	vmul.f32 v38, v49;
	v7 =	vand.u32 $0x7F, v15  }
0x566: {  	[tilespmem:s18+$0xE100] =	vst v5;
	v50 =	vand.u32 $0x7F, v35;
	v49 =	vadd.s32 s24, v48;
	v7 =	vor.u32 v7, v10  }
0x567: {  	[tilespmem:v0+s20+$0x0] =	vst.idx.msk $0xff, v2;
	v0 =	vor.u32 v50, v49  }
0x568: {  	[tilespmem:s23+$0xE1B0] =	vst v5;
	v2 =	vor.u32 s24, v52  }
0x569: {  	[tilespmem:s23+$0xE1A0] =	vst v5;
	v53 =	vmul.f32 v42, v12;
	v54 =	vpop (erf)  }
0x56a: {  	[tilespmem:s23+$0xE190] =	vst v5;
	v13 =	vmul.f32 v43, v18;
	v12 =	vnsel vm0, $0x0, v54  }
0x56b: {  	[tilespmem:v7+s20+$0x0] =	vst.idx.msk $0xff, v53;
	v7, _, _ =	vpop (xrf2);
	(xrf2) =	vadd.scan.msk.f32 $0xffff, v12  }
0x56c: {  	[tilespmem:v0+s20+$0x0] =	vst.idx.msk $0xff, v13;
	v0, _, _ =	vpop (xrf2)  }
0x56d: {  	[tilespmem:v2+s21+$0x0] =	vst.idx.msk $0xff, v35;
	v2, _, _ =	vpop (xrf2)  }
0x56e: {  	[tilespmem:s23+$0xE180] =	vst v5;
	v2 =	vbroadcast v2, $0xF  }
0x56f: {  	[tilespmem:s23+$0xE130] =	vst v5  }
0x570: {  	[tilespmem:s23+$0xE120] =	vst v5;
	v0 =	vbroadcast v0, $0xF;
	(erf) = vrcp.f32 v2  }
0x571: {  	[tilespmem:s23+$0xE0B0] =	vst v5  }
0x572: {  	[tilespmem:s23+$0xE0A0] =	vst v5;
	(erf) = vrcp.f32 v0  }
0x573: {  	[tilespmem:s23+$0xE090] =	vst v5  }
0x574: {  	[tilespmem:s23+$0xE080] =	vst v5  }
0x575: {  	[tilespmem:s23+$0xE030] =	vst v5;
	v29 =	vor.u32 s26, v52;
	s26 =	sshll.u32 s28, $0x7;
	v0 =	vbroadcast v7, $0xF;
	v7 =	vand.u32 $0xFFFFFF80, v8;
	v2, _, _ =	vpop (xrf2)  }
0x576: {  	[tilespmem:s23+$0xE020] =	vst v5;
	v55 =	vand.u32 $0x7F, v8;
	v7 =	vadd.s32 s26, v7;
	v2 =	vbroadcast v2, $0xF  }
0x577: {  	[tilespmem:s23+$0xE010] =	vst v5;
	(erf) = vrcp.f32 v0;
	v7 =	vor.u32 v55, v7  }
0x578: {  	[tilespmem:s23+$0xE000] =	vst v5;
	s28 =	sadd.s32 $0x80, s26;
	v45 =	vor.u32 s4, v52;
	v0 =	vand.u32 $0xFFFFFF80, v3;
	(erf) = vrcp.f32 v2  }
0x579: {  	[tilespmem:s23+$0xE110] =	vst v5;
	v47 =	vor.u32 s16, v52;
	v0 =	vadd.s32 s28, v0;
	v2 =	vand.u32 $0x7F, v3;
	v57 =	vpop (erf)  }
0x57a: {  	[tilespmem:s23+$0xE100] =	vst v5;
	v0 =	vor.u32 v2, v0;
	v1 =	vmul.f32 v57, v1  }
0x57b: {  	v58 =	vor.u32 s28, v52;
	v51 =	vor.u32 s17, v52;
	[tilespmem:v29+s21+$0x0] =	vst.idx.msk $0xff, v9;
	v59 =	vpop (erf)  }
0x57c: {  	s5 =	sadd.s32 $0x100, s26;
	v60 =	vand.u32 $0xFFFFFF80, v6;
	v2 =	vand.u32 $0xFFFFFF80, v23;
	[tilespmem:v7+s20+$0x0] =	vst.idx.msk $0xff, v1;
	v1 =	vmul.f32 v59, v19  }
0x57d: {  	s3 =	sadd.s32 $0x180, s26;
	v56 =	vor.u32 s26, v52;
	[tilespmem:v45+s21+$0x0] =	vst.idx.msk $0xff, v36;
	v2 =	vadd.s32 s5, v2;
	v7 =	vand.u32 $0x7F, v23  }
0x57e: {  	v61 =	vadd.s32 s3, v60;
	v62 =	vand.u32 $0x7F, v6;
	[tilespmem:v47+s21+$0x0] =	vst.idx.msk $0xff, v24;
	v2 =	vor.u32 v7, v2  }
0x57f: {  	[tilespmem:v0+s20+$0x0] =	vst.idx.msk $0xff, v1;
	v0 =	vor.u32 v62, v61  }
0x580: {  	v63 =	vor.u32 s5, v52;
	[tilespmem:v51+s21+$0x0] =	vst.idx.msk $0xff, v15;
	v1 =	vpop (erf)  }
0x581: {  	v7 =	vor.u32 s3, v52;
	[tilespmem:v58+s21+$0x0] =	vst.idx.msk $0xff, v3;
	v1 =	vmul.f32 v1, v44;
	v3 =	vpop (erf)  }
0x582: {  	[tilespmem:v56+s21+$0x0] =	vst.idx.msk $0xff, v8;
	v3 =	vmul.f32 v3, v12  }
0x583: {  	[tilespmem:v2+s20+$0x0] =	vst.idx.msk $0xff, v1  }
0x584: {  	[tilespmem:v0+s20+$0x0] =	vst.idx.msk $0xff, v3  }
0x585: {  	[tilespmem:v63+s21+$0x0] =	vst.idx.msk $0xff, v23  }
0x586: {  	s30 =	simm.s32 $0xE000;
	[tilespmem:v7+s21+$0x0] =	vst.idx.msk $0xff, v6  }
0x587: {  	[hbm4b:s13+s1] =	stream.linear.scatter [tilespmem:s30], [sflag:$0x5], $0x2000, $0x38;
	[tilespmem:$0x18000] =	vst v63  }
0x588: {  	s31 =	simm.s32 $0x16000  }
0x589: {  	[hbm4b:s14+s1] =	stream.linear.scatter [tilespmem:s31], [sflag:$0x5], $0x2000, $0x38;
	[tilespmem:$0x18000] =	vst v63  }
0x58a: {  	_ =	swait.ge [sflag:s0], $0x2000  }
0x58b: {  	[sflag:s0] =	ssyncset.done $0x0  }
0x58c: {  	[sflag:s0] =	ssyncadd.s32 $0xFFFFE000  }
0x58d: {  	_ =	swait.ge [sflag:s0], $0x2000  }
0x58e: {  	[sflag:s0] =	ssyncset.done $0x0  }
0x58f: {  	[sflag:s0] =	ssyncadd.s32 $0xFFFFE000  }
0x590: {  	_ =	swait.ge [sflag:s0], $0x2000  }
0x591: {  	[sflag:s0] =	ssyncset.done $0x0  }
0x592: {  	[sflag:s0] =	ssyncadd.s32 $0xFFFFE000  }
0x593: {  	_ =	swait.ge [sflag:s0], $0x2000  }
0x594: {  	[sflag:s0] =	ssyncset.done $0x0  }
0x595: {  	[sflag:s0] =	ssyncadd.s32 $0xFFFFE000  }
0x596: {  	_ =	swait.ge [sflag:s0], $0x2000  }
0x597: {  	[sflag:s0] =	ssyncset.done $0x0  }
0x598: {  	[sflag:s0] =	ssyncadd.s32 $0xFFFFE000  }
0x599: {  	_ =	swait.ge [sflag:s0], $0x2000  }
0x59a: {  	[sflag:s0] =	ssyncset.done $0x0  }
0x59b: {  	[sflag:s0] =	ssyncadd.s32 $0xFFFFE000  }
0x59c: {  	s2 =	sadd.s32 $0x1, s2;
	_ =	swait.ge [sflag:s0], $0x2000  }
0x59d: {  	p0 =	sne.s32 s2, s15;
	[sflag:s0] =	ssyncset.done $0x0  }
.Ltmp4:
0x59e: {  	[sflag:s0] =	ssyncadd.s32 $0xFFFFE000;
	(pc) =	sbr.rel @p0 .LBB2_1-.Ltmp4, $4  }
0x59f: {  	_ =	swait.ge [sflag:s0], $0x2000  }
0x5a0: {  	v3 =	vld [tilespmem:$0x1FFF0]  }
0x5a1: {  	[sflag:s0] =	ssyncset.done $0x0;
	v0 =	vld [tilespmem:$0x1FFE0]  }
0x5a2: {  	v2 =	vlaneseq.u32;
	v1 =	vld [tilespmem:$0x1FFD0];
	[sflag:s0] =	ssyncadd.s32 $0xFFFFE000  }
0x5a3: {  	_ =	sfence.sel $0x180000  }
0x5a4: {  	[bflag:$0x0] =	sbarrier.arrive $0xFFFF  }
0x5a5: {  	_ =	strace $0x90000047  }
0x5a6: {  	s0 =	stileid.u32;
	[bflag:$0x2] =	sbarrier.arrive $0xFFFF  }
0x5a7: {  	p0 =	sne.s32 s0, $0x0;
	s0 =	rddreg [dreg:$0x1]  }
0x5a8: {  	s0 =	sadd.s32 @!p0 $0x100000, s0  }
0x5a9: {  	[sflag:s0] =	ssyncadd.tile.s32 @!p0 $0x1;
	_ =	shalt  }
.Lfunc_end2:
_tile_overlayer_lowered:
.L_overlay_start_2:
0x5aa: {  	(tag) =	ssettag $0x2  }
0x5ab: {  	s0 =	rddreg [dreg:$0x0];
	s2 =	stileid.u32  }
0x5ac: {  	s1 =	rddreg [dreg:$0x1];
	p0 =	sne.s32 s2, $0x0  }
0x5ad: {  	s3 =	rddreg [dreg:$0x2];
	[bflag:$0x3] =	sbarrier.arrive $0xFFFF;
	s2 =	simm.s32 @!p0 $0x1C06  }
0x5ae: {  	[timem:s3], [sflag:s2] =	dma.local @!p0 [hbm:s0], s1  }
0x5af: {  	s0 =	simm.s32 @!p0 $0x6  }
0x5b0: {  	_ =	swait.ge @!p0 [sflag:s0], s1  }
0x5b1: {  	s1 =	ssub.s32 @!p0 $0x0, s1;
	[sflag:s0] =	ssyncset.done @!p0 $0x0  }
0x5b2: {  	[sflag:s0] =	ssyncadd.s32 @!p0 s1  }
0x5b3: {  	[bflag:$0x3] =	sbarrier.arrive $0xFFFF  }
0x5b4: {  	_ =	shalt  }

</sc_bundles>
